<compile_context>
chip_gen: v7x
topology: tpu7x:2x2x1
jax: 0.10.2.dev20260603
libtpu: 0.0.44.dev20260713+nightly
codegen_flags: <defaults>
</compile_context>

<pallas_src>
import functools

import jax
import jax.numpy as jnp
from jax import lax
from jax.experimental import pallas as pl
from jax.experimental.pallas import tpu as pltpu
from jax.experimental.pallas import tpu_sc as plsc

N_SEG = 10000
N_PAD = 10240
NC = 2
NS = 16
LANES = 16
CHUNK = 256
KIDX = CHUNK // 128


def _zero_rows(ref, nrows, ncols):
    zv = jnp.zeros((LANES,), jnp.float32)

    def body(i, _):
        for j in range(ncols // LANES):
            ref[i, pl.ds(j * LANES, LANES)] = zv
        return 0

    lax.fori_loop(0, nrows, body, 0)


SCHUNK = 128


def _make_sc_segment_sum(E, D):
    nchunks_total = E // SCHUNK
    cpt = -(-nchunks_total // NS)
    cpt += (-cpt) % 16
    igrp = cpt // 4
    rows_per_tile = N_PAD // NS
    mesh = plsc.VectorSubcoreMesh(core_axis_name="c", subcore_axis_name="s")

    @functools.partial(
        pl.kernel,
        out_type=(
            jax.ShapeDtypeStruct((NC, N_PAD, D), jnp.float32),
            jax.ShapeDtypeStruct((NC, N_PAD // 1024, 8, 128), jnp.float32),
        ),
        mesh=mesh,
        scratch_types=[
            pltpu.VMEM_SHARED((N_PAD, D), jnp.float32),
            pltpu.VMEM_SHARED((N_PAD,), jnp.float32),
            pltpu.VMEM((2, SCHUNK, D), jnp.float32),
            pltpu.VMEM((igrp, 128), jnp.int32),
            pltpu.VMEM((128,), jnp.float32),
            pltpu.VMEM((1024,), jnp.float32),
            pltpu.VMEM((8, 128), jnp.float32),
            pltpu.SemaphoreType.DMA,
            pltpu.SemaphoreType.DMA,
            pltpu.SemaphoreType.DMA,
        ],
    )
    def seg_sum(value_hbm, idxrc_hbm, s_hbm, cnt_hbm,
                s_sh, cnt_sh, vbuf, ibig, ones1, c1, cbuf,
                sem_l, sem_s, sem_c):
        cid = lax.axis_index("c")
        sid = lax.axis_index("s")
        zv = jnp.zeros((LANES,), jnp.float32)
        ov = jnp.ones((LANES,), jnp.float32)

        _zero_rows(vbuf.at[0], SCHUNK, D)

        def z_body(i, _):
            c1[pl.ds(i * LANES, LANES)] = zv
            return 0

        lax.fori_loop(0, rows_per_tile // LANES, z_body, 0)
        for j in range(128 // LANES):
            ones1[pl.ds(j * LANES, LANES)] = ov
        base = sid * rows_per_tile
        for z in range(rows_per_tile // SCHUNK):
            pltpu.sync_copy(vbuf.at[0], s_sh.at[pl.ds(base + z * SCHUNK, SCHUNK)])
        pltpu.sync_copy(c1.at[pl.ds(0, rows_per_tile)],
                        cnt_sh.at[pl.ds(base, rows_per_tile)])
        plsc.subcore_barrier()

        nchunks = lax.max(0, lax.min(cpt, nchunks_total - sid * cpt))
        for h in range(4):
            pltpu.sync_copy(
                idxrc_hbm.at[cid].at[pl.ds(sid * cpt + h * igrp, igrp)], ibig)
            ngrp = lax.max(0, lax.min(igrp, nchunks - h * igrp))
            gbase = sid * cpt + h * igrp

            def _load(k, b):
                pltpu.async_copy(
                    value_hbm.at[pl.ds((gbase + k) * SCHUNK, SCHUNK)],
                    vbuf.at[b], sem_l)

            @pl.when(ngrp > 0)
            def _():
                _load(0, 0)

            def pair_body(i, _):
                for b in range(2):
                    k = 2 * i + b

                    pltpu.make_async_copy(
                        value_hbm.at[pl.ds((gbase + k) * SCHUNK, SCHUNK)],
                        vbuf.at[b], sem_l).wait()
                    pltpu.async_copy(vbuf.at[b], s_sh.at[ibig.at[k]], sem_s,
                                     add=True)
                    pltpu.async_copy(ones1, cnt_sh.at[ibig.at[k]], sem_c,
                                     add=True)

                    @pl.when(k > 0)
                    def _():
                        pltpu.make_async_copy(
                            vbuf.at[1 - b], s_sh.at[ibig.at[k - 1]],
                            sem_s).wait()

                    @pl.when(k + 1 < ngrp)
                    def _():
                        _load(k + 1, 1 - b)
                return 0

            lax.fori_loop(0, ngrp // 2, pair_body, 0)

            @pl.when(ngrp > 0)
            def _():
                pltpu.make_async_copy(
                    vbuf.at[1], s_sh.at[ibig.at[ngrp - 1]], sem_s).wait()

            def cnt_drain(k, _):
                pltpu.make_async_copy(ones1, cnt_sh.at[ibig.at[k]],
                                      sem_c).wait()
                return 0

            lax.fori_loop(0, ngrp, cnt_drain, 0)
        plsc.subcore_barrier()

        pltpu.sync_copy(s_sh.at[pl.ds(base, rows_per_tile)],
                        s_hbm.at[cid].at[pl.ds(base, rows_per_tile)])

        @pl.when(sid < N_PAD // 1024)
        def _():
            pltpu.sync_copy(cnt_sh.at[pl.ds(sid * 1024, 1024)], c1)

            def pack_body(i, _):
                for j in range(128 // LANES):
                    cbuf[i, pl.ds(j * LANES, LANES)] = c1[
                        pl.ds(i * 128 + j * LANES, LANES)]
                return 0

            lax.fori_loop(0, 8, pack_body, 0)
            pltpu.sync_copy(cbuf, cnt_hbm.at[cid, sid])

    return seg_sum


def _make_sc_combine(E, D):
    nchunks_total = E // SCHUNK
    nw = NC * NS
    cpw = -(-nchunks_total // nw)
    cpw += (-cpw) % 8
    mesh = plsc.VectorSubcoreMesh(core_axis_name="c", subcore_axis_name="s")

    @functools.partial(
        pl.kernel,
        out_type=jax.ShapeDtypeStruct((E, D), jnp.float32),
        mesh=mesh,
        scratch_types=[
            pltpu.VMEM((cpw, 128), jnp.int32),
            pltpu.VMEM((cpw, 128), jnp.int32),
            pltpu.VMEM((2, SCHUNK, D), jnp.float32),
            pltpu.VMEM((2, SCHUNK, D), jnp.float32),
            pltpu.VMEM((2, SCHUNK, D), jnp.float32),
            pltpu.SemaphoreType.DMA,
            pltpu.SemaphoreType.DMA,
            pltpu.SemaphoreType.DMA,
            pltpu.SemaphoreType.DMA,
        ],
    )
    def combine(p_hbm, idxrc_hbm, y_hbm, o_hbm, ibr, ibc, bufr, bufc, bufy,
                sem_g, sem_w, sem_x, sem_y):
        cid = lax.axis_index("c")
        sid = lax.axis_index("s")
        wid = sid * NC + cid

        pltpu.sync_copy(idxrc_hbm.at[0].at[pl.ds(wid * cpw, cpw)], ibr)
        pltpu.sync_copy(idxrc_hbm.at[1].at[pl.ds(wid * cpw, cpw)], ibc)
        nchunks = lax.max(0, lax.min(cpw, nchunks_total - wid * cpw))

        def _fetch(k, b):
            pltpu.async_copy(p_hbm.at[0].at[ibr.at[k]], bufr.at[b], sem_g)
            pltpu.async_copy(p_hbm.at[1].at[ibc.at[k]], bufc.at[b], sem_x)
            pltpu.async_copy(
                y_hbm.at[pl.ds((wid * cpw + k) * SCHUNK, SCHUNK)],
                bufy.at[b], sem_y)

        @pl.when(nchunks > 0)
        def _():
            _fetch(0, 0)

        def pair_body(i, _):
            for b in range(2):
                k = 2 * i + b
                pltpu.make_async_copy(p_hbm.at[0].at[ibr.at[k]], bufr.at[b],
                                      sem_g).wait()
                pltpu.make_async_copy(p_hbm.at[1].at[ibc.at[k]], bufc.at[b],
                                      sem_x).wait()
                pltpu.make_async_copy(
                    y_hbm.at[pl.ds((wid * cpw + k) * SCHUNK, SCHUNK)],
                    bufy.at[b], sem_y).wait()

                @pl.when(k > 0)
                def _():
                    pltpu.make_async_copy(
                        bufr.at[1 - b],
                        o_hbm.at[pl.ds((wid * cpw + k - 1) * SCHUNK, SCHUNK)],
                        sem_w).wait()

                @pl.when(k + 1 < nchunks)
                def _():
                    _fetch(k + 1, 1 - b)

                def add_body(r, _):
                    for j in range(D // LANES):
                        sl = pl.ds(j * LANES, LANES)
                        t = bufy[b, r, sl] + bufr[b, r, sl] + bufc[b, r, sl]
                        bufr[b, r, sl] = jnp.maximum(t, 0.01 * t)
                    return 0

                lax.fori_loop(0, SCHUNK, add_body, 0)
                pltpu.async_copy(
                    bufr.at[b],
                    o_hbm.at[pl.ds((wid * cpw + k) * SCHUNK, SCHUNK)], sem_w)
            return 0

        lax.fori_loop(0, nchunks // 2, pair_body, 0)

        @pl.when(nchunks > 0)
        def _():
            pltpu.make_async_copy(
                bufr.at[1],
                o_hbm.at[pl.ds((wid * cpw + nchunks - 1) * SCHUNK, SCHUNK)],
                sem_w).wait()

    return combine


def _make_sc_gather(E, D):
    nchunks_total = E // SCHUNK
    nw = NC * NS
    cpw = -(-nchunks_total // nw)
    cpw += (-cpw) % 8
    mesh = plsc.VectorSubcoreMesh(core_axis_name="c", subcore_axis_name="s")

    @functools.partial(
        pl.kernel,
        out_type=jax.ShapeDtypeStruct((E, D), jnp.float32),
        mesh=mesh,
        scratch_types=[
            pltpu.VMEM((cpw, 128), jnp.int32),
            pltpu.VMEM((cpw, 128), jnp.int32),
            pltpu.VMEM((2, SCHUNK, D), jnp.float32),
            pltpu.VMEM((2, SCHUNK, D), jnp.float32),
            pltpu.SemaphoreType.DMA,
            pltpu.SemaphoreType.DMA,
            pltpu.SemaphoreType.DMA,
        ],
    )
    def gather(p_hbm, idxrc_hbm, g_hbm, ibr, ibc, bufr, bufc,
               sem_g, sem_w, sem_x):
        cid = lax.axis_index("c")
        sid = lax.axis_index("s")
        wid = sid * NC + cid

        pltpu.sync_copy(idxrc_hbm.at[0].at[pl.ds(wid * cpw, cpw)], ibr)
        pltpu.sync_copy(idxrc_hbm.at[1].at[pl.ds(wid * cpw, cpw)], ibc)
        nchunks = lax.max(0, lax.min(cpw, nchunks_total - wid * cpw))

        def _gather(k, b):
            pltpu.async_copy(p_hbm.at[0].at[ibr.at[k]], bufr.at[b], sem_g)
            pltpu.async_copy(p_hbm.at[1].at[ibc.at[k]], bufc.at[b], sem_x)

        @pl.when(nchunks > 0)
        def _():
            _gather(0, 0)

        def pair_body(i, _):
            for b in range(2):
                k = 2 * i + b
                pltpu.make_async_copy(p_hbm.at[0].at[ibr.at[k]], bufr.at[b],
                                      sem_g).wait()
                pltpu.make_async_copy(p_hbm.at[1].at[ibc.at[k]], bufc.at[b],
                                      sem_x).wait()

                @pl.when(k > 0)
                def _():
                    pltpu.make_async_copy(
                        bufr.at[1 - b],
                        g_hbm.at[pl.ds((wid * cpw + k - 1) * SCHUNK, SCHUNK)],
                        sem_w).wait()

                @pl.when(k + 1 < nchunks)
                def _():
                    _gather(k + 1, 1 - b)

                def add_body(r, _):
                    for j in range(D // LANES):
                        sl = pl.ds(j * LANES, LANES)
                        bufr[b, r, sl] = bufr[b, r, sl] + bufc[b, r, sl]
                    return 0

                lax.fori_loop(0, SCHUNK, add_body, 0)
                pltpu.async_copy(
                    bufr.at[b],
                    g_hbm.at[pl.ds((wid * cpw + k) * SCHUNK, SCHUNK)], sem_w)
            return 0

        lax.fori_loop(0, nchunks // 2, pair_body, 0)

        @pl.when(nchunks > 0)
        def _():
            pltpu.make_async_copy(
                bufr.at[1],
                g_hbm.at[pl.ds((wid * cpw + nchunks - 1) * SCHUNK, SCHUNK)],
                sem_w).wait()

    return gather


def _tc_aself_body(wself_ref, w_ref, aself_ref):
    d = wself_ref.shape[0]
    aself_ref[...] = jnp.dot(w_ref[:, 0:d], wself_ref[...],
                             preferred_element_type=jnp.float32)


def _tc_node_body(s_ref, cntr_ref, cntc_ref, wrow_ref, wcol_ref,
                  wglob_ref, w_ref, bself_ref, brow_ref, bcol_ref, bglob_ref,
                  b_ref, e_scalar_ref, p_ref):
    d = wrow_ref.shape[0]
    w1 = w_ref[:, 0:d]
    w2 = w_ref[:, d:2 * d]
    w3 = w_ref[:, 2 * d:3 * d]
    w4 = w_ref[:, 3 * d:4 * d]
    dn = (((1,), (1,)), ((), ()))

    s_row = s_ref[0]
    s_col = s_ref[1]
    m_row = s_row / (cntr_ref[...] + 1e-9)
    m_col = s_col / (cntc_ref[...] + 1e-9)
    b2 = jnp.dot(w2, wrow_ref[...], preferred_element_type=jnp.float32)
    b3 = jnp.dot(w3, wcol_ref[...], preferred_element_type=jnp.float32)

    g = jnp.sum(s_row, axis=0, keepdims=True) / e_scalar_ref[0, 0]
    gl = lax.dot_general(g, wglob_ref[...], dn,
                         preferred_element_type=jnp.float32) + bglob_ref[...]
    cvec = (
        b_ref[...]
        + lax.dot_general(bself_ref[...], w1, dn, preferred_element_type=jnp.float32)
        + lax.dot_general(brow_ref[...], w2, dn, preferred_element_type=jnp.float32)
        + lax.dot_general(bcol_ref[...], w3, dn, preferred_element_type=jnp.float32)
        + lax.dot_general(gl, w4, dn, preferred_element_type=jnp.float32)
    )
    p_ref[0] = lax.dot_general(m_row, b2, dn,
                               preferred_element_type=jnp.float32) + 0.5 * cvec
    p_ref[1] = lax.dot_general(m_col, b3, dn,
                               preferred_element_type=jnp.float32) + 0.5 * cvec


def _tc_y_body(v_ref, aself_ref, y_ref):
    y_ref[...] = lax.dot_general(v_ref[...], aself_ref[...],
                                 (((1,), (1,)), ((), ())),
                                 preferred_element_type=jnp.float32)


def kernel(index, value, W_self, b_self, W_row, b_row, W_col, b_col,
           W_glob, b_glob, W, b):
    B, E, D = value.shape
    v2 = value.reshape(E, D)

    cpt = -(-(E // SCHUNK) // NS)
    cpt += (-cpt) % 16
    rows_pad = cpt * NS
    cpw = -(-(E // SCHUNK) // (NC * NS))
    cpw += (-cpw) % 8
    rows_pad = max(rows_pad, cpw * NC * NS)

    idx2 = index[0].T.reshape(2, E // 128, 128)
    pad = rows_pad - E // 128
    idxrc = jnp.pad(idx2, ((0, 0), (0, pad), (0, 0)))

    a_self = pl.pallas_call(
        _tc_aself_body,
        out_shape=jax.ShapeDtypeStruct((D, D), jnp.float32),
    )(W_self, W)

    BLK = 1280
    y_call = pl.pallas_call(
        _tc_y_body,
        grid=(E // BLK,),
        in_specs=[
            pl.BlockSpec((BLK, D), lambda i: (i, 0)),
            pl.BlockSpec((D, D), lambda i: (0, 0)),
        ],
        out_specs=pl.BlockSpec((BLK, D), lambda i: (i, 0)),
        out_shape=jax.ShapeDtypeStruct((E, D), jnp.float32),
    )
    y_edge = y_call(v2, a_self)

    s_tab, cnt_tab = _make_sc_segment_sum(E, D)(v2, idxrc)
    cnt_n = cnt_tab.reshape(2, N_PAD)

    node_call = pl.pallas_call(
        _tc_node_body,
        out_shape=jax.ShapeDtypeStruct((2, N_PAD, D), jnp.float32),
    )
    p_tab = node_call(
        s_tab, cnt_n[0].reshape(N_PAD, 1), cnt_n[1].reshape(N_PAD, 1),
        W_row, W_col, W_glob, W,
        b_self.reshape(1, D), b_row.reshape(1, D), b_col.reshape(1, D),
        b_glob.reshape(1, D), b.reshape(1, D),
        jnp.full((1, 1), float(E), jnp.float32),
    )

    out = _make_sc_combine(E, D)(p_tab, idxrc, y_edge)
    return (index, out.reshape(B, E, D))

# --- scband reference (transcript-rebuilt; emitter-appended) ---
"""Pipeline reference for scband-gnnlayer-4020089389071 (READ-ONLY COPY).

The authoritative reference and input builder live on the scoring server;
editing this copy changes nothing except your own understanding.
"""

import jax, jax.numpy as jnp
import numpy as np


def _sparse_mean(index, value, num_segments):
    # index: [B, E] int, value: [B, E, d]; mean of values sharing the same index, expanded back to [B, E, d]
    def per_batch(idx, val):
        s = jax.ops.segment_sum(val, idx, num_segments=num_segments)
        n = jax.ops.segment_sum(jnp.ones(idx.shape, dtype=val.dtype), idx, num_segments=num_segments) + 1e-09
        m = s / n[:, None]
        return jnp.take(m, idx, axis=0)
    return jax.vmap(per_batch)(index, value)


def setup_inputs(seed: int = 0):
    key = jax.random.key(seed)
    ks = jax.random.split(key, 13)
    B, E, d, N = 1, 320000, 128, 10000
    index = jax.random.randint(ks[0], (B, E, 2), 0, N, dtype=jnp.int32)
    value = jax.random.normal(ks[1], (B, E, d), dtype=jnp.float32)
    s = 0.05
    W_self = jax.random.normal(ks[2], (d, d), dtype=jnp.float32) * s
    b_self = jax.random.normal(ks[3], (d,), dtype=jnp.float32) * s
    W_row = jax.random.normal(ks[4], (d, d), dtype=jnp.float32) * s
    b_row = jax.random.normal(ks[5], (d,), dtype=jnp.float32) * s
    W_col = jax.random.normal(ks[6], (d, d), dtype=jnp.float32) * s
    b_col = jax.random.normal(ks[7], (d,), dtype=jnp.float32) * s
    W_glob = jax.random.normal(ks[8], (d, d), dtype=jnp.float32) * s
    b_glob = jax.random.normal(ks[9], (d,), dtype=jnp.float32) * s
    W = jax.random.normal(ks[10], (d, 4 * d), dtype=jnp.float32) * s
    b = jax.random.normal(ks[11], (d,), dtype=jnp.float32) * s
    return {"index": index, "value": value, "W_self": W_self, "b_self": b_self, "W_row": W_row, "b_row": b_row, "W_col": W_col, "b_col": b_col, "W_glob": W_glob, "b_glob": b_glob, "W": W, "b": b}


def reference(index, value, W_self, b_self, W_row, b_row, W_col, b_col, W_glob, b_glob, W, b):
    num_segments = 10000
    mean_row = _sparse_mean(index[:, :, 0], value, num_segments)
    mean_col = _sparse_mean(index[:, :, 1], value, num_segments)
    g = jnp.mean(value, axis=1)  # [B, d]
    pooled_row = mean_row @ W_row.T + b_row
    pooled_col = mean_col @ W_col.T + b_col
    pooled_glob = jnp.broadcast_to((g @ W_glob.T + b_glob)[:, None, :], value.shape)
    slf = value @ W_self.T + b_self
    stacked = jnp.concatenate([slf, pooled_row, pooled_col, pooled_glob], axis=2)
    out = jax.nn.leaky_relu(stacked @ W.T + b, negative_slope=0.01)
    return (index, out)

if __name__ == "__main__":
    import jax
    _d = setup_inputs()
    print(jax.jit(kernel)(*tuple(_d.values())))

</pallas_src>

<mosaic_0001>
#map = affine_map<(d0, d1) -> (0, 0, 0)>
#map1 = affine_map<(d0, d1) -> (0, 0)>
module attributes {stable_mosaic.version = 14 : i64} {
  func.func @combine(%arg0: i32, %arg1: i32, %arg2: memref<2x10240x128xf32, #tpu.memory_space<hbm>>, %arg3: memref<2x2560x128xi32, #tpu.memory_space<hbm>>, %arg4: memref<320000x128xf32, #tpu.memory_space<hbm>>, %arg5: memref<320000x128xf32, #tpu.memory_space<hbm>>, %arg6: memref<80x128xi32, #tpu.memory_space<vmem>>, %arg7: memref<80x128xi32, #tpu.memory_space<vmem>>, %arg8: memref<2x128x128xf32, #tpu.memory_space<vmem>>, %arg9: memref<2x128x128xf32, #tpu.memory_space<vmem>>, %arg10: memref<2x128x128xf32, #tpu.memory_space<vmem>>, %arg11: memref<!tpu.dma_semaphore, #tpu.memory_space<semaphore_mem>>, %arg12: memref<!tpu.dma_semaphore, #tpu.memory_space<semaphore_mem>>, %arg13: memref<!tpu.dma_semaphore, #tpu.memory_space<semaphore_mem>>, %arg14: memref<!tpu.dma_semaphore, #tpu.memory_space<semaphore_mem>>) attributes {dimension_semantics = [#tpu.dimension_semantics<core_parallel>, #tpu.dimension_semantics<subcore_parallel>], iteration_bounds = array<i64: 2, 16>, scalar_prefetch = 0 : i64, scratch_operands = 9 : i64, tpu.core_type = #tpu.core_type<sc_vector_subcore>, window_params = [{transform_indices = #map}, {transform_indices = #map}, {transform_indices = #map1}, {transform_indices = #map1}]} {
    %mul3A = arith.constant 2 : i32
    %mul3A_0 = arith.muli %arg1, %mul3A : i32
    %add3A = arith.addi %mul3A_0, %arg0 : i32
    %mul3A_1 = arith.constant 80 : i32
    %mul3A_2 = arith.muli %add3A, %mul3A_1 : i32
    %run_scoped3A = arith.constant 0 : i32
    "tpu.region"() ({
      %run_scoped3A_46 = tpu.sem_alloc : memref<!tpu.dma_semaphore, #tpu.memory_space<semaphore_mem>>
      %dma_start3A = arith.constant 0 : i32
      %dma_start3A_47 = arith.constant 0 : i32
      %dma_start3A_48 = tpu.memref_slice %arg3[%run_scoped3A, %dma_start3A, %dma_start3A_47] : memref<2x2560x128xi32, #tpu.memory_space<hbm>> -> memref<1x2560x128xi32, #tpu.memory_space<hbm>>
      %dma_start3A_49 = tpu.memref_squeeze %dma_start3A_48 : memref<1x2560x128xi32, #tpu.memory_space<hbm>> -> memref<2560x128xi32, #tpu.memory_space<hbm>>
      %dma_start3A_50 = arith.constant 0 : i32
      %dma_start3A_51 = tpu.memref_slice %dma_start3A_49[%mul3A_2, %dma_start3A_50] : memref<2560x128xi32, #tpu.memory_space<hbm>> -> memref<80x128xi32, #tpu.memory_space<hbm>>
      %dma_start3A_52 = arith.constant 0 : i32
      %dma_start3A_53 = arith.constant 0 : i32
      %dma_start3A_54 = tpu.memref_slice %arg3[%run_scoped3A, %dma_start3A_52, %dma_start3A_53] : memref<2x2560x128xi32, #tpu.memory_space<hbm>> -> memref<1x2560x128xi32, #tpu.memory_space<hbm>>
      %dma_start3A_55 = tpu.memref_squeeze %dma_start3A_54 : memref<1x2560x128xi32, #tpu.memory_space<hbm>> -> memref<2560x128xi32, #tpu.memory_space<hbm>>
      %dma_start3A_56 = arith.constant 0 : i32
      %dma_start3A_57 = tpu.memref_slice %dma_start3A_55[%mul3A_2, %dma_start3A_56] : memref<2560x128xi32, #tpu.memory_space<hbm>> -> memref<80x128xi32, #tpu.memory_space<hbm>>
      tpu.enqueue_dma source(%dma_start3A_57 : memref<80x128xi32, #tpu.memory_space<hbm>>) target(%arg6 : memref<80x128xi32, #tpu.memory_space<vmem>>) target_semaphore(%run_scoped3A_46 : memref<!tpu.dma_semaphore, #tpu.memory_space<semaphore_mem>>)
      %dma_wait3A = arith.constant 0 : i32
      %dma_wait3A_58 = arith.constant 0 : i32
      %dma_wait3A_59 = tpu.memref_slice %arg3[%run_scoped3A, %dma_wait3A, %dma_wait3A_58] : memref<2x2560x128xi32, #tpu.memory_space<hbm>> -> memref<1x2560x128xi32, #tpu.memory_space<hbm>>
      %dma_wait3A_60 = tpu.memref_squeeze %dma_wait3A_59 : memref<1x2560x128xi32, #tpu.memory_space<hbm>> -> memref<2560x128xi32, #tpu.memory_space<hbm>>
      %dma_wait3A_61 = arith.constant 0 : i32
      %dma_wait3A_62 = tpu.memref_slice %dma_wait3A_60[%mul3A_2, %dma_wait3A_61] : memref<2560x128xi32, #tpu.memory_space<hbm>> -> memref<80x128xi32, #tpu.memory_space<hbm>>
      %dma_wait3A_63 = arith.constant 0 : i32
      %dma_wait3A_64 = arith.constant 0 : i32
      %dma_wait3A_65 = tpu.memref_slice %arg3[%run_scoped3A, %dma_wait3A_63, %dma_wait3A_64] : memref<2x2560x128xi32, #tpu.memory_space<hbm>> -> memref<1x2560x128xi32, #tpu.memory_space<hbm>>
      %dma_wait3A_66 = tpu.memref_squeeze %dma_wait3A_65 : memref<1x2560x128xi32, #tpu.memory_space<hbm>> -> memref<2560x128xi32, #tpu.memory_space<hbm>>
      %dma_wait3A_67 = arith.constant 0 : i32
      %dma_wait3A_68 = tpu.memref_slice %dma_wait3A_66[%mul3A_2, %dma_wait3A_67] : memref<2560x128xi32, #tpu.memory_space<hbm>> -> memref<80x128xi32, #tpu.memory_space<hbm>>
      tpu.wait_dma2 semaphore(%run_scoped3A_46 : memref<!tpu.dma_semaphore, #tpu.memory_space<semaphore_mem>>) src(%dma_wait3A_68 : memref<80x128xi32, #tpu.memory_space<hbm>>) dst(%arg6 : memref<80x128xi32, #tpu.memory_space<vmem>>)
      tpu.yield
    }) : () -> ()
    %mul3A_3 = arith.constant 80 : i32
    %mul3A_4 = arith.muli %add3A, %mul3A_3 : i32
    %run_scoped3A_5 = arith.constant 1 : i32
    "tpu.region"() ({
      %run_scoped3A_46 = tpu.sem_alloc : memref<!tpu.dma_semaphore, #tpu.memory_space<semaphore_mem>>
      %dma_start3A = arith.constant 0 : i32
      %dma_start3A_47 = arith.constant 0 : i32
      %dma_start3A_48 = tpu.memref_slice %arg3[%run_scoped3A_5, %dma_start3A, %dma_start3A_47] : memref<2x2560x128xi32, #tpu.memory_space<hbm>> -> memref<1x2560x128xi32, #tpu.memory_space<hbm>>
      %dma_start3A_49 = tpu.memref_squeeze %dma_start3A_48 : memref<1x2560x128xi32, #tpu.memory_space<hbm>> -> memref<2560x128xi32, #tpu.memory_space<hbm>>
      %dma_start3A_50 = arith.constant 0 : i32
      %dma_start3A_51 = tpu.memref_slice %dma_start3A_49[%mul3A_4, %dma_start3A_50] : memref<2560x128xi32, #tpu.memory_space<hbm>> -> memref<80x128xi32, #tpu.memory_space<hbm>>
      %dma_start3A_52 = arith.constant 0 : i32
      %dma_start3A_53 = arith.constant 0 : i32
      %dma_start3A_54 = tpu.memref_slice %arg3[%run_scoped3A_5, %dma_start3A_52, %dma_start3A_53] : memref<2x2560x128xi32, #tpu.memory_space<hbm>> -> memref<1x2560x128xi32, #tpu.memory_space<hbm>>
      %dma_start3A_55 = tpu.memref_squeeze %dma_start3A_54 : memref<1x2560x128xi32, #tpu.memory_space<hbm>> -> memref<2560x128xi32, #tpu.memory_space<hbm>>
      %dma_start3A_56 = arith.constant 0 : i32
      %dma_start3A_57 = tpu.memref_slice %dma_start3A_55[%mul3A_4, %dma_start3A_56] : memref<2560x128xi32, #tpu.memory_space<hbm>> -> memref<80x128xi32, #tpu.memory_space<hbm>>
      tpu.enqueue_dma source(%dma_start3A_57 : memref<80x128xi32, #tpu.memory_space<hbm>>) target(%arg7 : memref<80x128xi32, #tpu.memory_space<vmem>>) target_semaphore(%run_scoped3A_46 : memref<!tpu.dma_semaphore, #tpu.memory_space<semaphore_mem>>)
      %dma_wait3A = arith.constant 0 : i32
      %dma_wait3A_58 = arith.constant 0 : i32
      %dma_wait3A_59 = tpu.memref_slice %arg3[%run_scoped3A_5, %dma_wait3A, %dma_wait3A_58] : memref<2x2560x128xi32, #tpu.memory_space<hbm>> -> memref<1x2560x128xi32, #tpu.memory_space<hbm>>
      %dma_wait3A_60 = tpu.memref_squeeze %dma_wait3A_59 : memref<1x2560x128xi32, #tpu.memory_space<hbm>> -> memref<2560x128xi32, #tpu.memory_space<hbm>>
      %dma_wait3A_61 = arith.constant 0 : i32
      %dma_wait3A_62 = tpu.memref_slice %dma_wait3A_60[%mul3A_4, %dma_wait3A_61] : memref<2560x128xi32, #tpu.memory_space<hbm>> -> memref<80x128xi32, #tpu.memory_space<hbm>>
      %dma_wait3A_63 = arith.constant 0 : i32
      %dma_wait3A_64 = arith.constant 0 : i32
      %dma_wait3A_65 = tpu.memref_slice %arg3[%run_scoped3A_5, %dma_wait3A_63, %dma_wait3A_64] : memref<2x2560x128xi32, #tpu.memory_space<hbm>> -> memref<1x2560x128xi32, #tpu.memory_space<hbm>>
      %dma_wait3A_66 = tpu.memref_squeeze %dma_wait3A_65 : memref<1x2560x128xi32, #tpu.memory_space<hbm>> -> memref<2560x128xi32, #tpu.memory_space<hbm>>
      %dma_wait3A_67 = arith.constant 0 : i32
      %dma_wait3A_68 = tpu.memref_slice %dma_wait3A_66[%mul3A_4, %dma_wait3A_67] : memref<2560x128xi32, #tpu.memory_space<hbm>> -> memref<80x128xi32, #tpu.memory_space<hbm>>
      tpu.wait_dma2 semaphore(%run_scoped3A_46 : memref<!tpu.dma_semaphore, #tpu.memory_space<semaphore_mem>>) src(%dma_wait3A_68 : memref<80x128xi32, #tpu.memory_space<hbm>>) dst(%arg7 : memref<80x128xi32, #tpu.memory_space<vmem>>)
      tpu.yield
    }) : () -> ()
    %mul3A_6 = arith.constant 80 : i32
    %mul3A_7 = arith.muli %add3A, %mul3A_6 : i32
    %sub3A = arith.constant 2500 : i32
    %sub3A_8 = arith.subi %sub3A, %mul3A_7 : i32
    %min3A = arith.constant 80 : i32
    %min3A_9 = arith.minsi %min3A, %sub3A_8 : i32
    %max3A = arith.constant 0 : i32
    %max3A_10 = arith.maxsi %max3A, %min3A_9 : i32
    %gt3A = arith.constant 0 : i32
    %gt3A_11 = arith.cmpi sgt, %max3A_10, %gt3A : i32
    %convert_element_type3A = arith.extui %gt3A_11 : i1 to i32
    %cond3A = arith.constant 0 : i32
    %cond3A_12 = arith.cmpi ne, %convert_element_type3A, %cond3A : i32
    scf.if %cond3A_12 {
      %dma_start3A = arith.constant 0 : i32
      %dma_start3A_46 = arith.constant 0 : i32
      %dma_start3A_47 = arith.constant 0 : i32
      %dma_start3A_48 = arith.constant 0 : i32
      %dma_start3A_49 = arith.constant 0 : i32
      %dma_start3A_50 = tpu.memref_slice %arg8[%dma_start3A_47, %dma_start3A_48, %dma_start3A_49] : memref<2x128x128xf32, #tpu.memory_space<vmem>> -> memref<1x128x128xf32, #tpu.memory_space<vmem>>
      %dma_start3A_51 = tpu.memref_squeeze %dma_start3A_50 : memref<1x128x128xf32, #tpu.memory_space<vmem>> -> memref<128x128xf32, #tpu.memory_space<vmem>>
      %dma_start3A_52 = arith.constant 0 : i32
      %dma_start3A_53 = tpu.memref_slice %arg6[%dma_start3A_46, %dma_start3A_52] : memref<80x128xi32, #tpu.memory_space<vmem>> -> memref<1x128xi32, #tpu.memory_space<vmem>>
      %dma_start3A_54 = tpu.memref_squeeze %dma_start3A_53 : memref<1x128xi32, #tpu.memory_space<vmem>> -> memref<128xi32, #tpu.memory_space<vmem>>
      %dma_start3A_55 = arith.constant 0 : i32
      %dma_start3A_56 = arith.constant 0 : i32
      %dma_start3A_57 = tpu.memref_slice %arg2[%dma_start3A, %dma_start3A_55, %dma_start3A_56] : memref<2x10240x128xf32, #tpu.memory_space<hbm>> -> memref<1x10240x128xf32, #tpu.memory_space<hbm>>
      %dma_start3A_58 = tpu.memref_squeeze %dma_start3A_57 : memref<1x10240x128xf32, #tpu.memory_space<hbm>> -> memref<10240x128xf32, #tpu.memory_space<hbm>>
      %dma_start3A_59 = arith.constant 0 : i32
      %dma_start3A_60 = arith.constant 0 : i32
      %dma_start3A_61 = tpu.memref_slice %dma_start3A_58[%dma_start3A_59, %dma_start3A_60] : memref<10240x128xf32, #tpu.memory_space<hbm>> -> memref<10240x128xf32, #tpu.memory_space<hbm>>
      tpu.enqueue_indirect_dma source(%dma_start3A_61 : memref<10240x128xf32, #tpu.memory_space<hbm>>) target(%dma_start3A_51 : memref<128x128xf32, #tpu.memory_space<vmem>>) offsets(%dma_start3A_54 : memref<128xi32, #tpu.memory_space<vmem>>) semaphore(%arg11 : memref<!tpu.dma_semaphore, #tpu.memory_space<semaphore_mem>>)
      %dma_start3A_62 = arith.constant 1 : i32
      %dma_start3A_63 = arith.constant 0 : i32
      %dma_start3A_64 = arith.constant 0 : i32
      %dma_start3A_65 = arith.constant 0 : i32
      %dma_start3A_66 = arith.constant 0 : i32
      %dma_start3A_67 = tpu.memref_slice %arg9[%dma_start3A_64, %dma_start3A_65, %dma_start3A_66] : memref<2x128x128xf32, #tpu.memory_space<vmem>> -> memref<1x128x128xf32, #tpu.memory_space<vmem>>
      %dma_start3A_68 = tpu.memref_squeeze %dma_start3A_67 : memref<1x128x128xf32, #tpu.memory_space<vmem>> -> memref<128x128xf32, #tpu.memory_space<vmem>>
      %dma_start3A_69 = arith.constant 0 : i32
      %dma_start3A_70 = tpu.memref_slice %arg7[%dma_start3A_63, %dma_start3A_69] : memref<80x128xi32, #tpu.memory_space<vmem>> -> memref<1x128xi32, #tpu.memory_space<vmem>>
      %dma_start3A_71 = tpu.memref_squeeze %dma_start3A_70 : memref<1x128xi32, #tpu.memory_space<vmem>> -> memref<128xi32, #tpu.memory_space<vmem>>
      %dma_start3A_72 = arith.constant 0 : i32
      %dma_start3A_73 = arith.constant 0 : i32
      %dma_start3A_74 = tpu.memref_slice %arg2[%dma_start3A_62, %dma_start3A_72, %dma_start3A_73] : memref<2x10240x128xf32, #tpu.memory_space<hbm>> -> memref<1x10240x128xf32, #tpu.memory_space<hbm>>
      %dma_start3A_75 = tpu.memref_squeeze %dma_start3A_74 : memref<1x10240x128xf32, #tpu.memory_space<hbm>> -> memref<10240x128xf32, #tpu.memory_space<hbm>>
      %dma_start3A_76 = arith.constant 0 : i32
      %dma_start3A_77 = arith.constant 0 : i32
      %dma_start3A_78 = tpu.memref_slice %dma_start3A_75[%dma_start3A_76, %dma_start3A_77] : memref<10240x128xf32, #tpu.memory_space<hbm>> -> memref<10240x128xf32, #tpu.memory_space<hbm>>
      tpu.enqueue_indirect_dma source(%dma_start3A_78 : memref<10240x128xf32, #tpu.memory_space<hbm>>) target(%dma_start3A_68 : memref<128x128xf32, #tpu.memory_space<vmem>>) offsets(%dma_start3A_71 : memref<128xi32, #tpu.memory_space<vmem>>) semaphore(%arg13 : memref<!tpu.dma_semaphore, #tpu.memory_space<semaphore_mem>>)
      %mul3A_79 = arith.constant 80 : i32
      %mul3A_80 = arith.muli %add3A, %mul3A_79 : i32
      %add3A_81 = arith.constant 0 : i32
      %add3A_82 = arith.addi %mul3A_80, %add3A_81 : i32
      %mul3A_83 = arith.constant 128 : i32
      %mul3A_84 = arith.muli %add3A_82, %mul3A_83 : i32
      %dma_start3A_85 = arith.constant 0 : i32
      %dma_start3A_86 = arith.constant 0 : i32
      %dma_start3A_87 = arith.constant 0 : i32
      %dma_start3A_88 = tpu.memref_slice %arg10[%dma_start3A_85, %dma_start3A_86, %dma_start3A_87] : memref<2x128x128xf32, #tpu.memory_space<vmem>> -> memref<1x128x128xf32, #tpu.memory_space<vmem>>
      %dma_start3A_89 = tpu.memref_squeeze %dma_start3A_88 : memref<1x128x128xf32, #tpu.memory_space<vmem>> -> memref<128x128xf32, #tpu.memory_space<vmem>>
      %dma_start3A_90 = arith.constant 0 : i32
      %dma_start3A_91 = tpu.memref_slice %arg4[%mul3A_84, %dma_start3A_90] : memref<320000x128xf32, #tpu.memory_space<hbm>> -> memref<128x128xf32, #tpu.memory_space<hbm>>
      %dma_start3A_92 = arith.constant 0 : i32
      %dma_start3A_93 = arith.constant 0 : i32
      %dma_start3A_94 = tpu.memref_slice %arg10[%dma_start3A_85, %dma_start3A_92, %dma_start3A_93] : memref<2x128x128xf32, #tpu.memory_space<vmem>> -> memref<1x128x128xf32, #tpu.memory_space<vmem>>
      %dma_start3A_95 = tpu.memref_squeeze %dma_start3A_94 : memref<1x128x128xf32, #tpu.memory_space<vmem>> -> memref<128x128xf32, #tpu.memory_space<vmem>>
      %dma_start3A_96 = arith.constant 0 : i32
      %dma_start3A_97 = tpu.memref_slice %arg4[%mul3A_84, %dma_start3A_96] : memref<320000x128xf32, #tpu.memory_space<hbm>> -> memref<128x128xf32, #tpu.memory_space<hbm>>
      tpu.enqueue_dma source(%dma_start3A_97 : memref<128x128xf32, #tpu.memory_space<hbm>>) target(%dma_start3A_95 : memref<128x128xf32, #tpu.memory_space<vmem>>) target_semaphore(%arg14 : memref<!tpu.dma_semaphore, #tpu.memory_space<semaphore_mem>>)
    } else {
    }
    %jit3A = arith.constant 2 : i32
    %div3A = arith.divsi %max3A_10, %jit3A : i32
    %sign3A = arith.constant 0 : i32
    %sign3A_13 = arith.cmpi sgt, %max3A_10, %sign3A : i32
    %sign3A_14 = arith.extui %sign3A_13 : i1 to i32
    %sign3A_15 = arith.constant 0 : i32
    %sign3A_16 = arith.cmpi slt, %max3A_10, %sign3A_15 : i32
    %sign3A_17 = arith.extui %sign3A_16 : i1 to i32
    %sign3A_18 = arith.subi %sign3A_14, %sign3A_17 : i32
    %sign3A_19 = arith.constant 0 : i32
    %sign3A_20 = arith.cmpi sgt, %jit3A, %sign3A_19 : i32
    %sign3A_21 = arith.extui %sign3A_20 : i1 to i32
    %sign3A_22 = arith.constant 0 : i32
    %sign3A_23 = arith.cmpi slt, %jit3A, %sign3A_22 : i32
    %sign3A_24 = arith.extui %sign3A_23 : i1 to i32
    %sign3A_25 = arith.subi %sign3A_21, %sign3A_24 : i32
    %ne3A = arith.cmpi ne, %sign3A_18, %sign3A_25 : i32
    %rem3A = arith.remsi %max3A_10, %jit3A : i32
    %ne3A_26 = arith.constant 0 : i32
    %ne3A_27 = arith.cmpi ne, %rem3A, %ne3A_26 : i32
    %and3A = arith.andi %ne3A, %ne3A_27 : i1
    %sub3A_28 = arith.constant 1 : i32
    %sub3A_29 = arith.subi %div3A, %sub3A_28 : i32
    %select_n3A = arith.select %and3A, %sub3A_29, %div3A : i32
    %while3A = arith.constant 0 : i32
    %while3A_30 = arith.constant 0 : i32
    %while3A_31 = arith.subi %select_n3A, %while3A : i32
    %while3A_32 = arith.addi %while3A, %while3A_31 : i32
    %while3A_33 = arith.constant 1 : i32
    %while3A_34 = arith.divsi %while3A_31, %while3A_33 : i32
    %while3A_35 = arith.muli %while3A_34, %while3A_33 : i32
    %while3A_36 = arith.addi %while3A, %while3A_35 : i32
    %while3A_37 = arith.constant 1 : i32
    %while3A_38 = scf.for %while3A_46 = %while3A to %while3A_36 step %while3A_37 iter_args(%while3A_47 = %while3A_30) -> (i32)  : i32 {
      %mul3A_48 = arith.constant 2 : i32
      %mul3A_49 = arith.muli %mul3A_48, %while3A_46 : i32
      %add3A_50 = arith.constant 0 : i32
      %add3A_51 = arith.addi %mul3A_49, %add3A_50 : i32
      %dma_wait3A = arith.constant 0 : i32
      %dma_wait3A_52 = arith.constant 0 : i32
      %dma_wait3A_53 = arith.constant 0 : i32
      %dma_wait3A_54 = arith.constant 0 : i32
      %dma_wait3A_55 = tpu.memref_slice %arg8[%dma_wait3A_52, %dma_wait3A_53, %dma_wait3A_54] : memref<2x128x128xf32, #tpu.memory_space<vmem>> -> memref<1x128x128xf32, #tpu.memory_space<vmem>>
      %dma_wait3A_56 = tpu.memref_squeeze %dma_wait3A_55 : memref<1x128x128xf32, #tpu.memory_space<vmem>> -> memref<128x128xf32, #tpu.memory_space<vmem>>
      %dma_wait3A_57 = arith.constant 0 : i32
      %dma_wait3A_58 = tpu.memref_slice %arg6[%add3A_51, %dma_wait3A_57] : memref<80x128xi32, #tpu.memory_space<vmem>> -> memref<1x128xi32, #tpu.memory_space<vmem>>
      %dma_wait3A_59 = tpu.memref_squeeze %dma_wait3A_58 : memref<1x128xi32, #tpu.memory_space<vmem>> -> memref<128xi32, #tpu.memory_space<vmem>>
      %dma_wait3A_60 = arith.constant 0 : i32
      %dma_wait3A_61 = arith.constant 0 : i32
      %dma_wait3A_62 = tpu.memref_slice %arg2[%dma_wait3A, %dma_wait3A_60, %dma_wait3A_61] : memref<2x10240x128xf32, #tpu.memory_space<hbm>> -> memref<1x10240x128xf32, #tpu.memory_space<hbm>>
      %dma_wait3A_63 = tpu.memref_squeeze %dma_wait3A_62 : memref<1x10240x128xf32, #tpu.memory_space<hbm>> -> memref<10240x128xf32, #tpu.memory_space<hbm>>
      %dma_wait3A_64 = arith.constant 0 : i32
      %dma_wait3A_65 = arith.constant 0 : i32
      %dma_wait3A_66 = tpu.memref_slice %dma_wait3A_63[%dma_wait3A_64, %dma_wait3A_65] : memref<10240x128xf32, #tpu.memory_space<hbm>> -> memref<10240x128xf32, #tpu.memory_space<hbm>>
      tpu.wait_indirect_dma semaphore(%arg11 : memref<!tpu.dma_semaphore, #tpu.memory_space<semaphore_mem>>) src(%dma_wait3A_66 : memref<10240x128xf32, #tpu.memory_space<hbm>>) dst(%dma_wait3A_56 : memref<128x128xf32, #tpu.memory_space<vmem>>)
      %dma_wait3A_67 = arith.constant 1 : i32
      %dma_wait3A_68 = arith.constant 0 : i32
      %dma_wait3A_69 = arith.constant 0 : i32
      %dma_wait3A_70 = arith.constant 0 : i32
      %dma_wait3A_71 = tpu.memref_slice %arg9[%dma_wait3A_68, %dma_wait3A_69, %dma_wait3A_70] : memref<2x128x128xf32, #tpu.memory_space<vmem>> -> memref<1x128x128xf32, #tpu.memory_space<vmem>>
      %dma_wait3A_72 = tpu.memref_squeeze %dma_wait3A_71 : memref<1x128x128xf32, #tpu.memory_space<vmem>> -> memref<128x128xf32, #tpu.memory_space<vmem>>
      %dma_wait3A_73 = arith.constant 0 : i32
      %dma_wait3A_74 = tpu.memref_slice %arg7[%add3A_51, %dma_wait3A_73] : memref<80x128xi32, #tpu.memory_space<vmem>> -> memref<1x128xi32, #tpu.memory_space<vmem>>
      %dma_wait3A_75 = tpu.memref_squeeze %dma_wait3A_74 : memref<1x128xi32, #tpu.memory_space<vmem>> -> memref<128xi32, #tpu.memory_space<vmem>>
      %dma_wait3A_76 = arith.constant 0 : i32
      %dma_wait3A_77 = arith.constant 0 : i32
      %dma_wait3A_78 = tpu.memref_slice %arg2[%dma_wait3A_67, %dma_wait3A_76, %dma_wait3A_77] : memref<2x10240x128xf32, #tpu.memory_space<hbm>> -> memref<1x10240x128xf32, #tpu.memory_space<hbm>>
      %dma_wait3A_79 = tpu.memref_squeeze %dma_wait3A_78 : memref<1x10240x128xf32, #tpu.memory_space<hbm>> -> memref<10240x128xf32, #tpu.memory_space<hbm>>
      %dma_wait3A_80 = arith.constant 0 : i32
      %dma_wait3A_81 = arith.constant 0 : i32
      %dma_wait3A_82 = tpu.memref_slice %dma_wait3A_79[%dma_wait3A_80, %dma_wait3A_81] : memref<10240x128xf32, #tpu.memory_space<hbm>> -> memref<10240x128xf32, #tpu.memory_space<hbm>>
      tpu.wait_indirect_dma semaphore(%arg13 : memref<!tpu.dma_semaphore, #tpu.memory_space<semaphore_mem>>) src(%dma_wait3A_82 : memref<10240x128xf32, #tpu.memory_space<hbm>>) dst(%dma_wait3A_72 : memref<128x128xf32, #tpu.memory_space<vmem>>)
      %mul3A_83 = arith.constant 80 : i32
      %mul3A_84 = arith.muli %add3A, %mul3A_83 : i32
      %add3A_85 = arith.addi %mul3A_84, %add3A_51 : i32
      %mul3A_86 = arith.constant 128 : i32
      %mul3A_87 = arith.muli %add3A_85, %mul3A_86 : i32
      %dma_wait3A_88 = arith.constant 0 : i32
      %dma_wait3A_89 = arith.constant 0 : i32
      %dma_wait3A_90 = arith.constant 0 : i32
      %dma_wait3A_91 = tpu.memref_slice %arg10[%dma_wait3A_88, %dma_wait3A_89, %dma_wait3A_90] : memref<2x128x128xf32, #tpu.memory_space<vmem>> -> memref<1x128x128xf32, #tpu.memory_space<vmem>>
      %dma_wait3A_92 = tpu.memref_squeeze %dma_wait3A_91 : memref<1x128x128xf32, #tpu.memory_space<vmem>> -> memref<128x128xf32, #tpu.memory_space<vmem>>
      %dma_wait3A_93 = arith.constant 0 : i32
      %dma_wait3A_94 = tpu.memref_slice %arg4[%mul3A_87, %dma_wait3A_93] : memref<320000x128xf32, #tpu.memory_space<hbm>> -> memref<128x128xf32, #tpu.memory_space<hbm>>
      %dma_wait3A_95 = arith.constant 0 : i32
      %dma_wait3A_96 = arith.constant 0 : i32
      %dma_wait3A_97 = tpu.memref_slice %arg10[%dma_wait3A_88, %dma_wait3A_95, %dma_wait3A_96] : memref<2x128x128xf32, #tpu.memory_space<vmem>> -> memref<1x128x128xf32, #tpu.memory_space<vmem>>
      %dma_wait3A_98 = tpu.memref_squeeze %dma_wait3A_97 : memref<1x128x128xf32, #tpu.memory_space<vmem>> -> memref<128x128xf32, #tpu.memory_space<vmem>>
      %dma_wait3A_99 = arith.constant 0 : i32
      %dma_wait3A_100 = tpu.memref_slice %arg4[%mul3A_87, %dma_wait3A_99] : memref<320000x128xf32, #tpu.memory_space<hbm>> -> memref<128x128xf32, #tpu.memory_space<hbm>>
      tpu.wait_dma2 semaphore(%arg14 : memref<!tpu.dma_semaphore, #tpu.memory_space<semaphore_mem>>) src(%dma_wait3A_100 : memref<128x128xf32, #tpu.memory_space<hbm>>) dst(%dma_wait3A_98 : memref<128x128xf32, #tpu.memory_space<vmem>>)
      %gt3A_101 = arith.constant 0 : i32
      %gt3A_102 = arith.cmpi sgt, %add3A_51, %gt3A_101 : i32
      %convert_element_type3A_103 = arith.extui %gt3A_102 : i1 to i32
      %cond3A_104 = arith.constant 0 : i32
      %cond3A_105 = arith.cmpi ne, %convert_element_type3A_103, %cond3A_104 : i32
      scf.if %cond3A_105 {
        %mul3A_225 = arith.constant 80 : i32
        %mul3A_226 = arith.muli %add3A, %mul3A_225 : i32
        %add3A_227 = arith.addi %mul3A_226, %add3A_51 : i32
        %sub3A_228 = arith.constant 1 : i32
        %sub3A_229 = arith.subi %add3A_227, %sub3A_228 : i32
        %mul3A_230 = arith.constant 128 : i32
        %mul3A_231 = arith.muli %sub3A_229, %mul3A_230 : i32
        %dma_wait3A_232 = arith.constant 1 : i32
        %dma_wait3A_233 = arith.constant 0 : i32
        %dma_wait3A_234 = arith.constant 0 : i32
        %dma_wait3A_235 = tpu.memref_slice %arg8[%dma_wait3A_232, %dma_wait3A_233, %dma_wait3A_234] : memref<2x128x128xf32, #tpu.memory_space<vmem>> -> memref<1x128x128xf32, #tpu.memory_space<vmem>>
        %dma_wait3A_236 = tpu.memref_squeeze %dma_wait3A_235 : memref<1x128x128xf32, #tpu.memory_space<vmem>> -> memref<128x128xf32, #tpu.memory_space<vmem>>
        %dma_wait3A_237 = arith.constant 0 : i32
        %dma_wait3A_238 = tpu.memref_slice %arg5[%mul3A_231, %dma_wait3A_237] : memref<320000x128xf32, #tpu.memory_space<hbm>> -> memref<128x128xf32, #tpu.memory_space<hbm>>
        %dma_wait3A_239 = arith.constant 0 : i32
        %dma_wait3A_240 = tpu.memref_slice %arg5[%mul3A_231, %dma_wait3A_239] : memref<320000x128xf32, #tpu.memory_space<hbm>> -> memref<128x128xf32, #tpu.memory_space<hbm>>
        %dma_wait3A_241 = arith.constant 0 : i32
        %dma_wait3A_242 = arith.constant 0 : i32
        %dma_wait3A_243 = tpu.memref_slice %arg8[%dma_wait3A_232, %dma_wait3A_241, %dma_wait3A_242] : memref<2x128x128xf32, #tpu.memory_space<vmem>> -> memref<1x128x128xf32, #tpu.memory_space<vmem>>
        %dma_wait3A_244 = tpu.memref_squeeze %dma_wait3A_243 : memref<1x128x128xf32, #tpu.memory_space<vmem>> -> memref<128x128xf32, #tpu.memory_space<vmem>>
        tpu.wait_dma2 semaphore(%arg12 : memref<!tpu.dma_semaphore, #tpu.memory_space<semaphore_mem>>) src(%dma_wait3A_244 : memref<128x128xf32, #tpu.memory_space<vmem>>) dst(%dma_wait3A_240 : memref<128x128xf32, #tpu.memory_space<hbm>>)
      } else {
      }
      %add3A_106 = arith.constant 1 : i32
      %add3A_107 = arith.addi %add3A_51, %add3A_106 : i32
      %lt3A = arith.cmpi slt, %add3A_107, %max3A_10 : i32
      %convert_element_type3A_108 = arith.extui %lt3A : i1 to i32
      %cond3A_109 = arith.constant 0 : i32
      %cond3A_110 = arith.cmpi ne, %convert_element_type3A_108, %cond3A_109 : i32
      scf.if %cond3A_110 {
        %add3A_225 = arith.constant 1 : i32
        %add3A_226 = arith.addi %add3A_51, %add3A_225 : i32
        %dma_start3A_227 = arith.constant 0 : i32
        %dma_start3A_228 = arith.constant 1 : i32
        %dma_start3A_229 = arith.constant 0 : i32
        %dma_start3A_230 = arith.constant 0 : i32
        %dma_start3A_231 = tpu.memref_slice %arg8[%dma_start3A_228, %dma_start3A_229, %dma_start3A_230] : memref<2x128x128xf32, #tpu.memory_space<vmem>> -> memref<1x128x128xf32, #tpu.memory_space<vmem>>
        %dma_start3A_232 = tpu.memref_squeeze %dma_start3A_231 : memref<1x128x128xf32, #tpu.memory_space<vmem>> -> memref<128x128xf32, #tpu.memory_space<vmem>>
        %dma_start3A_233 = arith.constant 0 : i32
        %dma_start3A_234 = tpu.memref_slice %arg6[%add3A_226, %dma_start3A_233] : memref<80x128xi32, #tpu.memory_space<vmem>> -> memref<1x128xi32, #tpu.memory_space<vmem>>
        %dma_start3A_235 = tpu.memref_squeeze %dma_start3A_234 : memref<1x128xi32, #tpu.memory_space<vmem>> -> memref<128xi32, #tpu.memory_space<vmem>>
        %dma_start3A_236 = arith.constant 0 : i32
        %dma_start3A_237 = arith.constant 0 : i32
        %dma_start3A_238 = tpu.memref_slice %arg2[%dma_start3A_227, %dma_start3A_236, %dma_start3A_237] : memref<2x10240x128xf32, #tpu.memory_space<hbm>> -> memref<1x10240x128xf32, #tpu.memory_space<hbm>>
        %dma_start3A_239 = tpu.memref_squeeze %dma_start3A_238 : memref<1x10240x128xf32, #tpu.memory_space<hbm>> -> memref<10240x128xf32, #tpu.memory_space<hbm>>
        %dma_start3A_240 = arith.constant 0 : i32
        %dma_start3A_241 = arith.constant 0 : i32
        %dma_start3A_242 = tpu.memref_slice %dma_start3A_239[%dma_start3A_240, %dma_start3A_241] : memref<10240x128xf32, #tpu.memory_space<hbm>> -> memref<10240x128xf32, #tpu.memory_space<hbm>>
        tpu.enqueue_indirect_dma source(%dma_start3A_242 : memref<10240x128xf32, #tpu.memory_space<hbm>>) target(%dma_start3A_232 : memref<128x128xf32, #tpu.memory_space<vmem>>) offsets(%dma_start3A_235 : memref<128xi32, #tpu.memory_space<vmem>>) semaphore(%arg11 : memref<!tpu.dma_semaphore, #tpu.memory_space<semaphore_mem>>)
        %dma_start3A_243 = arith.constant 1 : i32
        %dma_start3A_244 = arith.constant 1 : i32
        %dma_start3A_245 = arith.constant 0 : i32
        %dma_start3A_246 = arith.constant 0 : i32
        %dma_start3A_247 = tpu.memref_slice %arg9[%dma_start3A_244, %dma_start3A_245, %dma_start3A_246] : memref<2x128x128xf32, #tpu.memory_space<vmem>> -> memref<1x128x128xf32, #tpu.memory_space<vmem>>
        %dma_start3A_248 = tpu.memref_squeeze %dma_start3A_247 : memref<1x128x128xf32, #tpu.memory_space<vmem>> -> memref<128x128xf32, #tpu.memory_space<vmem>>
        %dma_start3A_249 = arith.constant 0 : i32
        %dma_start3A_250 = tpu.memref_slice %arg7[%add3A_226, %dma_start3A_249] : memref<80x128xi32, #tpu.memory_space<vmem>> -> memref<1x128xi32, #tpu.memory_space<vmem>>
        %dma_start3A_251 = tpu.memref_squeeze %dma_start3A_250 : memref<1x128xi32, #tpu.memory_space<vmem>> -> memref<128xi32, #tpu.memory_space<vmem>>
        %dma_start3A_252 = arith.constant 0 : i32
        %dma_start3A_253 = arith.constant 0 : i32
        %dma_start3A_254 = tpu.memref_slice %arg2[%dma_start3A_243, %dma_start3A_252, %dma_start3A_253] : memref<2x10240x128xf32, #tpu.memory_space<hbm>> -> memref<1x10240x128xf32, #tpu.memory_space<hbm>>
        %dma_start3A_255 = tpu.memref_squeeze %dma_start3A_254 : memref<1x10240x128xf32, #tpu.memory_space<hbm>> -> memref<10240x128xf32, #tpu.memory_space<hbm>>
        %dma_start3A_256 = arith.constant 0 : i32
        %dma_start3A_257 = arith.constant 0 : i32
        %dma_start3A_258 = tpu.memref_slice %dma_start3A_255[%dma_start3A_256, %dma_start3A_257] : memref<10240x128xf32, #tpu.memory_space<hbm>> -> memref<10240x128xf32, #tpu.memory_space<hbm>>
        tpu.enqueue_indirect_dma source(%dma_start3A_258 : memref<10240x128xf32, #tpu.memory_space<hbm>>) target(%dma_start3A_248 : memref<128x128xf32, #tpu.memory_space<vmem>>) offsets(%dma_start3A_251 : memref<128xi32, #tpu.memory_space<vmem>>) semaphore(%arg13 : memref<!tpu.dma_semaphore, #tpu.memory_space<semaphore_mem>>)
        %mul3A_259 = arith.constant 80 : i32
        %mul3A_260 = arith.muli %add3A, %mul3A_259 : i32
        %add3A_261 = arith.addi %mul3A_260, %add3A_226 : i32
        %mul3A_262 = arith.constant 128 : i32
        %mul3A_263 = arith.muli %add3A_261, %mul3A_262 : i32
        %dma_start3A_264 = arith.constant 1 : i32
        %dma_start3A_265 = arith.constant 0 : i32
        %dma_start3A_266 = arith.constant 0 : i32
        %dma_start3A_267 = tpu.memref_slice %arg10[%dma_start3A_264, %dma_start3A_265, %dma_start3A_266] : memref<2x128x128xf32, #tpu.memory_space<vmem>> -> memref<1x128x128xf32, #tpu.memory_space<vmem>>
        %dma_start3A_268 = tpu.memref_squeeze %dma_start3A_267 : memref<1x128x128xf32, #tpu.memory_space<vmem>> -> memref<128x128xf32, #tpu.memory_space<vmem>>
        %dma_start3A_269 = arith.constant 0 : i32
        %dma_start3A_270 = tpu.memref_slice %arg4[%mul3A_263, %dma_start3A_269] : memref<320000x128xf32, #tpu.memory_space<hbm>> -> memref<128x128xf32, #tpu.memory_space<hbm>>
        %dma_start3A_271 = arith.constant 0 : i32
        %dma_start3A_272 = arith.constant 0 : i32
        %dma_start3A_273 = tpu.memref_slice %arg10[%dma_start3A_264, %dma_start3A_271, %dma_start3A_272] : memref<2x128x128xf32, #tpu.memory_space<vmem>> -> memref<1x128x128xf32, #tpu.memory_space<vmem>>
        %dma_start3A_274 = tpu.memref_squeeze %dma_start3A_273 : memref<1x128x128xf32, #tpu.memory_space<vmem>> -> memref<128x128xf32, #tpu.memory_space<vmem>>
        %dma_start3A_275 = arith.constant 0 : i32
        %dma_start3A_276 = tpu.memref_slice %arg4[%mul3A_263, %dma_start3A_275] : memref<320000x128xf32, #tpu.memory_space<hbm>> -> memref<128x128xf32, #tpu.memory_space<hbm>>
        tpu.enqueue_dma source(%dma_start3A_276 : memref<128x128xf32, #tpu.memory_space<hbm>>) target(%dma_start3A_274 : memref<128x128xf32, #tpu.memory_space<vmem>>) target_semaphore(%arg14 : memref<!tpu.dma_semaphore, #tpu.memory_space<semaphore_mem>>)
      } else {
      }
      %scan3A = arith.constant 0 : i32
      %scan3A_111 = arith.constant 0 : i32
      %scan3A_112 = arith.constant 128 : i32
      %scan3A_113 = arith.addi %scan3A_111, %scan3A_112 : i32
      %scan3A_114 = arith.constant 1 : i32
      %scan3A_115 = scf.for %scan3A_225 = %scan3A_111 to %scan3A_113 step %scan3A_114 iter_args(%scan3A_226 = %scan3A) -> (i32)  : i32 {
        %get3A = arith.constant 0 : i32
        %get3A_227 = arith.index_cast %get3A : i32 to index
        %get3A_228 = arith.index_cast %scan3A_225 : i32 to index
        %get3A_229 = arith.constant 0 : index
        %get3A_230 = tpu.vector_load %arg10[%get3A_227, %get3A_228, %get3A_229] {strides = array<i32>} : memref<2x128x128xf32, #tpu.memory_space<vmem>>, vector<1x1x16xf32>,
        %get3A_231 = vector.shape_cast %get3A_230 : vector<1x1x16xf32> to vector<16xf32>
        %get3A_232 = arith.constant 0 : i32
        %get3A_233 = arith.index_cast %get3A_232 : i32 to index
        %get3A_234 = arith.index_cast %scan3A_225 : i32 to index
        %get3A_235 = arith.constant 0 : index
        %get3A_236 = tpu.vector_load %arg8[%get3A_233, %get3A_234, %get3A_235] {strides = array<i32>} : memref<2x128x128xf32, #tpu.memory_space<vmem>>, vector<1x1x16xf32>,
        %get3A_237 = vector.shape_cast %get3A_236 : vector<1x1x16xf32> to vector<16xf32>
        %add3A_238 = arith.addf %get3A_231, %get3A_237 : vector<16xf32>
        %get3A_239 = arith.constant 0 : i32
        %get3A_240 = arith.index_cast %get3A_239 : i32 to index
        %get3A_241 = arith.index_cast %scan3A_225 : i32 to index
        %get3A_242 = arith.constant 0 : index
        %get3A_243 = tpu.vector_load %arg9[%get3A_240, %get3A_241, %get3A_242] {strides = array<i32>} : memref<2x128x128xf32, #tpu.memory_space<vmem>>, vector<1x1x16xf32>,
        %get3A_244 = vector.shape_cast %get3A_243 : vector<1x1x16xf32> to vector<16xf32>
        %add3A_245 = arith.addf %add3A_238, %get3A_244 : vector<16xf32>
        %mul3A_246 = arith.constant 0.00999999977 : f32
        %mul3A_247 = vector.broadcast %mul3A_246 : f32 to vector<16xf32>
        %mul3A_248 = arith.mulf %mul3A_247, %add3A_245 : vector<16xf32>
        %max3A_249 = arith.maximumf %add3A_245, %mul3A_248 : vector<16xf32>
        %swap3A = arith.constant 0 : i32
        %swap3A_250 = arith.index_cast %swap3A : i32 to index
        %swap3A_251 = arith.index_cast %scan3A_225 : i32 to index
        %swap3A_252 = arith.constant 0 : index
        %swap3A_253 = tpu.vector_load %arg8[%swap3A_250, %swap3A_251, %swap3A_252] {strides = array<i32>} : memref<2x128x128xf32, #tpu.memory_space<vmem>>, vector<1x1x16xf32>,
        %swap3A_254 = vector.shape_cast %swap3A_253 : vector<1x1x16xf32> to vector<16xf32>
        %swap3A_255 = vector.shape_cast %max3A_249 : vector<16xf32> to vector<1x1x16xf32>
        tpu.vector_store %arg8[%swap3A_250, %swap3A_251, %swap3A_252], %swap3A_255 {strides = array<i32>} : memref<2x128x128xf32, #tpu.memory_space<vmem>>, vector<1x1x16xf32>,
        %get3A_256 = arith.constant 0 : i32
        %get3A_257 = arith.index_cast %get3A_256 : i32 to index
        %get3A_258 = arith.index_cast %scan3A_225 : i32 to index
        %get3A_259 = arith.constant 16 : index
        %get3A_260 = tpu.vector_load %arg10[%get3A_257, %get3A_258, %get3A_259] {strides = array<i32>} : memref<2x128x128xf32, #tpu.memory_space<vmem>>, vector<1x1x16xf32>,
        %get3A_261 = vector.shape_cast %get3A_260 : vector<1x1x16xf32> to vector<16xf32>
        %get3A_262 = arith.constant 0 : i32
        %get3A_263 = arith.index_cast %get3A_262 : i32 to index
        %get3A_264 = arith.index_cast %scan3A_225 : i32 to index
        %get3A_265 = arith.constant 16 : index
        %get3A_266 = tpu.vector_load %arg8[%get3A_263, %get3A_264, %get3A_265] {strides = array<i32>} : memref<2x128x128xf32, #tpu.memory_space<vmem>>, vector<1x1x16xf32>,
        %get3A_267 = vector.shape_cast %get3A_266 : vector<1x1x16xf32> to vector<16xf32>
        %add3A_268 = arith.addf %get3A_261, %get3A_267 : vector<16xf32>
        %get3A_269 = arith.constant 0 : i32
        %get3A_270 = arith.index_cast %get3A_269 : i32 to index
        %get3A_271 = arith.index_cast %scan3A_225 : i32 to index
        %get3A_272 = arith.constant 16 : index
        %get3A_273 = tpu.vector_load %arg9[%get3A_270, %get3A_271, %get3A_272] {strides = array<i32>} : memref<2x128x128xf32, #tpu.memory_space<vmem>>, vector<1x1x16xf32>,
        %get3A_274 = vector.shape_cast %get3A_273 : vector<1x1x16xf32> to vector<16xf32>
        %add3A_275 = arith.addf %add3A_268, %get3A_274 : vector<16xf32>
        %mul3A_276 = arith.constant 0.00999999977 : f32
        %mul3A_277 = vector.broadcast %mul3A_276 : f32 to vector<16xf32>
        %mul3A_278 = arith.mulf %mul3A_277, %add3A_275 : vector<16xf32>
        %max3A_279 = arith.maximumf %add3A_275, %mul3A_278 : vector<16xf32>
        %swap3A_280 = arith.constant 0 : i32
        %swap3A_281 = arith.index_cast %swap3A_280 : i32 to index
        %swap3A_282 = arith.index_cast %scan3A_225 : i32 to index
        %swap3A_283 = arith.constant 16 : index
        %swap3A_284 = tpu.vector_load %arg8[%swap3A_281, %swap3A_282, %swap3A_283] {strides = array<i32>} : memref<2x128x128xf32, #tpu.memory_space<vmem>>, vector<1x1x16xf32>,
        %swap3A_285 = vector.shape_cast %swap3A_284 : vector<1x1x16xf32> to vector<16xf32>
        %swap3A_286 = vector.shape_cast %max3A_279 : vector<16xf32> to vector<1x1x16xf32>
        tpu.vector_store %arg8[%swap3A_281, %swap3A_282, %swap3A_283], %swap3A_286 {strides = array<i32>} : memref<2x128x128xf32, #tpu.memory_space<vmem>>, vector<1x1x16xf32>,
        %get3A_287 = arith.constant 0 : i32
        %get3A_288 = arith.index_cast %get3A_287 : i32 to index
        %get3A_289 = arith.index_cast %scan3A_225 : i32 to index
        %get3A_290 = arith.constant 32 : index
        %get3A_291 = tpu.vector_load %arg10[%get3A_288, %get3A_289, %get3A_290] {strides = array<i32>} : memref<2x128x128xf32, #tpu.memory_space<vmem>>, vector<1x1x16xf32>,
        %get3A_292 = vector.shape_cast %get3A_291 : vector<1x1x16xf32> to vector<16xf32>
        %get3A_293 = arith.constant 0 : i32
        %get3A_294 = arith.index_cast %get3A_293 : i32 to index
        %get3A_295 = arith.index_cast %scan3A_225 : i32 to index
        %get3A_296 = arith.constant 32 : index
        %get3A_297 = tpu.vector_load %arg8[%get3A_294, %get3A_295, %get3A_296] {strides = array<i32>} : memref<2x128x128xf32, #tpu.memory_space<vmem>>, vector<1x1x16xf32>,
        %get3A_298 = vector.shape_cast %get3A_297 : vector<1x1x16xf32> to vector<16xf32>
        %add3A_299 = arith.addf %get3A_292, %get3A_298 : vector<16xf32>
        %get3A_300 = arith.constant 0 : i32
        %get3A_301 = arith.index_cast %get3A_300 : i32 to index
        %get3A_302 = arith.index_cast %scan3A_225 : i32 to index
        %get3A_303 = arith.constant 32 : index
        %get3A_304 = tpu.vector_load %arg9[%get3A_301, %get3A_302, %get3A_303] {strides = array<i32>} : memref<2x128x128xf32, #tpu.memory_space<vmem>>, vector<1x1x16xf32>,
        %get3A_305 = vector.shape_cast %get3A_304 : vector<1x1x16xf32> to vector<16xf32>
        %add3A_306 = arith.addf %add3A_299, %get3A_305 : vector<16xf32>
        %mul3A_307 = arith.constant 0.00999999977 : f32
        %mul3A_308 = vector.broadcast %mul3A_307 : f32 to vector<16xf32>
        %mul3A_309 = arith.mulf %mul3A_308, %add3A_306 : vector<16xf32>
        %max3A_310 = arith.maximumf %add3A_306, %mul3A_309 : vector<16xf32>
        %swap3A_311 = arith.constant 0 : i32
        %swap3A_312 = arith.index_cast %swap3A_311 : i32 to index
        %swap3A_313 = arith.index_cast %scan3A_225 : i32 to index
        %swap3A_314 = arith.constant 32 : index
        %swap3A_315 = tpu.vector_load %arg8[%swap3A_312, %swap3A_313, %swap3A_314] {strides = array<i32>} : memref<2x128x128xf32, #tpu.memory_space<vmem>>, vector<1x1x16xf32>,
        %swap3A_316 = vector.shape_cast %swap3A_315 : vector<1x1x16xf32> to vector<16xf32>
        %swap3A_317 = vector.shape_cast %max3A_310 : vector<16xf32> to vector<1x1x16xf32>
        tpu.vector_store %arg8[%swap3A_312, %swap3A_313, %swap3A_314], %swap3A_317 {strides = array<i32>} : memref<2x128x128xf32, #tpu.memory_space<vmem>>, vector<1x1x16xf32>,
        %get3A_318 = arith.constant 0 : i32
        %get3A_319 = arith.index_cast %get3A_318 : i32 to index
        %get3A_320 = arith.index_cast %scan3A_225 : i32 to index
        %get3A_321 = arith.constant 48 : index
        %get3A_322 = tpu.vector_load %arg10[%get3A_319, %get3A_320, %get3A_321] {strides = array<i32>} : memref<2x128x128xf32, #tpu.memory_space<vmem>>, vector<1x1x16xf32>,
        %get3A_323 = vector.shape_cast %get3A_322 : vector<1x1x16xf32> to vector<16xf32>
        %get3A_324 = arith.constant 0 : i32
        %get3A_325 = arith.index_cast %get3A_324 : i32 to index
        %get3A_326 = arith.index_cast %scan3A_225 : i32 to index
        %get3A_327 = arith.constant 48 : index
        %get3A_328 = tpu.vector_load %arg8[%get3A_325, %get3A_326, %get3A_327] {strides = array<i32>} : memref<2x128x128xf32, #tpu.memory_space<vmem>>, vector<1x1x16xf32>,
        %get3A_329 = vector.shape_cast %get3A_328 : vector<1x1x16xf32> to vector<16xf32>
        %add3A_330 = arith.addf %get3A_323, %get3A_329 : vector<16xf32>
        %get3A_331 = arith.constant 0 : i32
        %get3A_332 = arith.index_cast %get3A_331 : i32 to index
        %get3A_333 = arith.index_cast %scan3A_225 : i32 to index
        %get3A_334 = arith.constant 48 : index
        %get3A_335 = tpu.vector_load %arg9[%get3A_332, %get3A_333, %get3A_334] {strides = array<i32>} : memref<2x128x128xf32, #tpu.memory_space<vmem>>, vector<1x1x16xf32>,
        %get3A_336 = vector.shape_cast %get3A_335 : vector<1x1x16xf32> to vector<16xf32>
        %add3A_337 = arith.addf %add3A_330, %get3A_336 : vector<16xf32>
        %mul3A_338 = arith.constant 0.00999999977 : f32
        %mul3A_339 = vector.broadcast %mul3A_338 : f32 to vector<16xf32>
        %mul3A_340 = arith.mulf %mul3A_339, %add3A_337 : vector<16xf32>
        %max3A_341 = arith.maximumf %add3A_337, %mul3A_340 : vector<16xf32>
        %swap3A_342 = arith.constant 0 : i32
        %swap3A_343 = arith.index_cast %swap3A_342 : i32 to index
        %swap3A_344 = arith.index_cast %scan3A_225 : i32 to index
        %swap3A_345 = arith.constant 48 : index
        %swap3A_346 = tpu.vector_load %arg8[%swap3A_343, %swap3A_344, %swap3A_345] {strides = array<i32>} : memref<2x128x128xf32, #tpu.memory_space<vmem>>, vector<1x1x16xf32>,
        %swap3A_347 = vector.shape_cast %swap3A_346 : vector<1x1x16xf32> to vector<16xf32>
        %swap3A_348 = vector.shape_cast %max3A_341 : vector<16xf32> to vector<1x1x16xf32>
        tpu.vector_store %arg8[%swap3A_343, %swap3A_344, %swap3A_345], %swap3A_348 {strides = array<i32>} : memref<2x128x128xf32, #tpu.memory_space<vmem>>, vector<1x1x16xf32>,
        %get3A_349 = arith.constant 0 : i32
        %get3A_350 = arith.index_cast %get3A_349 : i32 to index
        %get3A_351 = arith.index_cast %scan3A_225 : i32 to index
        %get3A_352 = arith.constant 64 : index
        %get3A_353 = tpu.vector_load %arg10[%get3A_350, %get3A_351, %get3A_352] {strides = array<i32>} : memref<2x128x128xf32, #tpu.memory_space<vmem>>, vector<1x1x16xf32>,
        %get3A_354 = vector.shape_cast %get3A_353 : vector<1x1x16xf32> to vector<16xf32>
        %get3A_355 = arith.constant 0 : i32
        %get3A_356 = arith.index_cast %get3A_355 : i32 to index
        %get3A_357 = arith.index_cast %scan3A_225 : i32 to index
        %get3A_358 = arith.constant 64 : index
        %get3A_359 = tpu.vector_load %arg8[%get3A_356, %get3A_357, %get3A_358] {strides = array<i32>} : memref<2x128x128xf32, #tpu.memory_space<vmem>>, vector<1x1x16xf32>,
        %get3A_360 = vector.shape_cast %get3A_359 : vector<1x1x16xf32> to vector<16xf32>
        %add3A_361 = arith.addf %get3A_354, %get3A_360 : vector<16xf32>
        %get3A_362 = arith.constant 0 : i32
        %get3A_363 = arith.index_cast %get3A_362 : i32 to index
        %get3A_364 = arith.index_cast %scan3A_225 : i32 to index
        %get3A_365 = arith.constant 64 : index
        %get3A_366 = tpu.vector_load %arg9[%get3A_363, %get3A_364, %get3A_365] {strides = array<i32>} : memref<2x128x128xf32, #tpu.memory_space<vmem>>, vector<1x1x16xf32>,
        %get3A_367 = vector.shape_cast %get3A_366 : vector<1x1x16xf32> to vector<16xf32>
        %add3A_368 = arith.addf %add3A_361, %get3A_367 : vector<16xf32>
        %mul3A_369 = arith.constant 0.00999999977 : f32
        %mul3A_370 = vector.broadcast %mul3A_369 : f32 to vector<16xf32>
        %mul3A_371 = arith.mulf %mul3A_370, %add3A_368 : vector<16xf32>
        %max3A_372 = arith.maximumf %add3A_368, %mul3A_371 : vector<16xf32>
        %swap3A_373 = arith.constant 0 : i32
        %swap3A_374 = arith.index_cast %swap3A_373 : i32 to index
        %swap3A_375 = arith.index_cast %scan3A_225 : i32 to index
        %swap3A_376 = arith.constant 64 : index
        %swap3A_377 = tpu.vector_load %arg8[%swap3A_374, %swap3A_375, %swap3A_376] {strides = array<i32>} : memref<2x128x128xf32, #tpu.memory_space<vmem>>, vector<1x1x16xf32>,
        %swap3A_378 = vector.shape_cast %swap3A_377 : vector<1x1x16xf32> to vector<16xf32>
        %swap3A_379 = vector.shape_cast %max3A_372 : vector<16xf32> to vector<1x1x16xf32>
        tpu.vector_store %arg8[%swap3A_374, %swap3A_375, %swap3A_376], %swap3A_379 {strides = array<i32>} : memref<2x128x128xf32, #tpu.memory_space<vmem>>, vector<1x1x16xf32>,
        %get3A_380 = arith.constant 0 : i32
        %get3A_381 = arith.index_cast %get3A_380 : i32 to index
        %get3A_382 = arith.index_cast %scan3A_225 : i32 to index
        %get3A_383 = arith.constant 80 : index
        %get3A_384 = tpu.vector_load %arg10[%get3A_381, %get3A_382, %get3A_383] {strides = array<i32>} : memref<2x128x128xf32, #tpu.memory_space<vmem>>, vector<1x1x16xf32>,
        %get3A_385 = vector.shape_cast %get3A_384 : vector<1x1x16xf32> to vector<16xf32>
        %get3A_386 = arith.constant 0 : i32
        %get3A_387 = arith.index_cast %get3A_386 : i32 to index
        %get3A_388 = arith.index_cast %scan3A_225 : i32 to index
        %get3A_389 = arith.constant 80 : index
        %get3A_390 = tpu.vector_load %arg8[%get3A_387, %get3A_388, %get3A_389] {strides = array<i32>} : memref<2x128x128xf32, #tpu.memory_space<vmem>>, vector<1x1x16xf32>,
        %get3A_391 = vector.shape_cast %get3A_390 : vector<1x1x16xf32> to vector<16xf32>
        %add3A_392 = arith.addf %get3A_385, %get3A_391 : vector<16xf32>
        %get3A_393 = arith.constant 0 : i32
        %get3A_394 = arith.index_cast %get3A_393 : i32 to index
        %get3A_395 = arith.index_cast %scan3A_225 : i32 to index
        %get3A_396 = arith.constant 80 : index
        %get3A_397 = tpu.vector_load %arg9[%get3A_394, %get3A_395, %get3A_396] {strides = array<i32>} : memref<2x128x128xf32, #tpu.memory_space<vmem>>, vector<1x1x16xf32>,
        %get3A_398 = vector.shape_cast %get3A_397 : vector<1x1x16xf32> to vector<16xf32>
        %add3A_399 = arith.addf %add3A_392, %get3A_398 : vector<16xf32>
        %mul3A_400 = arith.constant 0.00999999977 : f32
        %mul3A_401 = vector.broadcast %mul3A_400 : f32 to vector<16xf32>
        %mul3A_402 = arith.mulf %mul3A_401, %add3A_399 : vector<16xf32>
        %max3A_403 = arith.maximumf %add3A_399, %mul3A_402 : vector<16xf32>
        %swap3A_404 = arith.constant 0 : i32
        %swap3A_405 = arith.index_cast %swap3A_404 : i32 to index
        %swap3A_406 = arith.index_cast %scan3A_225 : i32 to index
        %swap3A_407 = arith.constant 80 : index
        %swap3A_408 = tpu.vector_load %arg8[%swap3A_405, %swap3A_406, %swap3A_407] {strides = array<i32>} : memref<2x128x128xf32, #tpu.memory_space<vmem>>, vector<1x1x16xf32>,
        %swap3A_409 = vector.shape_cast %swap3A_408 : vector<1x1x16xf32> to vector<16xf32>
        %swap3A_410 = vector.shape_cast %max3A_403 : vector<16xf32> to vector<1x1x16xf32>
        tpu.vector_store %arg8[%swap3A_405, %swap3A_406, %swap3A_407], %swap3A_410 {strides = array<i32>} : memref<2x128x128xf32, #tpu.memory_space<vmem>>, vector<1x1x16xf32>,
        %get3A_411 = arith.constant 0 : i32
        %get3A_412 = arith.index_cast %get3A_411 : i32 to index
        %get3A_413 = arith.index_cast %scan3A_225 : i32 to index
        %get3A_414 = arith.constant 96 : index
        %get3A_415 = tpu.vector_load %arg10[%get3A_412, %get3A_413, %get3A_414] {strides = array<i32>} : memref<2x128x128xf32, #tpu.memory_space<vmem>>, vector<1x1x16xf32>,
        %get3A_416 = vector.shape_cast %get3A_415 : vector<1x1x16xf32> to vector<16xf32>
        %get3A_417 = arith.constant 0 : i32
        %get3A_418 = arith.index_cast %get3A_417 : i32 to index
        %get3A_419 = arith.index_cast %scan3A_225 : i32 to index
        %get3A_420 = arith.constant 96 : index
        %get3A_421 = tpu.vector_load %arg8[%get3A_418, %get3A_419, %get3A_420] {strides = array<i32>} : memref<2x128x128xf32, #tpu.memory_space<vmem>>, vector<1x1x16xf32>,
        %get3A_422 = vector.shape_cast %get3A_421 : vector<1x1x16xf32> to vector<16xf32>
        %add3A_423 = arith.addf %get3A_416, %get3A_422 : vector<16xf32>
        %get3A_424 = arith.constant 0 : i32
        %get3A_425 = arith.index_cast %get3A_424 : i32 to index
        %get3A_426 = arith.index_cast %scan3A_225 : i32 to index
        %get3A_427 = arith.constant 96 : index
        %get3A_428 = tpu.vector_load %arg9[%get3A_425, %get3A_426, %get3A_427] {strides = array<i32>} : memref<2x128x128xf32, #tpu.memory_space<vmem>>, vector<1x1x16xf32>,
        %get3A_429 = vector.shape_cast %get3A_428 : vector<1x1x16xf32> to vector<16xf32>
        %add3A_430 = arith.addf %add3A_423, %get3A_429 : vector<16xf32>
        %mul3A_431 = arith.constant 0.00999999977 : f32
        %mul3A_432 = vector.broadcast %mul3A_431 : f32 to vector<16xf32>
        %mul3A_433 = arith.mulf %mul3A_432, %add3A_430 : vector<16xf32>
        %max3A_434 = arith.maximumf %add3A_430, %mul3A_433 : vector<16xf32>
        %swap3A_435 = arith.constant 0 : i32
        %swap3A_436 = arith.index_cast %swap3A_435 : i32 to index
        %swap3A_437 = arith.index_cast %scan3A_225 : i32 to index
        %swap3A_438 = arith.constant 96 : index
        %swap3A_439 = tpu.vector_load %arg8[%swap3A_436, %swap3A_437, %swap3A_438] {strides = array<i32>} : memref<2x128x128xf32, #tpu.memory_space<vmem>>, vector<1x1x16xf32>,
        %swap3A_440 = vector.shape_cast %swap3A_439 : vector<1x1x16xf32> to vector<16xf32>
        %swap3A_441 = vector.shape_cast %max3A_434 : vector<16xf32> to vector<1x1x16xf32>
        tpu.vector_store %arg8[%swap3A_436, %swap3A_437, %swap3A_438], %swap3A_441 {strides = array<i32>} : memref<2x128x128xf32, #tpu.memory_space<vmem>>, vector<1x1x16xf32>,
        %get3A_442 = arith.constant 0 : i32
        %get3A_443 = arith.index_cast %get3A_442 : i32 to index
        %get3A_444 = arith.index_cast %scan3A_225 : i32 to index
        %get3A_445 = arith.constant 112 : index
        %get3A_446 = tpu.vector_load %arg10[%get3A_443, %get3A_444, %get3A_445] {strides = array<i32>} : memref<2x128x128xf32, #tpu.memory_space<vmem>>, vector<1x1x16xf32>,
        %get3A_447 = vector.shape_cast %get3A_446 : vector<1x1x16xf32> to vector<16xf32>
        %get3A_448 = arith.constant 0 : i32
        %get3A_449 = arith.index_cast %get3A_448 : i32 to index
        %get3A_450 = arith.index_cast %scan3A_225 : i32 to index
        %get3A_451 = arith.constant 112 : index
        %get3A_452 = tpu.vector_load %arg8[%get3A_449, %get3A_450, %get3A_451] {strides = array<i32>} : memref<2x128x128xf32, #tpu.memory_space<vmem>>, vector<1x1x16xf32>,
        %get3A_453 = vector.shape_cast %get3A_452 : vector<1x1x16xf32> to vector<16xf32>
        %add3A_454 = arith.addf %get3A_447, %get3A_453 : vector<16xf32>
        %get3A_455 = arith.constant 0 : i32
        %get3A_456 = arith.index_cast %get3A_455 : i32 to index
        %get3A_457 = arith.index_cast %scan3A_225 : i32 to index
        %get3A_458 = arith.constant 112 : index
        %get3A_459 = tpu.vector_load %arg9[%get3A_456, %get3A_457, %get3A_458] {strides = array<i32>} : memref<2x128x128xf32, #tpu.memory_space<vmem>>, vector<1x1x16xf32>,
        %get3A_460 = vector.shape_cast %get3A_459 : vector<1x1x16xf32> to vector<16xf32>
        %add3A_461 = arith.addf %add3A_454, %get3A_460 : vector<16xf32>
        %mul3A_462 = arith.constant 0.00999999977 : f32
        %mul3A_463 = vector.broadcast %mul3A_462 : f32 to vector<16xf32>
        %mul3A_464 = arith.mulf %mul3A_463, %add3A_461 : vector<16xf32>
        %max3A_465 = arith.maximumf %add3A_461, %mul3A_464 : vector<16xf32>
        %swap3A_466 = arith.constant 0 : i32
        %swap3A_467 = arith.index_cast %swap3A_466 : i32 to index
        %swap3A_468 = arith.index_cast %scan3A_225 : i32 to index
        %swap3A_469 = arith.constant 112 : index
        %swap3A_470 = tpu.vector_load %arg8[%swap3A_467, %swap3A_468, %swap3A_469] {strides = array<i32>} : memref<2x128x128xf32, #tpu.memory_space<vmem>>, vector<1x1x16xf32>,
        %swap3A_471 = vector.shape_cast %swap3A_470 : vector<1x1x16xf32> to vector<16xf32>
        %swap3A_472 = vector.shape_cast %max3A_465 : vector<16xf32> to vector<1x1x16xf32>
        tpu.vector_store %arg8[%swap3A_467, %swap3A_468, %swap3A_469], %swap3A_472 {strides = array<i32>} : memref<2x128x128xf32, #tpu.memory_space<vmem>>, vector<1x1x16xf32>,
        %scan3A_473 = arith.constant 0 : i32
        scf.yield %scan3A_473 : i32
      }
      %scan3A_116 = arith.constant 128 : i32
      %mul3A_117 = arith.constant 80 : i32
      %mul3A_118 = arith.muli %add3A, %mul3A_117 : i32
      %add3A_119 = arith.addi %mul3A_118, %add3A_51 : i32
      %mul3A_120 = arith.constant 128 : i32
      %mul3A_121 = arith.muli %add3A_119, %mul3A_120 : i32
      %dma_start3A = arith.constant 0 : i32
      %dma_start3A_122 = arith.constant 0 : i32
      %dma_start3A_123 = arith.constant 0 : i32
      %dma_start3A_124 = tpu.memref_slice %arg8[%dma_start3A, %dma_start3A_122, %dma_start3A_123] : memref<2x128x128xf32, #tpu.memory_space<vmem>> -> memref<1x128x128xf32, #tpu.memory_space<vmem>>
      %dma_start3A_125 = tpu.memref_squeeze %dma_start3A_124 : memref<1x128x128xf32, #tpu.memory_space<vmem>> -> memref<128x128xf32, #tpu.memory_space<vmem>>
      %dma_start3A_126 = arith.constant 0 : i32
      %dma_start3A_127 = tpu.memref_slice %arg5[%mul3A_121, %dma_start3A_126] : memref<320000x128xf32, #tpu.memory_space<hbm>> -> memref<128x128xf32, #tpu.memory_space<hbm>>
      %dma_start3A_128 = arith.constant 0 : i32
      %dma_start3A_129 = tpu.memref_slice %arg5[%mul3A_121, %dma_start3A_128] : memref<320000x128xf32, #tpu.memory_space<hbm>> -> memref<128x128xf32, #tpu.memory_space<hbm>>
      %dma_start3A_130 = arith.constant 0 : i32
      %dma_start3A_131 = arith.constant 0 : i32
      %dma_start3A_132 = tpu.memref_slice %arg8[%dma_start3A, %dma_start3A_130, %dma_start3A_131] : memref<2x128x128xf32, #tpu.memory_space<vmem>> -> memref<1x128x128xf32, #tpu.memory_space<vmem>>
      %dma_start3A_133 = tpu.memref_squeeze %dma_start3A_132 : memref<1x128x128xf32, #tpu.memory_space<vmem>> -> memref<128x128xf32, #tpu.memory_space<vmem>>
      tpu.enqueue_dma source(%dma_start3A_133 : memref<128x128xf32, #tpu.memory_space<vmem>>) target(%dma_start3A_129 : memref<128x128xf32, #tpu.memory_space<hbm>>) target_semaphore(%arg12 : memref<!tpu.dma_semaphore, #tpu.memory_space<semaphore_mem>>)
      %mul3A_134 = arith.constant 2 : i32
      %mul3A_135 = arith.muli %mul3A_134, %while3A_46 : i32
      %add3A_136 = arith.constant 1 : i32
      %add3A_137 = arith.addi %mul3A_135, %add3A_136 : i32
      %dma_wait3A_138 = arith.constant 0 : i32
      %dma_wait3A_139 = arith.constant 1 : i32
      %dma_wait3A_140 = arith.constant 0 : i32
      %dma_wait3A_141 = arith.constant 0 : i32
      %dma_wait3A_142 = tpu.memref_slice %arg8[%dma_wait3A_139, %dma_wait3A_140, %dma_wait3A_141] : memref<2x128x128xf32, #tpu.memory_space<vmem>> -> memref<1x128x128xf32, #tpu.memory_space<vmem>>
      %dma_wait3A_143 = tpu.memref_squeeze %dma_wait3A_142 : memref<1x128x128xf32, #tpu.memory_space<vmem>> -> memref<128x128xf32, #tpu.memory_space<vmem>>
      %dma_wait3A_144 = arith.constant 0 : i32
      %dma_wait3A_145 = tpu.memref_slice %arg6[%add3A_137, %dma_wait3A_144] : memref<80x128xi32, #tpu.memory_space<vmem>> -> memref<1x128xi32, #tpu.memory_space<vmem>>
      %dma_wait3A_146 = tpu.memref_squeeze %dma_wait3A_145 : memref<1x128xi32, #tpu.memory_space<vmem>> -> memref<128xi32, #tpu.memory_space<vmem>>
      %dma_wait3A_147 = arith.constant 0 : i32
      %dma_wait3A_148 = arith.constant 0 : i32
      %dma_wait3A_149 = tpu.memref_slice %arg2[%dma_wait3A_138, %dma_wait3A_147, %dma_wait3A_148] : memref<2x10240x128xf32, #tpu.memory_space<hbm>> -> memref<1x10240x128xf32, #tpu.memory_space<hbm>>
      %dma_wait3A_150 = tpu.memref_squeeze %dma_wait3A_149 : memref<1x10240x128xf32, #tpu.memory_space<hbm>> -> memref<10240x128xf32, #tpu.memory_space<hbm>>
      %dma_wait3A_151 = arith.constant 0 : i32
      %dma_wait3A_152 = arith.constant 0 : i32
      %dma_wait3A_153 = tpu.memref_slice %dma_wait3A_150[%dma_wait3A_151, %dma_wait3A_152] : memref<10240x128xf32, #tpu.memory_space<hbm>> -> memref<10240x128xf32, #tpu.memory_space<hbm>>
      tpu.wait_indirect_dma semaphore(%arg11 : memref<!tpu.dma_semaphore, #tpu.memory_space<semaphore_mem>>) src(%dma_wait3A_153 : memref<10240x128xf32, #tpu.memory_space<hbm>>) dst(%dma_wait3A_143 : memref<128x128xf32, #tpu.memory_space<vmem>>)
      %dma_wait3A_154 = arith.constant 1 : i32
      %dma_wait3A_155 = arith.constant 1 : i32
      %dma_wait3A_156 = arith.constant 0 : i32
      %dma_wait3A_157 = arith.constant 0 : i32
      %dma_wait3A_158 = tpu.memref_slice %arg9[%dma_wait3A_155, %dma_wait3A_156, %dma_wait3A_157] : memref<2x128x128xf32, #tpu.memory_space<vmem>> -> memref<1x128x128xf32, #tpu.memory_space<vmem>>
      %dma_wait3A_159 = tpu.memref_squeeze %dma_wait3A_158 : memref<1x128x128xf32, #tpu.memory_space<vmem>> -> memref<128x128xf32, #tpu.memory_space<vmem>>
      %dma_wait3A_160 = arith.constant 0 : i32
      %dma_wait3A_161 = tpu.memref_slice %arg7[%add3A_137, %dma_wait3A_160] : memref<80x128xi32, #tpu.memory_space<vmem>> -> memref<1x128xi32, #tpu.memory_space<vmem>>
      %dma_wait3A_162 = tpu.memref_squeeze %dma_wait3A_161 : memref<1x128xi32, #tpu.memory_space<vmem>> -> memref<128xi32, #tpu.memory_space<vmem>>
      %dma_wait3A_163 = arith.constant 0 : i32
      %dma_wait3A_164 = arith.constant 0 : i32
      %dma_wait3A_165 = tpu.memref_slice %arg2[%dma_wait3A_154, %dma_wait3A_163, %dma_wait3A_164] : memref<2x10240x128xf32, #tpu.memory_space<hbm>> -> memref<1x10240x128xf32, #tpu.memory_space<hbm>>
      %dma_wait3A_166 = tpu.memref_squeeze %dma_wait3A_165 : memref<1x10240x128xf32, #tpu.memory_space<hbm>> -> memref<10240x128xf32, #tpu.memory_space<hbm>>
      %dma_wait3A_167 = arith.constant 0 : i32
      %dma_wait3A_168 = arith.constant 0 : i32
      %dma_wait3A_169 = tpu.memref_slice %dma_wait3A_166[%dma_wait3A_167, %dma_wait3A_168] : memref<10240x128xf32, #tpu.memory_space<hbm>> -> memref<10240x128xf32, #tpu.memory_space<hbm>>
      tpu.wait_indirect_dma semaphore(%arg13 : memref<!tpu.dma_semaphore, #tpu.memory_space<semaphore_mem>>) src(%dma_wait3A_169 : memref<10240x128xf32, #tpu.memory_space<hbm>>) dst(%dma_wait3A_159 : memref<128x128xf32, #tpu.memory_space<vmem>>)
      %mul3A_170 = arith.constant 80 : i32
      %mul3A_171 = arith.muli %add3A, %mul3A_170 : i32
      %add3A_172 = arith.addi %mul3A_171, %add3A_137 : i32
      %mul3A_173 = arith.constant 128 : i32
      %mul3A_174 = arith.muli %add3A_172, %mul3A_173 : i32
      %dma_wait3A_175 = arith.constant 1 : i32
      %dma_wait3A_176 = arith.constant 0 : i32
      %dma_wait3A_177 = arith.constant 0 : i32
      %dma_wait3A_178 = tpu.memref_slice %arg10[%dma_wait3A_175, %dma_wait3A_176, %dma_wait3A_177] : memref<2x128x128xf32, #tpu.memory_space<vmem>> -> memref<1x128x128xf32, #tpu.memory_space<vmem>>
      %dma_wait3A_179 = tpu.memref_squeeze %dma_wait3A_178 : memref<1x128x128xf32, #tpu.memory_space<vmem>> -> memref<128x128xf32, #tpu.memory_space<vmem>>
      %dma_wait3A_180 = arith.constant 0 : i32
      %dma_wait3A_181 = tpu.memref_slice %arg4[%mul3A_174, %dma_wait3A_180] : memref<320000x128xf32, #tpu.memory_space<hbm>> -> memref<128x128xf32, #tpu.memory_space<hbm>>
      %dma_wait3A_182 = arith.constant 0 : i32
      %dma_wait3A_183 = arith.constant 0 : i32
      %dma_wait3A_184 = tpu.memref_slice %arg10[%dma_wait3A_175, %dma_wait3A_182, %dma_wait3A_183] : memref<2x128x128xf32, #tpu.memory_space<vmem>> -> memref<1x128x128xf32, #tpu.memory_space<vmem>>
      %dma_wait3A_185 = tpu.memref_squeeze %dma_wait3A_184 : memref<1x128x128xf32, #tpu.memory_space<vmem>> -> memref<128x128xf32, #tpu.memory_space<vmem>>
      %dma_wait3A_186 = arith.constant 0 : i32
      %dma_wait3A_187 = tpu.memref_slice %arg4[%mul3A_174, %dma_wait3A_186] : memref<320000x128xf32, #tpu.memory_space<hbm>> -> memref<128x128xf32, #tpu.memory_space<hbm>>
      tpu.wait_dma2 semaphore(%arg14 : memref<!tpu.dma_semaphore, #tpu.memory_space<semaphore_mem>>) src(%dma_wait3A_187 : memref<128x128xf32, #tpu.memory_space<hbm>>) dst(%dma_wait3A_185 : memref<128x128xf32, #tpu.memory_space<vmem>>)
      %gt3A_188 = arith.constant 0 : i32
      %gt3A_189 = arith.cmpi sgt, %add3A_137, %gt3A_188 : i32
      %convert_element_type3A_190 = arith.extui %gt3A_189 : i1 to i32
      %cond3A_191 = arith.constant 0 : i32
      %cond3A_192 = arith.cmpi ne, %convert_element_type3A_190, %cond3A_191 : i32
      scf.if %cond3A_192 {
        %mul3A_225 = arith.constant 80 : i32
        %mul3A_226 = arith.muli %add3A, %mul3A_225 : i32
        %add3A_227 = arith.addi %mul3A_226, %add3A_137 : i32
        %sub3A_228 = arith.constant 1 : i32
        %sub3A_229 = arith.subi %add3A_227, %sub3A_228 : i32
        %mul3A_230 = arith.constant 128 : i32
        %mul3A_231 = arith.muli %sub3A_229, %mul3A_230 : i32
        %dma_wait3A_232 = arith.constant 0 : i32
        %dma_wait3A_233 = arith.constant 0 : i32
        %dma_wait3A_234 = arith.constant 0 : i32
        %dma_wait3A_235 = tpu.memref_slice %arg8[%dma_wait3A_232, %dma_wait3A_233, %dma_wait3A_234] : memref<2x128x128xf32, #tpu.memory_space<vmem>> -> memref<1x128x128xf32, #tpu.memory_space<vmem>>
        %dma_wait3A_236 = tpu.memref_squeeze %dma_wait3A_235 : memref<1x128x128xf32, #tpu.memory_space<vmem>> -> memref<128x128xf32, #tpu.memory_space<vmem>>
        %dma_wait3A_237 = arith.constant 0 : i32
        %dma_wait3A_238 = tpu.memref_slice %arg5[%mul3A_231, %dma_wait3A_237] : memref<320000x128xf32, #tpu.memory_space<hbm>> -> memref<128x128xf32, #tpu.memory_space<hbm>>
        %dma_wait3A_239 = arith.constant 0 : i32
        %dma_wait3A_240 = tpu.memref_slice %arg5[%mul3A_231, %dma_wait3A_239] : memref<320000x128xf32, #tpu.memory_space<hbm>> -> memref<128x128xf32, #tpu.memory_space<hbm>>
        %dma_wait3A_241 = arith.constant 0 : i32
        %dma_wait3A_242 = arith.constant 0 : i32
        %dma_wait3A_243 = tpu.memref_slice %arg8[%dma_wait3A_232, %dma_wait3A_241, %dma_wait3A_242] : memref<2x128x128xf32, #tpu.memory_space<vmem>> -> memref<1x128x128xf32, #tpu.memory_space<vmem>>
        %dma_wait3A_244 = tpu.memref_squeeze %dma_wait3A_243 : memref<1x128x128xf32, #tpu.memory_space<vmem>> -> memref<128x128xf32, #tpu.memory_space<vmem>>
        tpu.wait_dma2 semaphore(%arg12 : memref<!tpu.dma_semaphore, #tpu.memory_space<semaphore_mem>>) src(%dma_wait3A_244 : memref<128x128xf32, #tpu.memory_space<vmem>>) dst(%dma_wait3A_240 : memref<128x128xf32, #tpu.memory_space<hbm>>)
      } else {
      }
      %add3A_193 = arith.constant 1 : i32
      %add3A_194 = arith.addi %add3A_137, %add3A_193 : i32
      %lt3A_195 = arith.cmpi slt, %add3A_194, %max3A_10 : i32
      %convert_element_type3A_196 = arith.extui %lt3A_195 : i1 to i32
      %cond3A_197 = arith.constant 0 : i32
      %cond3A_198 = arith.cmpi ne, %convert_element_type3A_196, %cond3A_197 : i32
      scf.if %cond3A_198 {
        %add3A_225 = arith.constant 1 : i32
        %add3A_226 = arith.addi %add3A_137, %add3A_225 : i32
        %dma_start3A_227 = arith.constant 0 : i32
        %dma_start3A_228 = arith.constant 0 : i32
        %dma_start3A_229 = arith.constant 0 : i32
        %dma_start3A_230 = arith.constant 0 : i32
        %dma_start3A_231 = tpu.memref_slice %arg8[%dma_start3A_228, %dma_start3A_229, %dma_start3A_230] : memref<2x128x128xf32, #tpu.memory_space<vmem>> -> memref<1x128x128xf32, #tpu.memory_space<vmem>>
        %dma_start3A_232 = tpu.memref_squeeze %dma_start3A_231 : memref<1x128x128xf32, #tpu.memory_space<vmem>> -> memref<128x128xf32, #tpu.memory_space<vmem>>
        %dma_start3A_233 = arith.constant 0 : i32
        %dma_start3A_234 = tpu.memref_slice %arg6[%add3A_226, %dma_start3A_233] : memref<80x128xi32, #tpu.memory_space<vmem>> -> memref<1x128xi32, #tpu.memory_space<vmem>>
        %dma_start3A_235 = tpu.memref_squeeze %dma_start3A_234 : memref<1x128xi32, #tpu.memory_space<vmem>> -> memref<128xi32, #tpu.memory_space<vmem>>
        %dma_start3A_236 = arith.constant 0 : i32
        %dma_start3A_237 = arith.constant 0 : i32
        %dma_start3A_238 = tpu.memref_slice %arg2[%dma_start3A_227, %dma_start3A_236, %dma_start3A_237] : memref<2x10240x128xf32, #tpu.memory_space<hbm>> -> memref<1x10240x128xf32, #tpu.memory_space<hbm>>
        %dma_start3A_239 = tpu.memref_squeeze %dma_start3A_238 : memref<1x10240x128xf32, #tpu.memory_space<hbm>> -> memref<10240x128xf32, #tpu.memory_space<hbm>>
        %dma_start3A_240 = arith.constant 0 : i32
        %dma_start3A_241 = arith.constant 0 : i32
        %dma_start3A_242 = tpu.memref_slice %dma_start3A_239[%dma_start3A_240, %dma_start3A_241] : memref<10240x128xf32, #tpu.memory_space<hbm>> -> memref<10240x128xf32, #tpu.memory_space<hbm>>
        tpu.enqueue_indirect_dma source(%dma_start3A_242 : memref<10240x128xf32, #tpu.memory_space<hbm>>) target(%dma_start3A_232 : memref<128x128xf32, #tpu.memory_space<vmem>>) offsets(%dma_start3A_235 : memref<128xi32, #tpu.memory_space<vmem>>) semaphore(%arg11 : memref<!tpu.dma_semaphore, #tpu.memory_space<semaphore_mem>>)
        %dma_start3A_243 = arith.constant 1 : i32
        %dma_start3A_244 = arith.constant 0 : i32
        %dma_start3A_245 = arith.constant 0 : i32
        %dma_start3A_246 = arith.constant 0 : i32
        %dma_start3A_247 = tpu.memref_slice %arg9[%dma_start3A_244, %dma_start3A_245, %dma_start3A_246] : memref<2x128x128xf32, #tpu.memory_space<vmem>> -> memref<1x128x128xf32, #tpu.memory_space<vmem>>
        %dma_start3A_248 = tpu.memref_squeeze %dma_start3A_247 : memref<1x128x128xf32, #tpu.memory_space<vmem>> -> memref<128x128xf32, #tpu.memory_space<vmem>>
        %dma_start3A_249 = arith.constant 0 : i32
        %dma_start3A_250 = tpu.memref_slice %arg7[%add3A_226, %dma_start3A_249] : memref<80x128xi32, #tpu.memory_space<vmem>> -> memref<1x128xi32, #tpu.memory_space<vmem>>
        %dma_start3A_251 = tpu.memref_squeeze %dma_start3A_250 : memref<1x128xi32, #tpu.memory_space<vmem>> -> memref<128xi32, #tpu.memory_space<vmem>>
        %dma_start3A_252 = arith.constant 0 : i32
        %dma_start3A_253 = arith.constant 0 : i32
        %dma_start3A_254 = tpu.memref_slice %arg2[%dma_start3A_243, %dma_start3A_252, %dma_start3A_253] : memref<2x10240x128xf32, #tpu.memory_space<hbm>> -> memref<1x10240x128xf32, #tpu.memory_space<hbm>>
        %dma_start3A_255 = tpu.memref_squeeze %dma_start3A_254 : memref<1x10240x128xf32, #tpu.memory_space<hbm>> -> memref<10240x128xf32, #tpu.memory_space<hbm>>
        %dma_start3A_256 = arith.constant 0 : i32
        %dma_start3A_257 = arith.constant 0 : i32
        %dma_start3A_258 = tpu.memref_slice %dma_start3A_255[%dma_start3A_256, %dma_start3A_257] : memref<10240x128xf32, #tpu.memory_space<hbm>> -> memref<10240x128xf32, #tpu.memory_space<hbm>>
        tpu.enqueue_indirect_dma source(%dma_start3A_258 : memref<10240x128xf32, #tpu.memory_space<hbm>>) target(%dma_start3A_248 : memref<128x128xf32, #tpu.memory_space<vmem>>) offsets(%dma_start3A_251 : memref<128xi32, #tpu.memory_space<vmem>>) semaphore(%arg13 : memref<!tpu.dma_semaphore, #tpu.memory_space<semaphore_mem>>)
        %mul3A_259 = arith.constant 80 : i32
        %mul3A_260 = arith.muli %add3A, %mul3A_259 : i32
        %add3A_261 = arith.addi %mul3A_260, %add3A_226 : i32
        %mul3A_262 = arith.constant 128 : i32
        %mul3A_263 = arith.muli %add3A_261, %mul3A_262 : i32
        %dma_start3A_264 = arith.constant 0 : i32
        %dma_start3A_265 = arith.constant 0 : i32
        %dma_start3A_266 = arith.constant 0 : i32
        %dma_start3A_267 = tpu.memref_slice %arg10[%dma_start3A_264, %dma_start3A_265, %dma_start3A_266] : memref<2x128x128xf32, #tpu.memory_space<vmem>> -> memref<1x128x128xf32, #tpu.memory_space<vmem>>
        %dma_start3A_268 = tpu.memref_squeeze %dma_start3A_267 : memref<1x128x128xf32, #tpu.memory_space<vmem>> -> memref<128x128xf32, #tpu.memory_space<vmem>>
        %dma_start3A_269 = arith.constant 0 : i32
        %dma_start3A_270 = tpu.memref_slice %arg4[%mul3A_263, %dma_start3A_269] : memref<320000x128xf32, #tpu.memory_space<hbm>> -> memref<128x128xf32, #tpu.memory_space<hbm>>
        %dma_start3A_271 = arith.constant 0 : i32
        %dma_start3A_272 = arith.constant 0 : i32
        %dma_start3A_273 = tpu.memref_slice %arg10[%dma_start3A_264, %dma_start3A_271, %dma_start3A_272] : memref<2x128x128xf32, #tpu.memory_space<vmem>> -> memref<1x128x128xf32, #tpu.memory_space<vmem>>
        %dma_start3A_274 = tpu.memref_squeeze %dma_start3A_273 : memref<1x128x128xf32, #tpu.memory_space<vmem>> -> memref<128x128xf32, #tpu.memory_space<vmem>>
        %dma_start3A_275 = arith.constant 0 : i32
        %dma_start3A_276 = tpu.memref_slice %arg4[%mul3A_263, %dma_start3A_275] : memref<320000x128xf32, #tpu.memory_space<hbm>> -> memref<128x128xf32, #tpu.memory_space<hbm>>
        tpu.enqueue_dma source(%dma_start3A_276 : memref<128x128xf32, #tpu.memory_space<hbm>>) target(%dma_start3A_274 : memref<128x128xf32, #tpu.memory_space<vmem>>) target_semaphore(%arg14 : memref<!tpu.dma_semaphore, #tpu.memory_space<semaphore_mem>>)
      } else {
      }
      %scan3A_199 = arith.constant 0 : i32
      %scan3A_200 = arith.constant 0 : i32
      %scan3A_201 = arith.constant 128 : i32
      %scan3A_202 = arith.addi %scan3A_200, %scan3A_201 : i32
      %scan3A_203 = arith.constant 1 : i32
      %scan3A_204 = scf.for %scan3A_225 = %scan3A_200 to %scan3A_202 step %scan3A_203 iter_args(%scan3A_226 = %scan3A_199) -> (i32)  : i32 {
        %get3A = arith.constant 1 : i32
        %get3A_227 = arith.index_cast %get3A : i32 to index
        %get3A_228 = arith.index_cast %scan3A_225 : i32 to index
        %get3A_229 = arith.constant 0 : index
        %get3A_230 = tpu.vector_load %arg10[%get3A_227, %get3A_228, %get3A_229] {strides = array<i32>} : memref<2x128x128xf32, #tpu.memory_space<vmem>>, vector<1x1x16xf32>,
        %get3A_231 = vector.shape_cast %get3A_230 : vector<1x1x16xf32> to vector<16xf32>
        %get3A_232 = arith.constant 1 : i32
        %get3A_233 = arith.index_cast %get3A_232 : i32 to index
        %get3A_234 = arith.index_cast %scan3A_225 : i32 to index
        %get3A_235 = arith.constant 0 : index
        %get3A_236 = tpu.vector_load %arg8[%get3A_233, %get3A_234, %get3A_235] {strides = array<i32>} : memref<2x128x128xf32, #tpu.memory_space<vmem>>, vector<1x1x16xf32>,
        %get3A_237 = vector.shape_cast %get3A_236 : vector<1x1x16xf32> to vector<16xf32>
        %add3A_238 = arith.addf %get3A_231, %get3A_237 : vector<16xf32>
        %get3A_239 = arith.constant 1 : i32
        %get3A_240 = arith.index_cast %get3A_239 : i32 to index
        %get3A_241 = arith.index_cast %scan3A_225 : i32 to index
        %get3A_242 = arith.constant 0 : index
        %get3A_243 = tpu.vector_load %arg9[%get3A_240, %get3A_241, %get3A_242] {strides = array<i32>} : memref<2x128x128xf32, #tpu.memory_space<vmem>>, vector<1x1x16xf32>,
        %get3A_244 = vector.shape_cast %get3A_243 : vector<1x1x16xf32> to vector<16xf32>
        %add3A_245 = arith.addf %add3A_238, %get3A_244 : vector<16xf32>
        %mul3A_246 = arith.constant 0.00999999977 : f32
        %mul3A_247 = vector.broadcast %mul3A_246 : f32 to vector<16xf32>
        %mul3A_248 = arith.mulf %mul3A_247, %add3A_245 : vector<16xf32>
        %max3A_249 = arith.maximumf %add3A_245, %mul3A_248 : vector<16xf32>
        %swap3A = arith.constant 1 : i32
        %swap3A_250 = arith.index_cast %swap3A : i32 to index
        %swap3A_251 = arith.index_cast %scan3A_225 : i32 to index
        %swap3A_252 = arith.constant 0 : index
        %swap3A_253 = tpu.vector_load %arg8[%swap3A_250, %swap3A_251, %swap3A_252] {strides = array<i32>} : memref<2x128x128xf32, #tpu.memory_space<vmem>>, vector<1x1x16xf32>,
        %swap3A_254 = vector.shape_cast %swap3A_253 : vector<1x1x16xf32> to vector<16xf32>
        %swap3A_255 = vector.shape_cast %max3A_249 : vector<16xf32> to vector<1x1x16xf32>
        tpu.vector_store %arg8[%swap3A_250, %swap3A_251, %swap3A_252], %swap3A_255 {strides = array<i32>} : memref<2x128x128xf32, #tpu.memory_space<vmem>>, vector<1x1x16xf32>,
        %get3A_256 = arith.constant 1 : i32
        %get3A_257 = arith.index_cast %get3A_256 : i32 to index
        %get3A_258 = arith.index_cast %scan3A_225 : i32 to index
        %get3A_259 = arith.constant 16 : index
        %get3A_260 = tpu.vector_load %arg10[%get3A_257, %get3A_258, %get3A_259] {strides = array<i32>} : memref<2x128x128xf32, #tpu.memory_space<vmem>>, vector<1x1x16xf32>,
        %get3A_261 = vector.shape_cast %get3A_260 : vector<1x1x16xf32> to vector<16xf32>
        %get3A_262 = arith.constant 1 : i32
        %get3A_263 = arith.index_cast %get3A_262 : i32 to index
        %get3A_264 = arith.index_cast %scan3A_225 : i32 to index
        %get3A_265 = arith.constant 16 : index
        %get3A_266 = tpu.vector_load %arg8[%get3A_263, %get3A_264, %get3A_265] {strides = array<i32>} : memref<2x128x128xf32, #tpu.memory_space<vmem>>, vector<1x1x16xf32>,
        %get3A_267 = vector.shape_cast %get3A_266 : vector<1x1x16xf32> to vector<16xf32>
        %add3A_268 = arith.addf %get3A_261, %get3A_267 : vector<16xf32>
        %get3A_269 = arith.constant 1 : i32
        %get3A_270 = arith.index_cast %get3A_269 : i32 to index
        %get3A_271 = arith.index_cast %scan3A_225 : i32 to index
        %get3A_272 = arith.constant 16 : index
        %get3A_273 = tpu.vector_load %arg9[%get3A_270, %get3A_271, %get3A_272] {strides = array<i32>} : memref<2x128x128xf32, #tpu.memory_space<vmem>>, vector<1x1x16xf32>,
        %get3A_274 = vector.shape_cast %get3A_273 : vector<1x1x16xf32> to vector<16xf32>
        %add3A_275 = arith.addf %add3A_268, %get3A_274 : vector<16xf32>
        %mul3A_276 = arith.constant 0.00999999977 : f32
        %mul3A_277 = vector.broadcast %mul3A_276 : f32 to vector<16xf32>
        %mul3A_278 = arith.mulf %mul3A_277, %add3A_275 : vector<16xf32>
        %max3A_279 = arith.maximumf %add3A_275, %mul3A_278 : vector<16xf32>
        %swap3A_280 = arith.constant 1 : i32
        %swap3A_281 = arith.index_cast %swap3A_280 : i32 to index
        %swap3A_282 = arith.index_cast %scan3A_225 : i32 to index
        %swap3A_283 = arith.constant 16 : index
        %swap3A_284 = tpu.vector_load %arg8[%swap3A_281, %swap3A_282, %swap3A_283] {strides = array<i32>} : memref<2x128x128xf32, #tpu.memory_space<vmem>>, vector<1x1x16xf32>,
        %swap3A_285 = vector.shape_cast %swap3A_284 : vector<1x1x16xf32> to vector<16xf32>
        %swap3A_286 = vector.shape_cast %max3A_279 : vector<16xf32> to vector<1x1x16xf32>
        tpu.vector_store %arg8[%swap3A_281, %swap3A_282, %swap3A_283], %swap3A_286 {strides = array<i32>} : memref<2x128x128xf32, #tpu.memory_space<vmem>>, vector<1x1x16xf32>,
        %get3A_287 = arith.constant 1 : i32
        %get3A_288 = arith.index_cast %get3A_287 : i32 to index
        %get3A_289 = arith.index_cast %scan3A_225 : i32 to index
        %get3A_290 = arith.constant 32 : index
        %get3A_291 = tpu.vector_load %arg10[%get3A_288, %get3A_289, %get3A_290] {strides = array<i32>} : memref<2x128x128xf32, #tpu.memory_space<vmem>>, vector<1x1x16xf32>,
        %get3A_292 = vector.shape_cast %get3A_291 : vector<1x1x16xf32> to vector<16xf32>
        %get3A_293 = arith.constant 1 : i32
        %get3A_294 = arith.index_cast %get3A_293 : i32 to index
        %get3A_295 = arith.index_cast %scan3A_225 : i32 to index
        %get3A_296 = arith.constant 32 : index
        %get3A_297 = tpu.vector_load %arg8[%get3A_294, %get3A_295, %get3A_296] {strides = array<i32>} : memref<2x128x128xf32, #tpu.memory_space<vmem>>, vector<1x1x16xf32>,
        %get3A_298 = vector.shape_cast %get3A_297 : vector<1x1x16xf32> to vector<16xf32>
        %add3A_299 = arith.addf %get3A_292, %get3A_298 : vector<16xf32>
        %get3A_300 = arith.constant 1 : i32
        %get3A_301 = arith.index_cast %get3A_300 : i32 to index
        %get3A_302 = arith.index_cast %scan3A_225 : i32 to index
        %get3A_303 = arith.constant 32 : index
        %get3A_304 = tpu.vector_load %arg9[%get3A_301, %get3A_302, %get3A_303] {strides = array<i32>} : memref<2x128x128xf32, #tpu.memory_space<vmem>>, vector<1x1x16xf32>,
        %get3A_305 = vector.shape_cast %get3A_304 : vector<1x1x16xf32> to vector<16xf32>
        %add3A_306 = arith.addf %add3A_299, %get3A_305 : vector<16xf32>
        %mul3A_307 = arith.constant 0.00999999977 : f32
        %mul3A_308 = vector.broadcast %mul3A_307 : f32 to vector<16xf32>
        %mul3A_309 = arith.mulf %mul3A_308, %add3A_306 : vector<16xf32>
        %max3A_310 = arith.maximumf %add3A_306, %mul3A_309 : vector<16xf32>
        %swap3A_311 = arith.constant 1 : i32
        %swap3A_312 = arith.index_cast %swap3A_311 : i32 to index
        %swap3A_313 = arith.index_cast %scan3A_225 : i32 to index
        %swap3A_314 = arith.constant 32 : index
        %swap3A_315 = tpu.vector_load %arg8[%swap3A_312, %swap3A_313, %swap3A_314] {strides = array<i32>} : memref<2x128x128xf32, #tpu.memory_space<vmem>>, vector<1x1x16xf32>,
        %swap3A_316 = vector.shape_cast %swap3A_315 : vector<1x1x16xf32> to vector<16xf32>
        %swap3A_317 = vector.shape_cast %max3A_310 : vector<16xf32> to vector<1x1x16xf32>
        tpu.vector_store %arg8[%swap3A_312, %swap3A_313, %swap3A_314], %swap3A_317 {strides = array<i32>} : memref<2x128x128xf32, #tpu.memory_space<vmem>>, vector<1x1x16xf32>,
        %get3A_318 = arith.constant 1 : i32
        %get3A_319 = arith.index_cast %get3A_318 : i32 to index
        %get3A_320 = arith.index_cast %scan3A_225 : i32 to index
        %get3A_321 = arith.constant 48 : index
        %get3A_322 = tpu.vector_load %arg10[%get3A_319, %get3A_320, %get3A_321] {strides = array<i32>} : memref<2x128x128xf32, #tpu.memory_space<vmem>>, vector<1x1x16xf32>,
        %get3A_323 = vector.shape_cast %get3A_322 : vector<1x1x16xf32> to vector<16xf32>
        %get3A_324 = arith.constant 1 : i32
        %get3A_325 = arith.index_cast %get3A_324 : i32 to index
        %get3A_326 = arith.index_cast %scan3A_225 : i32 to index
        %get3A_327 = arith.constant 48 : index
        %get3A_328 = tpu.vector_load %arg8[%get3A_325, %get3A_326, %get3A_327] {strides = array<i32>} : memref<2x128x128xf32, #tpu.memory_space<vmem>>, vector<1x1x16xf32>,
        %get3A_329 = vector.shape_cast %get3A_328 : vector<1x1x16xf32> to vector<16xf32>
        %add3A_330 = arith.addf %get3A_323, %get3A_329 : vector<16xf32>
        %get3A_331 = arith.constant 1 : i32
        %get3A_332 = arith.index_cast %get3A_331 : i32 to index
        %get3A_333 = arith.index_cast %scan3A_225 : i32 to index
        %get3A_334 = arith.constant 48 : index
        %get3A_335 = tpu.vector_load %arg9[%get3A_332, %get3A_333, %get3A_334] {strides = array<i32>} : memref<2x128x128xf32, #tpu.memory_space<vmem>>, vector<1x1x16xf32>,
        %get3A_336 = vector.shape_cast %get3A_335 : vector<1x1x16xf32> to vector<16xf32>
        %add3A_337 = arith.addf %add3A_330, %get3A_336 : vector<16xf32>
        %mul3A_338 = arith.constant 0.00999999977 : f32
        %mul3A_339 = vector.broadcast %mul3A_338 : f32 to vector<16xf32>
        %mul3A_340 = arith.mulf %mul3A_339, %add3A_337 : vector<16xf32>
        %max3A_341 = arith.maximumf %add3A_337, %mul3A_340 : vector<16xf32>
        %swap3A_342 = arith.constant 1 : i32
        %swap3A_343 = arith.index_cast %swap3A_342 : i32 to index
        %swap3A_344 = arith.index_cast %scan3A_225 : i32 to index
        %swap3A_345 = arith.constant 48 : index
        %swap3A_346 = tpu.vector_load %arg8[%swap3A_343, %swap3A_344, %swap3A_345] {strides = array<i32>} : memref<2x128x128xf32, #tpu.memory_space<vmem>>, vector<1x1x16xf32>,
        %swap3A_347 = vector.shape_cast %swap3A_346 : vector<1x1x16xf32> to vector<16xf32>
        %swap3A_348 = vector.shape_cast %max3A_341 : vector<16xf32> to vector<1x1x16xf32>
        tpu.vector_store %arg8[%swap3A_343, %swap3A_344, %swap3A_345], %swap3A_348 {strides = array<i32>} : memref<2x128x128xf32, #tpu.memory_space<vmem>>, vector<1x1x16xf32>,
        %get3A_349 = arith.constant 1 : i32
        %get3A_350 = arith.index_cast %get3A_349 : i32 to index
        %get3A_351 = arith.index_cast %scan3A_225 : i32 to index
        %get3A_352 = arith.constant 64 : index
        %get3A_353 = tpu.vector_load %arg10[%get3A_350, %get3A_351, %get3A_352] {strides = array<i32>} : memref<2x128x128xf32, #tpu.memory_space<vmem>>, vector<1x1x16xf32>,
        %get3A_354 = vector.shape_cast %get3A_353 : vector<1x1x16xf32> to vector<16xf32>
        %get3A_355 = arith.constant 1 : i32
        %get3A_356 = arith.index_cast %get3A_355 : i32 to index
        %get3A_357 = arith.index_cast %scan3A_225 : i32 to index
        %get3A_358 = arith.constant 64 : index
        %get3A_359 = tpu.vector_load %arg8[%get3A_356, %get3A_357, %get3A_358] {strides = array<i32>} : memref<2x128x128xf32, #tpu.memory_space<vmem>>, vector<1x1x16xf32>,
        %get3A_360 = vector.shape_cast %get3A_359 : vector<1x1x16xf32> to vector<16xf32>
        %add3A_361 = arith.addf %get3A_354, %get3A_360 : vector<16xf32>
        %get3A_362 = arith.constant 1 : i32
        %get3A_363 = arith.index_cast %get3A_362 : i32 to index
        %get3A_364 = arith.index_cast %scan3A_225 : i32 to index
        %get3A_365 = arith.constant 64 : index
        %get3A_366 = tpu.vector_load %arg9[%get3A_363, %get3A_364, %get3A_365] {strides = array<i32>} : memref<2x128x128xf32, #tpu.memory_space<vmem>>, vector<1x1x16xf32>,
        %get3A_367 = vector.shape_cast %get3A_366 : vector<1x1x16xf32> to vector<16xf32>
        %add3A_368 = arith.addf %add3A_361, %get3A_367 : vector<16xf32>
        %mul3A_369 = arith.constant 0.00999999977 : f32
        %mul3A_370 = vector.broadcast %mul3A_369 : f32 to vector<16xf32>
        %mul3A_371 = arith.mulf %mul3A_370, %add3A_368 : vector<16xf32>
        %max3A_372 = arith.maximumf %add3A_368, %mul3A_371 : vector<16xf32>
        %swap3A_373 = arith.constant 1 : i32
        %swap3A_374 = arith.index_cast %swap3A_373 : i32 to index
        %swap3A_375 = arith.index_cast %scan3A_225 : i32 to index
        %swap3A_376 = arith.constant 64 : index
        %swap3A_377 = tpu.vector_load %arg8[%swap3A_374, %swap3A_375, %swap3A_376] {strides = array<i32>} : memref<2x128x128xf32, #tpu.memory_space<vmem>>, vector<1x1x16xf32>,
        %swap3A_378 = vector.shape_cast %swap3A_377 : vector<1x1x16xf32> to vector<16xf32>
        %swap3A_379 = vector.shape_cast %max3A_372 : vector<16xf32> to vector<1x1x16xf32>
        tpu.vector_store %arg8[%swap3A_374, %swap3A_375, %swap3A_376], %swap3A_379 {strides = array<i32>} : memref<2x128x128xf32, #tpu.memory_space<vmem>>, vector<1x1x16xf32>,
        %get3A_380 = arith.constant 1 : i32
        %get3A_381 = arith.index_cast %get3A_380 : i32 to index
        %get3A_382 = arith.index_cast %scan3A_225 : i32 to index
        %get3A_383 = arith.constant 80 : index
        %get3A_384 = tpu.vector_load %arg10[%get3A_381, %get3A_382, %get3A_383] {strides = array<i32>} : memref<2x128x128xf32, #tpu.memory_space<vmem>>, vector<1x1x16xf32>,
        %get3A_385 = vector.shape_cast %get3A_384 : vector<1x1x16xf32> to vector<16xf32>
        %get3A_386 = arith.constant 1 : i32
        %get3A_387 = arith.index_cast %get3A_386 : i32 to index
        %get3A_388 = arith.index_cast %scan3A_225 : i32 to index
        %get3A_389 = arith.constant 80 : index
        %get3A_390 = tpu.vector_load %arg8[%get3A_387, %get3A_388, %get3A_389] {strides = array<i32>} : memref<2x128x128xf32, #tpu.memory_space<vmem>>, vector<1x1x16xf32>,
        %get3A_391 = vector.shape_cast %get3A_390 : vector<1x1x16xf32> to vector<16xf32>
        %add3A_392 = arith.addf %get3A_385, %get3A_391 : vector<16xf32>
        %get3A_393 = arith.constant 1 : i32
        %get3A_394 = arith.index_cast %get3A_393 : i32 to index
        %get3A_395 = arith.index_cast %scan3A_225 : i32 to index
        %get3A_396 = arith.constant 80 : index
        %get3A_397 = tpu.vector_load %arg9[%get3A_394, %get3A_395, %get3A_396] {strides = array<i32>} : memref<2x128x128xf32, #tpu.memory_space<vmem>>, vector<1x1x16xf32>,
        %get3A_398 = vector.shape_cast %get3A_397 : vector<1x1x16xf32> to vector<16xf32>
        %add3A_399 = arith.addf %add3A_392, %get3A_398 : vector<16xf32>
        %mul3A_400 = arith.constant 0.00999999977 : f32
        %mul3A_401 = vector.broadcast %mul3A_400 : f32 to vector<16xf32>
        %mul3A_402 = arith.mulf %mul3A_401, %add3A_399 : vector<16xf32>
        %max3A_403 = arith.maximumf %add3A_399, %mul3A_402 : vector<16xf32>
        %swap3A_404 = arith.constant 1 : i32
        %swap3A_405 = arith.index_cast %swap3A_404 : i32 to index
        %swap3A_406 = arith.index_cast %scan3A_225 : i32 to index
        %swap3A_407 = arith.constant 80 : index
        %swap3A_408 = tpu.vector_load %arg8[%swap3A_405, %swap3A_406, %swap3A_407] {strides = array<i32>} : memref<2x128x128xf32, #tpu.memory_space<vmem>>, vector<1x1x16xf32>,
        %swap3A_409 = vector.shape_cast %swap3A_408 : vector<1x1x16xf32> to vector<16xf32>
        %swap3A_410 = vector.shape_cast %max3A_403 : vector<16xf32> to vector<1x1x16xf32>
        tpu.vector_store %arg8[%swap3A_405, %swap3A_406, %swap3A_407], %swap3A_410 {strides = array<i32>} : memref<2x128x128xf32, #tpu.memory_space<vmem>>, vector<1x1x16xf32>,
        %get3A_411 = arith.constant 1 : i32
        %get3A_412 = arith.index_cast %get3A_411 : i32 to index
        %get3A_413 = arith.index_cast %scan3A_225 : i32 to index
        %get3A_414 = arith.constant 96 : index
        %get3A_415 = tpu.vector_load %arg10[%get3A_412, %get3A_413, %get3A_414] {strides = array<i32>} : memref<2x128x128xf32, #tpu.memory_space<vmem>>, vector<1x1x16xf32>,
        %get3A_416 = vector.shape_cast %get3A_415 : vector<1x1x16xf32> to vector<16xf32>
        %get3A_417 = arith.constant 1 : i32
        %get3A_418 = arith.index_cast %get3A_417 : i32 to index
        %get3A_419 = arith.index_cast %scan3A_225 : i32 to index
        %get3A_420 = arith.constant 96 : index
        %get3A_421 = tpu.vector_load %arg8[%get3A_418, %get3A_419, %get3A_420] {strides = array<i32>} : memref<2x128x128xf32, #tpu.memory_space<vmem>>, vector<1x1x16xf32>,
        %get3A_422 = vector.shape_cast %get3A_421 : vector<1x1x16xf32> to vector<16xf32>
        %add3A_423 = arith.addf %get3A_416, %get3A_422 : vector<16xf32>
        %get3A_424 = arith.constant 1 : i32
        %get3A_425 = arith.index_cast %get3A_424 : i32 to index
        %get3A_426 = arith.index_cast %scan3A_225 : i32 to index
        %get3A_427 = arith.constant 96 : index
        %get3A_428 = tpu.vector_load %arg9[%get3A_425, %get3A_426, %get3A_427] {strides = array<i32>} : memref<2x128x128xf32, #tpu.memory_space<vmem>>, vector<1x1x16xf32>,
        %get3A_429 = vector.shape_cast %get3A_428 : vector<1x1x16xf32> to vector<16xf32>
        %add3A_430 = arith.addf %add3A_423, %get3A_429 : vector<16xf32>
        %mul3A_431 = arith.constant 0.00999999977 : f32
        %mul3A_432 = vector.broadcast %mul3A_431 : f32 to vector<16xf32>
        %mul3A_433 = arith.mulf %mul3A_432, %add3A_430 : vector<16xf32>
        %max3A_434 = arith.maximumf %add3A_430, %mul3A_433 : vector<16xf32>
        %swap3A_435 = arith.constant 1 : i32
        %swap3A_436 = arith.index_cast %swap3A_435 : i32 to index
        %swap3A_437 = arith.index_cast %scan3A_225 : i32 to index
        %swap3A_438 = arith.constant 96 : index
        %swap3A_439 = tpu.vector_load %arg8[%swap3A_436, %swap3A_437, %swap3A_438] {strides = array<i32>} : memref<2x128x128xf32, #tpu.memory_space<vmem>>, vector<1x1x16xf32>,
        %swap3A_440 = vector.shape_cast %swap3A_439 : vector<1x1x16xf32> to vector<16xf32>
        %swap3A_441 = vector.shape_cast %max3A_434 : vector<16xf32> to vector<1x1x16xf32>
        tpu.vector_store %arg8[%swap3A_436, %swap3A_437, %swap3A_438], %swap3A_441 {strides = array<i32>} : memref<2x128x128xf32, #tpu.memory_space<vmem>>, vector<1x1x16xf32>,
        %get3A_442 = arith.constant 1 : i32
        %get3A_443 = arith.index_cast %get3A_442 : i32 to index
        %get3A_444 = arith.index_cast %scan3A_225 : i32 to index
        %get3A_445 = arith.constant 112 : index
        %get3A_446 = tpu.vector_load %arg10[%get3A_443, %get3A_444, %get3A_445] {strides = array<i32>} : memref<2x128x128xf32, #tpu.memory_space<vmem>>, vector<1x1x16xf32>,
        %get3A_447 = vector.shape_cast %get3A_446 : vector<1x1x16xf32> to vector<16xf32>
        %get3A_448 = arith.constant 1 : i32
        %get3A_449 = arith.index_cast %get3A_448 : i32 to index
        %get3A_450 = arith.index_cast %scan3A_225 : i32 to index
        %get3A_451 = arith.constant 112 : index
        %get3A_452 = tpu.vector_load %arg8[%get3A_449, %get3A_450, %get3A_451] {strides = array<i32>} : memref<2x128x128xf32, #tpu.memory_space<vmem>>, vector<1x1x16xf32>,
        %get3A_453 = vector.shape_cast %get3A_452 : vector<1x1x16xf32> to vector<16xf32>
        %add3A_454 = arith.addf %get3A_447, %get3A_453 : vector<16xf32>
        %get3A_455 = arith.constant 1 : i32
        %get3A_456 = arith.index_cast %get3A_455 : i32 to index
        %get3A_457 = arith.index_cast %scan3A_225 : i32 to index
        %get3A_458 = arith.constant 112 : index
        %get3A_459 = tpu.vector_load %arg9[%get3A_456, %get3A_457, %get3A_458] {strides = array<i32>} : memref<2x128x128xf32, #tpu.memory_space<vmem>>, vector<1x1x16xf32>,
        %get3A_460 = vector.shape_cast %get3A_459 : vector<1x1x16xf32> to vector<16xf32>
        %add3A_461 = arith.addf %add3A_454, %get3A_460 : vector<16xf32>
        %mul3A_462 = arith.constant 0.00999999977 : f32
        %mul3A_463 = vector.broadcast %mul3A_462 : f32 to vector<16xf32>
        %mul3A_464 = arith.mulf %mul3A_463, %add3A_461 : vector<16xf32>
        %max3A_465 = arith.maximumf %add3A_461, %mul3A_464 : vector<16xf32>
        %swap3A_466 = arith.constant 1 : i32
        %swap3A_467 = arith.index_cast %swap3A_466 : i32 to index
        %swap3A_468 = arith.index_cast %scan3A_225 : i32 to index
        %swap3A_469 = arith.constant 112 : index
        %swap3A_470 = tpu.vector_load %arg8[%swap3A_467, %swap3A_468, %swap3A_469] {strides = array<i32>} : memref<2x128x128xf32, #tpu.memory_space<vmem>>, vector<1x1x16xf32>,
        %swap3A_471 = vector.shape_cast %swap3A_470 : vector<1x1x16xf32> to vector<16xf32>
        %swap3A_472 = vector.shape_cast %max3A_465 : vector<16xf32> to vector<1x1x16xf32>
        tpu.vector_store %arg8[%swap3A_467, %swap3A_468, %swap3A_469], %swap3A_472 {strides = array<i32>} : memref<2x128x128xf32, #tpu.memory_space<vmem>>, vector<1x1x16xf32>,
        %scan3A_473 = arith.constant 0 : i32
        scf.yield %scan3A_473 : i32
      }
      %scan3A_205 = arith.constant 128 : i32
      %mul3A_206 = arith.constant 80 : i32
      %mul3A_207 = arith.muli %add3A, %mul3A_206 : i32
      %add3A_208 = arith.addi %mul3A_207, %add3A_137 : i32
      %mul3A_209 = arith.constant 128 : i32
      %mul3A_210 = arith.muli %add3A_208, %mul3A_209 : i32
      %dma_start3A_211 = arith.constant 1 : i32
      %dma_start3A_212 = arith.constant 0 : i32
      %dma_start3A_213 = arith.constant 0 : i32
      %dma_start3A_214 = tpu.memref_slice %arg8[%dma_start3A_211, %dma_start3A_212, %dma_start3A_213] : memref<2x128x128xf32, #tpu.memory_space<vmem>> -> memref<1x128x128xf32, #tpu.memory_space<vmem>>
      %dma_start3A_215 = tpu.memref_squeeze %dma_start3A_214 : memref<1x128x128xf32, #tpu.memory_space<vmem>> -> memref<128x128xf32, #tpu.memory_space<vmem>>
      %dma_start3A_216 = arith.constant 0 : i32
      %dma_start3A_217 = tpu.memref_slice %arg5[%mul3A_210, %dma_start3A_216] : memref<320000x128xf32, #tpu.memory_space<hbm>> -> memref<128x128xf32, #tpu.memory_space<hbm>>
      %dma_start3A_218 = arith.constant 0 : i32
      %dma_start3A_219 = tpu.memref_slice %arg5[%mul3A_210, %dma_start3A_218] : memref<320000x128xf32, #tpu.memory_space<hbm>> -> memref<128x128xf32, #tpu.memory_space<hbm>>
      %dma_start3A_220 = arith.constant 0 : i32
      %dma_start3A_221 = arith.constant 0 : i32
      %dma_start3A_222 = tpu.memref_slice %arg8[%dma_start3A_211, %dma_start3A_220, %dma_start3A_221] : memref<2x128x128xf32, #tpu.memory_space<vmem>> -> memref<1x128x128xf32, #tpu.memory_space<vmem>>
      %dma_start3A_223 = tpu.memref_squeeze %dma_start3A_222 : memref<1x128x128xf32, #tpu.memory_space<vmem>> -> memref<128x128xf32, #tpu.memory_space<vmem>>
      tpu.enqueue_dma source(%dma_start3A_223 : memref<128x128xf32, #tpu.memory_space<vmem>>) target(%dma_start3A_219 : memref<128x128xf32, #tpu.memory_space<hbm>>) target_semaphore(%arg12 : memref<!tpu.dma_semaphore, #tpu.memory_space<semaphore_mem>>)
      %while3A_224 = arith.constant 0 : i32
      scf.yield %while3A_224 : i32
    }
    %while3A_39 = arith.constant 1 : i32
    %while3A_40 = scf.for %while3A_46 = %while3A_36 to %while3A_32 step %while3A_39 iter_args(%while3A_47 = %while3A_38) -> (i32)  : i32 {
      %mul3A_48 = arith.constant 2 : i32
      %mul3A_49 = arith.muli %mul3A_48, %while3A_46 : i32
      %add3A_50 = arith.constant 0 : i32
      %add3A_51 = arith.addi %mul3A_49, %add3A_50 : i32
      %dma_wait3A = arith.constant 0 : i32
      %dma_wait3A_52 = arith.constant 0 : i32
      %dma_wait3A_53 = arith.constant 0 : i32
      %dma_wait3A_54 = arith.constant 0 : i32
      %dma_wait3A_55 = tpu.memref_slice %arg8[%dma_wait3A_52, %dma_wait3A_53, %dma_wait3A_54] : memref<2x128x128xf32, #tpu.memory_space<vmem>> -> memref<1x128x128xf32, #tpu.memory_space<vmem>>
      %dma_wait3A_56 = tpu.memref_squeeze %dma_wait3A_55 : memref<1x128x128xf32, #tpu.memory_space<vmem>> -> memref<128x128xf32, #tpu.memory_space<vmem>>
      %dma_wait3A_57 = arith.constant 0 : i32
      %dma_wait3A_58 = tpu.memref_slice %arg6[%add3A_51, %dma_wait3A_57] : memref<80x128xi32, #tpu.memory_space<vmem>> -> memref<1x128xi32, #tpu.memory_space<vmem>>
      %dma_wait3A_59 = tpu.memref_squeeze %dma_wait3A_58 : memref<1x128xi32, #tpu.memory_space<vmem>> -> memref<128xi32, #tpu.memory_space<vmem>>
      %dma_wait3A_60 = arith.constant 0 : i32
      %dma_wait3A_61 = arith.constant 0 : i32
      %dma_wait3A_62 = tpu.memref_slice %arg2[%dma_wait3A, %dma_wait3A_60, %dma_wait3A_61] : memref<2x10240x128xf32, #tpu.memory_space<hbm>> -> memref<1x10240x128xf32, #tpu.memory_space<hbm>>
      %dma_wait3A_63 = tpu.memref_squeeze %dma_wait3A_62 : memref<1x10240x128xf32, #tpu.memory_space<hbm>> -> memref<10240x128xf32, #tpu.memory_space<hbm>>
      %dma_wait3A_64 = arith.constant 0 : i32
      %dma_wait3A_65 = arith.constant 0 : i32
      %dma_wait3A_66 = tpu.memref_slice %dma_wait3A_63[%dma_wait3A_64, %dma_wait3A_65] : memref<10240x128xf32, #tpu.memory_space<hbm>> -> memref<10240x128xf32, #tpu.memory_space<hbm>>
      tpu.wait_indirect_dma semaphore(%arg11 : memref<!tpu.dma_semaphore, #tpu.memory_space<semaphore_mem>>) src(%dma_wait3A_66 : memref<10240x128xf32, #tpu.memory_space<hbm>>) dst(%dma_wait3A_56 : memref<128x128xf32, #tpu.memory_space<vmem>>)
      %dma_wait3A_67 = arith.constant 1 : i32
      %dma_wait3A_68 = arith.constant 0 : i32
      %dma_wait3A_69 = arith.constant 0 : i32
      %dma_wait3A_70 = arith.constant 0 : i32
      %dma_wait3A_71 = tpu.memref_slice %arg9[%dma_wait3A_68, %dma_wait3A_69, %dma_wait3A_70] : memref<2x128x128xf32, #tpu.memory_space<vmem>> -> memref<1x128x128xf32, #tpu.memory_space<vmem>>
      %dma_wait3A_72 = tpu.memref_squeeze %dma_wait3A_71 : memref<1x128x128xf32, #tpu.memory_space<vmem>> -> memref<128x128xf32, #tpu.memory_space<vmem>>
      %dma_wait3A_73 = arith.constant 0 : i32
      %dma_wait3A_74 = tpu.memref_slice %arg7[%add3A_51, %dma_wait3A_73] : memref<80x128xi32, #tpu.memory_space<vmem>> -> memref<1x128xi32, #tpu.memory_space<vmem>>
      %dma_wait3A_75 = tpu.memref_squeeze %dma_wait3A_74 : memref<1x128xi32, #tpu.memory_space<vmem>> -> memref<128xi32, #tpu.memory_space<vmem>>
      %dma_wait3A_76 = arith.constant 0 : i32
      %dma_wait3A_77 = arith.constant 0 : i32
      %dma_wait3A_78 = tpu.memref_slice %arg2[%dma_wait3A_67, %dma_wait3A_76, %dma_wait3A_77] : memref<2x10240x128xf32, #tpu.memory_space<hbm>> -> memref<1x10240x128xf32, #tpu.memory_space<hbm>>
      %dma_wait3A_79 = tpu.memref_squeeze %dma_wait3A_78 : memref<1x10240x128xf32, #tpu.memory_space<hbm>> -> memref<10240x128xf32, #tpu.memory_space<hbm>>
      %dma_wait3A_80 = arith.constant 0 : i32
      %dma_wait3A_81 = arith.constant 0 : i32
      %dma_wait3A_82 = tpu.memref_slice %dma_wait3A_79[%dma_wait3A_80, %dma_wait3A_81] : memref<10240x128xf32, #tpu.memory_space<hbm>> -> memref<10240x128xf32, #tpu.memory_space<hbm>>
      tpu.wait_indirect_dma semaphore(%arg13 : memref<!tpu.dma_semaphore, #tpu.memory_space<semaphore_mem>>) src(%dma_wait3A_82 : memref<10240x128xf32, #tpu.memory_space<hbm>>) dst(%dma_wait3A_72 : memref<128x128xf32, #tpu.memory_space<vmem>>)
      %mul3A_83 = arith.constant 80 : i32
      %mul3A_84 = arith.muli %add3A, %mul3A_83 : i32
      %add3A_85 = arith.addi %mul3A_84, %add3A_51 : i32
      %mul3A_86 = arith.constant 128 : i32
      %mul3A_87 = arith.muli %add3A_85, %mul3A_86 : i32
      %dma_wait3A_88 = arith.constant 0 : i32
      %dma_wait3A_89 = arith.constant 0 : i32
      %dma_wait3A_90 = arith.constant 0 : i32
      %dma_wait3A_91 = tpu.memref_slice %arg10[%dma_wait3A_88, %dma_wait3A_89, %dma_wait3A_90] : memref<2x128x128xf32, #tpu.memory_space<vmem>> -> memref<1x128x128xf32, #tpu.memory_space<vmem>>
      %dma_wait3A_92 = tpu.memref_squeeze %dma_wait3A_91 : memref<1x128x128xf32, #tpu.memory_space<vmem>> -> memref<128x128xf32, #tpu.memory_space<vmem>>
      %dma_wait3A_93 = arith.constant 0 : i32
      %dma_wait3A_94 = tpu.memref_slice %arg4[%mul3A_87, %dma_wait3A_93] : memref<320000x128xf32, #tpu.memory_space<hbm>> -> memref<128x128xf32, #tpu.memory_space<hbm>>
      %dma_wait3A_95 = arith.constant 0 : i32
      %dma_wait3A_96 = arith.constant 0 : i32
      %dma_wait3A_97 = tpu.memref_slice %arg10[%dma_wait3A_88, %dma_wait3A_95, %dma_wait3A_96] : memref<2x128x128xf32, #tpu.memory_space<vmem>> -> memref<1x128x128xf32, #tpu.memory_space<vmem>>
      %dma_wait3A_98 = tpu.memref_squeeze %dma_wait3A_97 : memref<1x128x128xf32, #tpu.memory_space<vmem>> -> memref<128x128xf32, #tpu.memory_space<vmem>>
      %dma_wait3A_99 = arith.constant 0 : i32
      %dma_wait3A_100 = tpu.memref_slice %arg4[%mul3A_87, %dma_wait3A_99] : memref<320000x128xf32, #tpu.memory_space<hbm>> -> memref<128x128xf32, #tpu.memory_space<hbm>>
      tpu.wait_dma2 semaphore(%arg14 : memref<!tpu.dma_semaphore, #tpu.memory_space<semaphore_mem>>) src(%dma_wait3A_100 : memref<128x128xf32, #tpu.memory_space<hbm>>) dst(%dma_wait3A_98 : memref<128x128xf32, #tpu.memory_space<vmem>>)
      %gt3A_101 = arith.constant 0 : i32
      %gt3A_102 = arith.cmpi sgt, %add3A_51, %gt3A_101 : i32
      %convert_element_type3A_103 = arith.extui %gt3A_102 : i1 to i32
      %cond3A_104 = arith.constant 0 : i32
      %cond3A_105 = arith.cmpi ne, %convert_element_type3A_103, %cond3A_104 : i32
      scf.if %cond3A_105 {
        %mul3A_225 = arith.constant 80 : i32
        %mul3A_226 = arith.muli %add3A, %mul3A_225 : i32
        %add3A_227 = arith.addi %mul3A_226, %add3A_51 : i32
        %sub3A_228 = arith.constant 1 : i32
        %sub3A_229 = arith.subi %add3A_227, %sub3A_228 : i32
        %mul3A_230 = arith.constant 128 : i32
        %mul3A_231 = arith.muli %sub3A_229, %mul3A_230 : i32
        %dma_wait3A_232 = arith.constant 1 : i32
        %dma_wait3A_233 = arith.constant 0 : i32
        %dma_wait3A_234 = arith.constant 0 : i32
        %dma_wait3A_235 = tpu.memref_slice %arg8[%dma_wait3A_232, %dma_wait3A_233, %dma_wait3A_234] : memref<2x128x128xf32, #tpu.memory_space<vmem>> -> memref<1x128x128xf32, #tpu.memory_space<vmem>>
        %dma_wait3A_236 = tpu.memref_squeeze %dma_wait3A_235 : memref<1x128x128xf32, #tpu.memory_space<vmem>> -> memref<128x128xf32, #tpu.memory_space<vmem>>
        %dma_wait3A_237 = arith.constant 0 : i32
        %dma_wait3A_238 = tpu.memref_slice %arg5[%mul3A_231, %dma_wait3A_237] : memref<320000x128xf32, #tpu.memory_space<hbm>> -> memref<128x128xf32, #tpu.memory_space<hbm>>
        %dma_wait3A_239 = arith.constant 0 : i32
        %dma_wait3A_240 = tpu.memref_slice %arg5[%mul3A_231, %dma_wait3A_239] : memref<320000x128xf32, #tpu.memory_space<hbm>> -> memref<128x128xf32, #tpu.memory_space<hbm>>
        %dma_wait3A_241 = arith.constant 0 : i32
        %dma_wait3A_242 = arith.constant 0 : i32
        %dma_wait3A_243 = tpu.memref_slice %arg8[%dma_wait3A_232, %dma_wait3A_241, %dma_wait3A_242] : memref<2x128x128xf32, #tpu.memory_space<vmem>> -> memref<1x128x128xf32, #tpu.memory_space<vmem>>
        %dma_wait3A_244 = tpu.memref_squeeze %dma_wait3A_243 : memref<1x128x128xf32, #tpu.memory_space<vmem>> -> memref<128x128xf32, #tpu.memory_space<vmem>>
        tpu.wait_dma2 semaphore(%arg12 : memref<!tpu.dma_semaphore, #tpu.memory_space<semaphore_mem>>) src(%dma_wait3A_244 : memref<128x128xf32, #tpu.memory_space<vmem>>) dst(%dma_wait3A_240 : memref<128x128xf32, #tpu.memory_space<hbm>>)
      } else {
      }
      %add3A_106 = arith.constant 1 : i32
      %add3A_107 = arith.addi %add3A_51, %add3A_106 : i32
      %lt3A = arith.cmpi slt, %add3A_107, %max3A_10 : i32
      %convert_element_type3A_108 = arith.extui %lt3A : i1 to i32
      %cond3A_109 = arith.constant 0 : i32
      %cond3A_110 = arith.cmpi ne, %convert_element_type3A_108, %cond3A_109 : i32
      scf.if %cond3A_110 {
        %add3A_225 = arith.constant 1 : i32
        %add3A_226 = arith.addi %add3A_51, %add3A_225 : i32
        %dma_start3A_227 = arith.constant 0 : i32
        %dma_start3A_228 = arith.constant 1 : i32
        %dma_start3A_229 = arith.constant 0 : i32
        %dma_start3A_230 = arith.constant 0 : i32
        %dma_start3A_231 = tpu.memref_slice %arg8[%dma_start3A_228, %dma_start3A_229, %dma_start3A_230] : memref<2x128x128xf32, #tpu.memory_space<vmem>> -> memref<1x128x128xf32, #tpu.memory_space<vmem>>
        %dma_start3A_232 = tpu.memref_squeeze %dma_start3A_231 : memref<1x128x128xf32, #tpu.memory_space<vmem>> -> memref<128x128xf32, #tpu.memory_space<vmem>>
        %dma_start3A_233 = arith.constant 0 : i32
        %dma_start3A_234 = tpu.memref_slice %arg6[%add3A_226, %dma_start3A_233] : memref<80x128xi32, #tpu.memory_space<vmem>> -> memref<1x128xi32, #tpu.memory_space<vmem>>
        %dma_start3A_235 = tpu.memref_squeeze %dma_start3A_234 : memref<1x128xi32, #tpu.memory_space<vmem>> -> memref<128xi32, #tpu.memory_space<vmem>>
        %dma_start3A_236 = arith.constant 0 : i32
        %dma_start3A_237 = arith.constant 0 : i32
        %dma_start3A_238 = tpu.memref_slice %arg2[%dma_start3A_227, %dma_start3A_236, %dma_start3A_237] : memref<2x10240x128xf32, #tpu.memory_space<hbm>> -> memref<1x10240x128xf32, #tpu.memory_space<hbm>>
        %dma_start3A_239 = tpu.memref_squeeze %dma_start3A_238 : memref<1x10240x128xf32, #tpu.memory_space<hbm>> -> memref<10240x128xf32, #tpu.memory_space<hbm>>
        %dma_start3A_240 = arith.constant 0 : i32
        %dma_start3A_241 = arith.constant 0 : i32
        %dma_start3A_242 = tpu.memref_slice %dma_start3A_239[%dma_start3A_240, %dma_start3A_241] : memref<10240x128xf32, #tpu.memory_space<hbm>> -> memref<10240x128xf32, #tpu.memory_space<hbm>>
        tpu.enqueue_indirect_dma source(%dma_start3A_242 : memref<10240x128xf32, #tpu.memory_space<hbm>>) target(%dma_start3A_232 : memref<128x128xf32, #tpu.memory_space<vmem>>) offsets(%dma_start3A_235 : memref<128xi32, #tpu.memory_space<vmem>>) semaphore(%arg11 : memref<!tpu.dma_semaphore, #tpu.memory_space<semaphore_mem>>)
        %dma_start3A_243 = arith.constant 1 : i32
        %dma_start3A_244 = arith.constant 1 : i32
        %dma_start3A_245 = arith.constant 0 : i32
        %dma_start3A_246 = arith.constant 0 : i32
        %dma_start3A_247 = tpu.memref_slice %arg9[%dma_start3A_244, %dma_start3A_245, %dma_start3A_246] : memref<2x128x128xf32, #tpu.memory_space<vmem>> -> memref<1x128x128xf32, #tpu.memory_space<vmem>>
        %dma_start3A_248 = tpu.memref_squeeze %dma_start3A_247 : memref<1x128x128xf32, #tpu.memory_space<vmem>> -> memref<128x128xf32, #tpu.memory_space<vmem>>
        %dma_start3A_249 = arith.constant 0 : i32
        %dma_start3A_250 = tpu.memref_slice %arg7[%add3A_226, %dma_start3A_249] : memref<80x128xi32, #tpu.memory_space<vmem>> -> memref<1x128xi32, #tpu.memory_space<vmem>>
        %dma_start3A_251 = tpu.memref_squeeze %dma_start3A_250 : memref<1x128xi32, #tpu.memory_space<vmem>> -> memref<128xi32, #tpu.memory_space<vmem>>
        %dma_start3A_252 = arith.constant 0 : i32
        %dma_start3A_253 = arith.constant 0 : i32
        %dma_start3A_254 = tpu.memref_slice %arg2[%dma_start3A_243, %dma_start3A_252, %dma_start3A_253] : memref<2x10240x128xf32, #tpu.memory_space<hbm>> -> memref<1x10240x128xf32, #tpu.memory_space<hbm>>
        %dma_start3A_255 = tpu.memref_squeeze %dma_start3A_254 : memref<1x10240x128xf32, #tpu.memory_space<hbm>> -> memref<10240x128xf32, #tpu.memory_space<hbm>>
        %dma_start3A_256 = arith.constant 0 : i32
        %dma_start3A_257 = arith.constant 0 : i32
        %dma_start3A_258 = tpu.memref_slice %dma_start3A_255[%dma_start3A_256, %dma_start3A_257] : memref<10240x128xf32, #tpu.memory_space<hbm>> -> memref<10240x128xf32, #tpu.memory_space<hbm>>
        tpu.enqueue_indirect_dma source(%dma_start3A_258 : memref<10240x128xf32, #tpu.memory_space<hbm>>) target(%dma_start3A_248 : memref<128x128xf32, #tpu.memory_space<vmem>>) offsets(%dma_start3A_251 : memref<128xi32, #tpu.memory_space<vmem>>) semaphore(%arg13 : memref<!tpu.dma_semaphore, #tpu.memory_space<semaphore_mem>>)
        %mul3A_259 = arith.constant 80 : i32
        %mul3A_260 = arith.muli %add3A, %mul3A_259 : i32
        %add3A_261 = arith.addi %mul3A_260, %add3A_226 : i32
        %mul3A_262 = arith.constant 128 : i32
        %mul3A_263 = arith.muli %add3A_261, %mul3A_262 : i32
        %dma_start3A_264 = arith.constant 1 : i32
        %dma_start3A_265 = arith.constant 0 : i32
        %dma_start3A_266 = arith.constant 0 : i32
        %dma_start3A_267 = tpu.memref_slice %arg10[%dma_start3A_264, %dma_start3A_265, %dma_start3A_266] : memref<2x128x128xf32, #tpu.memory_space<vmem>> -> memref<1x128x128xf32, #tpu.memory_space<vmem>>
        %dma_start3A_268 = tpu.memref_squeeze %dma_start3A_267 : memref<1x128x128xf32, #tpu.memory_space<vmem>> -> memref<128x128xf32, #tpu.memory_space<vmem>>
        %dma_start3A_269 = arith.constant 0 : i32
        %dma_start3A_270 = tpu.memref_slice %arg4[%mul3A_263, %dma_start3A_269] : memref<320000x128xf32, #tpu.memory_space<hbm>> -> memref<128x128xf32, #tpu.memory_space<hbm>>
        %dma_start3A_271 = arith.constant 0 : i32
        %dma_start3A_272 = arith.constant 0 : i32
        %dma_start3A_273 = tpu.memref_slice %arg10[%dma_start3A_264, %dma_start3A_271, %dma_start3A_272] : memref<2x128x128xf32, #tpu.memory_space<vmem>> -> memref<1x128x128xf32, #tpu.memory_space<vmem>>
        %dma_start3A_274 = tpu.memref_squeeze %dma_start3A_273 : memref<1x128x128xf32, #tpu.memory_space<vmem>> -> memref<128x128xf32, #tpu.memory_space<vmem>>
        %dma_start3A_275 = arith.constant 0 : i32
        %dma_start3A_276 = tpu.memref_slice %arg4[%mul3A_263, %dma_start3A_275] : memref<320000x128xf32, #tpu.memory_space<hbm>> -> memref<128x128xf32, #tpu.memory_space<hbm>>
        tpu.enqueue_dma source(%dma_start3A_276 : memref<128x128xf32, #tpu.memory_space<hbm>>) target(%dma_start3A_274 : memref<128x128xf32, #tpu.memory_space<vmem>>) target_semaphore(%arg14 : memref<!tpu.dma_semaphore, #tpu.memory_space<semaphore_mem>>)
      } else {
      }
      %scan3A = arith.constant 0 : i32
      %scan3A_111 = arith.constant 0 : i32
      %scan3A_112 = arith.constant 128 : i32
      %scan3A_113 = arith.addi %scan3A_111, %scan3A_112 : i32
      %scan3A_114 = arith.constant 1 : i32
      %scan3A_115 = scf.for %scan3A_225 = %scan3A_111 to %scan3A_113 step %scan3A_114 iter_args(%scan3A_226 = %scan3A) -> (i32)  : i32 {
        %get3A = arith.constant 0 : i32
        %get3A_227 = arith.index_cast %get3A : i32 to index
        %get3A_228 = arith.index_cast %scan3A_225 : i32 to index
        %get3A_229 = arith.constant 0 : index
        %get3A_230 = tpu.vector_load %arg10[%get3A_227, %get3A_228, %get3A_229] {strides = array<i32>} : memref<2x128x128xf32, #tpu.memory_space<vmem>>, vector<1x1x16xf32>,
        %get3A_231 = vector.shape_cast %get3A_230 : vector<1x1x16xf32> to vector<16xf32>
        %get3A_232 = arith.constant 0 : i32
        %get3A_233 = arith.index_cast %get3A_232 : i32 to index
        %get3A_234 = arith.index_cast %scan3A_225 : i32 to index
        %get3A_235 = arith.constant 0 : index
        %get3A_236 = tpu.vector_load %arg8[%get3A_233, %get3A_234, %get3A_235] {strides = array<i32>} : memref<2x128x128xf32, #tpu.memory_space<vmem>>, vector<1x1x16xf32>,
        %get3A_237 = vector.shape_cast %get3A_236 : vector<1x1x16xf32> to vector<16xf32>
        %add3A_238 = arith.addf %get3A_231, %get3A_237 : vector<16xf32>
        %get3A_239 = arith.constant 0 : i32
        %get3A_240 = arith.index_cast %get3A_239 : i32 to index
        %get3A_241 = arith.index_cast %scan3A_225 : i32 to index
        %get3A_242 = arith.constant 0 : index
        %get3A_243 = tpu.vector_load %arg9[%get3A_240, %get3A_241, %get3A_242] {strides = array<i32>} : memref<2x128x128xf32, #tpu.memory_space<vmem>>, vector<1x1x16xf32>,
        %get3A_244 = vector.shape_cast %get3A_243 : vector<1x1x16xf32> to vector<16xf32>
        %add3A_245 = arith.addf %add3A_238, %get3A_244 : vector<16xf32>
        %mul3A_246 = arith.constant 0.00999999977 : f32
        %mul3A_247 = vector.broadcast %mul3A_246 : f32 to vector<16xf32>
        %mul3A_248 = arith.mulf %mul3A_247, %add3A_245 : vector<16xf32>
        %max3A_249 = arith.maximumf %add3A_245, %mul3A_248 : vector<16xf32>
        %swap3A = arith.constant 0 : i32
        %swap3A_250 = arith.index_cast %swap3A : i32 to index
        %swap3A_251 = arith.index_cast %scan3A_225 : i32 to index
        %swap3A_252 = arith.constant 0 : index
        %swap3A_253 = tpu.vector_load %arg8[%swap3A_250, %swap3A_251, %swap3A_252] {strides = array<i32>} : memref<2x128x128xf32, #tpu.memory_space<vmem>>, vector<1x1x16xf32>,
        %swap3A_254 = vector.shape_cast %swap3A_253 : vector<1x1x16xf32> to vector<16xf32>
        %swap3A_255 = vector.shape_cast %max3A_249 : vector<16xf32> to vector<1x1x16xf32>
        tpu.vector_store %arg8[%swap3A_250, %swap3A_251, %swap3A_252], %swap3A_255 {strides = array<i32>} : memref<2x128x128xf32, #tpu.memory_space<vmem>>, vector<1x1x16xf32>,
        %get3A_256 = arith.constant 0 : i32
        %get3A_257 = arith.index_cast %get3A_256 : i32 to index
        %get3A_258 = arith.index_cast %scan3A_225 : i32 to index
        %get3A_259 = arith.constant 16 : index
        %get3A_260 = tpu.vector_load %arg10[%get3A_257, %get3A_258, %get3A_259] {strides = array<i32>} : memref<2x128x128xf32, #tpu.memory_space<vmem>>, vector<1x1x16xf32>,
        %get3A_261 = vector.shape_cast %get3A_260 : vector<1x1x16xf32> to vector<16xf32>
        %get3A_262 = arith.constant 0 : i32
        %get3A_263 = arith.index_cast %get3A_262 : i32 to index
        %get3A_264 = arith.index_cast %scan3A_225 : i32 to index
        %get3A_265 = arith.constant 16 : index
        %get3A_266 = tpu.vector_load %arg8[%get3A_263, %get3A_264, %get3A_265] {strides = array<i32>} : memref<2x128x128xf32, #tpu.memory_space<vmem>>, vector<1x1x16xf32>,
        %get3A_267 = vector.shape_cast %get3A_266 : vector<1x1x16xf32> to vector<16xf32>
        %add3A_268 = arith.addf %get3A_261, %get3A_267 : vector<16xf32>
        %get3A_269 = arith.constant 0 : i32
        %get3A_270 = arith.index_cast %get3A_269 : i32 to index
        %get3A_271 = arith.index_cast %scan3A_225 : i32 to index
        %get3A_272 = arith.constant 16 : index
        %get3A_273 = tpu.vector_load %arg9[%get3A_270, %get3A_271, %get3A_272] {strides = array<i32>} : memref<2x128x128xf32, #tpu.memory_space<vmem>>, vector<1x1x16xf32>,
        %get3A_274 = vector.shape_cast %get3A_273 : vector<1x1x16xf32> to vector<16xf32>
        %add3A_275 = arith.addf %add3A_268, %get3A_274 : vector<16xf32>
        %mul3A_276 = arith.constant 0.00999999977 : f32
        %mul3A_277 = vector.broadcast %mul3A_276 : f32 to vector<16xf32>
        %mul3A_278 = arith.mulf %mul3A_277, %add3A_275 : vector<16xf32>
        %max3A_279 = arith.maximumf %add3A_275, %mul3A_278 : vector<16xf32>
        %swap3A_280 = arith.constant 0 : i32
        %swap3A_281 = arith.index_cast %swap3A_280 : i32 to index
        %swap3A_282 = arith.index_cast %scan3A_225 : i32 to index
        %swap3A_283 = arith.constant 16 : index
        %swap3A_284 = tpu.vector_load %arg8[%swap3A_281, %swap3A_282, %swap3A_283] {strides = array<i32>} : memref<2x128x128xf32, #tpu.memory_space<vmem>>, vector<1x1x16xf32>,
        %swap3A_285 = vector.shape_cast %swap3A_284 : vector<1x1x16xf32> to vector<16xf32>
        %swap3A_286 = vector.shape_cast %max3A_279 : vector<16xf32> to vector<1x1x16xf32>
        tpu.vector_store %arg8[%swap3A_281, %swap3A_282, %swap3A_283], %swap3A_286 {strides = array<i32>} : memref<2x128x128xf32, #tpu.memory_space<vmem>>, vector<1x1x16xf32>,
        %get3A_287 = arith.constant 0 : i32
        %get3A_288 = arith.index_cast %get3A_287 : i32 to index
        %get3A_289 = arith.index_cast %scan3A_225 : i32 to index
        %get3A_290 = arith.constant 32 : index
        %get3A_291 = tpu.vector_load %arg10[%get3A_288, %get3A_289, %get3A_290] {strides = array<i32>} : memref<2x128x128xf32, #tpu.memory_space<vmem>>, vector<1x1x16xf32>,
        %get3A_292 = vector.shape_cast %get3A_291 : vector<1x1x16xf32> to vector<16xf32>
        %get3A_293 = arith.constant 0 : i32
        %get3A_294 = arith.index_cast %get3A_293 : i32 to index
        %get3A_295 = arith.index_cast %scan3A_225 : i32 to index
        %get3A_296 = arith.constant 32 : index
        %get3A_297 = tpu.vector_load %arg8[%get3A_294, %get3A_295, %get3A_296] {strides = array<i32>} : memref<2x128x128xf32, #tpu.memory_space<vmem>>, vector<1x1x16xf32>,
        %get3A_298 = vector.shape_cast %get3A_297 : vector<1x1x16xf32> to vector<16xf32>
        %add3A_299 = arith.addf %get3A_292, %get3A_298 : vector<16xf32>
        %get3A_300 = arith.constant 0 : i32
        %get3A_301 = arith.index_cast %get3A_300 : i32 to index
        %get3A_302 = arith.index_cast %scan3A_225 : i32 to index
        %get3A_303 = arith.constant 32 : index
        %get3A_304 = tpu.vector_load %arg9[%get3A_301, %get3A_302, %get3A_303] {strides = array<i32>} : memref<2x128x128xf32, #tpu.memory_space<vmem>>, vector<1x1x16xf32>,
        %get3A_305 = vector.shape_cast %get3A_304 : vector<1x1x16xf32> to vector<16xf32>
        %add3A_306 = arith.addf %add3A_299, %get3A_305 : vector<16xf32>
        %mul3A_307 = arith.constant 0.00999999977 : f32
        %mul3A_308 = vector.broadcast %mul3A_307 : f32 to vector<16xf32>
        %mul3A_309 = arith.mulf %mul3A_308, %add3A_306 : vector<16xf32>
        %max3A_310 = arith.maximumf %add3A_306, %mul3A_309 : vector<16xf32>
        %swap3A_311 = arith.constant 0 : i32
        %swap3A_312 = arith.index_cast %swap3A_311 : i32 to index
        %swap3A_313 = arith.index_cast %scan3A_225 : i32 to index
        %swap3A_314 = arith.constant 32 : index
        %swap3A_315 = tpu.vector_load %arg8[%swap3A_312, %swap3A_313, %swap3A_314] {strides = array<i32>} : memref<2x128x128xf32, #tpu.memory_space<vmem>>, vector<1x1x16xf32>,
        %swap3A_316 = vector.shape_cast %swap3A_315 : vector<1x1x16xf32> to vector<16xf32>
        %swap3A_317 = vector.shape_cast %max3A_310 : vector<16xf32> to vector<1x1x16xf32>
        tpu.vector_store %arg8[%swap3A_312, %swap3A_313, %swap3A_314], %swap3A_317 {strides = array<i32>} : memref<2x128x128xf32, #tpu.memory_space<vmem>>, vector<1x1x16xf32>,
        %get3A_318 = arith.constant 0 : i32
        %get3A_319 = arith.index_cast %get3A_318 : i32 to index
        %get3A_320 = arith.index_cast %scan3A_225 : i32 to index
        %get3A_321 = arith.constant 48 : index
        %get3A_322 = tpu.vector_load %arg10[%get3A_319, %get3A_320, %get3A_321] {strides = array<i32>} : memref<2x128x128xf32, #tpu.memory_space<vmem>>, vector<1x1x16xf32>,
        %get3A_323 = vector.shape_cast %get3A_322 : vector<1x1x16xf32> to vector<16xf32>
        %get3A_324 = arith.constant 0 : i32
        %get3A_325 = arith.index_cast %get3A_324 : i32 to index
        %get3A_326 = arith.index_cast %scan3A_225 : i32 to index
        %get3A_327 = arith.constant 48 : index
        %get3A_328 = tpu.vector_load %arg8[%get3A_325, %get3A_326, %get3A_327] {strides = array<i32>} : memref<2x128x128xf32, #tpu.memory_space<vmem>>, vector<1x1x16xf32>,
        %get3A_329 = vector.shape_cast %get3A_328 : vector<1x1x16xf32> to vector<16xf32>
        %add3A_330 = arith.addf %get3A_323, %get3A_329 : vector<16xf32>
        %get3A_331 = arith.constant 0 : i32
        %get3A_332 = arith.index_cast %get3A_331 : i32 to index
        %get3A_333 = arith.index_cast %scan3A_225 : i32 to index
        %get3A_334 = arith.constant 48 : index
        %get3A_335 = tpu.vector_load %arg9[%get3A_332, %get3A_333, %get3A_334] {strides = array<i32>} : memref<2x128x128xf32, #tpu.memory_space<vmem>>, vector<1x1x16xf32>,
        %get3A_336 = vector.shape_cast %get3A_335 : vector<1x1x16xf32> to vector<16xf32>
        %add3A_337 = arith.addf %add3A_330, %get3A_336 : vector<16xf32>
        %mul3A_338 = arith.constant 0.00999999977 : f32
        %mul3A_339 = vector.broadcast %mul3A_338 : f32 to vector<16xf32>
        %mul3A_340 = arith.mulf %mul3A_339, %add3A_337 : vector<16xf32>
        %max3A_341 = arith.maximumf %add3A_337, %mul3A_340 : vector<16xf32>
        %swap3A_342 = arith.constant 0 : i32
        %swap3A_343 = arith.index_cast %swap3A_342 : i32 to index
        %swap3A_344 = arith.index_cast %scan3A_225 : i32 to index
        %swap3A_345 = arith.constant 48 : index
        %swap3A_346 = tpu.vector_load %arg8[%swap3A_343, %swap3A_344, %swap3A_345] {strides = array<i32>} : memref<2x128x128xf32, #tpu.memory_space<vmem>>, vector<1x1x16xf32>,
        %swap3A_347 = vector.shape_cast %swap3A_346 : vector<1x1x16xf32> to vector<16xf32>
        %swap3A_348 = vector.shape_cast %max3A_341 : vector<16xf32> to vector<1x1x16xf32>
        tpu.vector_store %arg8[%swap3A_343, %swap3A_344, %swap3A_345], %swap3A_348 {strides = array<i32>} : memref<2x128x128xf32, #tpu.memory_space<vmem>>, vector<1x1x16xf32>,
        %get3A_349 = arith.constant 0 : i32
        %get3A_350 = arith.index_cast %get3A_349 : i32 to index
        %get3A_351 = arith.index_cast %scan3A_225 : i32 to index
        %get3A_352 = arith.constant 64 : index
        %get3A_353 = tpu.vector_load %arg10[%get3A_350, %get3A_351, %get3A_352] {strides = array<i32>} : memref<2x128x128xf32, #tpu.memory_space<vmem>>, vector<1x1x16xf32>,
        %get3A_354 = vector.shape_cast %get3A_353 : vector<1x1x16xf32> to vector<16xf32>
        %get3A_355 = arith.constant 0 : i32
        %get3A_356 = arith.index_cast %get3A_355 : i32 to index
        %get3A_357 = arith.index_cast %scan3A_225 : i32 to index
        %get3A_358 = arith.constant 64 : index
        %get3A_359 = tpu.vector_load %arg8[%get3A_356, %get3A_357, %get3A_358] {strides = array<i32>} : memref<2x128x128xf32, #tpu.memory_space<vmem>>, vector<1x1x16xf32>,
        %get3A_360 = vector.shape_cast %get3A_359 : vector<1x1x16xf32> to vector<16xf32>
        %add3A_361 = arith.addf %get3A_354, %get3A_360 : vector<16xf32>
        %get3A_362 = arith.constant 0 : i32
        %get3A_363 = arith.index_cast %get3A_362 : i32 to index
        %get3A_364 = arith.index_cast %scan3A_225 : i32 to index
        %get3A_365 = arith.constant 64 : index
        %get3A_366 = tpu.vector_load %arg9[%get3A_363, %get3A_364, %get3A_365] {strides = array<i32>} : memref<2x128x128xf32, #tpu.memory_space<vmem>>, vector<1x1x16xf32>,
        %get3A_367 = vector.shape_cast %get3A_366 : vector<1x1x16xf32> to vector<16xf32>
        %add3A_368 = arith.addf %add3A_361, %get3A_367 : vector<16xf32>
        %mul3A_369 = arith.constant 0.00999999977 : f32
        %mul3A_370 = vector.broadcast %mul3A_369 : f32 to vector<16xf32>
        %mul3A_371 = arith.mulf %mul3A_370, %add3A_368 : vector<16xf32>
        %max3A_372 = arith.maximumf %add3A_368, %mul3A_371 : vector<16xf32>
        %swap3A_373 = arith.constant 0 : i32
        %swap3A_374 = arith.index_cast %swap3A_373 : i32 to index
        %swap3A_375 = arith.index_cast %scan3A_225 : i32 to index
        %swap3A_376 = arith.constant 64 : index
        %swap3A_377 = tpu.vector_load %arg8[%swap3A_374, %swap3A_375, %swap3A_376] {strides = array<i32>} : memref<2x128x128xf32, #tpu.memory_space<vmem>>, vector<1x1x16xf32>,
        %swap3A_378 = vector.shape_cast %swap3A_377 : vector<1x1x16xf32> to vector<16xf32>
        %swap3A_379 = vector.shape_cast %max3A_372 : vector<16xf32> to vector<1x1x16xf32>
        tpu.vector_store %arg8[%swap3A_374, %swap3A_375, %swap3A_376], %swap3A_379 {strides = array<i32>} : memref<2x128x128xf32, #tpu.memory_space<vmem>>, vector<1x1x16xf32>,
        %get3A_380 = arith.constant 0 : i32
        %get3A_381 = arith.index_cast %get3A_380 : i32 to index
        %get3A_382 = arith.index_cast %scan3A_225 : i32 to index
        %get3A_383 = arith.constant 80 : index
        %get3A_384 = tpu.vector_load %arg10[%get3A_381, %get3A_382, %get3A_383] {strides = array<i32>} : memref<2x128x128xf32, #tpu.memory_space<vmem>>, vector<1x1x16xf32>,
        %get3A_385 = vector.shape_cast %get3A_384 : vector<1x1x16xf32> to vector<16xf32>
        %get3A_386 = arith.constant 0 : i32
        %get3A_387 = arith.index_cast %get3A_386 : i32 to index
        %get3A_388 = arith.index_cast %scan3A_225 : i32 to index
        %get3A_389 = arith.constant 80 : index
        %get3A_390 = tpu.vector_load %arg8[%get3A_387, %get3A_388, %get3A_389] {strides = array<i32>} : memref<2x128x128xf32, #tpu.memory_space<vmem>>, vector<1x1x16xf32>,
        %get3A_391 = vector.shape_cast %get3A_390 : vector<1x1x16xf32> to vector<16xf32>
        %add3A_392 = arith.addf %get3A_385, %get3A_391 : vector<16xf32>
        %get3A_393 = arith.constant 0 : i32
        %get3A_394 = arith.index_cast %get3A_393 : i32 to index
        %get3A_395 = arith.index_cast %scan3A_225 : i32 to index
        %get3A_396 = arith.constant 80 : index
        %get3A_397 = tpu.vector_load %arg9[%get3A_394, %get3A_395, %get3A_396] {strides = array<i32>} : memref<2x128x128xf32, #tpu.memory_space<vmem>>, vector<1x1x16xf32>,
        %get3A_398 = vector.shape_cast %get3A_397 : vector<1x1x16xf32> to vector<16xf32>
        %add3A_399 = arith.addf %add3A_392, %get3A_398 : vector<16xf32>
        %mul3A_400 = arith.constant 0.00999999977 : f32
        %mul3A_401 = vector.broadcast %mul3A_400 : f32 to vector<16xf32>
        %mul3A_402 = arith.mulf %mul3A_401, %add3A_399 : vector<16xf32>
        %max3A_403 = arith.maximumf %add3A_399, %mul3A_402 : vector<16xf32>
        %swap3A_404 = arith.constant 0 : i32
        %swap3A_405 = arith.index_cast %swap3A_404 : i32 to index
        %swap3A_406 = arith.index_cast %scan3A_225 : i32 to index
        %swap3A_407 = arith.constant 80 : index
        %swap3A_408 = tpu.vector_load %arg8[%swap3A_405, %swap3A_406, %swap3A_407] {strides = array<i32>} : memref<2x128x128xf32, #tpu.memory_space<vmem>>, vector<1x1x16xf32>,
        %swap3A_409 = vector.shape_cast %swap3A_408 : vector<1x1x16xf32> to vector<16xf32>
        %swap3A_410 = vector.shape_cast %max3A_403 : vector<16xf32> to vector<1x1x16xf32>
        tpu.vector_store %arg8[%swap3A_405, %swap3A_406, %swap3A_407], %swap3A_410 {strides = array<i32>} : memref<2x128x128xf32, #tpu.memory_space<vmem>>, vector<1x1x16xf32>,
        %get3A_411 = arith.constant 0 : i32
        %get3A_412 = arith.index_cast %get3A_411 : i32 to index
        %get3A_413 = arith.index_cast %scan3A_225 : i32 to index
        %get3A_414 = arith.constant 96 : index
        %get3A_415 = tpu.vector_load %arg10[%get3A_412, %get3A_413, %get3A_414] {strides = array<i32>} : memref<2x128x128xf32, #tpu.memory_space<vmem>>, vector<1x1x16xf32>,
        %get3A_416 = vector.shape_cast %get3A_415 : vector<1x1x16xf32> to vector<16xf32>
        %get3A_417 = arith.constant 0 : i32
        %get3A_418 = arith.index_cast %get3A_417 : i32 to index
        %get3A_419 = arith.index_cast %scan3A_225 : i32 to index
        %get3A_420 = arith.constant 96 : index
        %get3A_421 = tpu.vector_load %arg8[%get3A_418, %get3A_419, %get3A_420] {strides = array<i32>} : memref<2x128x128xf32, #tpu.memory_space<vmem>>, vector<1x1x16xf32>,
        %get3A_422 = vector.shape_cast %get3A_421 : vector<1x1x16xf32> to vector<16xf32>
        %add3A_423 = arith.addf %get3A_416, %get3A_422 : vector<16xf32>
        %get3A_424 = arith.constant 0 : i32
        %get3A_425 = arith.index_cast %get3A_424 : i32 to index
        %get3A_426 = arith.index_cast %scan3A_225 : i32 to index
        %get3A_427 = arith.constant 96 : index
        %get3A_428 = tpu.vector_load %arg9[%get3A_425, %get3A_426, %get3A_427] {strides = array<i32>} : memref<2x128x128xf32, #tpu.memory_space<vmem>>, vector<1x1x16xf32>,
        %get3A_429 = vector.shape_cast %get3A_428 : vector<1x1x16xf32> to vector<16xf32>
        %add3A_430 = arith.addf %add3A_423, %get3A_429 : vector<16xf32>
        %mul3A_431 = arith.constant 0.00999999977 : f32
        %mul3A_432 = vector.broadcast %mul3A_431 : f32 to vector<16xf32>
        %mul3A_433 = arith.mulf %mul3A_432, %add3A_430 : vector<16xf32>
        %max3A_434 = arith.maximumf %add3A_430, %mul3A_433 : vector<16xf32>
        %swap3A_435 = arith.constant 0 : i32
        %swap3A_436 = arith.index_cast %swap3A_435 : i32 to index
        %swap3A_437 = arith.index_cast %scan3A_225 : i32 to index
        %swap3A_438 = arith.constant 96 : index
        %swap3A_439 = tpu.vector_load %arg8[%swap3A_436, %swap3A_437, %swap3A_438] {strides = array<i32>} : memref<2x128x128xf32, #tpu.memory_space<vmem>>, vector<1x1x16xf32>,
        %swap3A_440 = vector.shape_cast %swap3A_439 : vector<1x1x16xf32> to vector<16xf32>
        %swap3A_441 = vector.shape_cast %max3A_434 : vector<16xf32> to vector<1x1x16xf32>
        tpu.vector_store %arg8[%swap3A_436, %swap3A_437, %swap3A_438], %swap3A_441 {strides = array<i32>} : memref<2x128x128xf32, #tpu.memory_space<vmem>>, vector<1x1x16xf32>,
        %get3A_442 = arith.constant 0 : i32
        %get3A_443 = arith.index_cast %get3A_442 : i32 to index
        %get3A_444 = arith.index_cast %scan3A_225 : i32 to index
        %get3A_445 = arith.constant 112 : index
        %get3A_446 = tpu.vector_load %arg10[%get3A_443, %get3A_444, %get3A_445] {strides = array<i32>} : memref<2x128x128xf32, #tpu.memory_space<vmem>>, vector<1x1x16xf32>,
        %get3A_447 = vector.shape_cast %get3A_446 : vector<1x1x16xf32> to vector<16xf32>
        %get3A_448 = arith.constant 0 : i32
        %get3A_449 = arith.index_cast %get3A_448 : i32 to index
        %get3A_450 = arith.index_cast %scan3A_225 : i32 to index
        %get3A_451 = arith.constant 112 : index
        %get3A_452 = tpu.vector_load %arg8[%get3A_449, %get3A_450, %get3A_451] {strides = array<i32>} : memref<2x128x128xf32, #tpu.memory_space<vmem>>, vector<1x1x16xf32>,
        %get3A_453 = vector.shape_cast %get3A_452 : vector<1x1x16xf32> to vector<16xf32>
        %add3A_454 = arith.addf %get3A_447, %get3A_453 : vector<16xf32>
        %get3A_455 = arith.constant 0 : i32
        %get3A_456 = arith.index_cast %get3A_455 : i32 to index
        %get3A_457 = arith.index_cast %scan3A_225 : i32 to index
        %get3A_458 = arith.constant 112 : index
        %get3A_459 = tpu.vector_load %arg9[%get3A_456, %get3A_457, %get3A_458] {strides = array<i32>} : memref<2x128x128xf32, #tpu.memory_space<vmem>>, vector<1x1x16xf32>,
        %get3A_460 = vector.shape_cast %get3A_459 : vector<1x1x16xf32> to vector<16xf32>
        %add3A_461 = arith.addf %add3A_454, %get3A_460 : vector<16xf32>
        %mul3A_462 = arith.constant 0.00999999977 : f32
        %mul3A_463 = vector.broadcast %mul3A_462 : f32 to vector<16xf32>
        %mul3A_464 = arith.mulf %mul3A_463, %add3A_461 : vector<16xf32>
        %max3A_465 = arith.maximumf %add3A_461, %mul3A_464 : vector<16xf32>
        %swap3A_466 = arith.constant 0 : i32
        %swap3A_467 = arith.index_cast %swap3A_466 : i32 to index
        %swap3A_468 = arith.index_cast %scan3A_225 : i32 to index
        %swap3A_469 = arith.constant 112 : index
        %swap3A_470 = tpu.vector_load %arg8[%swap3A_467, %swap3A_468, %swap3A_469] {strides = array<i32>} : memref<2x128x128xf32, #tpu.memory_space<vmem>>, vector<1x1x16xf32>,
        %swap3A_471 = vector.shape_cast %swap3A_470 : vector<1x1x16xf32> to vector<16xf32>
        %swap3A_472 = vector.shape_cast %max3A_465 : vector<16xf32> to vector<1x1x16xf32>
        tpu.vector_store %arg8[%swap3A_467, %swap3A_468, %swap3A_469], %swap3A_472 {strides = array<i32>} : memref<2x128x128xf32, #tpu.memory_space<vmem>>, vector<1x1x16xf32>,
        %scan3A_473 = arith.constant 0 : i32
        scf.yield %scan3A_473 : i32
      }
      %scan3A_116 = arith.constant 128 : i32
      %mul3A_117 = arith.constant 80 : i32
      %mul3A_118 = arith.muli %add3A, %mul3A_117 : i32
      %add3A_119 = arith.addi %mul3A_118, %add3A_51 : i32
      %mul3A_120 = arith.constant 128 : i32
      %mul3A_121 = arith.muli %add3A_119, %mul3A_120 : i32
      %dma_start3A = arith.constant 0 : i32
      %dma_start3A_122 = arith.constant 0 : i32
      %dma_start3A_123 = arith.constant 0 : i32
      %dma_start3A_124 = tpu.memref_slice %arg8[%dma_start3A, %dma_start3A_122, %dma_start3A_123] : memref<2x128x128xf32, #tpu.memory_space<vmem>> -> memref<1x128x128xf32, #tpu.memory_space<vmem>>
      %dma_start3A_125 = tpu.memref_squeeze %dma_start3A_124 : memref<1x128x128xf32, #tpu.memory_space<vmem>> -> memref<128x128xf32, #tpu.memory_space<vmem>>
      %dma_start3A_126 = arith.constant 0 : i32
      %dma_start3A_127 = tpu.memref_slice %arg5[%mul3A_121, %dma_start3A_126] : memref<320000x128xf32, #tpu.memory_space<hbm>> -> memref<128x128xf32, #tpu.memory_space<hbm>>
      %dma_start3A_128 = arith.constant 0 : i32
      %dma_start3A_129 = tpu.memref_slice %arg5[%mul3A_121, %dma_start3A_128] : memref<320000x128xf32, #tpu.memory_space<hbm>> -> memref<128x128xf32, #tpu.memory_space<hbm>>
      %dma_start3A_130 = arith.constant 0 : i32
      %dma_start3A_131 = arith.constant 0 : i32
      %dma_start3A_132 = tpu.memref_slice %arg8[%dma_start3A, %dma_start3A_130, %dma_start3A_131] : memref<2x128x128xf32, #tpu.memory_space<vmem>> -> memref<1x128x128xf32, #tpu.memory_space<vmem>>
      %dma_start3A_133 = tpu.memref_squeeze %dma_start3A_132 : memref<1x128x128xf32, #tpu.memory_space<vmem>> -> memref<128x128xf32, #tpu.memory_space<vmem>>
      tpu.enqueue_dma source(%dma_start3A_133 : memref<128x128xf32, #tpu.memory_space<vmem>>) target(%dma_start3A_129 : memref<128x128xf32, #tpu.memory_space<hbm>>) target_semaphore(%arg12 : memref<!tpu.dma_semaphore, #tpu.memory_space<semaphore_mem>>)
      %mul3A_134 = arith.constant 2 : i32
      %mul3A_135 = arith.muli %mul3A_134, %while3A_46 : i32
      %add3A_136 = arith.constant 1 : i32
      %add3A_137 = arith.addi %mul3A_135, %add3A_136 : i32
      %dma_wait3A_138 = arith.constant 0 : i32
      %dma_wait3A_139 = arith.constant 1 : i32
      %dma_wait3A_140 = arith.constant 0 : i32
      %dma_wait3A_141 = arith.constant 0 : i32
      %dma_wait3A_142 = tpu.memref_slice %arg8[%dma_wait3A_139, %dma_wait3A_140, %dma_wait3A_141] : memref<2x128x128xf32, #tpu.memory_space<vmem>> -> memref<1x128x128xf32, #tpu.memory_space<vmem>>
      %dma_wait3A_143 = tpu.memref_squeeze %dma_wait3A_142 : memref<1x128x128xf32, #tpu.memory_space<vmem>> -> memref<128x128xf32, #tpu.memory_space<vmem>>
      %dma_wait3A_144 = arith.constant 0 : i32
      %dma_wait3A_145 = tpu.memref_slice %arg6[%add3A_137, %dma_wait3A_144] : memref<80x128xi32, #tpu.memory_space<vmem>> -> memref<1x128xi32, #tpu.memory_space<vmem>>
      %dma_wait3A_146 = tpu.memref_squeeze %dma_wait3A_145 : memref<1x128xi32, #tpu.memory_space<vmem>> -> memref<128xi32, #tpu.memory_space<vmem>>
      %dma_wait3A_147 = arith.constant 0 : i32
      %dma_wait3A_148 = arith.constant 0 : i32
      %dma_wait3A_149 = tpu.memref_slice %arg2[%dma_wait3A_138, %dma_wait3A_147, %dma_wait3A_148] : memref<2x10240x128xf32, #tpu.memory_space<hbm>> -> memref<1x10240x128xf32, #tpu.memory_space<hbm>>
      %dma_wait3A_150 = tpu.memref_squeeze %dma_wait3A_149 : memref<1x10240x128xf32, #tpu.memory_space<hbm>> -> memref<10240x128xf32, #tpu.memory_space<hbm>>
      %dma_wait3A_151 = arith.constant 0 : i32
      %dma_wait3A_152 = arith.constant 0 : i32
      %dma_wait3A_153 = tpu.memref_slice %dma_wait3A_150[%dma_wait3A_151, %dma_wait3A_152] : memref<10240x128xf32, #tpu.memory_space<hbm>> -> memref<10240x128xf32, #tpu.memory_space<hbm>>
      tpu.wait_indirect_dma semaphore(%arg11 : memref<!tpu.dma_semaphore, #tpu.memory_space<semaphore_mem>>) src(%dma_wait3A_153 : memref<10240x128xf32, #tpu.memory_space<hbm>>) dst(%dma_wait3A_143 : memref<128x128xf32, #tpu.memory_space<vmem>>)
      %dma_wait3A_154 = arith.constant 1 : i32
      %dma_wait3A_155 = arith.constant 1 : i32
      %dma_wait3A_156 = arith.constant 0 : i32
      %dma_wait3A_157 = arith.constant 0 : i32
      %dma_wait3A_158 = tpu.memref_slice %arg9[%dma_wait3A_155, %dma_wait3A_156, %dma_wait3A_157] : memref<2x128x128xf32, #tpu.memory_space<vmem>> -> memref<1x128x128xf32, #tpu.memory_space<vmem>>
      %dma_wait3A_159 = tpu.memref_squeeze %dma_wait3A_158 : memref<1x128x128xf32, #tpu.memory_space<vmem>> -> memref<128x128xf32, #tpu.memory_space<vmem>>
      %dma_wait3A_160 = arith.constant 0 : i32
      %dma_wait3A_161 = tpu.memref_slice %arg7[%add3A_137, %dma_wait3A_160] : memref<80x128xi32, #tpu.memory_space<vmem>> -> memref<1x128xi32, #tpu.memory_space<vmem>>
      %dma_wait3A_162 = tpu.memref_squeeze %dma_wait3A_161 : memref<1x128xi32, #tpu.memory_space<vmem>> -> memref<128xi32, #tpu.memory_space<vmem>>
      %dma_wait3A_163 = arith.constant 0 : i32
      %dma_wait3A_164 = arith.constant 0 : i32
      %dma_wait3A_165 = tpu.memref_slice %arg2[%dma_wait3A_154, %dma_wait3A_163, %dma_wait3A_164] : memref<2x10240x128xf32, #tpu.memory_space<hbm>> -> memref<1x10240x128xf32, #tpu.memory_space<hbm>>
      %dma_wait3A_166 = tpu.memref_squeeze %dma_wait3A_165 : memref<1x10240x128xf32, #tpu.memory_space<hbm>> -> memref<10240x128xf32, #tpu.memory_space<hbm>>
      %dma_wait3A_167 = arith.constant 0 : i32
      %dma_wait3A_168 = arith.constant 0 : i32
      %dma_wait3A_169 = tpu.memref_slice %dma_wait3A_166[%dma_wait3A_167, %dma_wait3A_168] : memref<10240x128xf32, #tpu.memory_space<hbm>> -> memref<10240x128xf32, #tpu.memory_space<hbm>>
      tpu.wait_indirect_dma semaphore(%arg13 : memref<!tpu.dma_semaphore, #tpu.memory_space<semaphore_mem>>) src(%dma_wait3A_169 : memref<10240x128xf32, #tpu.memory_space<hbm>>) dst(%dma_wait3A_159 : memref<128x128xf32, #tpu.memory_space<vmem>>)
      %mul3A_170 = arith.constant 80 : i32
      %mul3A_171 = arith.muli %add3A, %mul3A_170 : i32
      %add3A_172 = arith.addi %mul3A_171, %add3A_137 : i32
      %mul3A_173 = arith.constant 128 : i32
      %mul3A_174 = arith.muli %add3A_172, %mul3A_173 : i32
      %dma_wait3A_175 = arith.constant 1 : i32
      %dma_wait3A_176 = arith.constant 0 : i32
      %dma_wait3A_177 = arith.constant 0 : i32
      %dma_wait3A_178 = tpu.memref_slice %arg10[%dma_wait3A_175, %dma_wait3A_176, %dma_wait3A_177] : memref<2x128x128xf32, #tpu.memory_space<vmem>> -> memref<1x128x128xf32, #tpu.memory_space<vmem>>
      %dma_wait3A_179 = tpu.memref_squeeze %dma_wait3A_178 : memref<1x128x128xf32, #tpu.memory_space<vmem>> -> memref<128x128xf32, #tpu.memory_space<vmem>>
      %dma_wait3A_180 = arith.constant 0 : i32
      %dma_wait3A_181 = tpu.memref_slice %arg4[%mul3A_174, %dma_wait3A_180] : memref<320000x128xf32, #tpu.memory_space<hbm>> -> memref<128x128xf32, #tpu.memory_space<hbm>>
      %dma_wait3A_182 = arith.constant 0 : i32
      %dma_wait3A_183 = arith.constant 0 : i32
      %dma_wait3A_184 = tpu.memref_slice %arg10[%dma_wait3A_175, %dma_wait3A_182, %dma_wait3A_183] : memref<2x128x128xf32, #tpu.memory_space<vmem>> -> memref<1x128x128xf32, #tpu.memory_space<vmem>>
      %dma_wait3A_185 = tpu.memref_squeeze %dma_wait3A_184 : memref<1x128x128xf32, #tpu.memory_space<vmem>> -> memref<128x128xf32, #tpu.memory_space<vmem>>
      %dma_wait3A_186 = arith.constant 0 : i32
      %dma_wait3A_187 = tpu.memref_slice %arg4[%mul3A_174, %dma_wait3A_186] : memref<320000x128xf32, #tpu.memory_space<hbm>> -> memref<128x128xf32, #tpu.memory_space<hbm>>
      tpu.wait_dma2 semaphore(%arg14 : memref<!tpu.dma_semaphore, #tpu.memory_space<semaphore_mem>>) src(%dma_wait3A_187 : memref<128x128xf32, #tpu.memory_space<hbm>>) dst(%dma_wait3A_185 : memref<128x128xf32, #tpu.memory_space<vmem>>)
      %gt3A_188 = arith.constant 0 : i32
      %gt3A_189 = arith.cmpi sgt, %add3A_137, %gt3A_188 : i32
      %convert_element_type3A_190 = arith.extui %gt3A_189 : i1 to i32
      %cond3A_191 = arith.constant 0 : i32
      %cond3A_192 = arith.cmpi ne, %convert_element_type3A_190, %cond3A_191 : i32
      scf.if %cond3A_192 {
        %mul3A_225 = arith.constant 80 : i32
        %mul3A_226 = arith.muli %add3A, %mul3A_225 : i32
        %add3A_227 = arith.addi %mul3A_226, %add3A_137 : i32
        %sub3A_228 = arith.constant 1 : i32
        %sub3A_229 = arith.subi %add3A_227, %sub3A_228 : i32
        %mul3A_230 = arith.constant 128 : i32
        %mul3A_231 = arith.muli %sub3A_229, %mul3A_230 : i32
        %dma_wait3A_232 = arith.constant 0 : i32
        %dma_wait3A_233 = arith.constant 0 : i32
        %dma_wait3A_234 = arith.constant 0 : i32
        %dma_wait3A_235 = tpu.memref_slice %arg8[%dma_wait3A_232, %dma_wait3A_233, %dma_wait3A_234] : memref<2x128x128xf32, #tpu.memory_space<vmem>> -> memref<1x128x128xf32, #tpu.memory_space<vmem>>
        %dma_wait3A_236 = tpu.memref_squeeze %dma_wait3A_235 : memref<1x128x128xf32, #tpu.memory_space<vmem>> -> memref<128x128xf32, #tpu.memory_space<vmem>>
        %dma_wait3A_237 = arith.constant 0 : i32
        %dma_wait3A_238 = tpu.memref_slice %arg5[%mul3A_231, %dma_wait3A_237] : memref<320000x128xf32, #tpu.memory_space<hbm>> -> memref<128x128xf32, #tpu.memory_space<hbm>>
        %dma_wait3A_239 = arith.constant 0 : i32
        %dma_wait3A_240 = tpu.memref_slice %arg5[%mul3A_231, %dma_wait3A_239] : memref<320000x128xf32, #tpu.memory_space<hbm>> -> memref<128x128xf32, #tpu.memory_space<hbm>>
        %dma_wait3A_241 = arith.constant 0 : i32
        %dma_wait3A_242 = arith.constant 0 : i32
        %dma_wait3A_243 = tpu.memref_slice %arg8[%dma_wait3A_232, %dma_wait3A_241, %dma_wait3A_242] : memref<2x128x128xf32, #tpu.memory_space<vmem>> -> memref<1x128x128xf32, #tpu.memory_space<vmem>>
        %dma_wait3A_244 = tpu.memref_squeeze %dma_wait3A_243 : memref<1x128x128xf32, #tpu.memory_space<vmem>> -> memref<128x128xf32, #tpu.memory_space<vmem>>
        tpu.wait_dma2 semaphore(%arg12 : memref<!tpu.dma_semaphore, #tpu.memory_space<semaphore_mem>>) src(%dma_wait3A_244 : memref<128x128xf32, #tpu.memory_space<vmem>>) dst(%dma_wait3A_240 : memref<128x128xf32, #tpu.memory_space<hbm>>)
      } else {
      }
      %add3A_193 = arith.constant 1 : i32
      %add3A_194 = arith.addi %add3A_137, %add3A_193 : i32
      %lt3A_195 = arith.cmpi slt, %add3A_194, %max3A_10 : i32
      %convert_element_type3A_196 = arith.extui %lt3A_195 : i1 to i32
      %cond3A_197 = arith.constant 0 : i32
      %cond3A_198 = arith.cmpi ne, %convert_element_type3A_196, %cond3A_197 : i32
      scf.if %cond3A_198 {
        %add3A_225 = arith.constant 1 : i32
        %add3A_226 = arith.addi %add3A_137, %add3A_225 : i32
        %dma_start3A_227 = arith.constant 0 : i32
        %dma_start3A_228 = arith.constant 0 : i32
        %dma_start3A_229 = arith.constant 0 : i32
        %dma_start3A_230 = arith.constant 0 : i32
        %dma_start3A_231 = tpu.memref_slice %arg8[%dma_start3A_228, %dma_start3A_229, %dma_start3A_230] : memref<2x128x128xf32, #tpu.memory_space<vmem>> -> memref<1x128x128xf32, #tpu.memory_space<vmem>>
        %dma_start3A_232 = tpu.memref_squeeze %dma_start3A_231 : memref<1x128x128xf32, #tpu.memory_space<vmem>> -> memref<128x128xf32, #tpu.memory_space<vmem>>
        %dma_start3A_233 = arith.constant 0 : i32
        %dma_start3A_234 = tpu.memref_slice %arg6[%add3A_226, %dma_start3A_233] : memref<80x128xi32, #tpu.memory_space<vmem>> -> memref<1x128xi32, #tpu.memory_space<vmem>>
        %dma_start3A_235 = tpu.memref_squeeze %dma_start3A_234 : memref<1x128xi32, #tpu.memory_space<vmem>> -> memref<128xi32, #tpu.memory_space<vmem>>
        %dma_start3A_236 = arith.constant 0 : i32
        %dma_start3A_237 = arith.constant 0 : i32
        %dma_start3A_238 = tpu.memref_slice %arg2[%dma_start3A_227, %dma_start3A_236, %dma_start3A_237] : memref<2x10240x128xf32, #tpu.memory_space<hbm>> -> memref<1x10240x128xf32, #tpu.memory_space<hbm>>
        %dma_start3A_239 = tpu.memref_squeeze %dma_start3A_238 : memref<1x10240x128xf32, #tpu.memory_space<hbm>> -> memref<10240x128xf32, #tpu.memory_space<hbm>>
        %dma_start3A_240 = arith.constant 0 : i32
        %dma_start3A_241 = arith.constant 0 : i32
        %dma_start3A_242 = tpu.memref_slice %dma_start3A_239[%dma_start3A_240, %dma_start3A_241] : memref<10240x128xf32, #tpu.memory_space<hbm>> -> memref<10240x128xf32, #tpu.memory_space<hbm>>
        tpu.enqueue_indirect_dma source(%dma_start3A_242 : memref<10240x128xf32, #tpu.memory_space<hbm>>) target(%dma_start3A_232 : memref<128x128xf32, #tpu.memory_space<vmem>>) offsets(%dma_start3A_235 : memref<128xi32, #tpu.memory_space<vmem>>) semaphore(%arg11 : memref<!tpu.dma_semaphore, #tpu.memory_space<semaphore_mem>>)
        %dma_start3A_243 = arith.constant 1 : i32
        %dma_start3A_244 = arith.constant 0 : i32
        %dma_start3A_245 = arith.constant 0 : i32
        %dma_start3A_246 = arith.constant 0 : i32
        %dma_start3A_247 = tpu.memref_slice %arg9[%dma_start3A_244, %dma_start3A_245, %dma_start3A_246] : memref<2x128x128xf32, #tpu.memory_space<vmem>> -> memref<1x128x128xf32, #tpu.memory_space<vmem>>
        %dma_start3A_248 = tpu.memref_squeeze %dma_start3A_247 : memref<1x128x128xf32, #tpu.memory_space<vmem>> -> memref<128x128xf32, #tpu.memory_space<vmem>>
        %dma_start3A_249 = arith.constant 0 : i32
        %dma_start3A_250 = tpu.memref_slice %arg7[%add3A_226, %dma_start3A_249] : memref<80x128xi32, #tpu.memory_space<vmem>> -> memref<1x128xi32, #tpu.memory_space<vmem>>
        %dma_start3A_251 = tpu.memref_squeeze %dma_start3A_250 : memref<1x128xi32, #tpu.memory_space<vmem>> -> memref<128xi32, #tpu.memory_space<vmem>>
        %dma_start3A_252 = arith.constant 0 : i32
        %dma_start3A_253 = arith.constant 0 : i32
        %dma_start3A_254 = tpu.memref_slice %arg2[%dma_start3A_243, %dma_start3A_252, %dma_start3A_253] : memref<2x10240x128xf32, #tpu.memory_space<hbm>> -> memref<1x10240x128xf32, #tpu.memory_space<hbm>>
        %dma_start3A_255 = tpu.memref_squeeze %dma_start3A_254 : memref<1x10240x128xf32, #tpu.memory_space<hbm>> -> memref<10240x128xf32, #tpu.memory_space<hbm>>
        %dma_start3A_256 = arith.constant 0 : i32
        %dma_start3A_257 = arith.constant 0 : i32
        %dma_start3A_258 = tpu.memref_slice %dma_start3A_255[%dma_start3A_256, %dma_start3A_257] : memref<10240x128xf32, #tpu.memory_space<hbm>> -> memref<10240x128xf32, #tpu.memory_space<hbm>>
        tpu.enqueue_indirect_dma source(%dma_start3A_258 : memref<10240x128xf32, #tpu.memory_space<hbm>>) target(%dma_start3A_248 : memref<128x128xf32, #tpu.memory_space<vmem>>) offsets(%dma_start3A_251 : memref<128xi32, #tpu.memory_space<vmem>>) semaphore(%arg13 : memref<!tpu.dma_semaphore, #tpu.memory_space<semaphore_mem>>)
        %mul3A_259 = arith.constant 80 : i32
        %mul3A_260 = arith.muli %add3A, %mul3A_259 : i32
        %add3A_261 = arith.addi %mul3A_260, %add3A_226 : i32
        %mul3A_262 = arith.constant 128 : i32
        %mul3A_263 = arith.muli %add3A_261, %mul3A_262 : i32
        %dma_start3A_264 = arith.constant 0 : i32
        %dma_start3A_265 = arith.constant 0 : i32
        %dma_start3A_266 = arith.constant 0 : i32
        %dma_start3A_267 = tpu.memref_slice %arg10[%dma_start3A_264, %dma_start3A_265, %dma_start3A_266] : memref<2x128x128xf32, #tpu.memory_space<vmem>> -> memref<1x128x128xf32, #tpu.memory_space<vmem>>
        %dma_start3A_268 = tpu.memref_squeeze %dma_start3A_267 : memref<1x128x128xf32, #tpu.memory_space<vmem>> -> memref<128x128xf32, #tpu.memory_space<vmem>>
        %dma_start3A_269 = arith.constant 0 : i32
        %dma_start3A_270 = tpu.memref_slice %arg4[%mul3A_263, %dma_start3A_269] : memref<320000x128xf32, #tpu.memory_space<hbm>> -> memref<128x128xf32, #tpu.memory_space<hbm>>
        %dma_start3A_271 = arith.constant 0 : i32
        %dma_start3A_272 = arith.constant 0 : i32
        %dma_start3A_273 = tpu.memref_slice %arg10[%dma_start3A_264, %dma_start3A_271, %dma_start3A_272] : memref<2x128x128xf32, #tpu.memory_space<vmem>> -> memref<1x128x128xf32, #tpu.memory_space<vmem>>
        %dma_start3A_274 = tpu.memref_squeeze %dma_start3A_273 : memref<1x128x128xf32, #tpu.memory_space<vmem>> -> memref<128x128xf32, #tpu.memory_space<vmem>>
        %dma_start3A_275 = arith.constant 0 : i32
        %dma_start3A_276 = tpu.memref_slice %arg4[%mul3A_263, %dma_start3A_275] : memref<320000x128xf32, #tpu.memory_space<hbm>> -> memref<128x128xf32, #tpu.memory_space<hbm>>
        tpu.enqueue_dma source(%dma_start3A_276 : memref<128x128xf32, #tpu.memory_space<hbm>>) target(%dma_start3A_274 : memref<128x128xf32, #tpu.memory_space<vmem>>) target_semaphore(%arg14 : memref<!tpu.dma_semaphore, #tpu.memory_space<semaphore_mem>>)
      } else {
      }
      %scan3A_199 = arith.constant 0 : i32
      %scan3A_200 = arith.constant 0 : i32
      %scan3A_201 = arith.constant 128 : i32
      %scan3A_202 = arith.addi %scan3A_200, %scan3A_201 : i32
      %scan3A_203 = arith.constant 1 : i32
      %scan3A_204 = scf.for %scan3A_225 = %scan3A_200 to %scan3A_202 step %scan3A_203 iter_args(%scan3A_226 = %scan3A_199) -> (i32)  : i32 {
        %get3A = arith.constant 1 : i32
        %get3A_227 = arith.index_cast %get3A : i32 to index
        %get3A_228 = arith.index_cast %scan3A_225 : i32 to index
        %get3A_229 = arith.constant 0 : index
        %get3A_230 = tpu.vector_load %arg10[%get3A_227, %get3A_228, %get3A_229] {strides = array<i32>} : memref<2x128x128xf32, #tpu.memory_space<vmem>>, vector<1x1x16xf32>,
        %get3A_231 = vector.shape_cast %get3A_230 : vector<1x1x16xf32> to vector<16xf32>
        %get3A_232 = arith.constant 1 : i32
        %get3A_233 = arith.index_cast %get3A_232 : i32 to index
        %get3A_234 = arith.index_cast %scan3A_225 : i32 to index
        %get3A_235 = arith.constant 0 : index
        %get3A_236 = tpu.vector_load %arg8[%get3A_233, %get3A_234, %get3A_235] {strides = array<i32>} : memref<2x128x128xf32, #tpu.memory_space<vmem>>, vector<1x1x16xf32>,
        %get3A_237 = vector.shape_cast %get3A_236 : vector<1x1x16xf32> to vector<16xf32>
        %add3A_238 = arith.addf %get3A_231, %get3A_237 : vector<16xf32>
        %get3A_239 = arith.constant 1 : i32
        %get3A_240 = arith.index_cast %get3A_239 : i32 to index
        %get3A_241 = arith.index_cast %scan3A_225 : i32 to index
        %get3A_242 = arith.constant 0 : index
        %get3A_243 = tpu.vector_load %arg9[%get3A_240, %get3A_241, %get3A_242] {strides = array<i32>} : memref<2x128x128xf32, #tpu.memory_space<vmem>>, vector<1x1x16xf32>,
        %get3A_244 = vector.shape_cast %get3A_243 : vector<1x1x16xf32> to vector<16xf32>
        %add3A_245 = arith.addf %add3A_238, %get3A_244 : vector<16xf32>
        %mul3A_246 = arith.constant 0.00999999977 : f32
        %mul3A_247 = vector.broadcast %mul3A_246 : f32 to vector<16xf32>
        %mul3A_248 = arith.mulf %mul3A_247, %add3A_245 : vector<16xf32>
        %max3A_249 = arith.maximumf %add3A_245, %mul3A_248 : vector<16xf32>
        %swap3A = arith.constant 1 : i32
        %swap3A_250 = arith.index_cast %swap3A : i32 to index
        %swap3A_251 = arith.index_cast %scan3A_225 : i32 to index
        %swap3A_252 = arith.constant 0 : index
        %swap3A_253 = tpu.vector_load %arg8[%swap3A_250, %swap3A_251, %swap3A_252] {strides = array<i32>} : memref<2x128x128xf32, #tpu.memory_space<vmem>>, vector<1x1x16xf32>,
        %swap3A_254 = vector.shape_cast %swap3A_253 : vector<1x1x16xf32> to vector<16xf32>
        %swap3A_255 = vector.shape_cast %max3A_249 : vector<16xf32> to vector<1x1x16xf32>
        tpu.vector_store %arg8[%swap3A_250, %swap3A_251, %swap3A_252], %swap3A_255 {strides = array<i32>} : memref<2x128x128xf32, #tpu.memory_space<vmem>>, vector<1x1x16xf32>,
        %get3A_256 = arith.constant 1 : i32
        %get3A_257 = arith.index_cast %get3A_256 : i32 to index
        %get3A_258 = arith.index_cast %scan3A_225 : i32 to index
        %get3A_259 = arith.constant 16 : index
        %get3A_260 = tpu.vector_load %arg10[%get3A_257, %get3A_258, %get3A_259] {strides = array<i32>} : memref<2x128x128xf32, #tpu.memory_space<vmem>>, vector<1x1x16xf32>,
        %get3A_261 = vector.shape_cast %get3A_260 : vector<1x1x16xf32> to vector<16xf32>
        %get3A_262 = arith.constant 1 : i32
        %get3A_263 = arith.index_cast %get3A_262 : i32 to index
        %get3A_264 = arith.index_cast %scan3A_225 : i32 to index
        %get3A_265 = arith.constant 16 : index
        %get3A_266 = tpu.vector_load %arg8[%get3A_263, %get3A_264, %get3A_265] {strides = array<i32>} : memref<2x128x128xf32, #tpu.memory_space<vmem>>, vector<1x1x16xf32>,
        %get3A_267 = vector.shape_cast %get3A_266 : vector<1x1x16xf32> to vector<16xf32>
        %add3A_268 = arith.addf %get3A_261, %get3A_267 : vector<16xf32>
        %get3A_269 = arith.constant 1 : i32
        %get3A_270 = arith.index_cast %get3A_269 : i32 to index
        %get3A_271 = arith.index_cast %scan3A_225 : i32 to index
        %get3A_272 = arith.constant 16 : index
        %get3A_273 = tpu.vector_load %arg9[%get3A_270, %get3A_271, %get3A_272] {strides = array<i32>} : memref<2x128x128xf32, #tpu.memory_space<vmem>>, vector<1x1x16xf32>,
        %get3A_274 = vector.shape_cast %get3A_273 : vector<1x1x16xf32> to vector<16xf32>
        %add3A_275 = arith.addf %add3A_268, %get3A_274 : vector<16xf32>
        %mul3A_276 = arith.constant 0.00999999977 : f32
        %mul3A_277 = vector.broadcast %mul3A_276 : f32 to vector<16xf32>
        %mul3A_278 = arith.mulf %mul3A_277, %add3A_275 : vector<16xf32>
        %max3A_279 = arith.maximumf %add3A_275, %mul3A_278 : vector<16xf32>
        %swap3A_280 = arith.constant 1 : i32
        %swap3A_281 = arith.index_cast %swap3A_280 : i32 to index
        %swap3A_282 = arith.index_cast %scan3A_225 : i32 to index
        %swap3A_283 = arith.constant 16 : index
        %swap3A_284 = tpu.vector_load %arg8[%swap3A_281, %swap3A_282, %swap3A_283] {strides = array<i32>} : memref<2x128x128xf32, #tpu.memory_space<vmem>>, vector<1x1x16xf32>,
        %swap3A_285 = vector.shape_cast %swap3A_284 : vector<1x1x16xf32> to vector<16xf32>
        %swap3A_286 = vector.shape_cast %max3A_279 : vector<16xf32> to vector<1x1x16xf32>
        tpu.vector_store %arg8[%swap3A_281, %swap3A_282, %swap3A_283], %swap3A_286 {strides = array<i32>} : memref<2x128x128xf32, #tpu.memory_space<vmem>>, vector<1x1x16xf32>,
        %get3A_287 = arith.constant 1 : i32
        %get3A_288 = arith.index_cast %get3A_287 : i32 to index
        %get3A_289 = arith.index_cast %scan3A_225 : i32 to index
        %get3A_290 = arith.constant 32 : index
        %get3A_291 = tpu.vector_load %arg10[%get3A_288, %get3A_289, %get3A_290] {strides = array<i32>} : memref<2x128x128xf32, #tpu.memory_space<vmem>>, vector<1x1x16xf32>,
        %get3A_292 = vector.shape_cast %get3A_291 : vector<1x1x16xf32> to vector<16xf32>
        %get3A_293 = arith.constant 1 : i32
        %get3A_294 = arith.index_cast %get3A_293 : i32 to index
        %get3A_295 = arith.index_cast %scan3A_225 : i32 to index
        %get3A_296 = arith.constant 32 : index
        %get3A_297 = tpu.vector_load %arg8[%get3A_294, %get3A_295, %get3A_296] {strides = array<i32>} : memref<2x128x128xf32, #tpu.memory_space<vmem>>, vector<1x1x16xf32>,
        %get3A_298 = vector.shape_cast %get3A_297 : vector<1x1x16xf32> to vector<16xf32>
        %add3A_299 = arith.addf %get3A_292, %get3A_298 : vector<16xf32>
        %get3A_300 = arith.constant 1 : i32
        %get3A_301 = arith.index_cast %get3A_300 : i32 to index
        %get3A_302 = arith.index_cast %scan3A_225 : i32 to index
        %get3A_303 = arith.constant 32 : index
        %get3A_304 = tpu.vector_load %arg9[%get3A_301, %get3A_302, %get3A_303] {strides = array<i32>} : memref<2x128x128xf32, #tpu.memory_space<vmem>>, vector<1x1x16xf32>,
        %get3A_305 = vector.shape_cast %get3A_304 : vector<1x1x16xf32> to vector<16xf32>
        %add3A_306 = arith.addf %add3A_299, %get3A_305 : vector<16xf32>
        %mul3A_307 = arith.constant 0.00999999977 : f32
        %mul3A_308 = vector.broadcast %mul3A_307 : f32 to vector<16xf32>
        %mul3A_309 = arith.mulf %mul3A_308, %add3A_306 : vector<16xf32>
        %max3A_310 = arith.maximumf %add3A_306, %mul3A_309 : vector<16xf32>
        %swap3A_311 = arith.constant 1 : i32
        %swap3A_312 = arith.index_cast %swap3A_311 : i32 to index
        %swap3A_313 = arith.index_cast %scan3A_225 : i32 to index
        %swap3A_314 = arith.constant 32 : index
        %swap3A_315 = tpu.vector_load %arg8[%swap3A_312, %swap3A_313, %swap3A_314] {strides = array<i32>} : memref<2x128x128xf32, #tpu.memory_space<vmem>>, vector<1x1x16xf32>,
        %swap3A_316 = vector.shape_cast %swap3A_315 : vector<1x1x16xf32> to vector<16xf32>
        %swap3A_317 = vector.shape_cast %max3A_310 : vector<16xf32> to vector<1x1x16xf32>
        tpu.vector_store %arg8[%swap3A_312, %swap3A_313, %swap3A_314], %swap3A_317 {strides = array<i32>} : memref<2x128x128xf32, #tpu.memory_space<vmem>>, vector<1x1x16xf32>,
        %get3A_318 = arith.constant 1 : i32
        %get3A_319 = arith.index_cast %get3A_318 : i32 to index
        %get3A_320 = arith.index_cast %scan3A_225 : i32 to index
        %get3A_321 = arith.constant 48 : index
        %get3A_322 = tpu.vector_load %arg10[%get3A_319, %get3A_320, %get3A_321] {strides = array<i32>} : memref<2x128x128xf32, #tpu.memory_space<vmem>>, vector<1x1x16xf32>,
        %get3A_323 = vector.shape_cast %get3A_322 : vector<1x1x16xf32> to vector<16xf32>
        %get3A_324 = arith.constant 1 : i32
        %get3A_325 = arith.index_cast %get3A_324 : i32 to index
        %get3A_326 = arith.index_cast %scan3A_225 : i32 to index
        %get3A_327 = arith.constant 48 : index
        %get3A_328 = tpu.vector_load %arg8[%get3A_325, %get3A_326, %get3A_327] {strides = array<i32>} : memref<2x128x128xf32, #tpu.memory_space<vmem>>, vector<1x1x16xf32>,
        %get3A_329 = vector.shape_cast %get3A_328 : vector<1x1x16xf32> to vector<16xf32>
        %add3A_330 = arith.addf %get3A_323, %get3A_329 : vector<16xf32>
        %get3A_331 = arith.constant 1 : i32
        %get3A_332 = arith.index_cast %get3A_331 : i32 to index
        %get3A_333 = arith.index_cast %scan3A_225 : i32 to index
        %get3A_334 = arith.constant 48 : index
        %get3A_335 = tpu.vector_load %arg9[%get3A_332, %get3A_333, %get3A_334] {strides = array<i32>} : memref<2x128x128xf32, #tpu.memory_space<vmem>>, vector<1x1x16xf32>,
        %get3A_336 = vector.shape_cast %get3A_335 : vector<1x1x16xf32> to vector<16xf32>
        %add3A_337 = arith.addf %add3A_330, %get3A_336 : vector<16xf32>
        %mul3A_338 = arith.constant 0.00999999977 : f32
        %mul3A_339 = vector.broadcast %mul3A_338 : f32 to vector<16xf32>
        %mul3A_340 = arith.mulf %mul3A_339, %add3A_337 : vector<16xf32>
        %max3A_341 = arith.maximumf %add3A_337, %mul3A_340 : vector<16xf32>
        %swap3A_342 = arith.constant 1 : i32
        %swap3A_343 = arith.index_cast %swap3A_342 : i32 to index
        %swap3A_344 = arith.index_cast %scan3A_225 : i32 to index
        %swap3A_345 = arith.constant 48 : index
        %swap3A_346 = tpu.vector_load %arg8[%swap3A_343, %swap3A_344, %swap3A_345] {strides = array<i32>} : memref<2x128x128xf32, #tpu.memory_space<vmem>>, vector<1x1x16xf32>,
        %swap3A_347 = vector.shape_cast %swap3A_346 : vector<1x1x16xf32> to vector<16xf32>
        %swap3A_348 = vector.shape_cast %max3A_341 : vector<16xf32> to vector<1x1x16xf32>
        tpu.vector_store %arg8[%swap3A_343, %swap3A_344, %swap3A_345], %swap3A_348 {strides = array<i32>} : memref<2x128x128xf32, #tpu.memory_space<vmem>>, vector<1x1x16xf32>,
        %get3A_349 = arith.constant 1 : i32
        %get3A_350 = arith.index_cast %get3A_349 : i32 to index
        %get3A_351 = arith.index_cast %scan3A_225 : i32 to index
        %get3A_352 = arith.constant 64 : index
        %get3A_353 = tpu.vector_load %arg10[%get3A_350, %get3A_351, %get3A_352] {strides = array<i32>} : memref<2x128x128xf32, #tpu.memory_space<vmem>>, vector<1x1x16xf32>,
        %get3A_354 = vector.shape_cast %get3A_353 : vector<1x1x16xf32> to vector<16xf32>
        %get3A_355 = arith.constant 1 : i32
        %get3A_356 = arith.index_cast %get3A_355 : i32 to index
        %get3A_357 = arith.index_cast %scan3A_225 : i32 to index
        %get3A_358 = arith.constant 64 : index
        %get3A_359 = tpu.vector_load %arg8[%get3A_356, %get3A_357, %get3A_358] {strides = array<i32>} : memref<2x128x128xf32, #tpu.memory_space<vmem>>, vector<1x1x16xf32>,
        %get3A_360 = vector.shape_cast %get3A_359 : vector<1x1x16xf32> to vector<16xf32>
        %add3A_361 = arith.addf %get3A_354, %get3A_360 : vector<16xf32>
        %get3A_362 = arith.constant 1 : i32
        %get3A_363 = arith.index_cast %get3A_362 : i32 to index
        %get3A_364 = arith.index_cast %scan3A_225 : i32 to index
        %get3A_365 = arith.constant 64 : index
        %get3A_366 = tpu.vector_load %arg9[%get3A_363, %get3A_364, %get3A_365] {strides = array<i32>} : memref<2x128x128xf32, #tpu.memory_space<vmem>>, vector<1x1x16xf32>,
        %get3A_367 = vector.shape_cast %get3A_366 : vector<1x1x16xf32> to vector<16xf32>
        %add3A_368 = arith.addf %add3A_361, %get3A_367 : vector<16xf32>
        %mul3A_369 = arith.constant 0.00999999977 : f32
        %mul3A_370 = vector.broadcast %mul3A_369 : f32 to vector<16xf32>
        %mul3A_371 = arith.mulf %mul3A_370, %add3A_368 : vector<16xf32>
        %max3A_372 = arith.maximumf %add3A_368, %mul3A_371 : vector<16xf32>
        %swap3A_373 = arith.constant 1 : i32
        %swap3A_374 = arith.index_cast %swap3A_373 : i32 to index
        %swap3A_375 = arith.index_cast %scan3A_225 : i32 to index
        %swap3A_376 = arith.constant 64 : index
        %swap3A_377 = tpu.vector_load %arg8[%swap3A_374, %swap3A_375, %swap3A_376] {strides = array<i32>} : memref<2x128x128xf32, #tpu.memory_space<vmem>>, vector<1x1x16xf32>,
        %swap3A_378 = vector.shape_cast %swap3A_377 : vector<1x1x16xf32> to vector<16xf32>
        %swap3A_379 = vector.shape_cast %max3A_372 : vector<16xf32> to vector<1x1x16xf32>
        tpu.vector_store %arg8[%swap3A_374, %swap3A_375, %swap3A_376], %swap3A_379 {strides = array<i32>} : memref<2x128x128xf32, #tpu.memory_space<vmem>>, vector<1x1x16xf32>,
        %get3A_380 = arith.constant 1 : i32
        %get3A_381 = arith.index_cast %get3A_380 : i32 to index
        %get3A_382 = arith.index_cast %scan3A_225 : i32 to index
        %get3A_383 = arith.constant 80 : index
        %get3A_384 = tpu.vector_load %arg10[%get3A_381, %get3A_382, %get3A_383] {strides = array<i32>} : memref<2x128x128xf32, #tpu.memory_space<vmem>>, vector<1x1x16xf32>,
        %get3A_385 = vector.shape_cast %get3A_384 : vector<1x1x16xf32> to vector<16xf32>
        %get3A_386 = arith.constant 1 : i32
        %get3A_387 = arith.index_cast %get3A_386 : i32 to index
        %get3A_388 = arith.index_cast %scan3A_225 : i32 to index
        %get3A_389 = arith.constant 80 : index
        %get3A_390 = tpu.vector_load %arg8[%get3A_387, %get3A_388, %get3A_389] {strides = array<i32>} : memref<2x128x128xf32, #tpu.memory_space<vmem>>, vector<1x1x16xf32>,
        %get3A_391 = vector.shape_cast %get3A_390 : vector<1x1x16xf32> to vector<16xf32>
        %add3A_392 = arith.addf %get3A_385, %get3A_391 : vector<16xf32>
        %get3A_393 = arith.constant 1 : i32
        %get3A_394 = arith.index_cast %get3A_393 : i32 to index
        %get3A_395 = arith.index_cast %scan3A_225 : i32 to index
        %get3A_396 = arith.constant 80 : index
        %get3A_397 = tpu.vector_load %arg9[%get3A_394, %get3A_395, %get3A_396] {strides = array<i32>} : memref<2x128x128xf32, #tpu.memory_space<vmem>>, vector<1x1x16xf32>,
        %get3A_398 = vector.shape_cast %get3A_397 : vector<1x1x16xf32> to vector<16xf32>
        %add3A_399 = arith.addf %add3A_392, %get3A_398 : vector<16xf32>
        %mul3A_400 = arith.constant 0.00999999977 : f32
        %mul3A_401 = vector.broadcast %mul3A_400 : f32 to vector<16xf32>
        %mul3A_402 = arith.mulf %mul3A_401, %add3A_399 : vector<16xf32>
        %max3A_403 = arith.maximumf %add3A_399, %mul3A_402 : vector<16xf32>
        %swap3A_404 = arith.constant 1 : i32
        %swap3A_405 = arith.index_cast %swap3A_404 : i32 to index
        %swap3A_406 = arith.index_cast %scan3A_225 : i32 to index
        %swap3A_407 = arith.constant 80 : index
        %swap3A_408 = tpu.vector_load %arg8[%swap3A_405, %swap3A_406, %swap3A_407] {strides = array<i32>} : memref<2x128x128xf32, #tpu.memory_space<vmem>>, vector<1x1x16xf32>,
        %swap3A_409 = vector.shape_cast %swap3A_408 : vector<1x1x16xf32> to vector<16xf32>
        %swap3A_410 = vector.shape_cast %max3A_403 : vector<16xf32> to vector<1x1x16xf32>
        tpu.vector_store %arg8[%swap3A_405, %swap3A_406, %swap3A_407], %swap3A_410 {strides = array<i32>} : memref<2x128x128xf32, #tpu.memory_space<vmem>>, vector<1x1x16xf32>,
        %get3A_411 = arith.constant 1 : i32
        %get3A_412 = arith.index_cast %get3A_411 : i32 to index
        %get3A_413 = arith.index_cast %scan3A_225 : i32 to index
        %get3A_414 = arith.constant 96 : index
        %get3A_415 = tpu.vector_load %arg10[%get3A_412, %get3A_413, %get3A_414] {strides = array<i32>} : memref<2x128x128xf32, #tpu.memory_space<vmem>>, vector<1x1x16xf32>,
        %get3A_416 = vector.shape_cast %get3A_415 : vector<1x1x16xf32> to vector<16xf32>
        %get3A_417 = arith.constant 1 : i32
        %get3A_418 = arith.index_cast %get3A_417 : i32 to index
        %get3A_419 = arith.index_cast %scan3A_225 : i32 to index
        %get3A_420 = arith.constant 96 : index
        %get3A_421 = tpu.vector_load %arg8[%get3A_418, %get3A_419, %get3A_420] {strides = array<i32>} : memref<2x128x128xf32, #tpu.memory_space<vmem>>, vector<1x1x16xf32>,
        %get3A_422 = vector.shape_cast %get3A_421 : vector<1x1x16xf32> to vector<16xf32>
        %add3A_423 = arith.addf %get3A_416, %get3A_422 : vector<16xf32>
        %get3A_424 = arith.constant 1 : i32
        %get3A_425 = arith.index_cast %get3A_424 : i32 to index
        %get3A_426 = arith.index_cast %scan3A_225 : i32 to index
        %get3A_427 = arith.constant 96 : index
        %get3A_428 = tpu.vector_load %arg9[%get3A_425, %get3A_426, %get3A_427] {strides = array<i32>} : memref<2x128x128xf32, #tpu.memory_space<vmem>>, vector<1x1x16xf32>,
        %get3A_429 = vector.shape_cast %get3A_428 : vector<1x1x16xf32> to vector<16xf32>
        %add3A_430 = arith.addf %add3A_423, %get3A_429 : vector<16xf32>
        %mul3A_431 = arith.constant 0.00999999977 : f32
        %mul3A_432 = vector.broadcast %mul3A_431 : f32 to vector<16xf32>
        %mul3A_433 = arith.mulf %mul3A_432, %add3A_430 : vector<16xf32>
        %max3A_434 = arith.maximumf %add3A_430, %mul3A_433 : vector<16xf32>
        %swap3A_435 = arith.constant 1 : i32
        %swap3A_436 = arith.index_cast %swap3A_435 : i32 to index
        %swap3A_437 = arith.index_cast %scan3A_225 : i32 to index
        %swap3A_438 = arith.constant 96 : index
        %swap3A_439 = tpu.vector_load %arg8[%swap3A_436, %swap3A_437, %swap3A_438] {strides = array<i32>} : memref<2x128x128xf32, #tpu.memory_space<vmem>>, vector<1x1x16xf32>,
        %swap3A_440 = vector.shape_cast %swap3A_439 : vector<1x1x16xf32> to vector<16xf32>
        %swap3A_441 = vector.shape_cast %max3A_434 : vector<16xf32> to vector<1x1x16xf32>
        tpu.vector_store %arg8[%swap3A_436, %swap3A_437, %swap3A_438], %swap3A_441 {strides = array<i32>} : memref<2x128x128xf32, #tpu.memory_space<vmem>>, vector<1x1x16xf32>,
        %get3A_442 = arith.constant 1 : i32
        %get3A_443 = arith.index_cast %get3A_442 : i32 to index
        %get3A_444 = arith.index_cast %scan3A_225 : i32 to index
        %get3A_445 = arith.constant 112 : index
        %get3A_446 = tpu.vector_load %arg10[%get3A_443, %get3A_444, %get3A_445] {strides = array<i32>} : memref<2x128x128xf32, #tpu.memory_space<vmem>>, vector<1x1x16xf32>,
        %get3A_447 = vector.shape_cast %get3A_446 : vector<1x1x16xf32> to vector<16xf32>
        %get3A_448 = arith.constant 1 : i32
        %get3A_449 = arith.index_cast %get3A_448 : i32 to index
        %get3A_450 = arith.index_cast %scan3A_225 : i32 to index
        %get3A_451 = arith.constant 112 : index
        %get3A_452 = tpu.vector_load %arg8[%get3A_449, %get3A_450, %get3A_451] {strides = array<i32>} : memref<2x128x128xf32, #tpu.memory_space<vmem>>, vector<1x1x16xf32>,
        %get3A_453 = vector.shape_cast %get3A_452 : vector<1x1x16xf32> to vector<16xf32>
        %add3A_454 = arith.addf %get3A_447, %get3A_453 : vector<16xf32>
        %get3A_455 = arith.constant 1 : i32
        %get3A_456 = arith.index_cast %get3A_455 : i32 to index
        %get3A_457 = arith.index_cast %scan3A_225 : i32 to index
        %get3A_458 = arith.constant 112 : index
        %get3A_459 = tpu.vector_load %arg9[%get3A_456, %get3A_457, %get3A_458] {strides = array<i32>} : memref<2x128x128xf32, #tpu.memory_space<vmem>>, vector<1x1x16xf32>,
        %get3A_460 = vector.shape_cast %get3A_459 : vector<1x1x16xf32> to vector<16xf32>
        %add3A_461 = arith.addf %add3A_454, %get3A_460 : vector<16xf32>
        %mul3A_462 = arith.constant 0.00999999977 : f32
        %mul3A_463 = vector.broadcast %mul3A_462 : f32 to vector<16xf32>
        %mul3A_464 = arith.mulf %mul3A_463, %add3A_461 : vector<16xf32>
        %max3A_465 = arith.maximumf %add3A_461, %mul3A_464 : vector<16xf32>
        %swap3A_466 = arith.constant 1 : i32
        %swap3A_467 = arith.index_cast %swap3A_466 : i32 to index
        %swap3A_468 = arith.index_cast %scan3A_225 : i32 to index
        %swap3A_469 = arith.constant 112 : index
        %swap3A_470 = tpu.vector_load %arg8[%swap3A_467, %swap3A_468, %swap3A_469] {strides = array<i32>} : memref<2x128x128xf32, #tpu.memory_space<vmem>>, vector<1x1x16xf32>,
        %swap3A_471 = vector.shape_cast %swap3A_470 : vector<1x1x16xf32> to vector<16xf32>
        %swap3A_472 = vector.shape_cast %max3A_465 : vector<16xf32> to vector<1x1x16xf32>
        tpu.vector_store %arg8[%swap3A_467, %swap3A_468, %swap3A_469], %swap3A_472 {strides = array<i32>} : memref<2x128x128xf32, #tpu.memory_space<vmem>>, vector<1x1x16xf32>,
        %scan3A_473 = arith.constant 0 : i32
        scf.yield %scan3A_473 : i32
      }
      %scan3A_205 = arith.constant 128 : i32
      %mul3A_206 = arith.constant 80 : i32
      %mul3A_207 = arith.muli %add3A, %mul3A_206 : i32
      %add3A_208 = arith.addi %mul3A_207, %add3A_137 : i32
      %mul3A_209 = arith.constant 128 : i32
      %mul3A_210 = arith.muli %add3A_208, %mul3A_209 : i32
      %dma_start3A_211 = arith.constant 1 : i32
      %dma_start3A_212 = arith.constant 0 : i32
      %dma_start3A_213 = arith.constant 0 : i32
      %dma_start3A_214 = tpu.memref_slice %arg8[%dma_start3A_211, %dma_start3A_212, %dma_start3A_213] : memref<2x128x128xf32, #tpu.memory_space<vmem>> -> memref<1x128x128xf32, #tpu.memory_space<vmem>>
      %dma_start3A_215 = tpu.memref_squeeze %dma_start3A_214 : memref<1x128x128xf32, #tpu.memory_space<vmem>> -> memref<128x128xf32, #tpu.memory_space<vmem>>
      %dma_start3A_216 = arith.constant 0 : i32
      %dma_start3A_217 = tpu.memref_slice %arg5[%mul3A_210, %dma_start3A_216] : memref<320000x128xf32, #tpu.memory_space<hbm>> -> memref<128x128xf32, #tpu.memory_space<hbm>>
      %dma_start3A_218 = arith.constant 0 : i32
      %dma_start3A_219 = tpu.memref_slice %arg5[%mul3A_210, %dma_start3A_218] : memref<320000x128xf32, #tpu.memory_space<hbm>> -> memref<128x128xf32, #tpu.memory_space<hbm>>
      %dma_start3A_220 = arith.constant 0 : i32
      %dma_start3A_221 = arith.constant 0 : i32
      %dma_start3A_222 = tpu.memref_slice %arg8[%dma_start3A_211, %dma_start3A_220, %dma_start3A_221] : memref<2x128x128xf32, #tpu.memory_space<vmem>> -> memref<1x128x128xf32, #tpu.memory_space<vmem>>
      %dma_start3A_223 = tpu.memref_squeeze %dma_start3A_222 : memref<1x128x128xf32, #tpu.memory_space<vmem>> -> memref<128x128xf32, #tpu.memory_space<vmem>>
      tpu.enqueue_dma source(%dma_start3A_223 : memref<128x128xf32, #tpu.memory_space<vmem>>) target(%dma_start3A_219 : memref<128x128xf32, #tpu.memory_space<hbm>>) target_semaphore(%arg12 : memref<!tpu.dma_semaphore, #tpu.memory_space<semaphore_mem>>)
      %while3A_224 = arith.constant 0 : i32
      scf.yield %while3A_224 : i32
    }
    %gt3A_41 = arith.constant 0 : i32
    %gt3A_42 = arith.cmpi sgt, %max3A_10, %gt3A_41 : i32
    %convert_element_type3A_43 = arith.extui %gt3A_42 : i1 to i32
    %cond3A_44 = arith.constant 0 : i32
    %cond3A_45 = arith.cmpi ne, %convert_element_type3A_43, %cond3A_44 : i32
    scf.if %cond3A_45 {
      %mul3A_46 = arith.constant 80 : i32
      %mul3A_47 = arith.muli %add3A, %mul3A_46 : i32
      %add3A_48 = arith.addi %mul3A_47, %max3A_10 : i32
      %sub3A_49 = arith.constant 1 : i32
      %sub3A_50 = arith.subi %add3A_48, %sub3A_49 : i32
      %mul3A_51 = arith.constant 128 : i32
      %mul3A_52 = arith.muli %sub3A_50, %mul3A_51 : i32
      %dma_wait3A = arith.constant 1 : i32
      %dma_wait3A_53 = arith.constant 0 : i32
      %dma_wait3A_54 = arith.constant 0 : i32
      %dma_wait3A_55 = tpu.memref_slice %arg8[%dma_wait3A, %dma_wait3A_53, %dma_wait3A_54] : memref<2x128x128xf32, #tpu.memory_space<vmem>> -> memref<1x128x128xf32, #tpu.memory_space<vmem>>
      %dma_wait3A_56 = tpu.memref_squeeze %dma_wait3A_55 : memref<1x128x128xf32, #tpu.memory_space<vmem>> -> memref<128x128xf32, #tpu.memory_space<vmem>>
      %dma_wait3A_57 = arith.constant 0 : i32
      %dma_wait3A_58 = tpu.memref_slice %arg5[%mul3A_52, %dma_wait3A_57] : memref<320000x128xf32, #tpu.memory_space<hbm>> -> memref<128x128xf32, #tpu.memory_space<hbm>>
      %dma_wait3A_59 = arith.constant 0 : i32
      %dma_wait3A_60 = tpu.memref_slice %arg5[%mul3A_52, %dma_wait3A_59] : memref<320000x128xf32, #tpu.memory_space<hbm>> -> memref<128x128xf32, #tpu.memory_space<hbm>>
      %dma_wait3A_61 = arith.constant 0 : i32
      %dma_wait3A_62 = arith.constant 0 : i32
      %dma_wait3A_63 = tpu.memref_slice %arg8[%dma_wait3A, %dma_wait3A_61, %dma_wait3A_62] : memref<2x128x128xf32, #tpu.memory_space<vmem>> -> memref<1x128x128xf32, #tpu.memory_space<vmem>>
      %dma_wait3A_64 = tpu.memref_squeeze %dma_wait3A_63 : memref<1x128x128xf32, #tpu.memory_space<vmem>> -> memref<128x128xf32, #tpu.memory_space<vmem>>
      tpu.wait_dma2 semaphore(%arg12 : memref<!tpu.dma_semaphore, #tpu.memory_space<semaphore_mem>>) src(%dma_wait3A_64 : memref<128x128xf32, #tpu.memory_space<vmem>>) dst(%dma_wait3A_60 : memref<128x128xf32, #tpu.memory_space<hbm>>)
    } else {
    }
    return
  }
}

#map = affine_map<(d0, d1) -> (0, 0)>
#map1 = affine_map<(d0, d1) -> (0, 0, 0)>
#map2 = affine_map<(d0, d1) -> (0, 0, 0, 0)>
module attributes {stable_mosaic.version = 14 : i64} {
  func.func @seg_sum(%arg0: i32, %arg1: i32, %arg2: memref<320000x128xf32, #tpu.memory_space<hbm>>, %arg3: memref<2x2560x128xi32, #tpu.memory_space<hbm>>, %arg4: memref<2x10240x128xf32, #tpu.memory_space<hbm>>, %arg5: memref<2x10x8x128xf32, #tpu.memory_space<hbm>>, %arg6: memref<10240x128xf32, #tpu.memory_space<vmem_shared>>, %arg7: memref<10240xf32, #tpu.memory_space<vmem_shared>>, %arg8: memref<2x128x128xf32, #tpu.memory_space<vmem>>, %arg9: memref<40x128xi32, #tpu.memory_space<vmem>>, %arg10: memref<128xf32, #tpu.memory_space<vmem>>, %arg11: memref<1024xf32, #tpu.memory_space<vmem>>, %arg12: memref<8x128xf32, #tpu.memory_space<vmem>>, %arg13: memref<!tpu.dma_semaphore, #tpu.memory_space<semaphore_mem>>, %arg14: memref<!tpu.dma_semaphore, #tpu.memory_space<semaphore_mem>>, %arg15: memref<!tpu.dma_semaphore, #tpu.memory_space<semaphore_mem>>) attributes {dimension_semantics = [#tpu.dimension_semantics<core_parallel>, #tpu.dimension_semantics<subcore_parallel>], iteration_bounds = array<i64: 2, 16>, scalar_prefetch = 0 : i64, scratch_operands = 10 : i64, tpu.core_type = #tpu.core_type<sc_vector_subcore>, window_params = [{transform_indices = #map}, {transform_indices = #map1}, {transform_indices = #map1}, {transform_indices = #map2}]} {
    %broadcast_in_dim3A = arith.constant 0.000000e+00 : f32
    %broadcast_in_dim3A_0 = vector.broadcast %broadcast_in_dim3A : f32 to vector<16xf32>
    %broadcast_in_dim3A_1 = arith.constant 1.000000e+00 : f32
    %broadcast_in_dim3A_2 = vector.broadcast %broadcast_in_dim3A_1 : f32 to vector<16xf32>
    %broadcast_in_dim3A_3 = arith.constant 0.000000e+00 : f32
    %broadcast_in_dim3A_4 = vector.broadcast %broadcast_in_dim3A_3 : f32 to vector<16xf32>
    %scan3A = arith.constant 0 : i32
    %scan3A_5 = arith.constant 0 : i32
    %scan3A_6 = arith.constant 0 : i32
    %scan3A_7 = arith.constant 128 : i32
    %scan3A_8 = arith.addi %scan3A_6, %scan3A_7 : i32
    %scan3A_9 = arith.constant 1 : i32
    %scan3A_10 = scf.for %scan3A_351 = %scan3A_6 to %scan3A_8 step %scan3A_9 iter_args(%scan3A_352 = %scan3A_5) -> (i32)  : i32 {
      %swap3A_353 = arith.constant 0 : i32
      %swap3A_354 = arith.constant 0 : i32
      %swap3A_355 = tpu.memref_slice %arg8[%scan3A, %swap3A_353, %swap3A_354] : memref<2x128x128xf32, #tpu.memory_space<vmem>> -> memref<1x128x128xf32, #tpu.memory_space<vmem>>
      %swap3A_356 = tpu.memref_squeeze %swap3A_355 : memref<1x128x128xf32, #tpu.memory_space<vmem>> -> memref<128x128xf32, #tpu.memory_space<vmem>>
      %swap3A_357 = arith.index_cast %scan3A_351 : i32 to index
      %swap3A_358 = arith.constant 0 : index
      %swap3A_359 = tpu.vector_load %swap3A_356[%swap3A_357, %swap3A_358] {strides = array<i32>} : memref<128x128xf32, #tpu.memory_space<vmem>>, vector<1x16xf32>,
      %swap3A_360 = vector.shape_cast %swap3A_359 : vector<1x16xf32> to vector<16xf32>
      %swap3A_361 = vector.shape_cast %broadcast_in_dim3A_4 : vector<16xf32> to vector<1x16xf32>
      tpu.vector_store %swap3A_356[%swap3A_357, %swap3A_358], %swap3A_361 {strides = array<i32>} : memref<128x128xf32, #tpu.memory_space<vmem>>, vector<1x16xf32>,
      %swap3A_362 = arith.constant 0 : i32
      %swap3A_363 = arith.constant 0 : i32
      %swap3A_364 = tpu.memref_slice %arg8[%scan3A, %swap3A_362, %swap3A_363] : memref<2x128x128xf32, #tpu.memory_space<vmem>> -> memref<1x128x128xf32, #tpu.memory_space<vmem>>
      %swap3A_365 = tpu.memref_squeeze %swap3A_364 : memref<1x128x128xf32, #tpu.memory_space<vmem>> -> memref<128x128xf32, #tpu.memory_space<vmem>>
      %swap3A_366 = arith.index_cast %scan3A_351 : i32 to index
      %swap3A_367 = arith.constant 16 : index
      %swap3A_368 = tpu.vector_load %swap3A_365[%swap3A_366, %swap3A_367] {strides = array<i32>} : memref<128x128xf32, #tpu.memory_space<vmem>>, vector<1x16xf32>,
      %swap3A_369 = vector.shape_cast %swap3A_368 : vector<1x16xf32> to vector<16xf32>
      %swap3A_370 = vector.shape_cast %broadcast_in_dim3A_4 : vector<16xf32> to vector<1x16xf32>
      tpu.vector_store %swap3A_365[%swap3A_366, %swap3A_367], %swap3A_370 {strides = array<i32>} : memref<128x128xf32, #tpu.memory_space<vmem>>, vector<1x16xf32>,
      %swap3A_371 = arith.constant 0 : i32
      %swap3A_372 = arith.constant 0 : i32
      %swap3A_373 = tpu.memref_slice %arg8[%scan3A, %swap3A_371, %swap3A_372] : memref<2x128x128xf32, #tpu.memory_space<vmem>> -> memref<1x128x128xf32, #tpu.memory_space<vmem>>
      %swap3A_374 = tpu.memref_squeeze %swap3A_373 : memref<1x128x128xf32, #tpu.memory_space<vmem>> -> memref<128x128xf32, #tpu.memory_space<vmem>>
      %swap3A_375 = arith.index_cast %scan3A_351 : i32 to index
      %swap3A_376 = arith.constant 32 : index
      %swap3A_377 = tpu.vector_load %swap3A_374[%swap3A_375, %swap3A_376] {strides = array<i32>} : memref<128x128xf32, #tpu.memory_space<vmem>>, vector<1x16xf32>,
      %swap3A_378 = vector.shape_cast %swap3A_377 : vector<1x16xf32> to vector<16xf32>
      %swap3A_379 = vector.shape_cast %broadcast_in_dim3A_4 : vector<16xf32> to vector<1x16xf32>
      tpu.vector_store %swap3A_374[%swap3A_375, %swap3A_376], %swap3A_379 {strides = array<i32>} : memref<128x128xf32, #tpu.memory_space<vmem>>, vector<1x16xf32>,
      %swap3A_380 = arith.constant 0 : i32
      %swap3A_381 = arith.constant 0 : i32
      %swap3A_382 = tpu.memref_slice %arg8[%scan3A, %swap3A_380, %swap3A_381] : memref<2x128x128xf32, #tpu.memory_space<vmem>> -> memref<1x128x128xf32, #tpu.memory_space<vmem>>
      %swap3A_383 = tpu.memref_squeeze %swap3A_382 : memref<1x128x128xf32, #tpu.memory_space<vmem>> -> memref<128x128xf32, #tpu.memory_space<vmem>>
      %swap3A_384 = arith.index_cast %scan3A_351 : i32 to index
      %swap3A_385 = arith.constant 48 : index
      %swap3A_386 = tpu.vector_load %swap3A_383[%swap3A_384, %swap3A_385] {strides = array<i32>} : memref<128x128xf32, #tpu.memory_space<vmem>>, vector<1x16xf32>,
      %swap3A_387 = vector.shape_cast %swap3A_386 : vector<1x16xf32> to vector<16xf32>
      %swap3A_388 = vector.shape_cast %broadcast_in_dim3A_4 : vector<16xf32> to vector<1x16xf32>
      tpu.vector_store %swap3A_383[%swap3A_384, %swap3A_385], %swap3A_388 {strides = array<i32>} : memref<128x128xf32, #tpu.memory_space<vmem>>, vector<1x16xf32>,
      %swap3A_389 = arith.constant 0 : i32
      %swap3A_390 = arith.constant 0 : i32
      %swap3A_391 = tpu.memref_slice %arg8[%scan3A, %swap3A_389, %swap3A_390] : memref<2x128x128xf32, #tpu.memory_space<vmem>> -> memref<1x128x128xf32, #tpu.memory_space<vmem>>
      %swap3A_392 = tpu.memref_squeeze %swap3A_391 : memref<1x128x128xf32, #tpu.memory_space<vmem>> -> memref<128x128xf32, #tpu.memory_space<vmem>>
      %swap3A_393 = arith.index_cast %scan3A_351 : i32 to index
      %swap3A_394 = arith.constant 64 : index
      %swap3A_395 = tpu.vector_load %swap3A_392[%swap3A_393, %swap3A_394] {strides = array<i32>} : memref<128x128xf32, #tpu.memory_space<vmem>>, vector<1x16xf32>,
      %swap3A_396 = vector.shape_cast %swap3A_395 : vector<1x16xf32> to vector<16xf32>
      %swap3A_397 = vector.shape_cast %broadcast_in_dim3A_4 : vector<16xf32> to vector<1x16xf32>
      tpu.vector_store %swap3A_392[%swap3A_393, %swap3A_394], %swap3A_397 {strides = array<i32>} : memref<128x128xf32, #tpu.memory_space<vmem>>, vector<1x16xf32>,
      %swap3A_398 = arith.constant 0 : i32
      %swap3A_399 = arith.constant 0 : i32
      %swap3A_400 = tpu.memref_slice %arg8[%scan3A, %swap3A_398, %swap3A_399] : memref<2x128x128xf32, #tpu.memory_space<vmem>> -> memref<1x128x128xf32, #tpu.memory_space<vmem>>
      %swap3A_401 = tpu.memref_squeeze %swap3A_400 : memref<1x128x128xf32, #tpu.memory_space<vmem>> -> memref<128x128xf32, #tpu.memory_space<vmem>>
      %swap3A_402 = arith.index_cast %scan3A_351 : i32 to index
      %swap3A_403 = arith.constant 80 : index
      %swap3A_404 = tpu.vector_load %swap3A_401[%swap3A_402, %swap3A_403] {strides = array<i32>} : memref<128x128xf32, #tpu.memory_space<vmem>>, vector<1x16xf32>,
      %swap3A_405 = vector.shape_cast %swap3A_404 : vector<1x16xf32> to vector<16xf32>
      %swap3A_406 = vector.shape_cast %broadcast_in_dim3A_4 : vector<16xf32> to vector<1x16xf32>
      tpu.vector_store %swap3A_401[%swap3A_402, %swap3A_403], %swap3A_406 {strides = array<i32>} : memref<128x128xf32, #tpu.memory_space<vmem>>, vector<1x16xf32>,
      %swap3A_407 = arith.constant 0 : i32
      %swap3A_408 = arith.constant 0 : i32
      %swap3A_409 = tpu.memref_slice %arg8[%scan3A, %swap3A_407, %swap3A_408] : memref<2x128x128xf32, #tpu.memory_space<vmem>> -> memref<1x128x128xf32, #tpu.memory_space<vmem>>
      %swap3A_410 = tpu.memref_squeeze %swap3A_409 : memref<1x128x128xf32, #tpu.memory_space<vmem>> -> memref<128x128xf32, #tpu.memory_space<vmem>>
      %swap3A_411 = arith.index_cast %scan3A_351 : i32 to index
      %swap3A_412 = arith.constant 96 : index
      %swap3A_413 = tpu.vector_load %swap3A_410[%swap3A_411, %swap3A_412] {strides = array<i32>} : memref<128x128xf32, #tpu.memory_space<vmem>>, vector<1x16xf32>,
      %swap3A_414 = vector.shape_cast %swap3A_413 : vector<1x16xf32> to vector<16xf32>
      %swap3A_415 = vector.shape_cast %broadcast_in_dim3A_4 : vector<16xf32> to vector<1x16xf32>
      tpu.vector_store %swap3A_410[%swap3A_411, %swap3A_412], %swap3A_415 {strides = array<i32>} : memref<128x128xf32, #tpu.memory_space<vmem>>, vector<1x16xf32>,
      %swap3A_416 = arith.constant 0 : i32
      %swap3A_417 = arith.constant 0 : i32
      %swap3A_418 = tpu.memref_slice %arg8[%scan3A, %swap3A_416, %swap3A_417] : memref<2x128x128xf32, #tpu.memory_space<vmem>> -> memref<1x128x128xf32, #tpu.memory_space<vmem>>
      %swap3A_419 = tpu.memref_squeeze %swap3A_418 : memref<1x128x128xf32, #tpu.memory_space<vmem>> -> memref<128x128xf32, #tpu.memory_space<vmem>>
      %swap3A_420 = arith.index_cast %scan3A_351 : i32 to index
      %swap3A_421 = arith.constant 112 : index
      %swap3A_422 = tpu.vector_load %swap3A_419[%swap3A_420, %swap3A_421] {strides = array<i32>} : memref<128x128xf32, #tpu.memory_space<vmem>>, vector<1x16xf32>,
      %swap3A_423 = vector.shape_cast %swap3A_422 : vector<1x16xf32> to vector<16xf32>
      %swap3A_424 = vector.shape_cast %broadcast_in_dim3A_4 : vector<16xf32> to vector<1x16xf32>
      tpu.vector_store %swap3A_419[%swap3A_420, %swap3A_421], %swap3A_424 {strides = array<i32>} : memref<128x128xf32, #tpu.memory_space<vmem>>, vector<1x16xf32>,
      %scan3A_425 = arith.constant 0 : i32
      scf.yield %scan3A_425 : i32
    }
    %scan3A_11 = arith.constant 128 : i32
    %scan3A_12 = arith.constant 0 : i32
    %scan3A_13 = arith.constant 0 : i32
    %scan3A_14 = arith.constant 40 : i32
    %scan3A_15 = arith.addi %scan3A_13, %scan3A_14 : i32
    %scan3A_16 = arith.constant 1 : i32
    %scan3A_17 = scf.for %scan3A_351 = %scan3A_13 to %scan3A_15 step %scan3A_16 iter_args(%scan3A_352 = %scan3A_12) -> (i32)  : i32 {
      %mul3A_353 = arith.constant 16 : i32
      %mul3A_354 = arith.muli %scan3A_351, %mul3A_353 : i32
      %swap3A_355 = arith.index_cast %mul3A_354 : i32 to index
      %swap3A_356 = tpu.vector_load %arg11[%swap3A_355] {strides = array<i32>} : memref<1024xf32, #tpu.memory_space<vmem>>, vector<16xf32>,
      %swap3A_357 = vector.shape_cast %swap3A_356 : vector<16xf32> to vector<16xf32>
      %swap3A_358 = vector.shape_cast %broadcast_in_dim3A_0 : vector<16xf32> to vector<16xf32>
      tpu.vector_store %arg11[%swap3A_355], %swap3A_358 {strides = array<i32>} : memref<1024xf32, #tpu.memory_space<vmem>>, vector<16xf32>,
      %scan3A_359 = arith.constant 0 : i32
      scf.yield %scan3A_359 : i32
    }
    %scan3A_18 = arith.constant 40 : i32
    %swap3A = arith.constant 0 : index
    %swap3A_19 = tpu.vector_load %arg10[%swap3A] {strides = array<i32>} : memref<128xf32, #tpu.memory_space<vmem>>, vector<16xf32>,
    %swap3A_20 = vector.shape_cast %swap3A_19 : vector<16xf32> to vector<16xf32>
    %swap3A_21 = vector.shape_cast %broadcast_in_dim3A_2 : vector<16xf32> to vector<16xf32>
    tpu.vector_store %arg10[%swap3A], %swap3A_21 {strides = array<i32>} : memref<128xf32, #tpu.memory_space<vmem>>, vector<16xf32>,
    %swap3A_22 = arith.constant 16 : index
    %swap3A_23 = tpu.vector_load %arg10[%swap3A_22] {strides = array<i32>} : memref<128xf32, #tpu.memory_space<vmem>>, vector<16xf32>,
    %swap3A_24 = vector.shape_cast %swap3A_23 : vector<16xf32> to vector<16xf32>
    %swap3A_25 = vector.shape_cast %broadcast_in_dim3A_2 : vector<16xf32> to vector<16xf32>
    tpu.vector_store %arg10[%swap3A_22], %swap3A_25 {strides = array<i32>} : memref<128xf32, #tpu.memory_space<vmem>>, vector<16xf32>,
    %swap3A_26 = arith.constant 32 : index
    %swap3A_27 = tpu.vector_load %arg10[%swap3A_26] {strides = array<i32>} : memref<128xf32, #tpu.memory_space<vmem>>, vector<16xf32>,
    %swap3A_28 = vector.shape_cast %swap3A_27 : vector<16xf32> to vector<16xf32>
    %swap3A_29 = vector.shape_cast %broadcast_in_dim3A_2 : vector<16xf32> to vector<16xf32>
    tpu.vector_store %arg10[%swap3A_26], %swap3A_29 {strides = array<i32>} : memref<128xf32, #tpu.memory_space<vmem>>, vector<16xf32>,
    %swap3A_30 = arith.constant 48 : index
    %swap3A_31 = tpu.vector_load %arg10[%swap3A_30] {strides = array<i32>} : memref<128xf32, #tpu.memory_space<vmem>>, vector<16xf32>,
    %swap3A_32 = vector.shape_cast %swap3A_31 : vector<16xf32> to vector<16xf32>
    %swap3A_33 = vector.shape_cast %broadcast_in_dim3A_2 : vector<16xf32> to vector<16xf32>
    tpu.vector_store %arg10[%swap3A_30], %swap3A_33 {strides = array<i32>} : memref<128xf32, #tpu.memory_space<vmem>>, vector<16xf32>,
    %swap3A_34 = arith.constant 64 : index
    %swap3A_35 = tpu.vector_load %arg10[%swap3A_34] {strides = array<i32>} : memref<128xf32, #tpu.memory_space<vmem>>, vector<16xf32>,
    %swap3A_36 = vector.shape_cast %swap3A_35 : vector<16xf32> to vector<16xf32>
    %swap3A_37 = vector.shape_cast %broadcast_in_dim3A_2 : vector<16xf32> to vector<16xf32>
    tpu.vector_store %arg10[%swap3A_34], %swap3A_37 {strides = array<i32>} : memref<128xf32, #tpu.memory_space<vmem>>, vector<16xf32>,
    %swap3A_38 = arith.constant 80 : index
    %swap3A_39 = tpu.vector_load %arg10[%swap3A_38] {strides = array<i32>} : memref<128xf32, #tpu.memory_space<vmem>>, vector<16xf32>,
    %swap3A_40 = vector.shape_cast %swap3A_39 : vector<16xf32> to vector<16xf32>
    %swap3A_41 = vector.shape_cast %broadcast_in_dim3A_2 : vector<16xf32> to vector<16xf32>
    tpu.vector_store %arg10[%swap3A_38], %swap3A_41 {strides = array<i32>} : memref<128xf32, #tpu.memory_space<vmem>>, vector<16xf32>,
    %swap3A_42 = arith.constant 96 : index
    %swap3A_43 = tpu.vector_load %arg10[%swap3A_42] {strides = array<i32>} : memref<128xf32, #tpu.memory_space<vmem>>, vector<16xf32>,
    %swap3A_44 = vector.shape_cast %swap3A_43 : vector<16xf32> to vector<16xf32>
    %swap3A_45 = vector.shape_cast %broadcast_in_dim3A_2 : vector<16xf32> to vector<16xf32>
    tpu.vector_store %arg10[%swap3A_42], %swap3A_45 {strides = array<i32>} : memref<128xf32, #tpu.memory_space<vmem>>, vector<16xf32>,
    %swap3A_46 = arith.constant 112 : index
    %swap3A_47 = tpu.vector_load %arg10[%swap3A_46] {strides = array<i32>} : memref<128xf32, #tpu.memory_space<vmem>>, vector<16xf32>,
    %swap3A_48 = vector.shape_cast %swap3A_47 : vector<16xf32> to vector<16xf32>
    %swap3A_49 = vector.shape_cast %broadcast_in_dim3A_2 : vector<16xf32> to vector<16xf32>
    tpu.vector_store %arg10[%swap3A_46], %swap3A_49 {strides = array<i32>} : memref<128xf32, #tpu.memory_space<vmem>>, vector<16xf32>,
    %mul3A = arith.constant 640 : i32
    %mul3A_50 = arith.muli %arg1, %mul3A : i32
    %add3A = arith.constant 0 : i32
    %add3A_51 = arith.addi %mul3A_50, %add3A : i32
    %run_scoped3A = arith.constant 0 : i32
    "tpu.region"() ({
      %run_scoped3A_351 = tpu.sem_alloc : memref<!tpu.dma_semaphore, #tpu.memory_space<semaphore_mem>>
      %dma_start3A = arith.constant 0 : i32
      %dma_start3A_352 = arith.constant 0 : i32
      %dma_start3A_353 = tpu.memref_slice %arg8[%run_scoped3A, %dma_start3A, %dma_start3A_352] : memref<2x128x128xf32, #tpu.memory_space<vmem>> -> memref<1x128x128xf32, #tpu.memory_space<vmem>>
      %dma_start3A_354 = tpu.memref_squeeze %dma_start3A_353 : memref<1x128x128xf32, #tpu.memory_space<vmem>> -> memref<128x128xf32, #tpu.memory_space<vmem>>
      %dma_start3A_355 = arith.constant 0 : i32
      %dma_start3A_356 = tpu.memref_slice %arg6[%add3A_51, %dma_start3A_355] : memref<10240x128xf32, #tpu.memory_space<vmem_shared>> -> memref<128x128xf32, #tpu.memory_space<vmem_shared>>
      %dma_start3A_357 = arith.constant 0 : i32
      %dma_start3A_358 = tpu.memref_slice %arg6[%add3A_51, %dma_start3A_357] : memref<10240x128xf32, #tpu.memory_space<vmem_shared>> -> memref<128x128xf32, #tpu.memory_space<vmem_shared>>
      %dma_start3A_359 = arith.constant 0 : i32
      %dma_start3A_360 = arith.constant 0 : i32
      %dma_start3A_361 = tpu.memref_slice %arg8[%run_scoped3A, %dma_start3A_359, %dma_start3A_360] : memref<2x128x128xf32, #tpu.memory_space<vmem>> -> memref<1x128x128xf32, #tpu.memory_space<vmem>>
      %dma_start3A_362 = tpu.memref_squeeze %dma_start3A_361 : memref<1x128x128xf32, #tpu.memory_space<vmem>> -> memref<128x128xf32, #tpu.memory_space<vmem>>
      tpu.enqueue_dma source(%dma_start3A_362 : memref<128x128xf32, #tpu.memory_space<vmem>>) target(%dma_start3A_358 : memref<128x128xf32, #tpu.memory_space<vmem_shared>>) target_semaphore(%run_scoped3A_351 : memref<!tpu.dma_semaphore, #tpu.memory_space<semaphore_mem>>)
      %dma_wait3A = arith.constant 0 : i32
      %dma_wait3A_363 = arith.constant 0 : i32
      %dma_wait3A_364 = tpu.memref_slice %arg8[%run_scoped3A, %dma_wait3A, %dma_wait3A_363] : memref<2x128x128xf32, #tpu.memory_space<vmem>> -> memref<1x128x128xf32, #tpu.memory_space<vmem>>
      %dma_wait3A_365 = tpu.memref_squeeze %dma_wait3A_364 : memref<1x128x128xf32, #tpu.memory_space<vmem>> -> memref<128x128xf32, #tpu.memory_space<vmem>>
      %dma_wait3A_366 = arith.constant 0 : i32
      %dma_wait3A_367 = tpu.memref_slice %arg6[%add3A_51, %dma_wait3A_366] : memref<10240x128xf32, #tpu.memory_space<vmem_shared>> -> memref<128x128xf32, #tpu.memory_space<vmem_shared>>
      %dma_wait3A_368 = arith.constant 0 : i32
      %dma_wait3A_369 = tpu.memref_slice %arg6[%add3A_51, %dma_wait3A_368] : memref<10240x128xf32, #tpu.memory_space<vmem_shared>> -> memref<128x128xf32, #tpu.memory_space<vmem_shared>>
      %dma_wait3A_370 = arith.constant 0 : i32
      %dma_wait3A_371 = arith.constant 0 : i32
      %dma_wait3A_372 = tpu.memref_slice %arg8[%run_scoped3A, %dma_wait3A_370, %dma_wait3A_371] : memref<2x128x128xf32, #tpu.memory_space<vmem>> -> memref<1x128x128xf32, #tpu.memory_space<vmem>>
      %dma_wait3A_373 = tpu.memref_squeeze %dma_wait3A_372 : memref<1x128x128xf32, #tpu.memory_space<vmem>> -> memref<128x128xf32, #tpu.memory_space<vmem>>
      tpu.wait_dma2 semaphore(%run_scoped3A_351 : memref<!tpu.dma_semaphore, #tpu.memory_space<semaphore_mem>>) src(%dma_wait3A_373 : memref<128x128xf32, #tpu.memory_space<vmem>>) dst(%dma_wait3A_369 : memref<128x128xf32, #tpu.memory_space<vmem_shared>>)
      tpu.yield
    }) : () -> ()
    %add3A_52 = arith.constant 128 : i32
    %add3A_53 = arith.addi %mul3A_50, %add3A_52 : i32
    %run_scoped3A_54 = arith.constant 0 : i32
    "tpu.region"() ({
      %run_scoped3A_351 = tpu.sem_alloc : memref<!tpu.dma_semaphore, #tpu.memory_space<semaphore_mem>>
      %dma_start3A = arith.constant 0 : i32
      %dma_start3A_352 = arith.constant 0 : i32
      %dma_start3A_353 = tpu.memref_slice %arg8[%run_scoped3A_54, %dma_start3A, %dma_start3A_352] : memref<2x128x128xf32, #tpu.memory_space<vmem>> -> memref<1x128x128xf32, #tpu.memory_space<vmem>>
      %dma_start3A_354 = tpu.memref_squeeze %dma_start3A_353 : memref<1x128x128xf32, #tpu.memory_space<vmem>> -> memref<128x128xf32, #tpu.memory_space<vmem>>
      %dma_start3A_355 = arith.constant 0 : i32
      %dma_start3A_356 = tpu.memref_slice %arg6[%add3A_53, %dma_start3A_355] : memref<10240x128xf32, #tpu.memory_space<vmem_shared>> -> memref<128x128xf32, #tpu.memory_space<vmem_shared>>
      %dma_start3A_357 = arith.constant 0 : i32
      %dma_start3A_358 = tpu.memref_slice %arg6[%add3A_53, %dma_start3A_357] : memref<10240x128xf32, #tpu.memory_space<vmem_shared>> -> memref<128x128xf32, #tpu.memory_space<vmem_shared>>
      %dma_start3A_359 = arith.constant 0 : i32
      %dma_start3A_360 = arith.constant 0 : i32
      %dma_start3A_361 = tpu.memref_slice %arg8[%run_scoped3A_54, %dma_start3A_359, %dma_start3A_360] : memref<2x128x128xf32, #tpu.memory_space<vmem>> -> memref<1x128x128xf32, #tpu.memory_space<vmem>>
      %dma_start3A_362 = tpu.memref_squeeze %dma_start3A_361 : memref<1x128x128xf32, #tpu.memory_space<vmem>> -> memref<128x128xf32, #tpu.memory_space<vmem>>
      tpu.enqueue_dma source(%dma_start3A_362 : memref<128x128xf32, #tpu.memory_space<vmem>>) target(%dma_start3A_358 : memref<128x128xf32, #tpu.memory_space<vmem_shared>>) target_semaphore(%run_scoped3A_351 : memref<!tpu.dma_semaphore, #tpu.memory_space<semaphore_mem>>)
      %dma_wait3A = arith.constant 0 : i32
      %dma_wait3A_363 = arith.constant 0 : i32
      %dma_wait3A_364 = tpu.memref_slice %arg8[%run_scoped3A_54, %dma_wait3A, %dma_wait3A_363] : memref<2x128x128xf32, #tpu.memory_space<vmem>> -> memref<1x128x128xf32, #tpu.memory_space<vmem>>
      %dma_wait3A_365 = tpu.memref_squeeze %dma_wait3A_364 : memref<1x128x128xf32, #tpu.memory_space<vmem>> -> memref<128x128xf32, #tpu.memory_space<vmem>>
      %dma_wait3A_366 = arith.constant 0 : i32
      %dma_wait3A_367 = tpu.memref_slice %arg6[%add3A_53, %dma_wait3A_366] : memref<10240x128xf32, #tpu.memory_space<vmem_shared>> -> memref<128x128xf32, #tpu.memory_space<vmem_shared>>
      %dma_wait3A_368 = arith.constant 0 : i32
      %dma_wait3A_369 = tpu.memref_slice %arg6[%add3A_53, %dma_wait3A_368] : memref<10240x128xf32, #tpu.memory_space<vmem_shared>> -> memref<128x128xf32, #tpu.memory_space<vmem_shared>>
      %dma_wait3A_370 = arith.constant 0 : i32
      %dma_wait3A_371 = arith.constant 0 : i32
      %dma_wait3A_372 = tpu.memref_slice %arg8[%run_scoped3A_54, %dma_wait3A_370, %dma_wait3A_371] : memref<2x128x128xf32, #tpu.memory_space<vmem>> -> memref<1x128x128xf32, #tpu.memory_space<vmem>>
      %dma_wait3A_373 = tpu.memref_squeeze %dma_wait3A_372 : memref<1x128x128xf32, #tpu.memory_space<vmem>> -> memref<128x128xf32, #tpu.memory_space<vmem>>
      tpu.wait_dma2 semaphore(%run_scoped3A_351 : memref<!tpu.dma_semaphore, #tpu.memory_space<semaphore_mem>>) src(%dma_wait3A_373 : memref<128x128xf32, #tpu.memory_space<vmem>>) dst(%dma_wait3A_369 : memref<128x128xf32, #tpu.memory_space<vmem_shared>>)
      tpu.yield
    }) : () -> ()
    %add3A_55 = arith.constant 256 : i32
    %add3A_56 = arith.addi %mul3A_50, %add3A_55 : i32
    %run_scoped3A_57 = arith.constant 0 : i32
    "tpu.region"() ({
      %run_scoped3A_351 = tpu.sem_alloc : memref<!tpu.dma_semaphore, #tpu.memory_space<semaphore_mem>>
      %dma_start3A = arith.constant 0 : i32
      %dma_start3A_352 = arith.constant 0 : i32
      %dma_start3A_353 = tpu.memref_slice %arg8[%run_scoped3A_57, %dma_start3A, %dma_start3A_352] : memref<2x128x128xf32, #tpu.memory_space<vmem>> -> memref<1x128x128xf32, #tpu.memory_space<vmem>>
      %dma_start3A_354 = tpu.memref_squeeze %dma_start3A_353 : memref<1x128x128xf32, #tpu.memory_space<vmem>> -> memref<128x128xf32, #tpu.memory_space<vmem>>
      %dma_start3A_355 = arith.constant 0 : i32
      %dma_start3A_356 = tpu.memref_slice %arg6[%add3A_56, %dma_start3A_355] : memref<10240x128xf32, #tpu.memory_space<vmem_shared>> -> memref<128x128xf32, #tpu.memory_space<vmem_shared>>
      %dma_start3A_357 = arith.constant 0 : i32
      %dma_start3A_358 = tpu.memref_slice %arg6[%add3A_56, %dma_start3A_357] : memref<10240x128xf32, #tpu.memory_space<vmem_shared>> -> memref<128x128xf32, #tpu.memory_space<vmem_shared>>
      %dma_start3A_359 = arith.constant 0 : i32
      %dma_start3A_360 = arith.constant 0 : i32
      %dma_start3A_361 = tpu.memref_slice %arg8[%run_scoped3A_57, %dma_start3A_359, %dma_start3A_360] : memref<2x128x128xf32, #tpu.memory_space<vmem>> -> memref<1x128x128xf32, #tpu.memory_space<vmem>>
      %dma_start3A_362 = tpu.memref_squeeze %dma_start3A_361 : memref<1x128x128xf32, #tpu.memory_space<vmem>> -> memref<128x128xf32, #tpu.memory_space<vmem>>
      tpu.enqueue_dma source(%dma_start3A_362 : memref<128x128xf32, #tpu.memory_space<vmem>>) target(%dma_start3A_358 : memref<128x128xf32, #tpu.memory_space<vmem_shared>>) target_semaphore(%run_scoped3A_351 : memref<!tpu.dma_semaphore, #tpu.memory_space<semaphore_mem>>)
      %dma_wait3A = arith.constant 0 : i32
      %dma_wait3A_363 = arith.constant 0 : i32
      %dma_wait3A_364 = tpu.memref_slice %arg8[%run_scoped3A_57, %dma_wait3A, %dma_wait3A_363] : memref<2x128x128xf32, #tpu.memory_space<vmem>> -> memref<1x128x128xf32, #tpu.memory_space<vmem>>
      %dma_wait3A_365 = tpu.memref_squeeze %dma_wait3A_364 : memref<1x128x128xf32, #tpu.memory_space<vmem>> -> memref<128x128xf32, #tpu.memory_space<vmem>>
      %dma_wait3A_366 = arith.constant 0 : i32
      %dma_wait3A_367 = tpu.memref_slice %arg6[%add3A_56, %dma_wait3A_366] : memref<10240x128xf32, #tpu.memory_space<vmem_shared>> -> memref<128x128xf32, #tpu.memory_space<vmem_shared>>
      %dma_wait3A_368 = arith.constant 0 : i32
      %dma_wait3A_369 = tpu.memref_slice %arg6[%add3A_56, %dma_wait3A_368] : memref<10240x128xf32, #tpu.memory_space<vmem_shared>> -> memref<128x128xf32, #tpu.memory_space<vmem_shared>>
      %dma_wait3A_370 = arith.constant 0 : i32
      %dma_wait3A_371 = arith.constant 0 : i32
      %dma_wait3A_372 = tpu.memref_slice %arg8[%run_scoped3A_57, %dma_wait3A_370, %dma_wait3A_371] : memref<2x128x128xf32, #tpu.memory_space<vmem>> -> memref<1x128x128xf32, #tpu.memory_space<vmem>>
      %dma_wait3A_373 = tpu.memref_squeeze %dma_wait3A_372 : memref<1x128x128xf32, #tpu.memory_space<vmem>> -> memref<128x128xf32, #tpu.memory_space<vmem>>
      tpu.wait_dma2 semaphore(%run_scoped3A_351 : memref<!tpu.dma_semaphore, #tpu.memory_space<semaphore_mem>>) src(%dma_wait3A_373 : memref<128x128xf32, #tpu.memory_space<vmem>>) dst(%dma_wait3A_369 : memref<128x128xf32, #tpu.memory_space<vmem_shared>>)
      tpu.yield
    }) : () -> ()
    %add3A_58 = arith.constant 384 : i32
    %add3A_59 = arith.addi %mul3A_50, %add3A_58 : i32
    %run_scoped3A_60 = arith.constant 0 : i32
    "tpu.region"() ({
      %run_scoped3A_351 = tpu.sem_alloc : memref<!tpu.dma_semaphore, #tpu.memory_space<semaphore_mem>>
      %dma_start3A = arith.constant 0 : i32
      %dma_start3A_352 = arith.constant 0 : i32
      %dma_start3A_353 = tpu.memref_slice %arg8[%run_scoped3A_60, %dma_start3A, %dma_start3A_352] : memref<2x128x128xf32, #tpu.memory_space<vmem>> -> memref<1x128x128xf32, #tpu.memory_space<vmem>>
      %dma_start3A_354 = tpu.memref_squeeze %dma_start3A_353 : memref<1x128x128xf32, #tpu.memory_space<vmem>> -> memref<128x128xf32, #tpu.memory_space<vmem>>
      %dma_start3A_355 = arith.constant 0 : i32
      %dma_start3A_356 = tpu.memref_slice %arg6[%add3A_59, %dma_start3A_355] : memref<10240x128xf32, #tpu.memory_space<vmem_shared>> -> memref<128x128xf32, #tpu.memory_space<vmem_shared>>
      %dma_start3A_357 = arith.constant 0 : i32
      %dma_start3A_358 = tpu.memref_slice %arg6[%add3A_59, %dma_start3A_357] : memref<10240x128xf32, #tpu.memory_space<vmem_shared>> -> memref<128x128xf32, #tpu.memory_space<vmem_shared>>
      %dma_start3A_359 = arith.constant 0 : i32
      %dma_start3A_360 = arith.constant 0 : i32
      %dma_start3A_361 = tpu.memref_slice %arg8[%run_scoped3A_60, %dma_start3A_359, %dma_start3A_360] : memref<2x128x128xf32, #tpu.memory_space<vmem>> -> memref<1x128x128xf32, #tpu.memory_space<vmem>>
      %dma_start3A_362 = tpu.memref_squeeze %dma_start3A_361 : memref<1x128x128xf32, #tpu.memory_space<vmem>> -> memref<128x128xf32, #tpu.memory_space<vmem>>
      tpu.enqueue_dma source(%dma_start3A_362 : memref<128x128xf32, #tpu.memory_space<vmem>>) target(%dma_start3A_358 : memref<128x128xf32, #tpu.memory_space<vmem_shared>>) target_semaphore(%run_scoped3A_351 : memref<!tpu.dma_semaphore, #tpu.memory_space<semaphore_mem>>)
      %dma_wait3A = arith.constant 0 : i32
      %dma_wait3A_363 = arith.constant 0 : i32
      %dma_wait3A_364 = tpu.memref_slice %arg8[%run_scoped3A_60, %dma_wait3A, %dma_wait3A_363] : memref<2x128x128xf32, #tpu.memory_space<vmem>> -> memref<1x128x128xf32, #tpu.memory_space<vmem>>
      %dma_wait3A_365 = tpu.memref_squeeze %dma_wait3A_364 : memref<1x128x128xf32, #tpu.memory_space<vmem>> -> memref<128x128xf32, #tpu.memory_space<vmem>>
      %dma_wait3A_366 = arith.constant 0 : i32
      %dma_wait3A_367 = tpu.memref_slice %arg6[%add3A_59, %dma_wait3A_366] : memref<10240x128xf32, #tpu.memory_space<vmem_shared>> -> memref<128x128xf32, #tpu.memory_space<vmem_shared>>
      %dma_wait3A_368 = arith.constant 0 : i32
      %dma_wait3A_369 = tpu.memref_slice %arg6[%add3A_59, %dma_wait3A_368] : memref<10240x128xf32, #tpu.memory_space<vmem_shared>> -> memref<128x128xf32, #tpu.memory_space<vmem_shared>>
      %dma_wait3A_370 = arith.constant 0 : i32
      %dma_wait3A_371 = arith.constant 0 : i32
      %dma_wait3A_372 = tpu.memref_slice %arg8[%run_scoped3A_60, %dma_wait3A_370, %dma_wait3A_371] : memref<2x128x128xf32, #tpu.memory_space<vmem>> -> memref<1x128x128xf32, #tpu.memory_space<vmem>>
      %dma_wait3A_373 = tpu.memref_squeeze %dma_wait3A_372 : memref<1x128x128xf32, #tpu.memory_space<vmem>> -> memref<128x128xf32, #tpu.memory_space<vmem>>
      tpu.wait_dma2 semaphore(%run_scoped3A_351 : memref<!tpu.dma_semaphore, #tpu.memory_space<semaphore_mem>>) src(%dma_wait3A_373 : memref<128x128xf32, #tpu.memory_space<vmem>>) dst(%dma_wait3A_369 : memref<128x128xf32, #tpu.memory_space<vmem_shared>>)
      tpu.yield
    }) : () -> ()
    %add3A_61 = arith.constant 512 : i32
    %add3A_62 = arith.addi %mul3A_50, %add3A_61 : i32
    %run_scoped3A_63 = arith.constant 0 : i32
    "tpu.region"() ({
      %run_scoped3A_351 = tpu.sem_alloc : memref<!tpu.dma_semaphore, #tpu.memory_space<semaphore_mem>>
      %dma_start3A = arith.constant 0 : i32
      %dma_start3A_352 = arith.constant 0 : i32
      %dma_start3A_353 = tpu.memref_slice %arg8[%run_scoped3A_63, %dma_start3A, %dma_start3A_352] : memref<2x128x128xf32, #tpu.memory_space<vmem>> -> memref<1x128x128xf32, #tpu.memory_space<vmem>>
      %dma_start3A_354 = tpu.memref_squeeze %dma_start3A_353 : memref<1x128x128xf32, #tpu.memory_space<vmem>> -> memref<128x128xf32, #tpu.memory_space<vmem>>
      %dma_start3A_355 = arith.constant 0 : i32
      %dma_start3A_356 = tpu.memref_slice %arg6[%add3A_62, %dma_start3A_355] : memref<10240x128xf32, #tpu.memory_space<vmem_shared>> -> memref<128x128xf32, #tpu.memory_space<vmem_shared>>
      %dma_start3A_357 = arith.constant 0 : i32
      %dma_start3A_358 = tpu.memref_slice %arg6[%add3A_62, %dma_start3A_357] : memref<10240x128xf32, #tpu.memory_space<vmem_shared>> -> memref<128x128xf32, #tpu.memory_space<vmem_shared>>
      %dma_start3A_359 = arith.constant 0 : i32
      %dma_start3A_360 = arith.constant 0 : i32
      %dma_start3A_361 = tpu.memref_slice %arg8[%run_scoped3A_63, %dma_start3A_359, %dma_start3A_360] : memref<2x128x128xf32, #tpu.memory_space<vmem>> -> memref<1x128x128xf32, #tpu.memory_space<vmem>>
      %dma_start3A_362 = tpu.memref_squeeze %dma_start3A_361 : memref<1x128x128xf32, #tpu.memory_space<vmem>> -> memref<128x128xf32, #tpu.memory_space<vmem>>
      tpu.enqueue_dma source(%dma_start3A_362 : memref<128x128xf32, #tpu.memory_space<vmem>>) target(%dma_start3A_358 : memref<128x128xf32, #tpu.memory_space<vmem_shared>>) target_semaphore(%run_scoped3A_351 : memref<!tpu.dma_semaphore, #tpu.memory_space<semaphore_mem>>)
      %dma_wait3A = arith.constant 0 : i32
      %dma_wait3A_363 = arith.constant 0 : i32
      %dma_wait3A_364 = tpu.memref_slice %arg8[%run_scoped3A_63, %dma_wait3A, %dma_wait3A_363] : memref<2x128x128xf32, #tpu.memory_space<vmem>> -> memref<1x128x128xf32, #tpu.memory_space<vmem>>
      %dma_wait3A_365 = tpu.memref_squeeze %dma_wait3A_364 : memref<1x128x128xf32, #tpu.memory_space<vmem>> -> memref<128x128xf32, #tpu.memory_space<vmem>>
      %dma_wait3A_366 = arith.constant 0 : i32
      %dma_wait3A_367 = tpu.memref_slice %arg6[%add3A_62, %dma_wait3A_366] : memref<10240x128xf32, #tpu.memory_space<vmem_shared>> -> memref<128x128xf32, #tpu.memory_space<vmem_shared>>
      %dma_wait3A_368 = arith.constant 0 : i32
      %dma_wait3A_369 = tpu.memref_slice %arg6[%add3A_62, %dma_wait3A_368] : memref<10240x128xf32, #tpu.memory_space<vmem_shared>> -> memref<128x128xf32, #tpu.memory_space<vmem_shared>>
      %dma_wait3A_370 = arith.constant 0 : i32
      %dma_wait3A_371 = arith.constant 0 : i32
      %dma_wait3A_372 = tpu.memref_slice %arg8[%run_scoped3A_63, %dma_wait3A_370, %dma_wait3A_371] : memref<2x128x128xf32, #tpu.memory_space<vmem>> -> memref<1x128x128xf32, #tpu.memory_space<vmem>>
      %dma_wait3A_373 = tpu.memref_squeeze %dma_wait3A_372 : memref<1x128x128xf32, #tpu.memory_space<vmem>> -> memref<128x128xf32, #tpu.memory_space<vmem>>
      tpu.wait_dma2 semaphore(%run_scoped3A_351 : memref<!tpu.dma_semaphore, #tpu.memory_space<semaphore_mem>>) src(%dma_wait3A_373 : memref<128x128xf32, #tpu.memory_space<vmem>>) dst(%dma_wait3A_369 : memref<128x128xf32, #tpu.memory_space<vmem_shared>>)
      tpu.yield
    }) : () -> ()
    "tpu.region"() ({
      %run_scoped3A_351 = tpu.sem_alloc : memref<!tpu.dma_semaphore, #tpu.memory_space<semaphore_mem>>
      %dma_start3A = arith.constant 0 : i32
      %dma_start3A_352 = tpu.memref_slice %arg11[%dma_start3A] : memref<1024xf32, #tpu.memory_space<vmem>> -> memref<640xf32, #tpu.memory_space<vmem>>
      %dma_start3A_353 = tpu.memref_slice %arg7[%mul3A_50] : memref<10240xf32, #tpu.memory_space<vmem_shared>> -> memref<640xf32, #tpu.memory_space<vmem_shared>>
      %dma_start3A_354 = tpu.memref_slice %arg7[%mul3A_50] : memref<10240xf32, #tpu.memory_space<vmem_shared>> -> memref<640xf32, #tpu.memory_space<vmem_shared>>
      %dma_start3A_355 = arith.constant 0 : i32
      %dma_start3A_356 = tpu.memref_slice %arg11[%dma_start3A_355] : memref<1024xf32, #tpu.memory_space<vmem>> -> memref<640xf32, #tpu.memory_space<vmem>>
      tpu.enqueue_dma source(%dma_start3A_356 : memref<640xf32, #tpu.memory_space<vmem>>) target(%dma_start3A_354 : memref<640xf32, #tpu.memory_space<vmem_shared>>) target_semaphore(%run_scoped3A_351 : memref<!tpu.dma_semaphore, #tpu.memory_space<semaphore_mem>>)
      %dma_wait3A = arith.constant 0 : i32
      %dma_wait3A_357 = tpu.memref_slice %arg11[%dma_wait3A] : memref<1024xf32, #tpu.memory_space<vmem>> -> memref<640xf32, #tpu.memory_space<vmem>>
      %dma_wait3A_358 = tpu.memref_slice %arg7[%mul3A_50] : memref<10240xf32, #tpu.memory_space<vmem_shared>> -> memref<640xf32, #tpu.memory_space<vmem_shared>>
      %dma_wait3A_359 = tpu.memref_slice %arg7[%mul3A_50] : memref<10240xf32, #tpu.memory_space<vmem_shared>> -> memref<640xf32, #tpu.memory_space<vmem_shared>>
      %dma_wait3A_360 = arith.constant 0 : i32
      %dma_wait3A_361 = tpu.memref_slice %arg11[%dma_wait3A_360] : memref<1024xf32, #tpu.memory_space<vmem>> -> memref<640xf32, #tpu.memory_space<vmem>>
      tpu.wait_dma2 semaphore(%run_scoped3A_351 : memref<!tpu.dma_semaphore, #tpu.memory_space<semaphore_mem>>) src(%dma_wait3A_361 : memref<640xf32, #tpu.memory_space<vmem>>) dst(%dma_wait3A_359 : memref<640xf32, #tpu.memory_space<vmem_shared>>)
      tpu.yield
    }) : () -> ()
    %barrier3A = arith.constant 0 : index
    tpu.barrier barrier_id(%barrier3A)
    %mul3A_64 = arith.constant 160 : i32
    %mul3A_65 = arith.muli %arg1, %mul3A_64 : i32
    %sub3A = arith.constant 2500 : i32
    %sub3A_66 = arith.subi %sub3A, %mul3A_65 : i32
    %min3A = arith.constant 160 : i32
    %min3A_67 = arith.minsi %min3A, %sub3A_66 : i32
    %max3A = arith.constant 0 : i32
    %max3A_68 = arith.maxsi %max3A, %min3A_67 : i32
    %mul3A_69 = arith.constant 160 : i32
    %mul3A_70 = arith.muli %arg1, %mul3A_69 : i32
    %add3A_71 = arith.constant 0 : i32
    %add3A_72 = arith.addi %mul3A_70, %add3A_71 : i32
    "tpu.region"() ({
      %run_scoped3A_351 = tpu.sem_alloc : memref<!tpu.dma_semaphore, #tpu.memory_space<semaphore_mem>>
      %dma_start3A = arith.constant 0 : i32
      %dma_start3A_352 = arith.constant 0 : i32
      %dma_start3A_353 = tpu.memref_slice %arg3[%arg0, %dma_start3A, %dma_start3A_352] : memref<2x2560x128xi32, #tpu.memory_space<hbm>> -> memref<1x2560x128xi32, #tpu.memory_space<hbm>>
      %dma_start3A_354 = tpu.memref_squeeze %dma_start3A_353 : memref<1x2560x128xi32, #tpu.memory_space<hbm>> -> memref<2560x128xi32, #tpu.memory_space<hbm>>
      %dma_start3A_355 = arith.constant 0 : i32
      %dma_start3A_356 = tpu.memref_slice %dma_start3A_354[%add3A_72, %dma_start3A_355] : memref<2560x128xi32, #tpu.memory_space<hbm>> -> memref<40x128xi32, #tpu.memory_space<hbm>>
      %dma_start3A_357 = arith.constant 0 : i32
      %dma_start3A_358 = arith.constant 0 : i32
      %dma_start3A_359 = tpu.memref_slice %arg3[%arg0, %dma_start3A_357, %dma_start3A_358] : memref<2x2560x128xi32, #tpu.memory_space<hbm>> -> memref<1x2560x128xi32, #tpu.memory_space<hbm>>
      %dma_start3A_360 = tpu.memref_squeeze %dma_start3A_359 : memref<1x2560x128xi32, #tpu.memory_space<hbm>> -> memref<2560x128xi32, #tpu.memory_space<hbm>>
      %dma_start3A_361 = arith.constant 0 : i32
      %dma_start3A_362 = tpu.memref_slice %dma_start3A_360[%add3A_72, %dma_start3A_361] : memref<2560x128xi32, #tpu.memory_space<hbm>> -> memref<40x128xi32, #tpu.memory_space<hbm>>
      tpu.enqueue_dma source(%dma_start3A_362 : memref<40x128xi32, #tpu.memory_space<hbm>>) target(%arg9 : memref<40x128xi32, #tpu.memory_space<vmem>>) target_semaphore(%run_scoped3A_351 : memref<!tpu.dma_semaphore, #tpu.memory_space<semaphore_mem>>)
      %dma_wait3A = arith.constant 0 : i32
      %dma_wait3A_363 = arith.constant 0 : i32
      %dma_wait3A_364 = tpu.memref_slice %arg3[%arg0, %dma_wait3A, %dma_wait3A_363] : memref<2x2560x128xi32, #tpu.memory_space<hbm>> -> memref<1x2560x128xi32, #tpu.memory_space<hbm>>
      %dma_wait3A_365 = tpu.memref_squeeze %dma_wait3A_364 : memref<1x2560x128xi32, #tpu.memory_space<hbm>> -> memref<2560x128xi32, #tpu.memory_space<hbm>>
      %dma_wait3A_366 = arith.constant 0 : i32
      %dma_wait3A_367 = tpu.memref_slice %dma_wait3A_365[%add3A_72, %dma_wait3A_366] : memref<2560x128xi32, #tpu.memory_space<hbm>> -> memref<40x128xi32, #tpu.memory_space<hbm>>
      %dma_wait3A_368 = arith.constant 0 : i32
      %dma_wait3A_369 = arith.constant 0 : i32
      %dma_wait3A_370 = tpu.memref_slice %arg3[%arg0, %dma_wait3A_368, %dma_wait3A_369] : memref<2x2560x128xi32, #tpu.memory_space<hbm>> -> memref<1x2560x128xi32, #tpu.memory_space<hbm>>
      %dma_wait3A_371 = tpu.memref_squeeze %dma_wait3A_370 : memref<1x2560x128xi32, #tpu.memory_space<hbm>> -> memref<2560x128xi32, #tpu.memory_space<hbm>>
      %dma_wait3A_372 = arith.constant 0 : i32
      %dma_wait3A_373 = tpu.memref_slice %dma_wait3A_371[%add3A_72, %dma_wait3A_372] : memref<2560x128xi32, #tpu.memory_space<hbm>> -> memref<40x128xi32, #tpu.memory_space<hbm>>
      tpu.wait_dma2 semaphore(%run_scoped3A_351 : memref<!tpu.dma_semaphore, #tpu.memory_space<semaphore_mem>>) src(%dma_wait3A_373 : memref<40x128xi32, #tpu.memory_space<hbm>>) dst(%arg9 : memref<40x128xi32, #tpu.memory_space<vmem>>)
      tpu.yield
    }) : () -> ()
    %sub3A_73 = arith.constant 0 : i32
    %sub3A_74 = arith.subi %max3A_68, %sub3A_73 : i32
    %min3A_75 = arith.constant 40 : i32
    %min3A_76 = arith.minsi %min3A_75, %sub3A_74 : i32
    %max3A_77 = arith.constant 0 : i32
    %max3A_78 = arith.maxsi %max3A_77, %min3A_76 : i32
    %mul3A_79 = arith.constant 160 : i32
    %mul3A_80 = arith.muli %arg1, %mul3A_79 : i32
    %add3A_81 = arith.constant 0 : i32
    %add3A_82 = arith.addi %mul3A_80, %add3A_81 : i32
    %gt3A = arith.constant 0 : i32
    %gt3A_83 = arith.cmpi sgt, %max3A_78, %gt3A : i32
    %convert_element_type3A = arith.extui %gt3A_83 : i1 to i32
    %cond3A = arith.constant 0 : i32
    %cond3A_84 = arith.cmpi ne, %convert_element_type3A, %cond3A : i32
    scf.if %cond3A_84 {
      %add3A_351 = arith.constant 0 : i32
      %add3A_352 = arith.addi %add3A_82, %add3A_351 : i32
      %mul3A_353 = arith.constant 128 : i32
      %mul3A_354 = arith.muli %add3A_352, %mul3A_353 : i32
      %dma_start3A = arith.constant 0 : i32
      %dma_start3A_355 = arith.constant 0 : i32
      %dma_start3A_356 = arith.constant 0 : i32
      %dma_start3A_357 = tpu.memref_slice %arg8[%dma_start3A, %dma_start3A_355, %dma_start3A_356] : memref<2x128x128xf32, #tpu.memory_space<vmem>> -> memref<1x128x128xf32, #tpu.memory_space<vmem>>
      %dma_start3A_358 = tpu.memref_squeeze %dma_start3A_357 : memref<1x128x128xf32, #tpu.memory_space<vmem>> -> memref<128x128xf32, #tpu.memory_space<vmem>>
      %dma_start3A_359 = arith.constant 0 : i32
      %dma_start3A_360 = tpu.memref_slice %arg2[%mul3A_354, %dma_start3A_359] : memref<320000x128xf32, #tpu.memory_space<hbm>> -> memref<128x128xf32, #tpu.memory_space<hbm>>
      %dma_start3A_361 = arith.constant 0 : i32
      %dma_start3A_362 = arith.constant 0 : i32
      %dma_start3A_363 = tpu.memref_slice %arg8[%dma_start3A, %dma_start3A_361, %dma_start3A_362] : memref<2x128x128xf32, #tpu.memory_space<vmem>> -> memref<1x128x128xf32, #tpu.memory_space<vmem>>
      %dma_start3A_364 = tpu.memref_squeeze %dma_start3A_363 : memref<1x128x128xf32, #tpu.memory_space<vmem>> -> memref<128x128xf32, #tpu.memory_space<vmem>>
      %dma_start3A_365 = arith.constant 0 : i32
      %dma_start3A_366 = tpu.memref_slice %arg2[%mul3A_354, %dma_start3A_365] : memref<320000x128xf32, #tpu.memory_space<hbm>> -> memref<128x128xf32, #tpu.memory_space<hbm>>
      tpu.enqueue_dma source(%dma_start3A_366 : memref<128x128xf32, #tpu.memory_space<hbm>>) target(%dma_start3A_364 : memref<128x128xf32, #tpu.memory_space<vmem>>) target_semaphore(%arg13 : memref<!tpu.dma_semaphore, #tpu.memory_space<semaphore_mem>>)
    } else {
    }
    %jit3A = arith.constant 2 : i32
    %div3A = arith.divsi %max3A_78, %jit3A : i32
    %sign3A = arith.constant 0 : i32
    %sign3A_85 = arith.cmpi sgt, %max3A_78, %sign3A : i32
    %sign3A_86 = arith.extui %sign3A_85 : i1 to i32
    %sign3A_87 = arith.constant 0 : i32
    %sign3A_88 = arith.cmpi slt, %max3A_78, %sign3A_87 : i32
    %sign3A_89 = arith.extui %sign3A_88 : i1 to i32
    %sign3A_90 = arith.subi %sign3A_86, %sign3A_89 : i32
    %sign3A_91 = arith.constant 0 : i32
    %sign3A_92 = arith.cmpi sgt, %jit3A, %sign3A_91 : i32
    %sign3A_93 = arith.extui %sign3A_92 : i1 to i32
    %sign3A_94 = arith.constant 0 : i32
    %sign3A_95 = arith.cmpi slt, %jit3A, %sign3A_94 : i32
    %sign3A_96 = arith.extui %sign3A_95 : i1 to i32
    %sign3A_97 = arith.subi %sign3A_93, %sign3A_96 : i32
    %ne3A = arith.cmpi ne, %sign3A_90, %sign3A_97 : i32
    %rem3A = arith.remsi %max3A_78, %jit3A : i32
    %ne3A_98 = arith.constant 0 : i32
    %ne3A_99 = arith.cmpi ne, %rem3A, %ne3A_98 : i32
    %and3A = arith.andi %ne3A, %ne3A_99 : i1
    %sub3A_100 = arith.constant 1 : i32
    %sub3A_101 = arith.subi %div3A, %sub3A_100 : i32
    %select_n3A = arith.select %and3A, %sub3A_101, %div3A : i32
    %while3A = arith.constant 0 : i32
    %while3A_102 = arith.constant 0 : i32
    %while3A_103 = arith.subi %select_n3A, %while3A : i32
    %while3A_104 = arith.addi %while3A, %while3A_103 : i32
    %while3A_105 = arith.constant 1 : i32
    %while3A_106 = arith.divsi %while3A_103, %while3A_105 : i32
    %while3A_107 = arith.muli %while3A_106, %while3A_105 : i32
    %while3A_108 = arith.addi %while3A, %while3A_107 : i32
    %while3A_109 = arith.constant 1 : i32
    %while3A_110 = scf.for %while3A_351 = %while3A to %while3A_108 step %while3A_109 iter_args(%while3A_352 = %while3A_102) -> (i32)  : i32 {
      %mul3A_353 = arith.constant 2 : i32
      %mul3A_354 = arith.muli %mul3A_353, %while3A_351 : i32
      %add3A_355 = arith.constant 0 : i32
      %add3A_356 = arith.addi %mul3A_354, %add3A_355 : i32
      %add3A_357 = arith.addi %add3A_82, %add3A_356 : i32
      %mul3A_358 = arith.constant 128 : i32
      %mul3A_359 = arith.muli %add3A_357, %mul3A_358 : i32
      %dma_wait3A = arith.constant 0 : i32
      %dma_wait3A_360 = arith.constant 0 : i32
      %dma_wait3A_361 = arith.constant 0 : i32
      %dma_wait3A_362 = tpu.memref_slice %arg8[%dma_wait3A, %dma_wait3A_360, %dma_wait3A_361] : memref<2x128x128xf32, #tpu.memory_space<vmem>> -> memref<1x128x128xf32, #tpu.memory_space<vmem>>
      %dma_wait3A_363 = tpu.memref_squeeze %dma_wait3A_362 : memref<1x128x128xf32, #tpu.memory_space<vmem>> -> memref<128x128xf32, #tpu.memory_space<vmem>>
      %dma_wait3A_364 = arith.constant 0 : i32
      %dma_wait3A_365 = tpu.memref_slice %arg2[%mul3A_359, %dma_wait3A_364] : memref<320000x128xf32, #tpu.memory_space<hbm>> -> memref<128x128xf32, #tpu.memory_space<hbm>>
      %dma_wait3A_366 = arith.constant 0 : i32
      %dma_wait3A_367 = arith.constant 0 : i32
      %dma_wait3A_368 = tpu.memref_slice %arg8[%dma_wait3A, %dma_wait3A_366, %dma_wait3A_367] : memref<2x128x128xf32, #tpu.memory_space<vmem>> -> memref<1x128x128xf32, #tpu.memory_space<vmem>>
      %dma_wait3A_369 = tpu.memref_squeeze %dma_wait3A_368 : memref<1x128x128xf32, #tpu.memory_space<vmem>> -> memref<128x128xf32, #tpu.memory_space<vmem>>
      %dma_wait3A_370 = arith.constant 0 : i32
      %dma_wait3A_371 = tpu.memref_slice %arg2[%mul3A_359, %dma_wait3A_370] : memref<320000x128xf32, #tpu.memory_space<hbm>> -> memref<128x128xf32, #tpu.memory_space<hbm>>
      tpu.wait_dma2 semaphore(%arg13 : memref<!tpu.dma_semaphore, #tpu.memory_space<semaphore_mem>>) src(%dma_wait3A_371 : memref<128x128xf32, #tpu.memory_space<hbm>>) dst(%dma_wait3A_369 : memref<128x128xf32, #tpu.memory_space<vmem>>)
      %dma_start3A = arith.constant 0 : i32
      %dma_start3A_372 = arith.constant 0 : i32
      %dma_start3A_373 = arith.constant 0 : i32
      %dma_start3A_374 = tpu.memref_slice %arg8[%dma_start3A, %dma_start3A_372, %dma_start3A_373] : memref<2x128x128xf32, #tpu.memory_space<vmem>> -> memref<1x128x128xf32, #tpu.memory_space<vmem>>
      %dma_start3A_375 = tpu.memref_squeeze %dma_start3A_374 : memref<1x128x128xf32, #tpu.memory_space<vmem>> -> memref<128x128xf32, #tpu.memory_space<vmem>>
      %dma_start3A_376 = arith.constant 0 : i32
      %dma_start3A_377 = tpu.memref_slice %arg9[%add3A_356, %dma_start3A_376] : memref<40x128xi32, #tpu.memory_space<vmem>> -> memref<1x128xi32, #tpu.memory_space<vmem>>
      %dma_start3A_378 = tpu.memref_squeeze %dma_start3A_377 : memref<1x128xi32, #tpu.memory_space<vmem>> -> memref<128xi32, #tpu.memory_space<vmem>>
      %dma_start3A_379 = arith.constant 0 : i32
      %dma_start3A_380 = arith.constant 0 : i32
      %dma_start3A_381 = tpu.memref_slice %arg6[%dma_start3A_379, %dma_start3A_380] : memref<10240x128xf32, #tpu.memory_space<vmem_shared>> -> memref<10240x128xf32, #tpu.memory_space<vmem_shared>>
      tpu.enqueue_indirect_dma source(%dma_start3A_375 : memref<128x128xf32, #tpu.memory_space<vmem>>) target(%dma_start3A_381 : memref<10240x128xf32, #tpu.memory_space<vmem_shared>>) offsets(%dma_start3A_378 : memref<128xi32, #tpu.memory_space<vmem>>) semaphore(%arg14 : memref<!tpu.dma_semaphore, #tpu.memory_space<semaphore_mem>>) {add = true}
      %dma_start3A_382 = arith.constant 0 : i32
      %dma_start3A_383 = tpu.memref_slice %arg9[%add3A_356, %dma_start3A_382] : memref<40x128xi32, #tpu.memory_space<vmem>> -> memref<1x128xi32, #tpu.memory_space<vmem>>
      %dma_start3A_384 = tpu.memref_squeeze %dma_start3A_383 : memref<1x128xi32, #tpu.memory_space<vmem>> -> memref<128xi32, #tpu.memory_space<vmem>>
      %dma_start3A_385 = arith.constant 0 : i32
      %dma_start3A_386 = tpu.memref_slice %arg7[%dma_start3A_385] : memref<10240xf32, #tpu.memory_space<vmem_shared>> -> memref<10240xf32, #tpu.memory_space<vmem_shared>>
      tpu.enqueue_indirect_dma source(%arg10 : memref<128xf32, #tpu.memory_space<vmem>>) target(%dma_start3A_386 : memref<10240xf32, #tpu.memory_space<vmem_shared>>) offsets(%dma_start3A_384 : memref<128xi32, #tpu.memory_space<vmem>>) semaphore(%arg15 : memref<!tpu.dma_semaphore, #tpu.memory_space<semaphore_mem>>) {add = true}
      %gt3A_387 = arith.constant 0 : i32
      %gt3A_388 = arith.cmpi sgt, %add3A_356, %gt3A_387 : i32
      %convert_element_type3A_389 = arith.extui %gt3A_388 : i1 to i32
      %cond3A_390 = arith.constant 0 : i32
      %cond3A_391 = arith.cmpi ne, %convert_element_type3A_389, %cond3A_390 : i32
      scf.if %cond3A_391 {
        %sub3A_446 = arith.constant 1 : i32
        %sub3A_447 = arith.subi %add3A_356, %sub3A_446 : i32
        %dma_wait3A_448 = arith.constant 1 : i32
        %dma_wait3A_449 = arith.constant 0 : i32
        %dma_wait3A_450 = arith.constant 0 : i32
        %dma_wait3A_451 = tpu.memref_slice %arg8[%dma_wait3A_448, %dma_wait3A_449, %dma_wait3A_450] : memref<2x128x128xf32, #tpu.memory_space<vmem>> -> memref<1x128x128xf32, #tpu.memory_space<vmem>>
        %dma_wait3A_452 = tpu.memref_squeeze %dma_wait3A_451 : memref<1x128x128xf32, #tpu.memory_space<vmem>> -> memref<128x128xf32, #tpu.memory_space<vmem>>
        %dma_wait3A_453 = arith.constant 0 : i32
        %dma_wait3A_454 = tpu.memref_slice %arg9[%sub3A_447, %dma_wait3A_453] : memref<40x128xi32, #tpu.memory_space<vmem>> -> memref<1x128xi32, #tpu.memory_space<vmem>>
        %dma_wait3A_455 = tpu.memref_squeeze %dma_wait3A_454 : memref<1x128xi32, #tpu.memory_space<vmem>> -> memref<128xi32, #tpu.memory_space<vmem>>
        %dma_wait3A_456 = arith.constant 0 : i32
        %dma_wait3A_457 = arith.constant 0 : i32
        %dma_wait3A_458 = tpu.memref_slice %arg6[%dma_wait3A_456, %dma_wait3A_457] : memref<10240x128xf32, #tpu.memory_space<vmem_shared>> -> memref<10240x128xf32, #tpu.memory_space<vmem_shared>>
        tpu.wait_indirect_dma semaphore(%arg14 : memref<!tpu.dma_semaphore, #tpu.memory_space<semaphore_mem>>) src(%dma_wait3A_452 : memref<128x128xf32, #tpu.memory_space<vmem>>) dst(%dma_wait3A_458 : memref<10240x128xf32, #tpu.memory_space<vmem_shared>>)
      } else {
      }
      %add3A_392 = arith.constant 1 : i32
      %add3A_393 = arith.addi %add3A_356, %add3A_392 : i32
      %lt3A_394 = arith.cmpi slt, %add3A_393, %max3A_78 : i32
      %convert_element_type3A_395 = arith.extui %lt3A_394 : i1 to i32
      %cond3A_396 = arith.constant 0 : i32
      %cond3A_397 = arith.cmpi ne, %convert_element_type3A_395, %cond3A_396 : i32
      scf.if %cond3A_397 {
        %add3A_446 = arith.constant 1 : i32
        %add3A_447 = arith.addi %add3A_356, %add3A_446 : i32
        %add3A_448 = arith.addi %add3A_82, %add3A_447 : i32
        %mul3A_449 = arith.constant 128 : i32
        %mul3A_450 = arith.muli %add3A_448, %mul3A_449 : i32
        %dma_start3A_451 = arith.constant 1 : i32
        %dma_start3A_452 = arith.constant 0 : i32
        %dma_start3A_453 = arith.constant 0 : i32
        %dma_start3A_454 = tpu.memref_slice %arg8[%dma_start3A_451, %dma_start3A_452, %dma_start3A_453] : memref<2x128x128xf32, #tpu.memory_space<vmem>> -> memref<1x128x128xf32, #tpu.memory_space<vmem>>
        %dma_start3A_455 = tpu.memref_squeeze %dma_start3A_454 : memref<1x128x128xf32, #tpu.memory_space<vmem>> -> memref<128x128xf32, #tpu.memory_space<vmem>>
        %dma_start3A_456 = arith.constant 0 : i32
        %dma_start3A_457 = tpu.memref_slice %arg2[%mul3A_450, %dma_start3A_456] : memref<320000x128xf32, #tpu.memory_space<hbm>> -> memref<128x128xf32, #tpu.memory_space<hbm>>
        %dma_start3A_458 = arith.constant 0 : i32
        %dma_start3A_459 = arith.constant 0 : i32
        %dma_start3A_460 = tpu.memref_slice %arg8[%dma_start3A_451, %dma_start3A_458, %dma_start3A_459] : memref<2x128x128xf32, #tpu.memory_space<vmem>> -> memref<1x128x128xf32, #tpu.memory_space<vmem>>
        %dma_start3A_461 = tpu.memref_squeeze %dma_start3A_460 : memref<1x128x128xf32, #tpu.memory_space<vmem>> -> memref<128x128xf32, #tpu.memory_space<vmem>>
        %dma_start3A_462 = arith.constant 0 : i32
        %dma_start3A_463 = tpu.memref_slice %arg2[%mul3A_450, %dma_start3A_462] : memref<320000x128xf32, #tpu.memory_space<hbm>> -> memref<128x128xf32, #tpu.memory_space<hbm>>
        tpu.enqueue_dma source(%dma_start3A_463 : memref<128x128xf32, #tpu.memory_space<hbm>>) target(%dma_start3A_461 : memref<128x128xf32, #tpu.memory_space<vmem>>) target_semaphore(%arg13 : memref<!tpu.dma_semaphore, #tpu.memory_space<semaphore_mem>>)
      } else {
      }
      %mul3A_398 = arith.constant 2 : i32
      %mul3A_399 = arith.muli %mul3A_398, %while3A_351 : i32
      %add3A_400 = arith.constant 1 : i32
      %add3A_401 = arith.addi %mul3A_399, %add3A_400 : i32
      %add3A_402 = arith.addi %add3A_82, %add3A_401 : i32
      %mul3A_403 = arith.constant 128 : i32
      %mul3A_404 = arith.muli %add3A_402, %mul3A_403 : i32
      %dma_wait3A_405 = arith.constant 1 : i32
      %dma_wait3A_406 = arith.constant 0 : i32
      %dma_wait3A_407 = arith.constant 0 : i32
      %dma_wait3A_408 = tpu.memref_slice %arg8[%dma_wait3A_405, %dma_wait3A_406, %dma_wait3A_407] : memref<2x128x128xf32, #tpu.memory_space<vmem>> -> memref<1x128x128xf32, #tpu.memory_space<vmem>>
      %dma_wait3A_409 = tpu.memref_squeeze %dma_wait3A_408 : memref<1x128x128xf32, #tpu.memory_space<vmem>> -> memref<128x128xf32, #tpu.memory_space<vmem>>
      %dma_wait3A_410 = arith.constant 0 : i32
      %dma_wait3A_411 = tpu.memref_slice %arg2[%mul3A_404, %dma_wait3A_410] : memref<320000x128xf32, #tpu.memory_space<hbm>> -> memref<128x128xf32, #tpu.memory_space<hbm>>
      %dma_wait3A_412 = arith.constant 0 : i32
      %dma_wait3A_413 = arith.constant 0 : i32
      %dma_wait3A_414 = tpu.memref_slice %arg8[%dma_wait3A_405, %dma_wait3A_412, %dma_wait3A_413] : memref<2x128x128xf32, #tpu.memory_space<vmem>> -> memref<1x128x128xf32, #tpu.memory_space<vmem>>
      %dma_wait3A_415 = tpu.memref_squeeze %dma_wait3A_414 : memref<1x128x128xf32, #tpu.memory_space<vmem>> -> memref<128x128xf32, #tpu.memory_space<vmem>>
      %dma_wait3A_416 = arith.constant 0 : i32
      %dma_wait3A_417 = tpu.memref_slice %arg2[%mul3A_404, %dma_wait3A_416] : memref<320000x128xf32, #tpu.memory_space<hbm>> -> memref<128x128xf32, #tpu.memory_space<hbm>>
      tpu.wait_dma2 semaphore(%arg13 : memref<!tpu.dma_semaphore, #tpu.memory_space<semaphore_mem>>) src(%dma_wait3A_417 : memref<128x128xf32, #tpu.memory_space<hbm>>) dst(%dma_wait3A_415 : memref<128x128xf32, #tpu.memory_space<vmem>>)
      %dma_start3A_418 = arith.constant 1 : i32
      %dma_start3A_419 = arith.constant 0 : i32
      %dma_start3A_420 = arith.constant 0 : i32
      %dma_start3A_421 = tpu.memref_slice %arg8[%dma_start3A_418, %dma_start3A_419, %dma_start3A_420] : memref<2x128x128xf32, #tpu.memory_space<vmem>> -> memref<1x128x128xf32, #tpu.memory_space<vmem>>
      %dma_start3A_422 = tpu.memref_squeeze %dma_start3A_421 : memref<1x128x128xf32, #tpu.memory_space<vmem>> -> memref<128x128xf32, #tpu.memory_space<vmem>>
      %dma_start3A_423 = arith.constant 0 : i32
      %dma_start3A_424 = tpu.memref_slice %arg9[%add3A_401, %dma_start3A_423] : memref<40x128xi32, #tpu.memory_space<vmem>> -> memref<1x128xi32, #tpu.memory_space<vmem>>
      %dma_start3A_425 = tpu.memref_squeeze %dma_start3A_424 : memref<1x128xi32, #tpu.memory_space<vmem>> -> memref<128xi32, #tpu.memory_space<vmem>>
      %dma_start3A_426 = arith.constant 0 : i32
      %dma_start3A_427 = arith.constant 0 : i32
      %dma_start3A_428 = tpu.memref_slice %arg6[%dma_start3A_426, %dma_start3A_427] : memref<10240x128xf32, #tpu.memory_space<vmem_shared>> -> memref<10240x128xf32, #tpu.memory_space<vmem_shared>>
      tpu.enqueue_indirect_dma source(%dma_start3A_422 : memref<128x128xf32, #tpu.memory_space<vmem>>) target(%dma_start3A_428 : memref<10240x128xf32, #tpu.memory_space<vmem_shared>>) offsets(%dma_start3A_425 : memref<128xi32, #tpu.memory_space<vmem>>) semaphore(%arg14 : memref<!tpu.dma_semaphore, #tpu.memory_space<semaphore_mem>>) {add = true}
      %dma_start3A_429 = arith.constant 0 : i32
      %dma_start3A_430 = tpu.memref_slice %arg9[%add3A_401, %dma_start3A_429] : memref<40x128xi32, #tpu.memory_space<vmem>> -> memref<1x128xi32, #tpu.memory_space<vmem>>
      %dma_start3A_431 = tpu.memref_squeeze %dma_start3A_430 : memref<1x128xi32, #tpu.memory_space<vmem>> -> memref<128xi32, #tpu.memory_space<vmem>>
      %dma_start3A_432 = arith.constant 0 : i32
      %dma_start3A_433 = tpu.memref_slice %arg7[%dma_start3A_432] : memref<10240xf32, #tpu.memory_space<vmem_shared>> -> memref<10240xf32, #tpu.memory_space<vmem_shared>>
      tpu.enqueue_indirect_dma source(%arg10 : memref<128xf32, #tpu.memory_space<vmem>>) target(%dma_start3A_433 : memref<10240xf32, #tpu.memory_space<vmem_shared>>) offsets(%dma_start3A_431 : memref<128xi32, #tpu.memory_space<vmem>>) semaphore(%arg15 : memref<!tpu.dma_semaphore, #tpu.memory_space<semaphore_mem>>) {add = true}
      %gt3A_434 = arith.constant 0 : i32
      %gt3A_435 = arith.cmpi sgt, %add3A_401, %gt3A_434 : i32
      %convert_element_type3A_436 = arith.extui %gt3A_435 : i1 to i32
      %cond3A_437 = arith.constant 0 : i32
      %cond3A_438 = arith.cmpi ne, %convert_element_type3A_436, %cond3A_437 : i32
      scf.if %cond3A_438 {
        %sub3A_446 = arith.constant 1 : i32
        %sub3A_447 = arith.subi %add3A_401, %sub3A_446 : i32
        %dma_wait3A_448 = arith.constant 0 : i32
        %dma_wait3A_449 = arith.constant 0 : i32
        %dma_wait3A_450 = arith.constant 0 : i32
        %dma_wait3A_451 = tpu.memref_slice %arg8[%dma_wait3A_448, %dma_wait3A_449, %dma_wait3A_450] : memref<2x128x128xf32, #tpu.memory_space<vmem>> -> memref<1x128x128xf32, #tpu.memory_space<vmem>>
        %dma_wait3A_452 = tpu.memref_squeeze %dma_wait3A_451 : memref<1x128x128xf32, #tpu.memory_space<vmem>> -> memref<128x128xf32, #tpu.memory_space<vmem>>
        %dma_wait3A_453 = arith.constant 0 : i32
        %dma_wait3A_454 = tpu.memref_slice %arg9[%sub3A_447, %dma_wait3A_453] : memref<40x128xi32, #tpu.memory_space<vmem>> -> memref<1x128xi32, #tpu.memory_space<vmem>>
        %dma_wait3A_455 = tpu.memref_squeeze %dma_wait3A_454 : memref<1x128xi32, #tpu.memory_space<vmem>> -> memref<128xi32, #tpu.memory_space<vmem>>
        %dma_wait3A_456 = arith.constant 0 : i32
        %dma_wait3A_457 = arith.constant 0 : i32
        %dma_wait3A_458 = tpu.memref_slice %arg6[%dma_wait3A_456, %dma_wait3A_457] : memref<10240x128xf32, #tpu.memory_space<vmem_shared>> -> memref<10240x128xf32, #tpu.memory_space<vmem_shared>>
        tpu.wait_indirect_dma semaphore(%arg14 : memref<!tpu.dma_semaphore, #tpu.memory_space<semaphore_mem>>) src(%dma_wait3A_452 : memref<128x128xf32, #tpu.memory_space<vmem>>) dst(%dma_wait3A_458 : memref<10240x128xf32, #tpu.memory_space<vmem_shared>>)
      } else {
      }
      %add3A_439 = arith.constant 1 : i32
      %add3A_440 = arith.addi %add3A_401, %add3A_439 : i32
      %lt3A_441 = arith.cmpi slt, %add3A_440, %max3A_78 : i32
      %convert_element_type3A_442 = arith.extui %lt3A_441 : i1 to i32
      %cond3A_443 = arith.constant 0 : i32
      %cond3A_444 = arith.cmpi ne, %convert_element_type3A_442, %cond3A_443 : i32
      scf.if %cond3A_444 {
        %add3A_446 = arith.constant 1 : i32
        %add3A_447 = arith.addi %add3A_401, %add3A_446 : i32
        %add3A_448 = arith.addi %add3A_82, %add3A_447 : i32
        %mul3A_449 = arith.constant 128 : i32
        %mul3A_450 = arith.muli %add3A_448, %mul3A_449 : i32
        %dma_start3A_451 = arith.constant 0 : i32
        %dma_start3A_452 = arith.constant 0 : i32
        %dma_start3A_453 = arith.constant 0 : i32
        %dma_start3A_454 = tpu.memref_slice %arg8[%dma_start3A_451, %dma_start3A_452, %dma_start3A_453] : memref<2x128x128xf32, #tpu.memory_space<vmem>> -> memref<1x128x128xf32, #tpu.memory_space<vmem>>
        %dma_start3A_455 = tpu.memref_squeeze %dma_start3A_454 : memref<1x128x128xf32, #tpu.memory_space<vmem>> -> memref<128x128xf32, #tpu.memory_space<vmem>>
        %dma_start3A_456 = arith.constant 0 : i32
        %dma_start3A_457 = tpu.memref_slice %arg2[%mul3A_450, %dma_start3A_456] : memref<320000x128xf32, #tpu.memory_space<hbm>> -> memref<128x128xf32, #tpu.memory_space<hbm>>
        %dma_start3A_458 = arith.constant 0 : i32
        %dma_start3A_459 = arith.constant 0 : i32
        %dma_start3A_460 = tpu.memref_slice %arg8[%dma_start3A_451, %dma_start3A_458, %dma_start3A_459] : memref<2x128x128xf32, #tpu.memory_space<vmem>> -> memref<1x128x128xf32, #tpu.memory_space<vmem>>
        %dma_start3A_461 = tpu.memref_squeeze %dma_start3A_460 : memref<1x128x128xf32, #tpu.memory_space<vmem>> -> memref<128x128xf32, #tpu.memory_space<vmem>>
        %dma_start3A_462 = arith.constant 0 : i32
        %dma_start3A_463 = tpu.memref_slice %arg2[%mul3A_450, %dma_start3A_462] : memref<320000x128xf32, #tpu.memory_space<hbm>> -> memref<128x128xf32, #tpu.memory_space<hbm>>
        tpu.enqueue_dma source(%dma_start3A_463 : memref<128x128xf32, #tpu.memory_space<hbm>>) target(%dma_start3A_461 : memref<128x128xf32, #tpu.memory_space<vmem>>) target_semaphore(%arg13 : memref<!tpu.dma_semaphore, #tpu.memory_space<semaphore_mem>>)
      } else {
      }
      %while3A_445 = arith.constant 0 : i32
      scf.yield %while3A_445 : i32
    }
    %while3A_111 = arith.constant 1 : i32
    %while3A_112 = scf.for %while3A_351 = %while3A_108 to %while3A_104 step %while3A_111 iter_args(%while3A_352 = %while3A_110) -> (i32)  : i32 {
      %mul3A_353 = arith.constant 2 : i32
      %mul3A_354 = arith.muli %mul3A_353, %while3A_351 : i32
      %add3A_355 = arith.constant 0 : i32
      %add3A_356 = arith.addi %mul3A_354, %add3A_355 : i32
      %add3A_357 = arith.addi %add3A_82, %add3A_356 : i32
      %mul3A_358 = arith.constant 128 : i32
      %mul3A_359 = arith.muli %add3A_357, %mul3A_358 : i32
      %dma_wait3A = arith.constant 0 : i32
      %dma_wait3A_360 = arith.constant 0 : i32
      %dma_wait3A_361 = arith.constant 0 : i32
      %dma_wait3A_362 = tpu.memref_slice %arg8[%dma_wait3A, %dma_wait3A_360, %dma_wait3A_361] : memref<2x128x128xf32, #tpu.memory_space<vmem>> -> memref<1x128x128xf32, #tpu.memory_space<vmem>>
      %dma_wait3A_363 = tpu.memref_squeeze %dma_wait3A_362 : memref<1x128x128xf32, #tpu.memory_space<vmem>> -> memref<128x128xf32, #tpu.memory_space<vmem>>
      %dma_wait3A_364 = arith.constant 0 : i32
      %dma_wait3A_365 = tpu.memref_slice %arg2[%mul3A_359, %dma_wait3A_364] : memref<320000x128xf32, #tpu.memory_space<hbm>> -> memref<128x128xf32, #tpu.memory_space<hbm>>
      %dma_wait3A_366 = arith.constant 0 : i32
      %dma_wait3A_367 = arith.constant 0 : i32
      %dma_wait3A_368 = tpu.memref_slice %arg8[%dma_wait3A, %dma_wait3A_366, %dma_wait3A_367] : memref<2x128x128xf32, #tpu.memory_space<vmem>> -> memref<1x128x128xf32, #tpu.memory_space<vmem>>
      %dma_wait3A_369 = tpu.memref_squeeze %dma_wait3A_368 : memref<1x128x128xf32, #tpu.memory_space<vmem>> -> memref<128x128xf32, #tpu.memory_space<vmem>>
      %dma_wait3A_370 = arith.constant 0 : i32
      %dma_wait3A_371 = tpu.memref_slice %arg2[%mul3A_359, %dma_wait3A_370] : memref<320000x128xf32, #tpu.memory_space<hbm>> -> memref<128x128xf32, #tpu.memory_space<hbm>>
      tpu.wait_dma2 semaphore(%arg13 : memref<!tpu.dma_semaphore, #tpu.memory_space<semaphore_mem>>) src(%dma_wait3A_371 : memref<128x128xf32, #tpu.memory_space<hbm>>) dst(%dma_wait3A_369 : memref<128x128xf32, #tpu.memory_space<vmem>>)
      %dma_start3A = arith.constant 0 : i32
      %dma_start3A_372 = arith.constant 0 : i32
      %dma_start3A_373 = arith.constant 0 : i32
      %dma_start3A_374 = tpu.memref_slice %arg8[%dma_start3A, %dma_start3A_372, %dma_start3A_373] : memref<2x128x128xf32, #tpu.memory_space<vmem>> -> memref<1x128x128xf32, #tpu.memory_space<vmem>>
      %dma_start3A_375 = tpu.memref_squeeze %dma_start3A_374 : memref<1x128x128xf32, #tpu.memory_space<vmem>> -> memref<128x128xf32, #tpu.memory_space<vmem>>
      %dma_start3A_376 = arith.constant 0 : i32
      %dma_start3A_377 = tpu.memref_slice %arg9[%add3A_356, %dma_start3A_376] : memref<40x128xi32, #tpu.memory_space<vmem>> -> memref<1x128xi32, #tpu.memory_space<vmem>>
      %dma_start3A_378 = tpu.memref_squeeze %dma_start3A_377 : memref<1x128xi32, #tpu.memory_space<vmem>> -> memref<128xi32, #tpu.memory_space<vmem>>
      %dma_start3A_379 = arith.constant 0 : i32
      %dma_start3A_380 = arith.constant 0 : i32
      %dma_start3A_381 = tpu.memref_slice %arg6[%dma_start3A_379, %dma_start3A_380] : memref<10240x128xf32, #tpu.memory_space<vmem_shared>> -> memref<10240x128xf32, #tpu.memory_space<vmem_shared>>
      tpu.enqueue_indirect_dma source(%dma_start3A_375 : memref<128x128xf32, #tpu.memory_space<vmem>>) target(%dma_start3A_381 : memref<10240x128xf32, #tpu.memory_space<vmem_shared>>) offsets(%dma_start3A_378 : memref<128xi32, #tpu.memory_space<vmem>>) semaphore(%arg14 : memref<!tpu.dma_semaphore, #tpu.memory_space<semaphore_mem>>) {add = true}
      %dma_start3A_382 = arith.constant 0 : i32
      %dma_start3A_383 = tpu.memref_slice %arg9[%add3A_356, %dma_start3A_382] : memref<40x128xi32, #tpu.memory_space<vmem>> -> memref<1x128xi32, #tpu.memory_space<vmem>>
      %dma_start3A_384 = tpu.memref_squeeze %dma_start3A_383 : memref<1x128xi32, #tpu.memory_space<vmem>> -> memref<128xi32, #tpu.memory_space<vmem>>
      %dma_start3A_385 = arith.constant 0 : i32
      %dma_start3A_386 = tpu.memref_slice %arg7[%dma_start3A_385] : memref<10240xf32, #tpu.memory_space<vmem_shared>> -> memref<10240xf32, #tpu.memory_space<vmem_shared>>
      tpu.enqueue_indirect_dma source(%arg10 : memref<128xf32, #tpu.memory_space<vmem>>) target(%dma_start3A_386 : memref<10240xf32, #tpu.memory_space<vmem_shared>>) offsets(%dma_start3A_384 : memref<128xi32, #tpu.memory_space<vmem>>) semaphore(%arg15 : memref<!tpu.dma_semaphore, #tpu.memory_space<semaphore_mem>>) {add = true}
      %gt3A_387 = arith.constant 0 : i32
      %gt3A_388 = arith.cmpi sgt, %add3A_356, %gt3A_387 : i32
      %convert_element_type3A_389 = arith.extui %gt3A_388 : i1 to i32
      %cond3A_390 = arith.constant 0 : i32
      %cond3A_391 = arith.cmpi ne, %convert_element_type3A_389, %cond3A_390 : i32
      scf.if %cond3A_391 {
        %sub3A_446 = arith.constant 1 : i32
        %sub3A_447 = arith.subi %add3A_356, %sub3A_446 : i32
        %dma_wait3A_448 = arith.constant 1 : i32
        %dma_wait3A_449 = arith.constant 0 : i32
        %dma_wait3A_450 = arith.constant 0 : i32
        %dma_wait3A_451 = tpu.memref_slice %arg8[%dma_wait3A_448, %dma_wait3A_449, %dma_wait3A_450] : memref<2x128x128xf32, #tpu.memory_space<vmem>> -> memref<1x128x128xf32, #tpu.memory_space<vmem>>
        %dma_wait3A_452 = tpu.memref_squeeze %dma_wait3A_451 : memref<1x128x128xf32, #tpu.memory_space<vmem>> -> memref<128x128xf32, #tpu.memory_space<vmem>>
        %dma_wait3A_453 = arith.constant 0 : i32
        %dma_wait3A_454 = tpu.memref_slice %arg9[%sub3A_447, %dma_wait3A_453] : memref<40x128xi32, #tpu.memory_space<vmem>> -> memref<1x128xi32, #tpu.memory_space<vmem>>
        %dma_wait3A_455 = tpu.memref_squeeze %dma_wait3A_454 : memref<1x128xi32, #tpu.memory_space<vmem>> -> memref<128xi32, #tpu.memory_space<vmem>>
        %dma_wait3A_456 = arith.constant 0 : i32
        %dma_wait3A_457 = arith.constant 0 : i32
        %dma_wait3A_458 = tpu.memref_slice %arg6[%dma_wait3A_456, %dma_wait3A_457] : memref<10240x128xf32, #tpu.memory_space<vmem_shared>> -> memref<10240x128xf32, #tpu.memory_space<vmem_shared>>
        tpu.wait_indirect_dma semaphore(%arg14 : memref<!tpu.dma_semaphore, #tpu.memory_space<semaphore_mem>>) src(%dma_wait3A_452 : memref<128x128xf32, #tpu.memory_space<vmem>>) dst(%dma_wait3A_458 : memref<10240x128xf32, #tpu.memory_space<vmem_shared>>)
      } else {
      }
      %add3A_392 = arith.constant 1 : i32
      %add3A_393 = arith.addi %add3A_356, %add3A_392 : i32
      %lt3A_394 = arith.cmpi slt, %add3A_393, %max3A_78 : i32
      %convert_element_type3A_395 = arith.extui %lt3A_394 : i1 to i32
      %cond3A_396 = arith.constant 0 : i32
      %cond3A_397 = arith.cmpi ne, %convert_element_type3A_395, %cond3A_396 : i32
      scf.if %cond3A_397 {
        %add3A_446 = arith.constant 1 : i32
        %add3A_447 = arith.addi %add3A_356, %add3A_446 : i32
        %add3A_448 = arith.addi %add3A_82, %add3A_447 : i32
        %mul3A_449 = arith.constant 128 : i32
        %mul3A_450 = arith.muli %add3A_448, %mul3A_449 : i32
        %dma_start3A_451 = arith.constant 1 : i32
        %dma_start3A_452 = arith.constant 0 : i32
        %dma_start3A_453 = arith.constant 0 : i32
        %dma_start3A_454 = tpu.memref_slice %arg8[%dma_start3A_451, %dma_start3A_452, %dma_start3A_453] : memref<2x128x128xf32, #tpu.memory_space<vmem>> -> memref<1x128x128xf32, #tpu.memory_space<vmem>>
        %dma_start3A_455 = tpu.memref_squeeze %dma_start3A_454 : memref<1x128x128xf32, #tpu.memory_space<vmem>> -> memref<128x128xf32, #tpu.memory_space<vmem>>
        %dma_start3A_456 = arith.constant 0 : i32
        %dma_start3A_457 = tpu.memref_slice %arg2[%mul3A_450, %dma_start3A_456] : memref<320000x128xf32, #tpu.memory_space<hbm>> -> memref<128x128xf32, #tpu.memory_space<hbm>>
        %dma_start3A_458 = arith.constant 0 : i32
        %dma_start3A_459 = arith.constant 0 : i32
        %dma_start3A_460 = tpu.memref_slice %arg8[%dma_start3A_451, %dma_start3A_458, %dma_start3A_459] : memref<2x128x128xf32, #tpu.memory_space<vmem>> -> memref<1x128x128xf32, #tpu.memory_space<vmem>>
        %dma_start3A_461 = tpu.memref_squeeze %dma_start3A_460 : memref<1x128x128xf32, #tpu.memory_space<vmem>> -> memref<128x128xf32, #tpu.memory_space<vmem>>
        %dma_start3A_462 = arith.constant 0 : i32
        %dma_start3A_463 = tpu.memref_slice %arg2[%mul3A_450, %dma_start3A_462] : memref<320000x128xf32, #tpu.memory_space<hbm>> -> memref<128x128xf32, #tpu.memory_space<hbm>>
        tpu.enqueue_dma source(%dma_start3A_463 : memref<128x128xf32, #tpu.memory_space<hbm>>) target(%dma_start3A_461 : memref<128x128xf32, #tpu.memory_space<vmem>>) target_semaphore(%arg13 : memref<!tpu.dma_semaphore, #tpu.memory_space<semaphore_mem>>)
      } else {
      }
      %mul3A_398 = arith.constant 2 : i32
      %mul3A_399 = arith.muli %mul3A_398, %while3A_351 : i32
      %add3A_400 = arith.constant 1 : i32
      %add3A_401 = arith.addi %mul3A_399, %add3A_400 : i32
      %add3A_402 = arith.addi %add3A_82, %add3A_401 : i32
      %mul3A_403 = arith.constant 128 : i32
      %mul3A_404 = arith.muli %add3A_402, %mul3A_403 : i32
      %dma_wait3A_405 = arith.constant 1 : i32
      %dma_wait3A_406 = arith.constant 0 : i32
      %dma_wait3A_407 = arith.constant 0 : i32
      %dma_wait3A_408 = tpu.memref_slice %arg8[%dma_wait3A_405, %dma_wait3A_406, %dma_wait3A_407] : memref<2x128x128xf32, #tpu.memory_space<vmem>> -> memref<1x128x128xf32, #tpu.memory_space<vmem>>
      %dma_wait3A_409 = tpu.memref_squeeze %dma_wait3A_408 : memref<1x128x128xf32, #tpu.memory_space<vmem>> -> memref<128x128xf32, #tpu.memory_space<vmem>>
      %dma_wait3A_410 = arith.constant 0 : i32
      %dma_wait3A_411 = tpu.memref_slice %arg2[%mul3A_404, %dma_wait3A_410] : memref<320000x128xf32, #tpu.memory_space<hbm>> -> memref<128x128xf32, #tpu.memory_space<hbm>>
      %dma_wait3A_412 = arith.constant 0 : i32
      %dma_wait3A_413 = arith.constant 0 : i32
      %dma_wait3A_414 = tpu.memref_slice %arg8[%dma_wait3A_405, %dma_wait3A_412, %dma_wait3A_413] : memref<2x128x128xf32, #tpu.memory_space<vmem>> -> memref<1x128x128xf32, #tpu.memory_space<vmem>>
      %dma_wait3A_415 = tpu.memref_squeeze %dma_wait3A_414 : memref<1x128x128xf32, #tpu.memory_space<vmem>> -> memref<128x128xf32, #tpu.memory_space<vmem>>
      %dma_wait3A_416 = arith.constant 0 : i32
      %dma_wait3A_417 = tpu.memref_slice %arg2[%mul3A_404, %dma_wait3A_416] : memref<320000x128xf32, #tpu.memory_space<hbm>> -> memref<128x128xf32, #tpu.memory_space<hbm>>
      tpu.wait_dma2 semaphore(%arg13 : memref<!tpu.dma_semaphore, #tpu.memory_space<semaphore_mem>>) src(%dma_wait3A_417 : memref<128x128xf32, #tpu.memory_space<hbm>>) dst(%dma_wait3A_415 : memref<128x128xf32, #tpu.memory_space<vmem>>)
      %dma_start3A_418 = arith.constant 1 : i32
      %dma_start3A_419 = arith.constant 0 : i32
      %dma_start3A_420 = arith.constant 0 : i32
      %dma_start3A_421 = tpu.memref_slice %arg8[%dma_start3A_418, %dma_start3A_419, %dma_start3A_420] : memref<2x128x128xf32, #tpu.memory_space<vmem>> -> memref<1x128x128xf32, #tpu.memory_space<vmem>>
      %dma_start3A_422 = tpu.memref_squeeze %dma_start3A_421 : memref<1x128x128xf32, #tpu.memory_space<vmem>> -> memref<128x128xf32, #tpu.memory_space<vmem>>
      %dma_start3A_423 = arith.constant 0 : i32
      %dma_start3A_424 = tpu.memref_slice %arg9[%add3A_401, %dma_start3A_423] : memref<40x128xi32, #tpu.memory_space<vmem>> -> memref<1x128xi32, #tpu.memory_space<vmem>>
      %dma_start3A_425 = tpu.memref_squeeze %dma_start3A_424 : memref<1x128xi32, #tpu.memory_space<vmem>> -> memref<128xi32, #tpu.memory_space<vmem>>
      %dma_start3A_426 = arith.constant 0 : i32
      %dma_start3A_427 = arith.constant 0 : i32
      %dma_start3A_428 = tpu.memref_slice %arg6[%dma_start3A_426, %dma_start3A_427] : memref<10240x128xf32, #tpu.memory_space<vmem_shared>> -> memref<10240x128xf32, #tpu.memory_space<vmem_shared>>
      tpu.enqueue_indirect_dma source(%dma_start3A_422 : memref<128x128xf32, #tpu.memory_space<vmem>>) target(%dma_start3A_428 : memref<10240x128xf32, #tpu.memory_space<vmem_shared>>) offsets(%dma_start3A_425 : memref<128xi32, #tpu.memory_space<vmem>>) semaphore(%arg14 : memref<!tpu.dma_semaphore, #tpu.memory_space<semaphore_mem>>) {add = true}
      %dma_start3A_429 = arith.constant 0 : i32
      %dma_start3A_430 = tpu.memref_slice %arg9[%add3A_401, %dma_start3A_429] : memref<40x128xi32, #tpu.memory_space<vmem>> -> memref<1x128xi32, #tpu.memory_space<vmem>>
      %dma_start3A_431 = tpu.memref_squeeze %dma_start3A_430 : memref<1x128xi32, #tpu.memory_space<vmem>> -> memref<128xi32, #tpu.memory_space<vmem>>
      %dma_start3A_432 = arith.constant 0 : i32
      %dma_start3A_433 = tpu.memref_slice %arg7[%dma_start3A_432] : memref<10240xf32, #tpu.memory_space<vmem_shared>> -> memref<10240xf32, #tpu.memory_space<vmem_shared>>
      tpu.enqueue_indirect_dma source(%arg10 : memref<128xf32, #tpu.memory_space<vmem>>) target(%dma_start3A_433 : memref<10240xf32, #tpu.memory_space<vmem_shared>>) offsets(%dma_start3A_431 : memref<128xi32, #tpu.memory_space<vmem>>) semaphore(%arg15 : memref<!tpu.dma_semaphore, #tpu.memory_space<semaphore_mem>>) {add = true}
      %gt3A_434 = arith.constant 0 : i32
      %gt3A_435 = arith.cmpi sgt, %add3A_401, %gt3A_434 : i32
      %convert_element_type3A_436 = arith.extui %gt3A_435 : i1 to i32
      %cond3A_437 = arith.constant 0 : i32
      %cond3A_438 = arith.cmpi ne, %convert_element_type3A_436, %cond3A_437 : i32
      scf.if %cond3A_438 {
        %sub3A_446 = arith.constant 1 : i32
        %sub3A_447 = arith.subi %add3A_401, %sub3A_446 : i32
        %dma_wait3A_448 = arith.constant 0 : i32
        %dma_wait3A_449 = arith.constant 0 : i32
        %dma_wait3A_450 = arith.constant 0 : i32
        %dma_wait3A_451 = tpu.memref_slice %arg8[%dma_wait3A_448, %dma_wait3A_449, %dma_wait3A_450] : memref<2x128x128xf32, #tpu.memory_space<vmem>> -> memref<1x128x128xf32, #tpu.memory_space<vmem>>
        %dma_wait3A_452 = tpu.memref_squeeze %dma_wait3A_451 : memref<1x128x128xf32, #tpu.memory_space<vmem>> -> memref<128x128xf32, #tpu.memory_space<vmem>>
        %dma_wait3A_453 = arith.constant 0 : i32
        %dma_wait3A_454 = tpu.memref_slice %arg9[%sub3A_447, %dma_wait3A_453] : memref<40x128xi32, #tpu.memory_space<vmem>> -> memref<1x128xi32, #tpu.memory_space<vmem>>
        %dma_wait3A_455 = tpu.memref_squeeze %dma_wait3A_454 : memref<1x128xi32, #tpu.memory_space<vmem>> -> memref<128xi32, #tpu.memory_space<vmem>>
        %dma_wait3A_456 = arith.constant 0 : i32
        %dma_wait3A_457 = arith.constant 0 : i32
        %dma_wait3A_458 = tpu.memref_slice %arg6[%dma_wait3A_456, %dma_wait3A_457] : memref<10240x128xf32, #tpu.memory_space<vmem_shared>> -> memref<10240x128xf32, #tpu.memory_space<vmem_shared>>
        tpu.wait_indirect_dma semaphore(%arg14 : memref<!tpu.dma_semaphore, #tpu.memory_space<semaphore_mem>>) src(%dma_wait3A_452 : memref<128x128xf32, #tpu.memory_space<vmem>>) dst(%dma_wait3A_458 : memref<10240x128xf32, #tpu.memory_space<vmem_shared>>)
      } else {
      }
      %add3A_439 = arith.constant 1 : i32
      %add3A_440 = arith.addi %add3A_401, %add3A_439 : i32
      %lt3A_441 = arith.cmpi slt, %add3A_440, %max3A_78 : i32
      %convert_element_type3A_442 = arith.extui %lt3A_441 : i1 to i32
      %cond3A_443 = arith.constant 0 : i32
      %cond3A_444 = arith.cmpi ne, %convert_element_type3A_442, %cond3A_443 : i32
      scf.if %cond3A_444 {
        %add3A_446 = arith.constant 1 : i32
        %add3A_447 = arith.addi %add3A_401, %add3A_446 : i32
        %add3A_448 = arith.addi %add3A_82, %add3A_447 : i32
        %mul3A_449 = arith.constant 128 : i32
        %mul3A_450 = arith.muli %add3A_448, %mul3A_449 : i32
        %dma_start3A_451 = arith.constant 0 : i32
        %dma_start3A_452 = arith.constant 0 : i32
        %dma_start3A_453 = arith.constant 0 : i32
        %dma_start3A_454 = tpu.memref_slice %arg8[%dma_start3A_451, %dma_start3A_452, %dma_start3A_453] : memref<2x128x128xf32, #tpu.memory_space<vmem>> -> memref<1x128x128xf32, #tpu.memory_space<vmem>>
        %dma_start3A_455 = tpu.memref_squeeze %dma_start3A_454 : memref<1x128x128xf32, #tpu.memory_space<vmem>> -> memref<128x128xf32, #tpu.memory_space<vmem>>
        %dma_start3A_456 = arith.constant 0 : i32
        %dma_start3A_457 = tpu.memref_slice %arg2[%mul3A_450, %dma_start3A_456] : memref<320000x128xf32, #tpu.memory_space<hbm>> -> memref<128x128xf32, #tpu.memory_space<hbm>>
        %dma_start3A_458 = arith.constant 0 : i32
        %dma_start3A_459 = arith.constant 0 : i32
        %dma_start3A_460 = tpu.memref_slice %arg8[%dma_start3A_451, %dma_start3A_458, %dma_start3A_459] : memref<2x128x128xf32, #tpu.memory_space<vmem>> -> memref<1x128x128xf32, #tpu.memory_space<vmem>>
        %dma_start3A_461 = tpu.memref_squeeze %dma_start3A_460 : memref<1x128x128xf32, #tpu.memory_space<vmem>> -> memref<128x128xf32, #tpu.memory_space<vmem>>
        %dma_start3A_462 = arith.constant 0 : i32
        %dma_start3A_463 = tpu.memref_slice %arg2[%mul3A_450, %dma_start3A_462] : memref<320000x128xf32, #tpu.memory_space<hbm>> -> memref<128x128xf32, #tpu.memory_space<hbm>>
        tpu.enqueue_dma source(%dma_start3A_463 : memref<128x128xf32, #tpu.memory_space<hbm>>) target(%dma_start3A_461 : memref<128x128xf32, #tpu.memory_space<vmem>>) target_semaphore(%arg13 : memref<!tpu.dma_semaphore, #tpu.memory_space<semaphore_mem>>)
      } else {
      }
      %while3A_445 = arith.constant 0 : i32
      scf.yield %while3A_445 : i32
    }
    %gt3A_113 = arith.constant 0 : i32
    %gt3A_114 = arith.cmpi sgt, %max3A_78, %gt3A_113 : i32
    %convert_element_type3A_115 = arith.extui %gt3A_114 : i1 to i32
    %cond3A_116 = arith.constant 0 : i32
    %cond3A_117 = arith.cmpi ne, %convert_element_type3A_115, %cond3A_116 : i32
    scf.if %cond3A_117 {
      %sub3A_351 = arith.constant 1 : i32
      %sub3A_352 = arith.subi %max3A_78, %sub3A_351 : i32
      %dma_wait3A = arith.constant 1 : i32
      %dma_wait3A_353 = arith.constant 0 : i32
      %dma_wait3A_354 = arith.constant 0 : i32
      %dma_wait3A_355 = tpu.memref_slice %arg8[%dma_wait3A, %dma_wait3A_353, %dma_wait3A_354] : memref<2x128x128xf32, #tpu.memory_space<vmem>> -> memref<1x128x128xf32, #tpu.memory_space<vmem>>
      %dma_wait3A_356 = tpu.memref_squeeze %dma_wait3A_355 : memref<1x128x128xf32, #tpu.memory_space<vmem>> -> memref<128x128xf32, #tpu.memory_space<vmem>>
      %dma_wait3A_357 = arith.constant 0 : i32
      %dma_wait3A_358 = tpu.memref_slice %arg9[%sub3A_352, %dma_wait3A_357] : memref<40x128xi32, #tpu.memory_space<vmem>> -> memref<1x128xi32, #tpu.memory_space<vmem>>
      %dma_wait3A_359 = tpu.memref_squeeze %dma_wait3A_358 : memref<1x128xi32, #tpu.memory_space<vmem>> -> memref<128xi32, #tpu.memory_space<vmem>>
      %dma_wait3A_360 = arith.constant 0 : i32
      %dma_wait3A_361 = arith.constant 0 : i32
      %dma_wait3A_362 = tpu.memref_slice %arg6[%dma_wait3A_360, %dma_wait3A_361] : memref<10240x128xf32, #tpu.memory_space<vmem_shared>> -> memref<10240x128xf32, #tpu.memory_space<vmem_shared>>
      tpu.wait_indirect_dma semaphore(%arg14 : memref<!tpu.dma_semaphore, #tpu.memory_space<semaphore_mem>>) src(%dma_wait3A_356 : memref<128x128xf32, #tpu.memory_space<vmem>>) dst(%dma_wait3A_362 : memref<10240x128xf32, #tpu.memory_space<vmem_shared>>)
    } else {
    }
    %while3A_118 = arith.constant 0 : i32
    %while3A_119 = arith.constant 0 : i32
    %while3A_120 = arith.subi %max3A_78, %while3A_118 : i32
    %while3A_121 = arith.addi %while3A_118, %while3A_120 : i32
    %while3A_122 = arith.constant 1 : i32
    %while3A_123 = arith.divsi %while3A_120, %while3A_122 : i32
    %while3A_124 = arith.muli %while3A_123, %while3A_122 : i32
    %while3A_125 = arith.addi %while3A_118, %while3A_124 : i32
    %while3A_126 = arith.constant 1 : i32
    %while3A_127 = scf.for %while3A_351 = %while3A_118 to %while3A_125 step %while3A_126 iter_args(%while3A_352 = %while3A_119) -> (i32)  : i32 {
      %dma_wait3A = arith.constant 0 : i32
      %dma_wait3A_353 = tpu.memref_slice %arg9[%while3A_351, %dma_wait3A] : memref<40x128xi32, #tpu.memory_space<vmem>> -> memref<1x128xi32, #tpu.memory_space<vmem>>
      %dma_wait3A_354 = tpu.memref_squeeze %dma_wait3A_353 : memref<1x128xi32, #tpu.memory_space<vmem>> -> memref<128xi32, #tpu.memory_space<vmem>>
      %dma_wait3A_355 = arith.constant 0 : i32
      %dma_wait3A_356 = tpu.memref_slice %arg7[%dma_wait3A_355] : memref<10240xf32, #tpu.memory_space<vmem_shared>> -> memref<10240xf32, #tpu.memory_space<vmem_shared>>
      tpu.wait_indirect_dma semaphore(%arg15 : memref<!tpu.dma_semaphore, #tpu.memory_space<semaphore_mem>>) src(%arg10 : memref<128xf32, #tpu.memory_space<vmem>>) dst(%dma_wait3A_356 : memref<10240xf32, #tpu.memory_space<vmem_shared>>)
      %while3A_357 = arith.constant 0 : i32
      scf.yield %while3A_357 : i32
    }
    %while3A_128 = arith.constant 1 : i32
    %while3A_129 = scf.for %while3A_351 = %while3A_125 to %while3A_121 step %while3A_128 iter_args(%while3A_352 = %while3A_127) -> (i32)  : i32 {
      %dma_wait3A = arith.constant 0 : i32
      %dma_wait3A_353 = tpu.memref_slice %arg9[%while3A_351, %dma_wait3A] : memref<40x128xi32, #tpu.memory_space<vmem>> -> memref<1x128xi32, #tpu.memory_space<vmem>>
      %dma_wait3A_354 = tpu.memref_squeeze %dma_wait3A_353 : memref<1x128xi32, #tpu.memory_space<vmem>> -> memref<128xi32, #tpu.memory_space<vmem>>
      %dma_wait3A_355 = arith.constant 0 : i32
      %dma_wait3A_356 = tpu.memref_slice %arg7[%dma_wait3A_355] : memref<10240xf32, #tpu.memory_space<vmem_shared>> -> memref<10240xf32, #tpu.memory_space<vmem_shared>>
      tpu.wait_indirect_dma semaphore(%arg15 : memref<!tpu.dma_semaphore, #tpu.memory_space<semaphore_mem>>) src(%arg10 : memref<128xf32, #tpu.memory_space<vmem>>) dst(%dma_wait3A_356 : memref<10240xf32, #tpu.memory_space<vmem_shared>>)
      %while3A_357 = arith.constant 0 : i32
      scf.yield %while3A_357 : i32
    }
    %mul3A_130 = arith.constant 160 : i32
    %mul3A_131 = arith.muli %arg1, %mul3A_130 : i32
    %add3A_132 = arith.constant 40 : i32
    %add3A_133 = arith.addi %mul3A_131, %add3A_132 : i32
    "tpu.region"() ({
      %run_scoped3A_351 = tpu.sem_alloc : memref<!tpu.dma_semaphore, #tpu.memory_space<semaphore_mem>>
      %dma_start3A = arith.constant 0 : i32
      %dma_start3A_352 = arith.constant 0 : i32
      %dma_start3A_353 = tpu.memref_slice %arg3[%arg0, %dma_start3A, %dma_start3A_352] : memref<2x2560x128xi32, #tpu.memory_space<hbm>> -> memref<1x2560x128xi32, #tpu.memory_space<hbm>>
      %dma_start3A_354 = tpu.memref_squeeze %dma_start3A_353 : memref<1x2560x128xi32, #tpu.memory_space<hbm>> -> memref<2560x128xi32, #tpu.memory_space<hbm>>
      %dma_start3A_355 = arith.constant 0 : i32
      %dma_start3A_356 = tpu.memref_slice %dma_start3A_354[%add3A_133, %dma_start3A_355] : memref<2560x128xi32, #tpu.memory_space<hbm>> -> memref<40x128xi32, #tpu.memory_space<hbm>>
      %dma_start3A_357 = arith.constant 0 : i32
      %dma_start3A_358 = arith.constant 0 : i32
      %dma_start3A_359 = tpu.memref_slice %arg3[%arg0, %dma_start3A_357, %dma_start3A_358] : memref<2x2560x128xi32, #tpu.memory_space<hbm>> -> memref<1x2560x128xi32, #tpu.memory_space<hbm>>
      %dma_start3A_360 = tpu.memref_squeeze %dma_start3A_359 : memref<1x2560x128xi32, #tpu.memory_space<hbm>> -> memref<2560x128xi32, #tpu.memory_space<hbm>>
      %dma_start3A_361 = arith.constant 0 : i32
      %dma_start3A_362 = tpu.memref_slice %dma_start3A_360[%add3A_133, %dma_start3A_361] : memref<2560x128xi32, #tpu.memory_space<hbm>> -> memref<40x128xi32, #tpu.memory_space<hbm>>
      tpu.enqueue_dma source(%dma_start3A_362 : memref<40x128xi32, #tpu.memory_space<hbm>>) target(%arg9 : memref<40x128xi32, #tpu.memory_space<vmem>>) target_semaphore(%run_scoped3A_351 : memref<!tpu.dma_semaphore, #tpu.memory_space<semaphore_mem>>)
      %dma_wait3A = arith.constant 0 : i32
      %dma_wait3A_363 = arith.constant 0 : i32
      %dma_wait3A_364 = tpu.memref_slice %arg3[%arg0, %dma_wait3A, %dma_wait3A_363] : memref<2x2560x128xi32, #tpu.memory_space<hbm>> -> memref<1x2560x128xi32, #tpu.memory_space<hbm>>
      %dma_wait3A_365 = tpu.memref_squeeze %dma_wait3A_364 : memref<1x2560x128xi32, #tpu.memory_space<hbm>> -> memref<2560x128xi32, #tpu.memory_space<hbm>>
      %dma_wait3A_366 = arith.constant 0 : i32
      %dma_wait3A_367 = tpu.memref_slice %dma_wait3A_365[%add3A_133, %dma_wait3A_366] : memref<2560x128xi32, #tpu.memory_space<hbm>> -> memref<40x128xi32, #tpu.memory_space<hbm>>
      %dma_wait3A_368 = arith.constant 0 : i32
      %dma_wait3A_369 = arith.constant 0 : i32
      %dma_wait3A_370 = tpu.memref_slice %arg3[%arg0, %dma_wait3A_368, %dma_wait3A_369] : memref<2x2560x128xi32, #tpu.memory_space<hbm>> -> memref<1x2560x128xi32, #tpu.memory_space<hbm>>
      %dma_wait3A_371 = tpu.memref_squeeze %dma_wait3A_370 : memref<1x2560x128xi32, #tpu.memory_space<hbm>> -> memref<2560x128xi32, #tpu.memory_space<hbm>>
      %dma_wait3A_372 = arith.constant 0 : i32
      %dma_wait3A_373 = tpu.memref_slice %dma_wait3A_371[%add3A_133, %dma_wait3A_372] : memref<2560x128xi32, #tpu.memory_space<hbm>> -> memref<40x128xi32, #tpu.memory_space<hbm>>
      tpu.wait_dma2 semaphore(%run_scoped3A_351 : memref<!tpu.dma_semaphore, #tpu.memory_space<semaphore_mem>>) src(%dma_wait3A_373 : memref<40x128xi32, #tpu.memory_space<hbm>>) dst(%arg9 : memref<40x128xi32, #tpu.memory_space<vmem>>)
      tpu.yield
    }) : () -> ()
    %sub3A_134 = arith.constant 40 : i32
    %sub3A_135 = arith.subi %max3A_68, %sub3A_134 : i32
    %min3A_136 = arith.constant 40 : i32
    %min3A_137 = arith.minsi %min3A_136, %sub3A_135 : i32
    %max3A_138 = arith.constant 0 : i32
    %max3A_139 = arith.maxsi %max3A_138, %min3A_137 : i32
    %mul3A_140 = arith.constant 160 : i32
    %mul3A_141 = arith.muli %arg1, %mul3A_140 : i32
    %add3A_142 = arith.constant 40 : i32
    %add3A_143 = arith.addi %mul3A_141, %add3A_142 : i32
    %gt3A_144 = arith.constant 0 : i32
    %gt3A_145 = arith.cmpi sgt, %max3A_139, %gt3A_144 : i32
    %convert_element_type3A_146 = arith.extui %gt3A_145 : i1 to i32
    %cond3A_147 = arith.constant 0 : i32
    %cond3A_148 = arith.cmpi ne, %convert_element_type3A_146, %cond3A_147 : i32
    scf.if %cond3A_148 {
      %add3A_351 = arith.constant 0 : i32
      %add3A_352 = arith.addi %add3A_143, %add3A_351 : i32
      %mul3A_353 = arith.constant 128 : i32
      %mul3A_354 = arith.muli %add3A_352, %mul3A_353 : i32
      %dma_start3A = arith.constant 0 : i32
      %dma_start3A_355 = arith.constant 0 : i32
      %dma_start3A_356 = arith.constant 0 : i32
      %dma_start3A_357 = tpu.memref_slice %arg8[%dma_start3A, %dma_start3A_355, %dma_start3A_356] : memref<2x128x128xf32, #tpu.memory_space<vmem>> -> memref<1x128x128xf32, #tpu.memory_space<vmem>>
      %dma_start3A_358 = tpu.memref_squeeze %dma_start3A_357 : memref<1x128x128xf32, #tpu.memory_space<vmem>> -> memref<128x128xf32, #tpu.memory_space<vmem>>
      %dma_start3A_359 = arith.constant 0 : i32
      %dma_start3A_360 = tpu.memref_slice %arg2[%mul3A_354, %dma_start3A_359] : memref<320000x128xf32, #tpu.memory_space<hbm>> -> memref<128x128xf32, #tpu.memory_space<hbm>>
      %dma_start3A_361 = arith.constant 0 : i32
      %dma_start3A_362 = arith.constant 0 : i32
      %dma_start3A_363 = tpu.memref_slice %arg8[%dma_start3A, %dma_start3A_361, %dma_start3A_362] : memref<2x128x128xf32, #tpu.memory_space<vmem>> -> memref<1x128x128xf32, #tpu.memory_space<vmem>>
      %dma_start3A_364 = tpu.memref_squeeze %dma_start3A_363 : memref<1x128x128xf32, #tpu.memory_space<vmem>> -> memref<128x128xf32, #tpu.memory_space<vmem>>
      %dma_start3A_365 = arith.constant 0 : i32
      %dma_start3A_366 = tpu.memref_slice %arg2[%mul3A_354, %dma_start3A_365] : memref<320000x128xf32, #tpu.memory_space<hbm>> -> memref<128x128xf32, #tpu.memory_space<hbm>>
      tpu.enqueue_dma source(%dma_start3A_366 : memref<128x128xf32, #tpu.memory_space<hbm>>) target(%dma_start3A_364 : memref<128x128xf32, #tpu.memory_space<vmem>>) target_semaphore(%arg13 : memref<!tpu.dma_semaphore, #tpu.memory_space<semaphore_mem>>)
    } else {
    }
    %jit3A_149 = arith.constant 2 : i32
    %div3A_150 = arith.divsi %max3A_139, %jit3A_149 : i32
    %sign3A_151 = arith.constant 0 : i32
    %sign3A_152 = arith.cmpi sgt, %max3A_139, %sign3A_151 : i32
    %sign3A_153 = arith.extui %sign3A_152 : i1 to i32
    %sign3A_154 = arith.constant 0 : i32
    %sign3A_155 = arith.cmpi slt, %max3A_139, %sign3A_154 : i32
    %sign3A_156 = arith.extui %sign3A_155 : i1 to i32
    %sign3A_157 = arith.subi %sign3A_153, %sign3A_156 : i32
    %sign3A_158 = arith.constant 0 : i32
    %sign3A_159 = arith.cmpi sgt, %jit3A_149, %sign3A_158 : i32
    %sign3A_160 = arith.extui %sign3A_159 : i1 to i32
    %sign3A_161 = arith.constant 0 : i32
    %sign3A_162 = arith.cmpi slt, %jit3A_149, %sign3A_161 : i32
    %sign3A_163 = arith.extui %sign3A_162 : i1 to i32
    %sign3A_164 = arith.subi %sign3A_160, %sign3A_163 : i32
    %ne3A_165 = arith.cmpi ne, %sign3A_157, %sign3A_164 : i32
    %rem3A_166 = arith.remsi %max3A_139, %jit3A_149 : i32
    %ne3A_167 = arith.constant 0 : i32
    %ne3A_168 = arith.cmpi ne, %rem3A_166, %ne3A_167 : i32
    %and3A_169 = arith.andi %ne3A_165, %ne3A_168 : i1
    %sub3A_170 = arith.constant 1 : i32
    %sub3A_171 = arith.subi %div3A_150, %sub3A_170 : i32
    %select_n3A_172 = arith.select %and3A_169, %sub3A_171, %div3A_150 : i32
    %while3A_173 = arith.constant 0 : i32
    %while3A_174 = arith.constant 0 : i32
    %while3A_175 = arith.subi %select_n3A_172, %while3A_173 : i32
    %while3A_176 = arith.addi %while3A_173, %while3A_175 : i32
    %while3A_177 = arith.constant 1 : i32
    %while3A_178 = arith.divsi %while3A_175, %while3A_177 : i32
    %while3A_179 = arith.muli %while3A_178, %while3A_177 : i32
    %while3A_180 = arith.addi %while3A_173, %while3A_179 : i32
    %while3A_181 = arith.constant 1 : i32
    %while3A_182 = scf.for %while3A_351 = %while3A_173 to %while3A_180 step %while3A_181 iter_args(%while3A_352 = %while3A_174) -> (i32)  : i32 {
      %mul3A_353 = arith.constant 2 : i32
      %mul3A_354 = arith.muli %mul3A_353, %while3A_351 : i32
      %add3A_355 = arith.constant 0 : i32
      %add3A_356 = arith.addi %mul3A_354, %add3A_355 : i32
      %add3A_357 = arith.addi %add3A_143, %add3A_356 : i32
      %mul3A_358 = arith.constant 128 : i32
      %mul3A_359 = arith.muli %add3A_357, %mul3A_358 : i32
      %dma_wait3A = arith.constant 0 : i32
      %dma_wait3A_360 = arith.constant 0 : i32
      %dma_wait3A_361 = arith.constant 0 : i32
      %dma_wait3A_362 = tpu.memref_slice %arg8[%dma_wait3A, %dma_wait3A_360, %dma_wait3A_361] : memref<2x128x128xf32, #tpu.memory_space<vmem>> -> memref<1x128x128xf32, #tpu.memory_space<vmem>>
      %dma_wait3A_363 = tpu.memref_squeeze %dma_wait3A_362 : memref<1x128x128xf32, #tpu.memory_space<vmem>> -> memref<128x128xf32, #tpu.memory_space<vmem>>
      %dma_wait3A_364 = arith.constant 0 : i32
      %dma_wait3A_365 = tpu.memref_slice %arg2[%mul3A_359, %dma_wait3A_364] : memref<320000x128xf32, #tpu.memory_space<hbm>> -> memref<128x128xf32, #tpu.memory_space<hbm>>
      %dma_wait3A_366 = arith.constant 0 : i32
      %dma_wait3A_367 = arith.constant 0 : i32
      %dma_wait3A_368 = tpu.memref_slice %arg8[%dma_wait3A, %dma_wait3A_366, %dma_wait3A_367] : memref<2x128x128xf32, #tpu.memory_space<vmem>> -> memref<1x128x128xf32, #tpu.memory_space<vmem>>
      %dma_wait3A_369 = tpu.memref_squeeze %dma_wait3A_368 : memref<1x128x128xf32, #tpu.memory_space<vmem>> -> memref<128x128xf32, #tpu.memory_space<vmem>>
      %dma_wait3A_370 = arith.constant 0 : i32
      %dma_wait3A_371 = tpu.memref_slice %arg2[%mul3A_359, %dma_wait3A_370] : memref<320000x128xf32, #tpu.memory_space<hbm>> -> memref<128x128xf32, #tpu.memory_space<hbm>>
      tpu.wait_dma2 semaphore(%arg13 : memref<!tpu.dma_semaphore, #tpu.memory_space<semaphore_mem>>) src(%dma_wait3A_371 : memref<128x128xf32, #tpu.memory_space<hbm>>) dst(%dma_wait3A_369 : memref<128x128xf32, #tpu.memory_space<vmem>>)
      %dma_start3A = arith.constant 0 : i32
      %dma_start3A_372 = arith.constant 0 : i32
      %dma_start3A_373 = arith.constant 0 : i32
      %dma_start3A_374 = tpu.memref_slice %arg8[%dma_start3A, %dma_start3A_372, %dma_start3A_373] : memref<2x128x128xf32, #tpu.memory_space<vmem>> -> memref<1x128x128xf32, #tpu.memory_space<vmem>>
      %dma_start3A_375 = tpu.memref_squeeze %dma_start3A_374 : memref<1x128x128xf32, #tpu.memory_space<vmem>> -> memref<128x128xf32, #tpu.memory_space<vmem>>
      %dma_start3A_376 = arith.constant 0 : i32
      %dma_start3A_377 = tpu.memref_slice %arg9[%add3A_356, %dma_start3A_376] : memref<40x128xi32, #tpu.memory_space<vmem>> -> memref<1x128xi32, #tpu.memory_space<vmem>>
      %dma_start3A_378 = tpu.memref_squeeze %dma_start3A_377 : memref<1x128xi32, #tpu.memory_space<vmem>> -> memref<128xi32, #tpu.memory_space<vmem>>
      %dma_start3A_379 = arith.constant 0 : i32
      %dma_start3A_380 = arith.constant 0 : i32
      %dma_start3A_381 = tpu.memref_slice %arg6[%dma_start3A_379, %dma_start3A_380] : memref<10240x128xf32, #tpu.memory_space<vmem_shared>> -> memref<10240x128xf32, #tpu.memory_space<vmem_shared>>
      tpu.enqueue_indirect_dma source(%dma_start3A_375 : memref<128x128xf32, #tpu.memory_space<vmem>>) target(%dma_start3A_381 : memref<10240x128xf32, #tpu.memory_space<vmem_shared>>) offsets(%dma_start3A_378 : memref<128xi32, #tpu.memory_space<vmem>>) semaphore(%arg14 : memref<!tpu.dma_semaphore, #tpu.memory_space<semaphore_mem>>) {add = true}
      %dma_start3A_382 = arith.constant 0 : i32
      %dma_start3A_383 = tpu.memref_slice %arg9[%add3A_356, %dma_start3A_382] : memref<40x128xi32, #tpu.memory_space<vmem>> -> memref<1x128xi32, #tpu.memory_space<vmem>>
      %dma_start3A_384 = tpu.memref_squeeze %dma_start3A_383 : memref<1x128xi32, #tpu.memory_space<vmem>> -> memref<128xi32, #tpu.memory_space<vmem>>
      %dma_start3A_385 = arith.constant 0 : i32
      %dma_start3A_386 = tpu.memref_slice %arg7[%dma_start3A_385] : memref<10240xf32, #tpu.memory_space<vmem_shared>> -> memref<10240xf32, #tpu.memory_space<vmem_shared>>
      tpu.enqueue_indirect_dma source(%arg10 : memref<128xf32, #tpu.memory_space<vmem>>) target(%dma_start3A_386 : memref<10240xf32, #tpu.memory_space<vmem_shared>>) offsets(%dma_start3A_384 : memref<128xi32, #tpu.memory_space<vmem>>) semaphore(%arg15 : memref<!tpu.dma_semaphore, #tpu.memory_space<semaphore_mem>>) {add = true}
      %gt3A_387 = arith.constant 0 : i32
      %gt3A_388 = arith.cmpi sgt, %add3A_356, %gt3A_387 : i32
      %convert_element_type3A_389 = arith.extui %gt3A_388 : i1 to i32
      %cond3A_390 = arith.constant 0 : i32
      %cond3A_391 = arith.cmpi ne, %convert_element_type3A_389, %cond3A_390 : i32
      scf.if %cond3A_391 {
        %sub3A_446 = arith.constant 1 : i32
        %sub3A_447 = arith.subi %add3A_356, %sub3A_446 : i32
        %dma_wait3A_448 = arith.constant 1 : i32
        %dma_wait3A_449 = arith.constant 0 : i32
        %dma_wait3A_450 = arith.constant 0 : i32
        %dma_wait3A_451 = tpu.memref_slice %arg8[%dma_wait3A_448, %dma_wait3A_449, %dma_wait3A_450] : memref<2x128x128xf32, #tpu.memory_space<vmem>> -> memref<1x128x128xf32, #tpu.memory_space<vmem>>
        %dma_wait3A_452 = tpu.memref_squeeze %dma_wait3A_451 : memref<1x128x128xf32, #tpu.memory_space<vmem>> -> memref<128x128xf32, #tpu.memory_space<vmem>>
        %dma_wait3A_453 = arith.constant 0 : i32
        %dma_wait3A_454 = tpu.memref_slice %arg9[%sub3A_447, %dma_wait3A_453] : memref<40x128xi32, #tpu.memory_space<vmem>> -> memref<1x128xi32, #tpu.memory_space<vmem>>
        %dma_wait3A_455 = tpu.memref_squeeze %dma_wait3A_454 : memref<1x128xi32, #tpu.memory_space<vmem>> -> memref<128xi32, #tpu.memory_space<vmem>>
        %dma_wait3A_456 = arith.constant 0 : i32
        %dma_wait3A_457 = arith.constant 0 : i32
        %dma_wait3A_458 = tpu.memref_slice %arg6[%dma_wait3A_456, %dma_wait3A_457] : memref<10240x128xf32, #tpu.memory_space<vmem_shared>> -> memref<10240x128xf32, #tpu.memory_space<vmem_shared>>
        tpu.wait_indirect_dma semaphore(%arg14 : memref<!tpu.dma_semaphore, #tpu.memory_space<semaphore_mem>>) src(%dma_wait3A_452 : memref<128x128xf32, #tpu.memory_space<vmem>>) dst(%dma_wait3A_458 : memref<10240x128xf32, #tpu.memory_space<vmem_shared>>)
      } else {
      }
      %add3A_392 = arith.constant 1 : i32
      %add3A_393 = arith.addi %add3A_356, %add3A_392 : i32
      %lt3A_394 = arith.cmpi slt, %add3A_393, %max3A_139 : i32
      %convert_element_type3A_395 = arith.extui %lt3A_394 : i1 to i32
      %cond3A_396 = arith.constant 0 : i32
      %cond3A_397 = arith.cmpi ne, %convert_element_type3A_395, %cond3A_396 : i32
      scf.if %cond3A_397 {
        %add3A_446 = arith.constant 1 : i32
        %add3A_447 = arith.addi %add3A_356, %add3A_446 : i32
        %add3A_448 = arith.addi %add3A_143, %add3A_447 : i32
        %mul3A_449 = arith.constant 128 : i32
        %mul3A_450 = arith.muli %add3A_448, %mul3A_449 : i32
        %dma_start3A_451 = arith.constant 1 : i32
        %dma_start3A_452 = arith.constant 0 : i32
        %dma_start3A_453 = arith.constant 0 : i32
        %dma_start3A_454 = tpu.memref_slice %arg8[%dma_start3A_451, %dma_start3A_452, %dma_start3A_453] : memref<2x128x128xf32, #tpu.memory_space<vmem>> -> memref<1x128x128xf32, #tpu.memory_space<vmem>>
        %dma_start3A_455 = tpu.memref_squeeze %dma_start3A_454 : memref<1x128x128xf32, #tpu.memory_space<vmem>> -> memref<128x128xf32, #tpu.memory_space<vmem>>
        %dma_start3A_456 = arith.constant 0 : i32
        %dma_start3A_457 = tpu.memref_slice %arg2[%mul3A_450, %dma_start3A_456] : memref<320000x128xf32, #tpu.memory_space<hbm>> -> memref<128x128xf32, #tpu.memory_space<hbm>>
        %dma_start3A_458 = arith.constant 0 : i32
        %dma_start3A_459 = arith.constant 0 : i32
        %dma_start3A_460 = tpu.memref_slice %arg8[%dma_start3A_451, %dma_start3A_458, %dma_start3A_459] : memref<2x128x128xf32, #tpu.memory_space<vmem>> -> memref<1x128x128xf32, #tpu.memory_space<vmem>>
        %dma_start3A_461 = tpu.memref_squeeze %dma_start3A_460 : memref<1x128x128xf32, #tpu.memory_space<vmem>> -> memref<128x128xf32, #tpu.memory_space<vmem>>
        %dma_start3A_462 = arith.constant 0 : i32
        %dma_start3A_463 = tpu.memref_slice %arg2[%mul3A_450, %dma_start3A_462] : memref<320000x128xf32, #tpu.memory_space<hbm>> -> memref<128x128xf32, #tpu.memory_space<hbm>>
        tpu.enqueue_dma source(%dma_start3A_463 : memref<128x128xf32, #tpu.memory_space<hbm>>) target(%dma_start3A_461 : memref<128x128xf32, #tpu.memory_space<vmem>>) target_semaphore(%arg13 : memref<!tpu.dma_semaphore, #tpu.memory_space<semaphore_mem>>)
      } else {
      }
      %mul3A_398 = arith.constant 2 : i32
      %mul3A_399 = arith.muli %mul3A_398, %while3A_351 : i32
      %add3A_400 = arith.constant 1 : i32
      %add3A_401 = arith.addi %mul3A_399, %add3A_400 : i32
      %add3A_402 = arith.addi %add3A_143, %add3A_401 : i32
      %mul3A_403 = arith.constant 128 : i32
      %mul3A_404 = arith.muli %add3A_402, %mul3A_403 : i32
      %dma_wait3A_405 = arith.constant 1 : i32
      %dma_wait3A_406 = arith.constant 0 : i32
      %dma_wait3A_407 = arith.constant 0 : i32
      %dma_wait3A_408 = tpu.memref_slice %arg8[%dma_wait3A_405, %dma_wait3A_406, %dma_wait3A_407] : memref<2x128x128xf32, #tpu.memory_space<vmem>> -> memref<1x128x128xf32, #tpu.memory_space<vmem>>
      %dma_wait3A_409 = tpu.memref_squeeze %dma_wait3A_408 : memref<1x128x128xf32, #tpu.memory_space<vmem>> -> memref<128x128xf32, #tpu.memory_space<vmem>>
      %dma_wait3A_410 = arith.constant 0 : i32
      %dma_wait3A_411 = tpu.memref_slice %arg2[%mul3A_404, %dma_wait3A_410] : memref<320000x128xf32, #tpu.memory_space<hbm>> -> memref<128x128xf32, #tpu.memory_space<hbm>>
      %dma_wait3A_412 = arith.constant 0 : i32
      %dma_wait3A_413 = arith.constant 0 : i32
      %dma_wait3A_414 = tpu.memref_slice %arg8[%dma_wait3A_405, %dma_wait3A_412, %dma_wait3A_413] : memref<2x128x128xf32, #tpu.memory_space<vmem>> -> memref<1x128x128xf32, #tpu.memory_space<vmem>>
      %dma_wait3A_415 = tpu.memref_squeeze %dma_wait3A_414 : memref<1x128x128xf32, #tpu.memory_space<vmem>> -> memref<128x128xf32, #tpu.memory_space<vmem>>
      %dma_wait3A_416 = arith.constant 0 : i32
      %dma_wait3A_417 = tpu.memref_slice %arg2[%mul3A_404, %dma_wait3A_416] : memref<320000x128xf32, #tpu.memory_space<hbm>> -> memref<128x128xf32, #tpu.memory_space<hbm>>
      tpu.wait_dma2 semaphore(%arg13 : memref<!tpu.dma_semaphore, #tpu.memory_space<semaphore_mem>>) src(%dma_wait3A_417 : memref<128x128xf32, #tpu.memory_space<hbm>>) dst(%dma_wait3A_415 : memref<128x128xf32, #tpu.memory_space<vmem>>)
      %dma_start3A_418 = arith.constant 1 : i32
      %dma_start3A_419 = arith.constant 0 : i32
      %dma_start3A_420 = arith.constant 0 : i32
      %dma_start3A_421 = tpu.memref_slice %arg8[%dma_start3A_418, %dma_start3A_419, %dma_start3A_420] : memref<2x128x128xf32, #tpu.memory_space<vmem>> -> memref<1x128x128xf32, #tpu.memory_space<vmem>>
      %dma_start3A_422 = tpu.memref_squeeze %dma_start3A_421 : memref<1x128x128xf32, #tpu.memory_space<vmem>> -> memref<128x128xf32, #tpu.memory_space<vmem>>
      %dma_start3A_423 = arith.constant 0 : i32
      %dma_start3A_424 = tpu.memref_slice %arg9[%add3A_401, %dma_start3A_423] : memref<40x128xi32, #tpu.memory_space<vmem>> -> memref<1x128xi32, #tpu.memory_space<vmem>>
      %dma_start3A_425 = tpu.memref_squeeze %dma_start3A_424 : memref<1x128xi32, #tpu.memory_space<vmem>> -> memref<128xi32, #tpu.memory_space<vmem>>
      %dma_start3A_426 = arith.constant 0 : i32
      %dma_start3A_427 = arith.constant 0 : i32
      %dma_start3A_428 = tpu.memref_slice %arg6[%dma_start3A_426, %dma_start3A_427] : memref<10240x128xf32, #tpu.memory_space<vmem_shared>> -> memref<10240x128xf32, #tpu.memory_space<vmem_shared>>
      tpu.enqueue_indirect_dma source(%dma_start3A_422 : memref<128x128xf32, #tpu.memory_space<vmem>>) target(%dma_start3A_428 : memref<10240x128xf32, #tpu.memory_space<vmem_shared>>) offsets(%dma_start3A_425 : memref<128xi32, #tpu.memory_space<vmem>>) semaphore(%arg14 : memref<!tpu.dma_semaphore, #tpu.memory_space<semaphore_mem>>) {add = true}
      %dma_start3A_429 = arith.constant 0 : i32
      %dma_start3A_430 = tpu.memref_slice %arg9[%add3A_401, %dma_start3A_429] : memref<40x128xi32, #tpu.memory_space<vmem>> -> memref<1x128xi32, #tpu.memory_space<vmem>>
      %dma_start3A_431 = tpu.memref_squeeze %dma_start3A_430 : memref<1x128xi32, #tpu.memory_space<vmem>> -> memref<128xi32, #tpu.memory_space<vmem>>
      %dma_start3A_432 = arith.constant 0 : i32
      %dma_start3A_433 = tpu.memref_slice %arg7[%dma_start3A_432] : memref<10240xf32, #tpu.memory_space<vmem_shared>> -> memref<10240xf32, #tpu.memory_space<vmem_shared>>
      tpu.enqueue_indirect_dma source(%arg10 : memref<128xf32, #tpu.memory_space<vmem>>) target(%dma_start3A_433 : memref<10240xf32, #tpu.memory_space<vmem_shared>>) offsets(%dma_start3A_431 : memref<128xi32, #tpu.memory_space<vmem>>) semaphore(%arg15 : memref<!tpu.dma_semaphore, #tpu.memory_space<semaphore_mem>>) {add = true}
      %gt3A_434 = arith.constant 0 : i32
      %gt3A_435 = arith.cmpi sgt, %add3A_401, %gt3A_434 : i32
      %convert_element_type3A_436 = arith.extui %gt3A_435 : i1 to i32
      %cond3A_437 = arith.constant 0 : i32
      %cond3A_438 = arith.cmpi ne, %convert_element_type3A_436, %cond3A_437 : i32
      scf.if %cond3A_438 {
        %sub3A_446 = arith.constant 1 : i32
        %sub3A_447 = arith.subi %add3A_401, %sub3A_446 : i32
        %dma_wait3A_448 = arith.constant 0 : i32
        %dma_wait3A_449 = arith.constant 0 : i32
        %dma_wait3A_450 = arith.constant 0 : i32
        %dma_wait3A_451 = tpu.memref_slice %arg8[%dma_wait3A_448, %dma_wait3A_449, %dma_wait3A_450] : memref<2x128x128xf32, #tpu.memory_space<vmem>> -> memref<1x128x128xf32, #tpu.memory_space<vmem>>
        %dma_wait3A_452 = tpu.memref_squeeze %dma_wait3A_451 : memref<1x128x128xf32, #tpu.memory_space<vmem>> -> memref<128x128xf32, #tpu.memory_space<vmem>>
        %dma_wait3A_453 = arith.constant 0 : i32
        %dma_wait3A_454 = tpu.memref_slice %arg9[%sub3A_447, %dma_wait3A_453] : memref<40x128xi32, #tpu.memory_space<vmem>> -> memref<1x128xi32, #tpu.memory_space<vmem>>
        %dma_wait3A_455 = tpu.memref_squeeze %dma_wait3A_454 : memref<1x128xi32, #tpu.memory_space<vmem>> -> memref<128xi32, #tpu.memory_space<vmem>>
        %dma_wait3A_456 = arith.constant 0 : i32
        %dma_wait3A_457 = arith.constant 0 : i32
        %dma_wait3A_458 = tpu.memref_slice %arg6[%dma_wait3A_456, %dma_wait3A_457] : memref<10240x128xf32, #tpu.memory_space<vmem_shared>> -> memref<10240x128xf32, #tpu.memory_space<vmem_shared>>
        tpu.wait_indirect_dma semaphore(%arg14 : memref<!tpu.dma_semaphore, #tpu.memory_space<semaphore_mem>>) src(%dma_wait3A_452 : memref<128x128xf32, #tpu.memory_space<vmem>>) dst(%dma_wait3A_458 : memref<10240x128xf32, #tpu.memory_space<vmem_shared>>)
      } else {
      }
      %add3A_439 = arith.constant 1 : i32
      %add3A_440 = arith.addi %add3A_401, %add3A_439 : i32
      %lt3A_441 = arith.cmpi slt, %add3A_440, %max3A_139 : i32
      %convert_element_type3A_442 = arith.extui %lt3A_441 : i1 to i32
      %cond3A_443 = arith.constant 0 : i32
      %cond3A_444 = arith.cmpi ne, %convert_element_type3A_442, %cond3A_443 : i32
      scf.if %cond3A_444 {
        %add3A_446 = arith.constant 1 : i32
        %add3A_447 = arith.addi %add3A_401, %add3A_446 : i32
        %add3A_448 = arith.addi %add3A_143, %add3A_447 : i32
        %mul3A_449 = arith.constant 128 : i32
        %mul3A_450 = arith.muli %add3A_448, %mul3A_449 : i32
        %dma_start3A_451 = arith.constant 0 : i32
        %dma_start3A_452 = arith.constant 0 : i32
        %dma_start3A_453 = arith.constant 0 : i32
        %dma_start3A_454 = tpu.memref_slice %arg8[%dma_start3A_451, %dma_start3A_452, %dma_start3A_453] : memref<2x128x128xf32, #tpu.memory_space<vmem>> -> memref<1x128x128xf32, #tpu.memory_space<vmem>>
        %dma_start3A_455 = tpu.memref_squeeze %dma_start3A_454 : memref<1x128x128xf32, #tpu.memory_space<vmem>> -> memref<128x128xf32, #tpu.memory_space<vmem>>
        %dma_start3A_456 = arith.constant 0 : i32
        %dma_start3A_457 = tpu.memref_slice %arg2[%mul3A_450, %dma_start3A_456] : memref<320000x128xf32, #tpu.memory_space<hbm>> -> memref<128x128xf32, #tpu.memory_space<hbm>>
        %dma_start3A_458 = arith.constant 0 : i32
        %dma_start3A_459 = arith.constant 0 : i32
        %dma_start3A_460 = tpu.memref_slice %arg8[%dma_start3A_451, %dma_start3A_458, %dma_start3A_459] : memref<2x128x128xf32, #tpu.memory_space<vmem>> -> memref<1x128x128xf32, #tpu.memory_space<vmem>>
        %dma_start3A_461 = tpu.memref_squeeze %dma_start3A_460 : memref<1x128x128xf32, #tpu.memory_space<vmem>> -> memref<128x128xf32, #tpu.memory_space<vmem>>
        %dma_start3A_462 = arith.constant 0 : i32
        %dma_start3A_463 = tpu.memref_slice %arg2[%mul3A_450, %dma_start3A_462] : memref<320000x128xf32, #tpu.memory_space<hbm>> -> memref<128x128xf32, #tpu.memory_space<hbm>>
        tpu.enqueue_dma source(%dma_start3A_463 : memref<128x128xf32, #tpu.memory_space<hbm>>) target(%dma_start3A_461 : memref<128x128xf32, #tpu.memory_space<vmem>>) target_semaphore(%arg13 : memref<!tpu.dma_semaphore, #tpu.memory_space<semaphore_mem>>)
      } else {
      }
      %while3A_445 = arith.constant 0 : i32
      scf.yield %while3A_445 : i32
    }
    %while3A_183 = arith.constant 1 : i32
    %while3A_184 = scf.for %while3A_351 = %while3A_180 to %while3A_176 step %while3A_183 iter_args(%while3A_352 = %while3A_182) -> (i32)  : i32 {
      %mul3A_353 = arith.constant 2 : i32
      %mul3A_354 = arith.muli %mul3A_353, %while3A_351 : i32
      %add3A_355 = arith.constant 0 : i32
      %add3A_356 = arith.addi %mul3A_354, %add3A_355 : i32
      %add3A_357 = arith.addi %add3A_143, %add3A_356 : i32
      %mul3A_358 = arith.constant 128 : i32
      %mul3A_359 = arith.muli %add3A_357, %mul3A_358 : i32
      %dma_wait3A = arith.constant 0 : i32
      %dma_wait3A_360 = arith.constant 0 : i32
      %dma_wait3A_361 = arith.constant 0 : i32
      %dma_wait3A_362 = tpu.memref_slice %arg8[%dma_wait3A, %dma_wait3A_360, %dma_wait3A_361] : memref<2x128x128xf32, #tpu.memory_space<vmem>> -> memref<1x128x128xf32, #tpu.memory_space<vmem>>
      %dma_wait3A_363 = tpu.memref_squeeze %dma_wait3A_362 : memref<1x128x128xf32, #tpu.memory_space<vmem>> -> memref<128x128xf32, #tpu.memory_space<vmem>>
      %dma_wait3A_364 = arith.constant 0 : i32
      %dma_wait3A_365 = tpu.memref_slice %arg2[%mul3A_359, %dma_wait3A_364] : memref<320000x128xf32, #tpu.memory_space<hbm>> -> memref<128x128xf32, #tpu.memory_space<hbm>>
      %dma_wait3A_366 = arith.constant 0 : i32
      %dma_wait3A_367 = arith.constant 0 : i32
      %dma_wait3A_368 = tpu.memref_slice %arg8[%dma_wait3A, %dma_wait3A_366, %dma_wait3A_367] : memref<2x128x128xf32, #tpu.memory_space<vmem>> -> memref<1x128x128xf32, #tpu.memory_space<vmem>>
      %dma_wait3A_369 = tpu.memref_squeeze %dma_wait3A_368 : memref<1x128x128xf32, #tpu.memory_space<vmem>> -> memref<128x128xf32, #tpu.memory_space<vmem>>
      %dma_wait3A_370 = arith.constant 0 : i32
      %dma_wait3A_371 = tpu.memref_slice %arg2[%mul3A_359, %dma_wait3A_370] : memref<320000x128xf32, #tpu.memory_space<hbm>> -> memref<128x128xf32, #tpu.memory_space<hbm>>
      tpu.wait_dma2 semaphore(%arg13 : memref<!tpu.dma_semaphore, #tpu.memory_space<semaphore_mem>>) src(%dma_wait3A_371 : memref<128x128xf32, #tpu.memory_space<hbm>>) dst(%dma_wait3A_369 : memref<128x128xf32, #tpu.memory_space<vmem>>)
      %dma_start3A = arith.constant 0 : i32
      %dma_start3A_372 = arith.constant 0 : i32
      %dma_start3A_373 = arith.constant 0 : i32
      %dma_start3A_374 = tpu.memref_slice %arg8[%dma_start3A, %dma_start3A_372, %dma_start3A_373] : memref<2x128x128xf32, #tpu.memory_space<vmem>> -> memref<1x128x128xf32, #tpu.memory_space<vmem>>
      %dma_start3A_375 = tpu.memref_squeeze %dma_start3A_374 : memref<1x128x128xf32, #tpu.memory_space<vmem>> -> memref<128x128xf32, #tpu.memory_space<vmem>>
      %dma_start3A_376 = arith.constant 0 : i32
      %dma_start3A_377 = tpu.memref_slice %arg9[%add3A_356, %dma_start3A_376] : memref<40x128xi32, #tpu.memory_space<vmem>> -> memref<1x128xi32, #tpu.memory_space<vmem>>
      %dma_start3A_378 = tpu.memref_squeeze %dma_start3A_377 : memref<1x128xi32, #tpu.memory_space<vmem>> -> memref<128xi32, #tpu.memory_space<vmem>>
      %dma_start3A_379 = arith.constant 0 : i32
      %dma_start3A_380 = arith.constant 0 : i32
      %dma_start3A_381 = tpu.memref_slice %arg6[%dma_start3A_379, %dma_start3A_380] : memref<10240x128xf32, #tpu.memory_space<vmem_shared>> -> memref<10240x128xf32, #tpu.memory_space<vmem_shared>>
      tpu.enqueue_indirect_dma source(%dma_start3A_375 : memref<128x128xf32, #tpu.memory_space<vmem>>) target(%dma_start3A_381 : memref<10240x128xf32, #tpu.memory_space<vmem_shared>>) offsets(%dma_start3A_378 : memref<128xi32, #tpu.memory_space<vmem>>) semaphore(%arg14 : memref<!tpu.dma_semaphore, #tpu.memory_space<semaphore_mem>>) {add = true}
      %dma_start3A_382 = arith.constant 0 : i32
      %dma_start3A_383 = tpu.memref_slice %arg9[%add3A_356, %dma_start3A_382] : memref<40x128xi32, #tpu.memory_space<vmem>> -> memref<1x128xi32, #tpu.memory_space<vmem>>
      %dma_start3A_384 = tpu.memref_squeeze %dma_start3A_383 : memref<1x128xi32, #tpu.memory_space<vmem>> -> memref<128xi32, #tpu.memory_space<vmem>>
      %dma_start3A_385 = arith.constant 0 : i32
      %dma_start3A_386 = tpu.memref_slice %arg7[%dma_start3A_385] : memref<10240xf32, #tpu.memory_space<vmem_shared>> -> memref<10240xf32, #tpu.memory_space<vmem_shared>>
      tpu.enqueue_indirect_dma source(%arg10 : memref<128xf32, #tpu.memory_space<vmem>>) target(%dma_start3A_386 : memref<10240xf32, #tpu.memory_space<vmem_shared>>) offsets(%dma_start3A_384 : memref<128xi32, #tpu.memory_space<vmem>>) semaphore(%arg15 : memref<!tpu.dma_semaphore, #tpu.memory_space<semaphore_mem>>) {add = true}
      %gt3A_387 = arith.constant 0 : i32
      %gt3A_388 = arith.cmpi sgt, %add3A_356, %gt3A_387 : i32
      %convert_element_type3A_389 = arith.extui %gt3A_388 : i1 to i32
      %cond3A_390 = arith.constant 0 : i32
      %cond3A_391 = arith.cmpi ne, %convert_element_type3A_389, %cond3A_390 : i32
      scf.if %cond3A_391 {
        %sub3A_446 = arith.constant 1 : i32
        %sub3A_447 = arith.subi %add3A_356, %sub3A_446 : i32
        %dma_wait3A_448 = arith.constant 1 : i32
        %dma_wait3A_449 = arith.constant 0 : i32
        %dma_wait3A_450 = arith.constant 0 : i32
        %dma_wait3A_451 = tpu.memref_slice %arg8[%dma_wait3A_448, %dma_wait3A_449, %dma_wait3A_450] : memref<2x128x128xf32, #tpu.memory_space<vmem>> -> memref<1x128x128xf32, #tpu.memory_space<vmem>>
        %dma_wait3A_452 = tpu.memref_squeeze %dma_wait3A_451 : memref<1x128x128xf32, #tpu.memory_space<vmem>> -> memref<128x128xf32, #tpu.memory_space<vmem>>
        %dma_wait3A_453 = arith.constant 0 : i32
        %dma_wait3A_454 = tpu.memref_slice %arg9[%sub3A_447, %dma_wait3A_453] : memref<40x128xi32, #tpu.memory_space<vmem>> -> memref<1x128xi32, #tpu.memory_space<vmem>>
        %dma_wait3A_455 = tpu.memref_squeeze %dma_wait3A_454 : memref<1x128xi32, #tpu.memory_space<vmem>> -> memref<128xi32, #tpu.memory_space<vmem>>
        %dma_wait3A_456 = arith.constant 0 : i32
        %dma_wait3A_457 = arith.constant 0 : i32
        %dma_wait3A_458 = tpu.memref_slice %arg6[%dma_wait3A_456, %dma_wait3A_457] : memref<10240x128xf32, #tpu.memory_space<vmem_shared>> -> memref<10240x128xf32, #tpu.memory_space<vmem_shared>>
        tpu.wait_indirect_dma semaphore(%arg14 : memref<!tpu.dma_semaphore, #tpu.memory_space<semaphore_mem>>) src(%dma_wait3A_452 : memref<128x128xf32, #tpu.memory_space<vmem>>) dst(%dma_wait3A_458 : memref<10240x128xf32, #tpu.memory_space<vmem_shared>>)
      } else {
      }
      %add3A_392 = arith.constant 1 : i32
      %add3A_393 = arith.addi %add3A_356, %add3A_392 : i32
      %lt3A_394 = arith.cmpi slt, %add3A_393, %max3A_139 : i32
      %convert_element_type3A_395 = arith.extui %lt3A_394 : i1 to i32
      %cond3A_396 = arith.constant 0 : i32
      %cond3A_397 = arith.cmpi ne, %convert_element_type3A_395, %cond3A_396 : i32
      scf.if %cond3A_397 {
        %add3A_446 = arith.constant 1 : i32
        %add3A_447 = arith.addi %add3A_356, %add3A_446 : i32
        %add3A_448 = arith.addi %add3A_143, %add3A_447 : i32
        %mul3A_449 = arith.constant 128 : i32
        %mul3A_450 = arith.muli %add3A_448, %mul3A_449 : i32
        %dma_start3A_451 = arith.constant 1 : i32
        %dma_start3A_452 = arith.constant 0 : i32
        %dma_start3A_453 = arith.constant 0 : i32
        %dma_start3A_454 = tpu.memref_slice %arg8[%dma_start3A_451, %dma_start3A_452, %dma_start3A_453] : memref<2x128x128xf32, #tpu.memory_space<vmem>> -> memref<1x128x128xf32, #tpu.memory_space<vmem>>
        %dma_start3A_455 = tpu.memref_squeeze %dma_start3A_454 : memref<1x128x128xf32, #tpu.memory_space<vmem>> -> memref<128x128xf32, #tpu.memory_space<vmem>>
        %dma_start3A_456 = arith.constant 0 : i32
        %dma_start3A_457 = tpu.memref_slice %arg2[%mul3A_450, %dma_start3A_456] : memref<320000x128xf32, #tpu.memory_space<hbm>> -> memref<128x128xf32, #tpu.memory_space<hbm>>
        %dma_start3A_458 = arith.constant 0 : i32
        %dma_start3A_459 = arith.constant 0 : i32
        %dma_start3A_460 = tpu.memref_slice %arg8[%dma_start3A_451, %dma_start3A_458, %dma_start3A_459] : memref<2x128x128xf32, #tpu.memory_space<vmem>> -> memref<1x128x128xf32, #tpu.memory_space<vmem>>
        %dma_start3A_461 = tpu.memref_squeeze %dma_start3A_460 : memref<1x128x128xf32, #tpu.memory_space<vmem>> -> memref<128x128xf32, #tpu.memory_space<vmem>>
        %dma_start3A_462 = arith.constant 0 : i32
        %dma_start3A_463 = tpu.memref_slice %arg2[%mul3A_450, %dma_start3A_462] : memref<320000x128xf32, #tpu.memory_space<hbm>> -> memref<128x128xf32, #tpu.memory_space<hbm>>
        tpu.enqueue_dma source(%dma_start3A_463 : memref<128x128xf32, #tpu.memory_space<hbm>>) target(%dma_start3A_461 : memref<128x128xf32, #tpu.memory_space<vmem>>) target_semaphore(%arg13 : memref<!tpu.dma_semaphore, #tpu.memory_space<semaphore_mem>>)
      } else {
      }
      %mul3A_398 = arith.constant 2 : i32
      %mul3A_399 = arith.muli %mul3A_398, %while3A_351 : i32
      %add3A_400 = arith.constant 1 : i32
      %add3A_401 = arith.addi %mul3A_399, %add3A_400 : i32
      %add3A_402 = arith.addi %add3A_143, %add3A_401 : i32
      %mul3A_403 = arith.constant 128 : i32
      %mul3A_404 = arith.muli %add3A_402, %mul3A_403 : i32
      %dma_wait3A_405 = arith.constant 1 : i32
      %dma_wait3A_406 = arith.constant 0 : i32
      %dma_wait3A_407 = arith.constant 0 : i32
      %dma_wait3A_408 = tpu.memref_slice %arg8[%dma_wait3A_405, %dma_wait3A_406, %dma_wait3A_407] : memref<2x128x128xf32, #tpu.memory_space<vmem>> -> memref<1x128x128xf32, #tpu.memory_space<vmem>>
      %dma_wait3A_409 = tpu.memref_squeeze %dma_wait3A_408 : memref<1x128x128xf32, #tpu.memory_space<vmem>> -> memref<128x128xf32, #tpu.memory_space<vmem>>
      %dma_wait3A_410 = arith.constant 0 : i32
      %dma_wait3A_411 = tpu.memref_slice %arg2[%mul3A_404, %dma_wait3A_410] : memref<320000x128xf32, #tpu.memory_space<hbm>> -> memref<128x128xf32, #tpu.memory_space<hbm>>
      %dma_wait3A_412 = arith.constant 0 : i32
      %dma_wait3A_413 = arith.constant 0 : i32
      %dma_wait3A_414 = tpu.memref_slice %arg8[%dma_wait3A_405, %dma_wait3A_412, %dma_wait3A_413] : memref<2x128x128xf32, #tpu.memory_space<vmem>> -> memref<1x128x128xf32, #tpu.memory_space<vmem>>
      %dma_wait3A_415 = tpu.memref_squeeze %dma_wait3A_414 : memref<1x128x128xf32, #tpu.memory_space<vmem>> -> memref<128x128xf32, #tpu.memory_space<vmem>>
      %dma_wait3A_416 = arith.constant 0 : i32
      %dma_wait3A_417 = tpu.memref_slice %arg2[%mul3A_404, %dma_wait3A_416] : memref<320000x128xf32, #tpu.memory_space<hbm>> -> memref<128x128xf32, #tpu.memory_space<hbm>>
      tpu.wait_dma2 semaphore(%arg13 : memref<!tpu.dma_semaphore, #tpu.memory_space<semaphore_mem>>) src(%dma_wait3A_417 : memref<128x128xf32, #tpu.memory_space<hbm>>) dst(%dma_wait3A_415 : memref<128x128xf32, #tpu.memory_space<vmem>>)
      %dma_start3A_418 = arith.constant 1 : i32
      %dma_start3A_419 = arith.constant 0 : i32
      %dma_start3A_420 = arith.constant 0 : i32
      %dma_start3A_421 = tpu.memref_slice %arg8[%dma_start3A_418, %dma_start3A_419, %dma_start3A_420] : memref<2x128x128xf32, #tpu.memory_space<vmem>> -> memref<1x128x128xf32, #tpu.memory_space<vmem>>
      %dma_start3A_422 = tpu.memref_squeeze %dma_start3A_421 : memref<1x128x128xf32, #tpu.memory_space<vmem>> -> memref<128x128xf32, #tpu.memory_space<vmem>>
      %dma_start3A_423 = arith.constant 0 : i32
      %dma_start3A_424 = tpu.memref_slice %arg9[%add3A_401, %dma_start3A_423] : memref<40x128xi32, #tpu.memory_space<vmem>> -> memref<1x128xi32, #tpu.memory_space<vmem>>
      %dma_start3A_425 = tpu.memref_squeeze %dma_start3A_424 : memref<1x128xi32, #tpu.memory_space<vmem>> -> memref<128xi32, #tpu.memory_space<vmem>>
      %dma_start3A_426 = arith.constant 0 : i32
      %dma_start3A_427 = arith.constant 0 : i32
      %dma_start3A_428 = tpu.memref_slice %arg6[%dma_start3A_426, %dma_start3A_427] : memref<10240x128xf32, #tpu.memory_space<vmem_shared>> -> memref<10240x128xf32, #tpu.memory_space<vmem_shared>>
      tpu.enqueue_indirect_dma source(%dma_start3A_422 : memref<128x128xf32, #tpu.memory_space<vmem>>) target(%dma_start3A_428 : memref<10240x128xf32, #tpu.memory_space<vmem_shared>>) offsets(%dma_start3A_425 : memref<128xi32, #tpu.memory_space<vmem>>) semaphore(%arg14 : memref<!tpu.dma_semaphore, #tpu.memory_space<semaphore_mem>>) {add = true}
      %dma_start3A_429 = arith.constant 0 : i32
      %dma_start3A_430 = tpu.memref_slice %arg9[%add3A_401, %dma_start3A_429] : memref<40x128xi32, #tpu.memory_space<vmem>> -> memref<1x128xi32, #tpu.memory_space<vmem>>
      %dma_start3A_431 = tpu.memref_squeeze %dma_start3A_430 : memref<1x128xi32, #tpu.memory_space<vmem>> -> memref<128xi32, #tpu.memory_space<vmem>>
      %dma_start3A_432 = arith.constant 0 : i32
      %dma_start3A_433 = tpu.memref_slice %arg7[%dma_start3A_432] : memref<10240xf32, #tpu.memory_space<vmem_shared>> -> memref<10240xf32, #tpu.memory_space<vmem_shared>>
      tpu.enqueue_indirect_dma source(%arg10 : memref<128xf32, #tpu.memory_space<vmem>>) target(%dma_start3A_433 : memref<10240xf32, #tpu.memory_space<vmem_shared>>) offsets(%dma_start3A_431 : memref<128xi32, #tpu.memory_space<vmem>>) semaphore(%arg15 : memref<!tpu.dma_semaphore, #tpu.memory_space<semaphore_mem>>) {add = true}
      %gt3A_434 = arith.constant 0 : i32
      %gt3A_435 = arith.cmpi sgt, %add3A_401, %gt3A_434 : i32
      %convert_element_type3A_436 = arith.extui %gt3A_435 : i1 to i32
      %cond3A_437 = arith.constant 0 : i32
      %cond3A_438 = arith.cmpi ne, %convert_element_type3A_436, %cond3A_437 : i32
      scf.if %cond3A_438 {
        %sub3A_446 = arith.constant 1 : i32
        %sub3A_447 = arith.subi %add3A_401, %sub3A_446 : i32
        %dma_wait3A_448 = arith.constant 0 : i32
        %dma_wait3A_449 = arith.constant 0 : i32
        %dma_wait3A_450 = arith.constant 0 : i32
        %dma_wait3A_451 = tpu.memref_slice %arg8[%dma_wait3A_448, %dma_wait3A_449, %dma_wait3A_450] : memref<2x128x128xf32, #tpu.memory_space<vmem>> -> memref<1x128x128xf32, #tpu.memory_space<vmem>>
        %dma_wait3A_452 = tpu.memref_squeeze %dma_wait3A_451 : memref<1x128x128xf32, #tpu.memory_space<vmem>> -> memref<128x128xf32, #tpu.memory_space<vmem>>
        %dma_wait3A_453 = arith.constant 0 : i32
        %dma_wait3A_454 = tpu.memref_slice %arg9[%sub3A_447, %dma_wait3A_453] : memref<40x128xi32, #tpu.memory_space<vmem>> -> memref<1x128xi32, #tpu.memory_space<vmem>>
        %dma_wait3A_455 = tpu.memref_squeeze %dma_wait3A_454 : memref<1x128xi32, #tpu.memory_space<vmem>> -> memref<128xi32, #tpu.memory_space<vmem>>
        %dma_wait3A_456 = arith.constant 0 : i32
        %dma_wait3A_457 = arith.constant 0 : i32
        %dma_wait3A_458 = tpu.memref_slice %arg6[%dma_wait3A_456, %dma_wait3A_457] : memref<10240x128xf32, #tpu.memory_space<vmem_shared>> -> memref<10240x128xf32, #tpu.memory_space<vmem_shared>>
        tpu.wait_indirect_dma semaphore(%arg14 : memref<!tpu.dma_semaphore, #tpu.memory_space<semaphore_mem>>) src(%dma_wait3A_452 : memref<128x128xf32, #tpu.memory_space<vmem>>) dst(%dma_wait3A_458 : memref<10240x128xf32, #tpu.memory_space<vmem_shared>>)
      } else {
      }
      %add3A_439 = arith.constant 1 : i32
      %add3A_440 = arith.addi %add3A_401, %add3A_439 : i32
      %lt3A_441 = arith.cmpi slt, %add3A_440, %max3A_139 : i32
      %convert_element_type3A_442 = arith.extui %lt3A_441 : i1 to i32
      %cond3A_443 = arith.constant 0 : i32
      %cond3A_444 = arith.cmpi ne, %convert_element_type3A_442, %cond3A_443 : i32
      scf.if %cond3A_444 {
        %add3A_446 = arith.constant 1 : i32
        %add3A_447 = arith.addi %add3A_401, %add3A_446 : i32
        %add3A_448 = arith.addi %add3A_143, %add3A_447 : i32
        %mul3A_449 = arith.constant 128 : i32
        %mul3A_450 = arith.muli %add3A_448, %mul3A_449 : i32
        %dma_start3A_451 = arith.constant 0 : i32
        %dma_start3A_452 = arith.constant 0 : i32
        %dma_start3A_453 = arith.constant 0 : i32
        %dma_start3A_454 = tpu.memref_slice %arg8[%dma_start3A_451, %dma_start3A_452, %dma_start3A_453] : memref<2x128x128xf32, #tpu.memory_space<vmem>> -> memref<1x128x128xf32, #tpu.memory_space<vmem>>
        %dma_start3A_455 = tpu.memref_squeeze %dma_start3A_454 : memref<1x128x128xf32, #tpu.memory_space<vmem>> -> memref<128x128xf32, #tpu.memory_space<vmem>>
        %dma_start3A_456 = arith.constant 0 : i32
        %dma_start3A_457 = tpu.memref_slice %arg2[%mul3A_450, %dma_start3A_456] : memref<320000x128xf32, #tpu.memory_space<hbm>> -> memref<128x128xf32, #tpu.memory_space<hbm>>
        %dma_start3A_458 = arith.constant 0 : i32
        %dma_start3A_459 = arith.constant 0 : i32
        %dma_start3A_460 = tpu.memref_slice %arg8[%dma_start3A_451, %dma_start3A_458, %dma_start3A_459] : memref<2x128x128xf32, #tpu.memory_space<vmem>> -> memref<1x128x128xf32, #tpu.memory_space<vmem>>
        %dma_start3A_461 = tpu.memref_squeeze %dma_start3A_460 : memref<1x128x128xf32, #tpu.memory_space<vmem>> -> memref<128x128xf32, #tpu.memory_space<vmem>>
        %dma_start3A_462 = arith.constant 0 : i32
        %dma_start3A_463 = tpu.memref_slice %arg2[%mul3A_450, %dma_start3A_462] : memref<320000x128xf32, #tpu.memory_space<hbm>> -> memref<128x128xf32, #tpu.memory_space<hbm>>
        tpu.enqueue_dma source(%dma_start3A_463 : memref<128x128xf32, #tpu.memory_space<hbm>>) target(%dma_start3A_461 : memref<128x128xf32, #tpu.memory_space<vmem>>) target_semaphore(%arg13 : memref<!tpu.dma_semaphore, #tpu.memory_space<semaphore_mem>>)
      } else {
      }
      %while3A_445 = arith.constant 0 : i32
      scf.yield %while3A_445 : i32
    }
    %gt3A_185 = arith.constant 0 : i32
    %gt3A_186 = arith.cmpi sgt, %max3A_139, %gt3A_185 : i32
    %convert_element_type3A_187 = arith.extui %gt3A_186 : i1 to i32
    %cond3A_188 = arith.constant 0 : i32
    %cond3A_189 = arith.cmpi ne, %convert_element_type3A_187, %cond3A_188 : i32
    scf.if %cond3A_189 {
      %sub3A_351 = arith.constant 1 : i32
      %sub3A_352 = arith.subi %max3A_139, %sub3A_351 : i32
      %dma_wait3A = arith.constant 1 : i32
      %dma_wait3A_353 = arith.constant 0 : i32
      %dma_wait3A_354 = arith.constant 0 : i32
      %dma_wait3A_355 = tpu.memref_slice %arg8[%dma_wait3A, %dma_wait3A_353, %dma_wait3A_354] : memref<2x128x128xf32, #tpu.memory_space<vmem>> -> memref<1x128x128xf32, #tpu.memory_space<vmem>>
      %dma_wait3A_356 = tpu.memref_squeeze %dma_wait3A_355 : memref<1x128x128xf32, #tpu.memory_space<vmem>> -> memref<128x128xf32, #tpu.memory_space<vmem>>
      %dma_wait3A_357 = arith.constant 0 : i32
      %dma_wait3A_358 = tpu.memref_slice %arg9[%sub3A_352, %dma_wait3A_357] : memref<40x128xi32, #tpu.memory_space<vmem>> -> memref<1x128xi32, #tpu.memory_space<vmem>>
      %dma_wait3A_359 = tpu.memref_squeeze %dma_wait3A_358 : memref<1x128xi32, #tpu.memory_space<vmem>> -> memref<128xi32, #tpu.memory_space<vmem>>
      %dma_wait3A_360 = arith.constant 0 : i32
      %dma_wait3A_361 = arith.constant 0 : i32
      %dma_wait3A_362 = tpu.memref_slice %arg6[%dma_wait3A_360, %dma_wait3A_361] : memref<10240x128xf32, #tpu.memory_space<vmem_shared>> -> memref<10240x128xf32, #tpu.memory_space<vmem_shared>>
      tpu.wait_indirect_dma semaphore(%arg14 : memref<!tpu.dma_semaphore, #tpu.memory_space<semaphore_mem>>) src(%dma_wait3A_356 : memref<128x128xf32, #tpu.memory_space<vmem>>) dst(%dma_wait3A_362 : memref<10240x128xf32, #tpu.memory_space<vmem_shared>>)
    } else {
    }
    %while3A_190 = arith.constant 0 : i32
    %while3A_191 = arith.constant 0 : i32
    %while3A_192 = arith.subi %max3A_139, %while3A_190 : i32
    %while3A_193 = arith.addi %while3A_190, %while3A_192 : i32
    %while3A_194 = arith.constant 1 : i32
    %while3A_195 = arith.divsi %while3A_192, %while3A_194 : i32
    %while3A_196 = arith.muli %while3A_195, %while3A_194 : i32
    %while3A_197 = arith.addi %while3A_190, %while3A_196 : i32
    %while3A_198 = arith.constant 1 : i32
    %while3A_199 = scf.for %while3A_351 = %while3A_190 to %while3A_197 step %while3A_198 iter_args(%while3A_352 = %while3A_191) -> (i32)  : i32 {
      %dma_wait3A = arith.constant 0 : i32
      %dma_wait3A_353 = tpu.memref_slice %arg9[%while3A_351, %dma_wait3A] : memref<40x128xi32, #tpu.memory_space<vmem>> -> memref<1x128xi32, #tpu.memory_space<vmem>>
      %dma_wait3A_354 = tpu.memref_squeeze %dma_wait3A_353 : memref<1x128xi32, #tpu.memory_space<vmem>> -> memref<128xi32, #tpu.memory_space<vmem>>
      %dma_wait3A_355 = arith.constant 0 : i32
      %dma_wait3A_356 = tpu.memref_slice %arg7[%dma_wait3A_355] : memref<10240xf32, #tpu.memory_space<vmem_shared>> -> memref<10240xf32, #tpu.memory_space<vmem_shared>>
      tpu.wait_indirect_dma semaphore(%arg15 : memref<!tpu.dma_semaphore, #tpu.memory_space<semaphore_mem>>) src(%arg10 : memref<128xf32, #tpu.memory_space<vmem>>) dst(%dma_wait3A_356 : memref<10240xf32, #tpu.memory_space<vmem_shared>>)
      %while3A_357 = arith.constant 0 : i32
      scf.yield %while3A_357 : i32
    }
    %while3A_200 = arith.constant 1 : i32
    %while3A_201 = scf.for %while3A_351 = %while3A_197 to %while3A_193 step %while3A_200 iter_args(%while3A_352 = %while3A_199) -> (i32)  : i32 {
      %dma_wait3A = arith.constant 0 : i32
      %dma_wait3A_353 = tpu.memref_slice %arg9[%while3A_351, %dma_wait3A] : memref<40x128xi32, #tpu.memory_space<vmem>> -> memref<1x128xi32, #tpu.memory_space<vmem>>
      %dma_wait3A_354 = tpu.memref_squeeze %dma_wait3A_353 : memref<1x128xi32, #tpu.memory_space<vmem>> -> memref<128xi32, #tpu.memory_space<vmem>>
      %dma_wait3A_355 = arith.constant 0 : i32
      %dma_wait3A_356 = tpu.memref_slice %arg7[%dma_wait3A_355] : memref<10240xf32, #tpu.memory_space<vmem_shared>> -> memref<10240xf32, #tpu.memory_space<vmem_shared>>
      tpu.wait_indirect_dma semaphore(%arg15 : memref<!tpu.dma_semaphore, #tpu.memory_space<semaphore_mem>>) src(%arg10 : memref<128xf32, #tpu.memory_space<vmem>>) dst(%dma_wait3A_356 : memref<10240xf32, #tpu.memory_space<vmem_shared>>)
      %while3A_357 = arith.constant 0 : i32
      scf.yield %while3A_357 : i32
    }
    %mul3A_202 = arith.constant 160 : i32
    %mul3A_203 = arith.muli %arg1, %mul3A_202 : i32
    %add3A_204 = arith.constant 80 : i32
    %add3A_205 = arith.addi %mul3A_203, %add3A_204 : i32
    "tpu.region"() ({
      %run_scoped3A_351 = tpu.sem_alloc : memref<!tpu.dma_semaphore, #tpu.memory_space<semaphore_mem>>
      %dma_start3A = arith.constant 0 : i32
      %dma_start3A_352 = arith.constant 0 : i32
      %dma_start3A_353 = tpu.memref_slice %arg3[%arg0, %dma_start3A, %dma_start3A_352] : memref<2x2560x128xi32, #tpu.memory_space<hbm>> -> memref<1x2560x128xi32, #tpu.memory_space<hbm>>
      %dma_start3A_354 = tpu.memref_squeeze %dma_start3A_353 : memref<1x2560x128xi32, #tpu.memory_space<hbm>> -> memref<2560x128xi32, #tpu.memory_space<hbm>>
      %dma_start3A_355 = arith.constant 0 : i32
      %dma_start3A_356 = tpu.memref_slice %dma_start3A_354[%add3A_205, %dma_start3A_355] : memref<2560x128xi32, #tpu.memory_space<hbm>> -> memref<40x128xi32, #tpu.memory_space<hbm>>
      %dma_start3A_357 = arith.constant 0 : i32
      %dma_start3A_358 = arith.constant 0 : i32
      %dma_start3A_359 = tpu.memref_slice %arg3[%arg0, %dma_start3A_357, %dma_start3A_358] : memref<2x2560x128xi32, #tpu.memory_space<hbm>> -> memref<1x2560x128xi32, #tpu.memory_space<hbm>>
      %dma_start3A_360 = tpu.memref_squeeze %dma_start3A_359 : memref<1x2560x128xi32, #tpu.memory_space<hbm>> -> memref<2560x128xi32, #tpu.memory_space<hbm>>
      %dma_start3A_361 = arith.constant 0 : i32
      %dma_start3A_362 = tpu.memref_slice %dma_start3A_360[%add3A_205, %dma_start3A_361] : memref<2560x128xi32, #tpu.memory_space<hbm>> -> memref<40x128xi32, #tpu.memory_space<hbm>>
      tpu.enqueue_dma source(%dma_start3A_362 : memref<40x128xi32, #tpu.memory_space<hbm>>) target(%arg9 : memref<40x128xi32, #tpu.memory_space<vmem>>) target_semaphore(%run_scoped3A_351 : memref<!tpu.dma_semaphore, #tpu.memory_space<semaphore_mem>>)
      %dma_wait3A = arith.constant 0 : i32
      %dma_wait3A_363 = arith.constant 0 : i32
      %dma_wait3A_364 = tpu.memref_slice %arg3[%arg0, %dma_wait3A, %dma_wait3A_363] : memref<2x2560x128xi32, #tpu.memory_space<hbm>> -> memref<1x2560x128xi32, #tpu.memory_space<hbm>>
      %dma_wait3A_365 = tpu.memref_squeeze %dma_wait3A_364 : memref<1x2560x128xi32, #tpu.memory_space<hbm>> -> memref<2560x128xi32, #tpu.memory_space<hbm>>
      %dma_wait3A_366 = arith.constant 0 : i32
      %dma_wait3A_367 = tpu.memref_slice %dma_wait3A_365[%add3A_205, %dma_wait3A_366] : memref<2560x128xi32, #tpu.memory_space<hbm>> -> memref<40x128xi32, #tpu.memory_space<hbm>>
      %dma_wait3A_368 = arith.constant 0 : i32
      %dma_wait3A_369 = arith.constant 0 : i32
      %dma_wait3A_370 = tpu.memref_slice %arg3[%arg0, %dma_wait3A_368, %dma_wait3A_369] : memref<2x2560x128xi32, #tpu.memory_space<hbm>> -> memref<1x2560x128xi32, #tpu.memory_space<hbm>>
      %dma_wait3A_371 = tpu.memref_squeeze %dma_wait3A_370 : memref<1x2560x128xi32, #tpu.memory_space<hbm>> -> memref<2560x128xi32, #tpu.memory_space<hbm>>
      %dma_wait3A_372 = arith.constant 0 : i32
      %dma_wait3A_373 = tpu.memref_slice %dma_wait3A_371[%add3A_205, %dma_wait3A_372] : memref<2560x128xi32, #tpu.memory_space<hbm>> -> memref<40x128xi32, #tpu.memory_space<hbm>>
      tpu.wait_dma2 semaphore(%run_scoped3A_351 : memref<!tpu.dma_semaphore, #tpu.memory_space<semaphore_mem>>) src(%dma_wait3A_373 : memref<40x128xi32, #tpu.memory_space<hbm>>) dst(%arg9 : memref<40x128xi32, #tpu.memory_space<vmem>>)
      tpu.yield
    }) : () -> ()
    %sub3A_206 = arith.constant 80 : i32
    %sub3A_207 = arith.subi %max3A_68, %sub3A_206 : i32
    %min3A_208 = arith.constant 40 : i32
    %min3A_209 = arith.minsi %min3A_208, %sub3A_207 : i32
    %max3A_210 = arith.constant 0 : i32
    %max3A_211 = arith.maxsi %max3A_210, %min3A_209 : i32
    %mul3A_212 = arith.constant 160 : i32
    %mul3A_213 = arith.muli %arg1, %mul3A_212 : i32
    %add3A_214 = arith.constant 80 : i32
    %add3A_215 = arith.addi %mul3A_213, %add3A_214 : i32
    %gt3A_216 = arith.constant 0 : i32
    %gt3A_217 = arith.cmpi sgt, %max3A_211, %gt3A_216 : i32
    %convert_element_type3A_218 = arith.extui %gt3A_217 : i1 to i32
    %cond3A_219 = arith.constant 0 : i32
    %cond3A_220 = arith.cmpi ne, %convert_element_type3A_218, %cond3A_219 : i32
    scf.if %cond3A_220 {
      %add3A_351 = arith.constant 0 : i32
      %add3A_352 = arith.addi %add3A_215, %add3A_351 : i32
      %mul3A_353 = arith.constant 128 : i32
      %mul3A_354 = arith.muli %add3A_352, %mul3A_353 : i32
      %dma_start3A = arith.constant 0 : i32
      %dma_start3A_355 = arith.constant 0 : i32
      %dma_start3A_356 = arith.constant 0 : i32
      %dma_start3A_357 = tpu.memref_slice %arg8[%dma_start3A, %dma_start3A_355, %dma_start3A_356] : memref<2x128x128xf32, #tpu.memory_space<vmem>> -> memref<1x128x128xf32, #tpu.memory_space<vmem>>
      %dma_start3A_358 = tpu.memref_squeeze %dma_start3A_357 : memref<1x128x128xf32, #tpu.memory_space<vmem>> -> memref<128x128xf32, #tpu.memory_space<vmem>>
      %dma_start3A_359 = arith.constant 0 : i32
      %dma_start3A_360 = tpu.memref_slice %arg2[%mul3A_354, %dma_start3A_359] : memref<320000x128xf32, #tpu.memory_space<hbm>> -> memref<128x128xf32, #tpu.memory_space<hbm>>
      %dma_start3A_361 = arith.constant 0 : i32
      %dma_start3A_362 = arith.constant 0 : i32
      %dma_start3A_363 = tpu.memref_slice %arg8[%dma_start3A, %dma_start3A_361, %dma_start3A_362] : memref<2x128x128xf32, #tpu.memory_space<vmem>> -> memref<1x128x128xf32, #tpu.memory_space<vmem>>
      %dma_start3A_364 = tpu.memref_squeeze %dma_start3A_363 : memref<1x128x128xf32, #tpu.memory_space<vmem>> -> memref<128x128xf32, #tpu.memory_space<vmem>>
      %dma_start3A_365 = arith.constant 0 : i32
      %dma_start3A_366 = tpu.memref_slice %arg2[%mul3A_354, %dma_start3A_365] : memref<320000x128xf32, #tpu.memory_space<hbm>> -> memref<128x128xf32, #tpu.memory_space<hbm>>
      tpu.enqueue_dma source(%dma_start3A_366 : memref<128x128xf32, #tpu.memory_space<hbm>>) target(%dma_start3A_364 : memref<128x128xf32, #tpu.memory_space<vmem>>) target_semaphore(%arg13 : memref<!tpu.dma_semaphore, #tpu.memory_space<semaphore_mem>>)
    } else {
    }
    %jit3A_221 = arith.constant 2 : i32
    %div3A_222 = arith.divsi %max3A_211, %jit3A_221 : i32
    %sign3A_223 = arith.constant 0 : i32
    %sign3A_224 = arith.cmpi sgt, %max3A_211, %sign3A_223 : i32
    %sign3A_225 = arith.extui %sign3A_224 : i1 to i32
    %sign3A_226 = arith.constant 0 : i32
    %sign3A_227 = arith.cmpi slt, %max3A_211, %sign3A_226 : i32
    %sign3A_228 = arith.extui %sign3A_227 : i1 to i32
    %sign3A_229 = arith.subi %sign3A_225, %sign3A_228 : i32
    %sign3A_230 = arith.constant 0 : i32
    %sign3A_231 = arith.cmpi sgt, %jit3A_221, %sign3A_230 : i32
    %sign3A_232 = arith.extui %sign3A_231 : i1 to i32
    %sign3A_233 = arith.constant 0 : i32
    %sign3A_234 = arith.cmpi slt, %jit3A_221, %sign3A_233 : i32
    %sign3A_235 = arith.extui %sign3A_234 : i1 to i32
    %sign3A_236 = arith.subi %sign3A_232, %sign3A_235 : i32
    %ne3A_237 = arith.cmpi ne, %sign3A_229, %sign3A_236 : i32
    %rem3A_238 = arith.remsi %max3A_211, %jit3A_221 : i32
    %ne3A_239 = arith.constant 0 : i32
    %ne3A_240 = arith.cmpi ne, %rem3A_238, %ne3A_239 : i32
    %and3A_241 = arith.andi %ne3A_237, %ne3A_240 : i1
    %sub3A_242 = arith.constant 1 : i32
    %sub3A_243 = arith.subi %div3A_222, %sub3A_242 : i32
    %select_n3A_244 = arith.select %and3A_241, %sub3A_243, %div3A_222 : i32
    %while3A_245 = arith.constant 0 : i32
    %while3A_246 = arith.constant 0 : i32
    %while3A_247 = arith.subi %select_n3A_244, %while3A_245 : i32
    %while3A_248 = arith.addi %while3A_245, %while3A_247 : i32
    %while3A_249 = arith.constant 1 : i32
    %while3A_250 = arith.divsi %while3A_247, %while3A_249 : i32
    %while3A_251 = arith.muli %while3A_250, %while3A_249 : i32
    %while3A_252 = arith.addi %while3A_245, %while3A_251 : i32
    %while3A_253 = arith.constant 1 : i32
    %while3A_254 = scf.for %while3A_351 = %while3A_245 to %while3A_252 step %while3A_253 iter_args(%while3A_352 = %while3A_246) -> (i32)  : i32 {
      %mul3A_353 = arith.constant 2 : i32
      %mul3A_354 = arith.muli %mul3A_353, %while3A_351 : i32
      %add3A_355 = arith.constant 0 : i32
      %add3A_356 = arith.addi %mul3A_354, %add3A_355 : i32
      %add3A_357 = arith.addi %add3A_215, %add3A_356 : i32
      %mul3A_358 = arith.constant 128 : i32
      %mul3A_359 = arith.muli %add3A_357, %mul3A_358 : i32
      %dma_wait3A = arith.constant 0 : i32
      %dma_wait3A_360 = arith.constant 0 : i32
      %dma_wait3A_361 = arith.constant 0 : i32
      %dma_wait3A_362 = tpu.memref_slice %arg8[%dma_wait3A, %dma_wait3A_360, %dma_wait3A_361] : memref<2x128x128xf32, #tpu.memory_space<vmem>> -> memref<1x128x128xf32, #tpu.memory_space<vmem>>
      %dma_wait3A_363 = tpu.memref_squeeze %dma_wait3A_362 : memref<1x128x128xf32, #tpu.memory_space<vmem>> -> memref<128x128xf32, #tpu.memory_space<vmem>>
      %dma_wait3A_364 = arith.constant 0 : i32
      %dma_wait3A_365 = tpu.memref_slice %arg2[%mul3A_359, %dma_wait3A_364] : memref<320000x128xf32, #tpu.memory_space<hbm>> -> memref<128x128xf32, #tpu.memory_space<hbm>>
      %dma_wait3A_366 = arith.constant 0 : i32
      %dma_wait3A_367 = arith.constant 0 : i32
      %dma_wait3A_368 = tpu.memref_slice %arg8[%dma_wait3A, %dma_wait3A_366, %dma_wait3A_367] : memref<2x128x128xf32, #tpu.memory_space<vmem>> -> memref<1x128x128xf32, #tpu.memory_space<vmem>>
      %dma_wait3A_369 = tpu.memref_squeeze %dma_wait3A_368 : memref<1x128x128xf32, #tpu.memory_space<vmem>> -> memref<128x128xf32, #tpu.memory_space<vmem>>
      %dma_wait3A_370 = arith.constant 0 : i32
      %dma_wait3A_371 = tpu.memref_slice %arg2[%mul3A_359, %dma_wait3A_370] : memref<320000x128xf32, #tpu.memory_space<hbm>> -> memref<128x128xf32, #tpu.memory_space<hbm>>
      tpu.wait_dma2 semaphore(%arg13 : memref<!tpu.dma_semaphore, #tpu.memory_space<semaphore_mem>>) src(%dma_wait3A_371 : memref<128x128xf32, #tpu.memory_space<hbm>>) dst(%dma_wait3A_369 : memref<128x128xf32, #tpu.memory_space<vmem>>)
      %dma_start3A = arith.constant 0 : i32
      %dma_start3A_372 = arith.constant 0 : i32
      %dma_start3A_373 = arith.constant 0 : i32
      %dma_start3A_374 = tpu.memref_slice %arg8[%dma_start3A, %dma_start3A_372, %dma_start3A_373] : memref<2x128x128xf32, #tpu.memory_space<vmem>> -> memref<1x128x128xf32, #tpu.memory_space<vmem>>
      %dma_start3A_375 = tpu.memref_squeeze %dma_start3A_374 : memref<1x128x128xf32, #tpu.memory_space<vmem>> -> memref<128x128xf32, #tpu.memory_space<vmem>>
      %dma_start3A_376 = arith.constant 0 : i32
      %dma_start3A_377 = tpu.memref_slice %arg9[%add3A_356, %dma_start3A_376] : memref<40x128xi32, #tpu.memory_space<vmem>> -> memref<1x128xi32, #tpu.memory_space<vmem>>
      %dma_start3A_378 = tpu.memref_squeeze %dma_start3A_377 : memref<1x128xi32, #tpu.memory_space<vmem>> -> memref<128xi32, #tpu.memory_space<vmem>>
      %dma_start3A_379 = arith.constant 0 : i32
      %dma_start3A_380 = arith.constant 0 : i32
      %dma_start3A_381 = tpu.memref_slice %arg6[%dma_start3A_379, %dma_start3A_380] : memref<10240x128xf32, #tpu.memory_space<vmem_shared>> -> memref<10240x128xf32, #tpu.memory_space<vmem_shared>>
      tpu.enqueue_indirect_dma source(%dma_start3A_375 : memref<128x128xf32, #tpu.memory_space<vmem>>) target(%dma_start3A_381 : memref<10240x128xf32, #tpu.memory_space<vmem_shared>>) offsets(%dma_start3A_378 : memref<128xi32, #tpu.memory_space<vmem>>) semaphore(%arg14 : memref<!tpu.dma_semaphore, #tpu.memory_space<semaphore_mem>>) {add = true}
      %dma_start3A_382 = arith.constant 0 : i32
      %dma_start3A_383 = tpu.memref_slice %arg9[%add3A_356, %dma_start3A_382] : memref<40x128xi32, #tpu.memory_space<vmem>> -> memref<1x128xi32, #tpu.memory_space<vmem>>
      %dma_start3A_384 = tpu.memref_squeeze %dma_start3A_383 : memref<1x128xi32, #tpu.memory_space<vmem>> -> memref<128xi32, #tpu.memory_space<vmem>>
      %dma_start3A_385 = arith.constant 0 : i32
      %dma_start3A_386 = tpu.memref_slice %arg7[%dma_start3A_385] : memref<10240xf32, #tpu.memory_space<vmem_shared>> -> memref<10240xf32, #tpu.memory_space<vmem_shared>>
      tpu.enqueue_indirect_dma source(%arg10 : memref<128xf32, #tpu.memory_space<vmem>>) target(%dma_start3A_386 : memref<10240xf32, #tpu.memory_space<vmem_shared>>) offsets(%dma_start3A_384 : memref<128xi32, #tpu.memory_space<vmem>>) semaphore(%arg15 : memref<!tpu.dma_semaphore, #tpu.memory_space<semaphore_mem>>) {add = true}
      %gt3A_387 = arith.constant 0 : i32
      %gt3A_388 = arith.cmpi sgt, %add3A_356, %gt3A_387 : i32
      %convert_element_type3A_389 = arith.extui %gt3A_388 : i1 to i32
      %cond3A_390 = arith.constant 0 : i32
      %cond3A_391 = arith.cmpi ne, %convert_element_type3A_389, %cond3A_390 : i32
      scf.if %cond3A_391 {
        %sub3A_446 = arith.constant 1 : i32
        %sub3A_447 = arith.subi %add3A_356, %sub3A_446 : i32
        %dma_wait3A_448 = arith.constant 1 : i32
        %dma_wait3A_449 = arith.constant 0 : i32
        %dma_wait3A_450 = arith.constant 0 : i32
        %dma_wait3A_451 = tpu.memref_slice %arg8[%dma_wait3A_448, %dma_wait3A_449, %dma_wait3A_450] : memref<2x128x128xf32, #tpu.memory_space<vmem>> -> memref<1x128x128xf32, #tpu.memory_space<vmem>>
        %dma_wait3A_452 = tpu.memref_squeeze %dma_wait3A_451 : memref<1x128x128xf32, #tpu.memory_space<vmem>> -> memref<128x128xf32, #tpu.memory_space<vmem>>
        %dma_wait3A_453 = arith.constant 0 : i32
        %dma_wait3A_454 = tpu.memref_slice %arg9[%sub3A_447, %dma_wait3A_453] : memref<40x128xi32, #tpu.memory_space<vmem>> -> memref<1x128xi32, #tpu.memory_space<vmem>>
        %dma_wait3A_455 = tpu.memref_squeeze %dma_wait3A_454 : memref<1x128xi32, #tpu.memory_space<vmem>> -> memref<128xi32, #tpu.memory_space<vmem>>
        %dma_wait3A_456 = arith.constant 0 : i32
        %dma_wait3A_457 = arith.constant 0 : i32
        %dma_wait3A_458 = tpu.memref_slice %arg6[%dma_wait3A_456, %dma_wait3A_457] : memref<10240x128xf32, #tpu.memory_space<vmem_shared>> -> memref<10240x128xf32, #tpu.memory_space<vmem_shared>>
        tpu.wait_indirect_dma semaphore(%arg14 : memref<!tpu.dma_semaphore, #tpu.memory_space<semaphore_mem>>) src(%dma_wait3A_452 : memref<128x128xf32, #tpu.memory_space<vmem>>) dst(%dma_wait3A_458 : memref<10240x128xf32, #tpu.memory_space<vmem_shared>>)
      } else {
      }
      %add3A_392 = arith.constant 1 : i32
      %add3A_393 = arith.addi %add3A_356, %add3A_392 : i32
      %lt3A_394 = arith.cmpi slt, %add3A_393, %max3A_211 : i32
      %convert_element_type3A_395 = arith.extui %lt3A_394 : i1 to i32
      %cond3A_396 = arith.constant 0 : i32
      %cond3A_397 = arith.cmpi ne, %convert_element_type3A_395, %cond3A_396 : i32
      scf.if %cond3A_397 {
        %add3A_446 = arith.constant 1 : i32
        %add3A_447 = arith.addi %add3A_356, %add3A_446 : i32
        %add3A_448 = arith.addi %add3A_215, %add3A_447 : i32
        %mul3A_449 = arith.constant 128 : i32
        %mul3A_450 = arith.muli %add3A_448, %mul3A_449 : i32
        %dma_start3A_451 = arith.constant 1 : i32
        %dma_start3A_452 = arith.constant 0 : i32
        %dma_start3A_453 = arith.constant 0 : i32
        %dma_start3A_454 = tpu.memref_slice %arg8[%dma_start3A_451, %dma_start3A_452, %dma_start3A_453] : memref<2x128x128xf32, #tpu.memory_space<vmem>> -> memref<1x128x128xf32, #tpu.memory_space<vmem>>
        %dma_start3A_455 = tpu.memref_squeeze %dma_start3A_454 : memref<1x128x128xf32, #tpu.memory_space<vmem>> -> memref<128x128xf32, #tpu.memory_space<vmem>>
        %dma_start3A_456 = arith.constant 0 : i32
        %dma_start3A_457 = tpu.memref_slice %arg2[%mul3A_450, %dma_start3A_456] : memref<320000x128xf32, #tpu.memory_space<hbm>> -> memref<128x128xf32, #tpu.memory_space<hbm>>
        %dma_start3A_458 = arith.constant 0 : i32
        %dma_start3A_459 = arith.constant 0 : i32
        %dma_start3A_460 = tpu.memref_slice %arg8[%dma_start3A_451, %dma_start3A_458, %dma_start3A_459] : memref<2x128x128xf32, #tpu.memory_space<vmem>> -> memref<1x128x128xf32, #tpu.memory_space<vmem>>
        %dma_start3A_461 = tpu.memref_squeeze %dma_start3A_460 : memref<1x128x128xf32, #tpu.memory_space<vmem>> -> memref<128x128xf32, #tpu.memory_space<vmem>>
        %dma_start3A_462 = arith.constant 0 : i32
        %dma_start3A_463 = tpu.memref_slice %arg2[%mul3A_450, %dma_start3A_462] : memref<320000x128xf32, #tpu.memory_space<hbm>> -> memref<128x128xf32, #tpu.memory_space<hbm>>
        tpu.enqueue_dma source(%dma_start3A_463 : memref<128x128xf32, #tpu.memory_space<hbm>>) target(%dma_start3A_461 : memref<128x128xf32, #tpu.memory_space<vmem>>) target_semaphore(%arg13 : memref<!tpu.dma_semaphore, #tpu.memory_space<semaphore_mem>>)
      } else {
      }
      %mul3A_398 = arith.constant 2 : i32
      %mul3A_399 = arith.muli %mul3A_398, %while3A_351 : i32
      %add3A_400 = arith.constant 1 : i32
      %add3A_401 = arith.addi %mul3A_399, %add3A_400 : i32
      %add3A_402 = arith.addi %add3A_215, %add3A_401 : i32
      %mul3A_403 = arith.constant 128 : i32
      %mul3A_404 = arith.muli %add3A_402, %mul3A_403 : i32
      %dma_wait3A_405 = arith.constant 1 : i32
      %dma_wait3A_406 = arith.constant 0 : i32
      %dma_wait3A_407 = arith.constant 0 : i32
      %dma_wait3A_408 = tpu.memref_slice %arg8[%dma_wait3A_405, %dma_wait3A_406, %dma_wait3A_407] : memref<2x128x128xf32, #tpu.memory_space<vmem>> -> memref<1x128x128xf32, #tpu.memory_space<vmem>>
      %dma_wait3A_409 = tpu.memref_squeeze %dma_wait3A_408 : memref<1x128x128xf32, #tpu.memory_space<vmem>> -> memref<128x128xf32, #tpu.memory_space<vmem>>
      %dma_wait3A_410 = arith.constant 0 : i32
      %dma_wait3A_411 = tpu.memref_slice %arg2[%mul3A_404, %dma_wait3A_410] : memref<320000x128xf32, #tpu.memory_space<hbm>> -> memref<128x128xf32, #tpu.memory_space<hbm>>
      %dma_wait3A_412 = arith.constant 0 : i32
      %dma_wait3A_413 = arith.constant 0 : i32
      %dma_wait3A_414 = tpu.memref_slice %arg8[%dma_wait3A_405, %dma_wait3A_412, %dma_wait3A_413] : memref<2x128x128xf32, #tpu.memory_space<vmem>> -> memref<1x128x128xf32, #tpu.memory_space<vmem>>
      %dma_wait3A_415 = tpu.memref_squeeze %dma_wait3A_414 : memref<1x128x128xf32, #tpu.memory_space<vmem>> -> memref<128x128xf32, #tpu.memory_space<vmem>>
      %dma_wait3A_416 = arith.constant 0 : i32
      %dma_wait3A_417 = tpu.memref_slice %arg2[%mul3A_404, %dma_wait3A_416] : memref<320000x128xf32, #tpu.memory_space<hbm>> -> memref<128x128xf32, #tpu.memory_space<hbm>>
      tpu.wait_dma2 semaphore(%arg13 : memref<!tpu.dma_semaphore, #tpu.memory_space<semaphore_mem>>) src(%dma_wait3A_417 : memref<128x128xf32, #tpu.memory_space<hbm>>) dst(%dma_wait3A_415 : memref<128x128xf32, #tpu.memory_space<vmem>>)
      %dma_start3A_418 = arith.constant 1 : i32
      %dma_start3A_419 = arith.constant 0 : i32
      %dma_start3A_420 = arith.constant 0 : i32
      %dma_start3A_421 = tpu.memref_slice %arg8[%dma_start3A_418, %dma_start3A_419, %dma_start3A_420] : memref<2x128x128xf32, #tpu.memory_space<vmem>> -> memref<1x128x128xf32, #tpu.memory_space<vmem>>
      %dma_start3A_422 = tpu.memref_squeeze %dma_start3A_421 : memref<1x128x128xf32, #tpu.memory_space<vmem>> -> memref<128x128xf32, #tpu.memory_space<vmem>>
      %dma_start3A_423 = arith.constant 0 : i32
      %dma_start3A_424 = tpu.memref_slice %arg9[%add3A_401, %dma_start3A_423] : memref<40x128xi32, #tpu.memory_space<vmem>> -> memref<1x128xi32, #tpu.memory_space<vmem>>
      %dma_start3A_425 = tpu.memref_squeeze %dma_start3A_424 : memref<1x128xi32, #tpu.memory_space<vmem>> -> memref<128xi32, #tpu.memory_space<vmem>>
      %dma_start3A_426 = arith.constant 0 : i32
      %dma_start3A_427 = arith.constant 0 : i32
      %dma_start3A_428 = tpu.memref_slice %arg6[%dma_start3A_426, %dma_start3A_427] : memref<10240x128xf32, #tpu.memory_space<vmem_shared>> -> memref<10240x128xf32, #tpu.memory_space<vmem_shared>>
      tpu.enqueue_indirect_dma source(%dma_start3A_422 : memref<128x128xf32, #tpu.memory_space<vmem>>) target(%dma_start3A_428 : memref<10240x128xf32, #tpu.memory_space<vmem_shared>>) offsets(%dma_start3A_425 : memref<128xi32, #tpu.memory_space<vmem>>) semaphore(%arg14 : memref<!tpu.dma_semaphore, #tpu.memory_space<semaphore_mem>>) {add = true}
      %dma_start3A_429 = arith.constant 0 : i32
      %dma_start3A_430 = tpu.memref_slice %arg9[%add3A_401, %dma_start3A_429] : memref<40x128xi32, #tpu.memory_space<vmem>> -> memref<1x128xi32, #tpu.memory_space<vmem>>
      %dma_start3A_431 = tpu.memref_squeeze %dma_start3A_430 : memref<1x128xi32, #tpu.memory_space<vmem>> -> memref<128xi32, #tpu.memory_space<vmem>>
      %dma_start3A_432 = arith.constant 0 : i32
      %dma_start3A_433 = tpu.memref_slice %arg7[%dma_start3A_432] : memref<10240xf32, #tpu.memory_space<vmem_shared>> -> memref<10240xf32, #tpu.memory_space<vmem_shared>>
      tpu.enqueue_indirect_dma source(%arg10 : memref<128xf32, #tpu.memory_space<vmem>>) target(%dma_start3A_433 : memref<10240xf32, #tpu.memory_space<vmem_shared>>) offsets(%dma_start3A_431 : memref<128xi32, #tpu.memory_space<vmem>>) semaphore(%arg15 : memref<!tpu.dma_semaphore, #tpu.memory_space<semaphore_mem>>) {add = true}
      %gt3A_434 = arith.constant 0 : i32
      %gt3A_435 = arith.cmpi sgt, %add3A_401, %gt3A_434 : i32
      %convert_element_type3A_436 = arith.extui %gt3A_435 : i1 to i32
      %cond3A_437 = arith.constant 0 : i32
      %cond3A_438 = arith.cmpi ne, %convert_element_type3A_436, %cond3A_437 : i32
      scf.if %cond3A_438 {
        %sub3A_446 = arith.constant 1 : i32
        %sub3A_447 = arith.subi %add3A_401, %sub3A_446 : i32
        %dma_wait3A_448 = arith.constant 0 : i32
        %dma_wait3A_449 = arith.constant 0 : i32
        %dma_wait3A_450 = arith.constant 0 : i32
        %dma_wait3A_451 = tpu.memref_slice %arg8[%dma_wait3A_448, %dma_wait3A_449, %dma_wait3A_450] : memref<2x128x128xf32, #tpu.memory_space<vmem>> -> memref<1x128x128xf32, #tpu.memory_space<vmem>>
        %dma_wait3A_452 = tpu.memref_squeeze %dma_wait3A_451 : memref<1x128x128xf32, #tpu.memory_space<vmem>> -> memref<128x128xf32, #tpu.memory_space<vmem>>
        %dma_wait3A_453 = arith.constant 0 : i32
        %dma_wait3A_454 = tpu.memref_slice %arg9[%sub3A_447, %dma_wait3A_453] : memref<40x128xi32, #tpu.memory_space<vmem>> -> memref<1x128xi32, #tpu.memory_space<vmem>>
        %dma_wait3A_455 = tpu.memref_squeeze %dma_wait3A_454 : memref<1x128xi32, #tpu.memory_space<vmem>> -> memref<128xi32, #tpu.memory_space<vmem>>
        %dma_wait3A_456 = arith.constant 0 : i32
        %dma_wait3A_457 = arith.constant 0 : i32
        %dma_wait3A_458 = tpu.memref_slice %arg6[%dma_wait3A_456, %dma_wait3A_457] : memref<10240x128xf32, #tpu.memory_space<vmem_shared>> -> memref<10240x128xf32, #tpu.memory_space<vmem_shared>>
        tpu.wait_indirect_dma semaphore(%arg14 : memref<!tpu.dma_semaphore, #tpu.memory_space<semaphore_mem>>) src(%dma_wait3A_452 : memref<128x128xf32, #tpu.memory_space<vmem>>) dst(%dma_wait3A_458 : memref<10240x128xf32, #tpu.memory_space<vmem_shared>>)
      } else {
      }
      %add3A_439 = arith.constant 1 : i32
      %add3A_440 = arith.addi %add3A_401, %add3A_439 : i32
      %lt3A_441 = arith.cmpi slt, %add3A_440, %max3A_211 : i32
      %convert_element_type3A_442 = arith.extui %lt3A_441 : i1 to i32
      %cond3A_443 = arith.constant 0 : i32
      %cond3A_444 = arith.cmpi ne, %convert_element_type3A_442, %cond3A_443 : i32
      scf.if %cond3A_444 {
        %add3A_446 = arith.constant 1 : i32
        %add3A_447 = arith.addi %add3A_401, %add3A_446 : i32
        %add3A_448 = arith.addi %add3A_215, %add3A_447 : i32
        %mul3A_449 = arith.constant 128 : i32
        %mul3A_450 = arith.muli %add3A_448, %mul3A_449 : i32
        %dma_start3A_451 = arith.constant 0 : i32
        %dma_start3A_452 = arith.constant 0 : i32
        %dma_start3A_453 = arith.constant 0 : i32
        %dma_start3A_454 = tpu.memref_slice %arg8[%dma_start3A_451, %dma_start3A_452, %dma_start3A_453] : memref<2x128x128xf32, #tpu.memory_space<vmem>> -> memref<1x128x128xf32, #tpu.memory_space<vmem>>
        %dma_start3A_455 = tpu.memref_squeeze %dma_start3A_454 : memref<1x128x128xf32, #tpu.memory_space<vmem>> -> memref<128x128xf32, #tpu.memory_space<vmem>>
        %dma_start3A_456 = arith.constant 0 : i32
        %dma_start3A_457 = tpu.memref_slice %arg2[%mul3A_450, %dma_start3A_456] : memref<320000x128xf32, #tpu.memory_space<hbm>> -> memref<128x128xf32, #tpu.memory_space<hbm>>
        %dma_start3A_458 = arith.constant 0 : i32
        %dma_start3A_459 = arith.constant 0 : i32
        %dma_start3A_460 = tpu.memref_slice %arg8[%dma_start3A_451, %dma_start3A_458, %dma_start3A_459] : memref<2x128x128xf32, #tpu.memory_space<vmem>> -> memref<1x128x128xf32, #tpu.memory_space<vmem>>
        %dma_start3A_461 = tpu.memref_squeeze %dma_start3A_460 : memref<1x128x128xf32, #tpu.memory_space<vmem>> -> memref<128x128xf32, #tpu.memory_space<vmem>>
        %dma_start3A_462 = arith.constant 0 : i32
        %dma_start3A_463 = tpu.memref_slice %arg2[%mul3A_450, %dma_start3A_462] : memref<320000x128xf32, #tpu.memory_space<hbm>> -> memref<128x128xf32, #tpu.memory_space<hbm>>
        tpu.enqueue_dma source(%dma_start3A_463 : memref<128x128xf32, #tpu.memory_space<hbm>>) target(%dma_start3A_461 : memref<128x128xf32, #tpu.memory_space<vmem>>) target_semaphore(%arg13 : memref<!tpu.dma_semaphore, #tpu.memory_space<semaphore_mem>>)
      } else {
      }
      %while3A_445 = arith.constant 0 : i32
      scf.yield %while3A_445 : i32
    }
    %while3A_255 = arith.constant 1 : i32
    %while3A_256 = scf.for %while3A_351 = %while3A_252 to %while3A_248 step %while3A_255 iter_args(%while3A_352 = %while3A_254) -> (i32)  : i32 {
      %mul3A_353 = arith.constant 2 : i32
      %mul3A_354 = arith.muli %mul3A_353, %while3A_351 : i32
      %add3A_355 = arith.constant 0 : i32
      %add3A_356 = arith.addi %mul3A_354, %add3A_355 : i32
      %add3A_357 = arith.addi %add3A_215, %add3A_356 : i32
      %mul3A_358 = arith.constant 128 : i32
      %mul3A_359 = arith.muli %add3A_357, %mul3A_358 : i32
      %dma_wait3A = arith.constant 0 : i32
      %dma_wait3A_360 = arith.constant 0 : i32
      %dma_wait3A_361 = arith.constant 0 : i32
      %dma_wait3A_362 = tpu.memref_slice %arg8[%dma_wait3A, %dma_wait3A_360, %dma_wait3A_361] : memref<2x128x128xf32, #tpu.memory_space<vmem>> -> memref<1x128x128xf32, #tpu.memory_space<vmem>>
      %dma_wait3A_363 = tpu.memref_squeeze %dma_wait3A_362 : memref<1x128x128xf32, #tpu.memory_space<vmem>> -> memref<128x128xf32, #tpu.memory_space<vmem>>
      %dma_wait3A_364 = arith.constant 0 : i32
      %dma_wait3A_365 = tpu.memref_slice %arg2[%mul3A_359, %dma_wait3A_364] : memref<320000x128xf32, #tpu.memory_space<hbm>> -> memref<128x128xf32, #tpu.memory_space<hbm>>
      %dma_wait3A_366 = arith.constant 0 : i32
      %dma_wait3A_367 = arith.constant 0 : i32
      %dma_wait3A_368 = tpu.memref_slice %arg8[%dma_wait3A, %dma_wait3A_366, %dma_wait3A_367] : memref<2x128x128xf32, #tpu.memory_space<vmem>> -> memref<1x128x128xf32, #tpu.memory_space<vmem>>
      %dma_wait3A_369 = tpu.memref_squeeze %dma_wait3A_368 : memref<1x128x128xf32, #tpu.memory_space<vmem>> -> memref<128x128xf32, #tpu.memory_space<vmem>>
      %dma_wait3A_370 = arith.constant 0 : i32
      %dma_wait3A_371 = tpu.memref_slice %arg2[%mul3A_359, %dma_wait3A_370] : memref<320000x128xf32, #tpu.memory_space<hbm>> -> memref<128x128xf32, #tpu.memory_space<hbm>>
      tpu.wait_dma2 semaphore(%arg13 : memref<!tpu.dma_semaphore, #tpu.memory_space<semaphore_mem>>) src(%dma_wait3A_371 : memref<128x128xf32, #tpu.memory_space<hbm>>) dst(%dma_wait3A_369 : memref<128x128xf32, #tpu.memory_space<vmem>>)
      %dma_start3A = arith.constant 0 : i32
      %dma_start3A_372 = arith.constant 0 : i32
      %dma_start3A_373 = arith.constant 0 : i32
      %dma_start3A_374 = tpu.memref_slice %arg8[%dma_start3A, %dma_start3A_372, %dma_start3A_373] : memref<2x128x128xf32, #tpu.memory_space<vmem>> -> memref<1x128x128xf32, #tpu.memory_space<vmem>>
      %dma_start3A_375 = tpu.memref_squeeze %dma_start3A_374 : memref<1x128x128xf32, #tpu.memory_space<vmem>> -> memref<128x128xf32, #tpu.memory_space<vmem>>
      %dma_start3A_376 = arith.constant 0 : i32
      %dma_start3A_377 = tpu.memref_slice %arg9[%add3A_356, %dma_start3A_376] : memref<40x128xi32, #tpu.memory_space<vmem>> -> memref<1x128xi32, #tpu.memory_space<vmem>>
      %dma_start3A_378 = tpu.memref_squeeze %dma_start3A_377 : memref<1x128xi32, #tpu.memory_space<vmem>> -> memref<128xi32, #tpu.memory_space<vmem>>
      %dma_start3A_379 = arith.constant 0 : i32
      %dma_start3A_380 = arith.constant 0 : i32
      %dma_start3A_381 = tpu.memref_slice %arg6[%dma_start3A_379, %dma_start3A_380] : memref<10240x128xf32, #tpu.memory_space<vmem_shared>> -> memref<10240x128xf32, #tpu.memory_space<vmem_shared>>
      tpu.enqueue_indirect_dma source(%dma_start3A_375 : memref<128x128xf32, #tpu.memory_space<vmem>>) target(%dma_start3A_381 : memref<10240x128xf32, #tpu.memory_space<vmem_shared>>) offsets(%dma_start3A_378 : memref<128xi32, #tpu.memory_space<vmem>>) semaphore(%arg14 : memref<!tpu.dma_semaphore, #tpu.memory_space<semaphore_mem>>) {add = true}
      %dma_start3A_382 = arith.constant 0 : i32
      %dma_start3A_383 = tpu.memref_slice %arg9[%add3A_356, %dma_start3A_382] : memref<40x128xi32, #tpu.memory_space<vmem>> -> memref<1x128xi32, #tpu.memory_space<vmem>>
      %dma_start3A_384 = tpu.memref_squeeze %dma_start3A_383 : memref<1x128xi32, #tpu.memory_space<vmem>> -> memref<128xi32, #tpu.memory_space<vmem>>
      %dma_start3A_385 = arith.constant 0 : i32
      %dma_start3A_386 = tpu.memref_slice %arg7[%dma_start3A_385] : memref<10240xf32, #tpu.memory_space<vmem_shared>> -> memref<10240xf32, #tpu.memory_space<vmem_shared>>
      tpu.enqueue_indirect_dma source(%arg10 : memref<128xf32, #tpu.memory_space<vmem>>) target(%dma_start3A_386 : memref<10240xf32, #tpu.memory_space<vmem_shared>>) offsets(%dma_start3A_384 : memref<128xi32, #tpu.memory_space<vmem>>) semaphore(%arg15 : memref<!tpu.dma_semaphore, #tpu.memory_space<semaphore_mem>>) {add = true}
      %gt3A_387 = arith.constant 0 : i32
      %gt3A_388 = arith.cmpi sgt, %add3A_356, %gt3A_387 : i32
      %convert_element_type3A_389 = arith.extui %gt3A_388 : i1 to i32
      %cond3A_390 = arith.constant 0 : i32
      %cond3A_391 = arith.cmpi ne, %convert_element_type3A_389, %cond3A_390 : i32
      scf.if %cond3A_391 {
        %sub3A_446 = arith.constant 1 : i32
        %sub3A_447 = arith.subi %add3A_356, %sub3A_446 : i32
        %dma_wait3A_448 = arith.constant 1 : i32
        %dma_wait3A_449 = arith.constant 0 : i32
        %dma_wait3A_450 = arith.constant 0 : i32
        %dma_wait3A_451 = tpu.memref_slice %arg8[%dma_wait3A_448, %dma_wait3A_449, %dma_wait3A_450] : memref<2x128x128xf32, #tpu.memory_space<vmem>> -> memref<1x128x128xf32, #tpu.memory_space<vmem>>
        %dma_wait3A_452 = tpu.memref_squeeze %dma_wait3A_451 : memref<1x128x128xf32, #tpu.memory_space<vmem>> -> memref<128x128xf32, #tpu.memory_space<vmem>>
        %dma_wait3A_453 = arith.constant 0 : i32
        %dma_wait3A_454 = tpu.memref_slice %arg9[%sub3A_447, %dma_wait3A_453] : memref<40x128xi32, #tpu.memory_space<vmem>> -> memref<1x128xi32, #tpu.memory_space<vmem>>
        %dma_wait3A_455 = tpu.memref_squeeze %dma_wait3A_454 : memref<1x128xi32, #tpu.memory_space<vmem>> -> memref<128xi32, #tpu.memory_space<vmem>>
        %dma_wait3A_456 = arith.constant 0 : i32
        %dma_wait3A_457 = arith.constant 0 : i32
        %dma_wait3A_458 = tpu.memref_slice %arg6[%dma_wait3A_456, %dma_wait3A_457] : memref<10240x128xf32, #tpu.memory_space<vmem_shared>> -> memref<10240x128xf32, #tpu.memory_space<vmem_shared>>
        tpu.wait_indirect_dma semaphore(%arg14 : memref<!tpu.dma_semaphore, #tpu.memory_space<semaphore_mem>>) src(%dma_wait3A_452 : memref<128x128xf32, #tpu.memory_space<vmem>>) dst(%dma_wait3A_458 : memref<10240x128xf32, #tpu.memory_space<vmem_shared>>)
      } else {
      }
      %add3A_392 = arith.constant 1 : i32
      %add3A_393 = arith.addi %add3A_356, %add3A_392 : i32
      %lt3A_394 = arith.cmpi slt, %add3A_393, %max3A_211 : i32
      %convert_element_type3A_395 = arith.extui %lt3A_394 : i1 to i32
      %cond3A_396 = arith.constant 0 : i32
      %cond3A_397 = arith.cmpi ne, %convert_element_type3A_395, %cond3A_396 : i32
      scf.if %cond3A_397 {
        %add3A_446 = arith.constant 1 : i32
        %add3A_447 = arith.addi %add3A_356, %add3A_446 : i32
        %add3A_448 = arith.addi %add3A_215, %add3A_447 : i32
        %mul3A_449 = arith.constant 128 : i32
        %mul3A_450 = arith.muli %add3A_448, %mul3A_449 : i32
        %dma_start3A_451 = arith.constant 1 : i32
        %dma_start3A_452 = arith.constant 0 : i32
        %dma_start3A_453 = arith.constant 0 : i32
        %dma_start3A_454 = tpu.memref_slice %arg8[%dma_start3A_451, %dma_start3A_452, %dma_start3A_453] : memref<2x128x128xf32, #tpu.memory_space<vmem>> -> memref<1x128x128xf32, #tpu.memory_space<vmem>>
        %dma_start3A_455 = tpu.memref_squeeze %dma_start3A_454 : memref<1x128x128xf32, #tpu.memory_space<vmem>> -> memref<128x128xf32, #tpu.memory_space<vmem>>
        %dma_start3A_456 = arith.constant 0 : i32
        %dma_start3A_457 = tpu.memref_slice %arg2[%mul3A_450, %dma_start3A_456] : memref<320000x128xf32, #tpu.memory_space<hbm>> -> memref<128x128xf32, #tpu.memory_space<hbm>>
        %dma_start3A_458 = arith.constant 0 : i32
        %dma_start3A_459 = arith.constant 0 : i32
        %dma_start3A_460 = tpu.memref_slice %arg8[%dma_start3A_451, %dma_start3A_458, %dma_start3A_459] : memref<2x128x128xf32, #tpu.memory_space<vmem>> -> memref<1x128x128xf32, #tpu.memory_space<vmem>>
        %dma_start3A_461 = tpu.memref_squeeze %dma_start3A_460 : memref<1x128x128xf32, #tpu.memory_space<vmem>> -> memref<128x128xf32, #tpu.memory_space<vmem>>
        %dma_start3A_462 = arith.constant 0 : i32
        %dma_start3A_463 = tpu.memref_slice %arg2[%mul3A_450, %dma_start3A_462] : memref<320000x128xf32, #tpu.memory_space<hbm>> -> memref<128x128xf32, #tpu.memory_space<hbm>>
        tpu.enqueue_dma source(%dma_start3A_463 : memref<128x128xf32, #tpu.memory_space<hbm>>) target(%dma_start3A_461 : memref<128x128xf32, #tpu.memory_space<vmem>>) target_semaphore(%arg13 : memref<!tpu.dma_semaphore, #tpu.memory_space<semaphore_mem>>)
      } else {
      }
      %mul3A_398 = arith.constant 2 : i32
      %mul3A_399 = arith.muli %mul3A_398, %while3A_351 : i32
      %add3A_400 = arith.constant 1 : i32
      %add3A_401 = arith.addi %mul3A_399, %add3A_400 : i32
      %add3A_402 = arith.addi %add3A_215, %add3A_401 : i32
      %mul3A_403 = arith.constant 128 : i32
      %mul3A_404 = arith.muli %add3A_402, %mul3A_403 : i32
      %dma_wait3A_405 = arith.constant 1 : i32
      %dma_wait3A_406 = arith.constant 0 : i32
      %dma_wait3A_407 = arith.constant 0 : i32
      %dma_wait3A_408 = tpu.memref_slice %arg8[%dma_wait3A_405, %dma_wait3A_406, %dma_wait3A_407] : memref<2x128x128xf32, #tpu.memory_space<vmem>> -> memref<1x128x128xf32, #tpu.memory_space<vmem>>
      %dma_wait3A_409 = tpu.memref_squeeze %dma_wait3A_408 : memref<1x128x128xf32, #tpu.memory_space<vmem>> -> memref<128x128xf32, #tpu.memory_space<vmem>>
      %dma_wait3A_410 = arith.constant 0 : i32
      %dma_wait3A_411 = tpu.memref_slice %arg2[%mul3A_404, %dma_wait3A_410] : memref<320000x128xf32, #tpu.memory_space<hbm>> -> memref<128x128xf32, #tpu.memory_space<hbm>>
      %dma_wait3A_412 = arith.constant 0 : i32
      %dma_wait3A_413 = arith.constant 0 : i32
      %dma_wait3A_414 = tpu.memref_slice %arg8[%dma_wait3A_405, %dma_wait3A_412, %dma_wait3A_413] : memref<2x128x128xf32, #tpu.memory_space<vmem>> -> memref<1x128x128xf32, #tpu.memory_space<vmem>>
      %dma_wait3A_415 = tpu.memref_squeeze %dma_wait3A_414 : memref<1x128x128xf32, #tpu.memory_space<vmem>> -> memref<128x128xf32, #tpu.memory_space<vmem>>
      %dma_wait3A_416 = arith.constant 0 : i32
      %dma_wait3A_417 = tpu.memref_slice %arg2[%mul3A_404, %dma_wait3A_416] : memref<320000x128xf32, #tpu.memory_space<hbm>> -> memref<128x128xf32, #tpu.memory_space<hbm>>
      tpu.wait_dma2 semaphore(%arg13 : memref<!tpu.dma_semaphore, #tpu.memory_space<semaphore_mem>>) src(%dma_wait3A_417 : memref<128x128xf32, #tpu.memory_space<hbm>>) dst(%dma_wait3A_415 : memref<128x128xf32, #tpu.memory_space<vmem>>)
      %dma_start3A_418 = arith.constant 1 : i32
      %dma_start3A_419 = arith.constant 0 : i32
      %dma_start3A_420 = arith.constant 0 : i32
      %dma_start3A_421 = tpu.memref_slice %arg8[%dma_start3A_418, %dma_start3A_419, %dma_start3A_420] : memref<2x128x128xf32, #tpu.memory_space<vmem>> -> memref<1x128x128xf32, #tpu.memory_space<vmem>>
      %dma_start3A_422 = tpu.memref_squeeze %dma_start3A_421 : memref<1x128x128xf32, #tpu.memory_space<vmem>> -> memref<128x128xf32, #tpu.memory_space<vmem>>
      %dma_start3A_423 = arith.constant 0 : i32
      %dma_start3A_424 = tpu.memref_slice %arg9[%add3A_401, %dma_start3A_423] : memref<40x128xi32, #tpu.memory_space<vmem>> -> memref<1x128xi32, #tpu.memory_space<vmem>>
      %dma_start3A_425 = tpu.memref_squeeze %dma_start3A_424 : memref<1x128xi32, #tpu.memory_space<vmem>> -> memref<128xi32, #tpu.memory_space<vmem>>
      %dma_start3A_426 = arith.constant 0 : i32
      %dma_start3A_427 = arith.constant 0 : i32
      %dma_start3A_428 = tpu.memref_slice %arg6[%dma_start3A_426, %dma_start3A_427] : memref<10240x128xf32, #tpu.memory_space<vmem_shared>> -> memref<10240x128xf32, #tpu.memory_space<vmem_shared>>
      tpu.enqueue_indirect_dma source(%dma_start3A_422 : memref<128x128xf32, #tpu.memory_space<vmem>>) target(%dma_start3A_428 : memref<10240x128xf32, #tpu.memory_space<vmem_shared>>) offsets(%dma_start3A_425 : memref<128xi32, #tpu.memory_space<vmem>>) semaphore(%arg14 : memref<!tpu.dma_semaphore, #tpu.memory_space<semaphore_mem>>) {add = true}
      %dma_start3A_429 = arith.constant 0 : i32
      %dma_start3A_430 = tpu.memref_slice %arg9[%add3A_401, %dma_start3A_429] : memref<40x128xi32, #tpu.memory_space<vmem>> -> memref<1x128xi32, #tpu.memory_space<vmem>>
      %dma_start3A_431 = tpu.memref_squeeze %dma_start3A_430 : memref<1x128xi32, #tpu.memory_space<vmem>> -> memref<128xi32, #tpu.memory_space<vmem>>
      %dma_start3A_432 = arith.constant 0 : i32
      %dma_start3A_433 = tpu.memref_slice %arg7[%dma_start3A_432] : memref<10240xf32, #tpu.memory_space<vmem_shared>> -> memref<10240xf32, #tpu.memory_space<vmem_shared>>
      tpu.enqueue_indirect_dma source(%arg10 : memref<128xf32, #tpu.memory_space<vmem>>) target(%dma_start3A_433 : memref<10240xf32, #tpu.memory_space<vmem_shared>>) offsets(%dma_start3A_431 : memref<128xi32, #tpu.memory_space<vmem>>) semaphore(%arg15 : memref<!tpu.dma_semaphore, #tpu.memory_space<semaphore_mem>>) {add = true}
      %gt3A_434 = arith.constant 0 : i32
      %gt3A_435 = arith.cmpi sgt, %add3A_401, %gt3A_434 : i32
      %convert_element_type3A_436 = arith.extui %gt3A_435 : i1 to i32
      %cond3A_437 = arith.constant 0 : i32
      %cond3A_438 = arith.cmpi ne, %convert_element_type3A_436, %cond3A_437 : i32
      scf.if %cond3A_438 {
        %sub3A_446 = arith.constant 1 : i32
        %sub3A_447 = arith.subi %add3A_401, %sub3A_446 : i32
        %dma_wait3A_448 = arith.constant 0 : i32
        %dma_wait3A_449 = arith.constant 0 : i32
        %dma_wait3A_450 = arith.constant 0 : i32
        %dma_wait3A_451 = tpu.memref_slice %arg8[%dma_wait3A_448, %dma_wait3A_449, %dma_wait3A_450] : memref<2x128x128xf32, #tpu.memory_space<vmem>> -> memref<1x128x128xf32, #tpu.memory_space<vmem>>
        %dma_wait3A_452 = tpu.memref_squeeze %dma_wait3A_451 : memref<1x128x128xf32, #tpu.memory_space<vmem>> -> memref<128x128xf32, #tpu.memory_space<vmem>>
        %dma_wait3A_453 = arith.constant 0 : i32
        %dma_wait3A_454 = tpu.memref_slice %arg9[%sub3A_447, %dma_wait3A_453] : memref<40x128xi32, #tpu.memory_space<vmem>> -> memref<1x128xi32, #tpu.memory_space<vmem>>
        %dma_wait3A_455 = tpu.memref_squeeze %dma_wait3A_454 : memref<1x128xi32, #tpu.memory_space<vmem>> -> memref<128xi32, #tpu.memory_space<vmem>>
        %dma_wait3A_456 = arith.constant 0 : i32
        %dma_wait3A_457 = arith.constant 0 : i32
        %dma_wait3A_458 = tpu.memref_slice %arg6[%dma_wait3A_456, %dma_wait3A_457] : memref<10240x128xf32, #tpu.memory_space<vmem_shared>> -> memref<10240x128xf32, #tpu.memory_space<vmem_shared>>
        tpu.wait_indirect_dma semaphore(%arg14 : memref<!tpu.dma_semaphore, #tpu.memory_space<semaphore_mem>>) src(%dma_wait3A_452 : memref<128x128xf32, #tpu.memory_space<vmem>>) dst(%dma_wait3A_458 : memref<10240x128xf32, #tpu.memory_space<vmem_shared>>)
      } else {
      }
      %add3A_439 = arith.constant 1 : i32
      %add3A_440 = arith.addi %add3A_401, %add3A_439 : i32
      %lt3A_441 = arith.cmpi slt, %add3A_440, %max3A_211 : i32
      %convert_element_type3A_442 = arith.extui %lt3A_441 : i1 to i32
      %cond3A_443 = arith.constant 0 : i32
      %cond3A_444 = arith.cmpi ne, %convert_element_type3A_442, %cond3A_443 : i32
      scf.if %cond3A_444 {
        %add3A_446 = arith.constant 1 : i32
        %add3A_447 = arith.addi %add3A_401, %add3A_446 : i32
        %add3A_448 = arith.addi %add3A_215, %add3A_447 : i32
        %mul3A_449 = arith.constant 128 : i32
        %mul3A_450 = arith.muli %add3A_448, %mul3A_449 : i32
        %dma_start3A_451 = arith.constant 0 : i32
        %dma_start3A_452 = arith.constant 0 : i32
        %dma_start3A_453 = arith.constant 0 : i32
        %dma_start3A_454 = tpu.memref_slice %arg8[%dma_start3A_451, %dma_start3A_452, %dma_start3A_453] : memref<2x128x128xf32, #tpu.memory_space<vmem>> -> memref<1x128x128xf32, #tpu.memory_space<vmem>>
        %dma_start3A_455 = tpu.memref_squeeze %dma_start3A_454 : memref<1x128x128xf32, #tpu.memory_space<vmem>> -> memref<128x128xf32, #tpu.memory_space<vmem>>
        %dma_start3A_456 = arith.constant 0 : i32
        %dma_start3A_457 = tpu.memref_slice %arg2[%mul3A_450, %dma_start3A_456] : memref<320000x128xf32, #tpu.memory_space<hbm>> -> memref<128x128xf32, #tpu.memory_space<hbm>>
        %dma_start3A_458 = arith.constant 0 : i32
        %dma_start3A_459 = arith.constant 0 : i32
        %dma_start3A_460 = tpu.memref_slice %arg8[%dma_start3A_451, %dma_start3A_458, %dma_start3A_459] : memref<2x128x128xf32, #tpu.memory_space<vmem>> -> memref<1x128x128xf32, #tpu.memory_space<vmem>>
        %dma_start3A_461 = tpu.memref_squeeze %dma_start3A_460 : memref<1x128x128xf32, #tpu.memory_space<vmem>> -> memref<128x128xf32, #tpu.memory_space<vmem>>
        %dma_start3A_462 = arith.constant 0 : i32
        %dma_start3A_463 = tpu.memref_slice %arg2[%mul3A_450, %dma_start3A_462] : memref<320000x128xf32, #tpu.memory_space<hbm>> -> memref<128x128xf32, #tpu.memory_space<hbm>>
        tpu.enqueue_dma source(%dma_start3A_463 : memref<128x128xf32, #tpu.memory_space<hbm>>) target(%dma_start3A_461 : memref<128x128xf32, #tpu.memory_space<vmem>>) target_semaphore(%arg13 : memref<!tpu.dma_semaphore, #tpu.memory_space<semaphore_mem>>)
      } else {
      }
      %while3A_445 = arith.constant 0 : i32
      scf.yield %while3A_445 : i32
    }
    %gt3A_257 = arith.constant 0 : i32
    %gt3A_258 = arith.cmpi sgt, %max3A_211, %gt3A_257 : i32
    %convert_element_type3A_259 = arith.extui %gt3A_258 : i1 to i32
    %cond3A_260 = arith.constant 0 : i32
    %cond3A_261 = arith.cmpi ne, %convert_element_type3A_259, %cond3A_260 : i32
    scf.if %cond3A_261 {
      %sub3A_351 = arith.constant 1 : i32
      %sub3A_352 = arith.subi %max3A_211, %sub3A_351 : i32
      %dma_wait3A = arith.constant 1 : i32
      %dma_wait3A_353 = arith.constant 0 : i32
      %dma_wait3A_354 = arith.constant 0 : i32
      %dma_wait3A_355 = tpu.memref_slice %arg8[%dma_wait3A, %dma_wait3A_353, %dma_wait3A_354] : memref<2x128x128xf32, #tpu.memory_space<vmem>> -> memref<1x128x128xf32, #tpu.memory_space<vmem>>
      %dma_wait3A_356 = tpu.memref_squeeze %dma_wait3A_355 : memref<1x128x128xf32, #tpu.memory_space<vmem>> -> memref<128x128xf32, #tpu.memory_space<vmem>>
      %dma_wait3A_357 = arith.constant 0 : i32
      %dma_wait3A_358 = tpu.memref_slice %arg9[%sub3A_352, %dma_wait3A_357] : memref<40x128xi32, #tpu.memory_space<vmem>> -> memref<1x128xi32, #tpu.memory_space<vmem>>
      %dma_wait3A_359 = tpu.memref_squeeze %dma_wait3A_358 : memref<1x128xi32, #tpu.memory_space<vmem>> -> memref<128xi32, #tpu.memory_space<vmem>>
      %dma_wait3A_360 = arith.constant 0 : i32
      %dma_wait3A_361 = arith.constant 0 : i32
      %dma_wait3A_362 = tpu.memref_slice %arg6[%dma_wait3A_360, %dma_wait3A_361] : memref<10240x128xf32, #tpu.memory_space<vmem_shared>> -> memref<10240x128xf32, #tpu.memory_space<vmem_shared>>
      tpu.wait_indirect_dma semaphore(%arg14 : memref<!tpu.dma_semaphore, #tpu.memory_space<semaphore_mem>>) src(%dma_wait3A_356 : memref<128x128xf32, #tpu.memory_space<vmem>>) dst(%dma_wait3A_362 : memref<10240x128xf32, #tpu.memory_space<vmem_shared>>)
    } else {
    }
    %while3A_262 = arith.constant 0 : i32
    %while3A_263 = arith.constant 0 : i32
    %while3A_264 = arith.subi %max3A_211, %while3A_262 : i32
    %while3A_265 = arith.addi %while3A_262, %while3A_264 : i32
    %while3A_266 = arith.constant 1 : i32
    %while3A_267 = arith.divsi %while3A_264, %while3A_266 : i32
    %while3A_268 = arith.muli %while3A_267, %while3A_266 : i32
    %while3A_269 = arith.addi %while3A_262, %while3A_268 : i32
    %while3A_270 = arith.constant 1 : i32
    %while3A_271 = scf.for %while3A_351 = %while3A_262 to %while3A_269 step %while3A_270 iter_args(%while3A_352 = %while3A_263) -> (i32)  : i32 {
      %dma_wait3A = arith.constant 0 : i32
      %dma_wait3A_353 = tpu.memref_slice %arg9[%while3A_351, %dma_wait3A] : memref<40x128xi32, #tpu.memory_space<vmem>> -> memref<1x128xi32, #tpu.memory_space<vmem>>
      %dma_wait3A_354 = tpu.memref_squeeze %dma_wait3A_353 : memref<1x128xi32, #tpu.memory_space<vmem>> -> memref<128xi32, #tpu.memory_space<vmem>>
      %dma_wait3A_355 = arith.constant 0 : i32
      %dma_wait3A_356 = tpu.memref_slice %arg7[%dma_wait3A_355] : memref<10240xf32, #tpu.memory_space<vmem_shared>> -> memref<10240xf32, #tpu.memory_space<vmem_shared>>
      tpu.wait_indirect_dma semaphore(%arg15 : memref<!tpu.dma_semaphore, #tpu.memory_space<semaphore_mem>>) src(%arg10 : memref<128xf32, #tpu.memory_space<vmem>>) dst(%dma_wait3A_356 : memref<10240xf32, #tpu.memory_space<vmem_shared>>)
      %while3A_357 = arith.constant 0 : i32
      scf.yield %while3A_357 : i32
    }
    %while3A_272 = arith.constant 1 : i32
    %while3A_273 = scf.for %while3A_351 = %while3A_269 to %while3A_265 step %while3A_272 iter_args(%while3A_352 = %while3A_271) -> (i32)  : i32 {
      %dma_wait3A = arith.constant 0 : i32
      %dma_wait3A_353 = tpu.memref_slice %arg9[%while3A_351, %dma_wait3A] : memref<40x128xi32, #tpu.memory_space<vmem>> -> memref<1x128xi32, #tpu.memory_space<vmem>>
      %dma_wait3A_354 = tpu.memref_squeeze %dma_wait3A_353 : memref<1x128xi32, #tpu.memory_space<vmem>> -> memref<128xi32, #tpu.memory_space<vmem>>
      %dma_wait3A_355 = arith.constant 0 : i32
      %dma_wait3A_356 = tpu.memref_slice %arg7[%dma_wait3A_355] : memref<10240xf32, #tpu.memory_space<vmem_shared>> -> memref<10240xf32, #tpu.memory_space<vmem_shared>>
      tpu.wait_indirect_dma semaphore(%arg15 : memref<!tpu.dma_semaphore, #tpu.memory_space<semaphore_mem>>) src(%arg10 : memref<128xf32, #tpu.memory_space<vmem>>) dst(%dma_wait3A_356 : memref<10240xf32, #tpu.memory_space<vmem_shared>>)
      %while3A_357 = arith.constant 0 : i32
      scf.yield %while3A_357 : i32
    }
    %mul3A_274 = arith.constant 160 : i32
    %mul3A_275 = arith.muli %arg1, %mul3A_274 : i32
    %add3A_276 = arith.constant 120 : i32
    %add3A_277 = arith.addi %mul3A_275, %add3A_276 : i32
    "tpu.region"() ({
      %run_scoped3A_351 = tpu.sem_alloc : memref<!tpu.dma_semaphore, #tpu.memory_space<semaphore_mem>>
      %dma_start3A = arith.constant 0 : i32
      %dma_start3A_352 = arith.constant 0 : i32
      %dma_start3A_353 = tpu.memref_slice %arg3[%arg0, %dma_start3A, %dma_start3A_352] : memref<2x2560x128xi32, #tpu.memory_space<hbm>> -> memref<1x2560x128xi32, #tpu.memory_space<hbm>>
      %dma_start3A_354 = tpu.memref_squeeze %dma_start3A_353 : memref<1x2560x128xi32, #tpu.memory_space<hbm>> -> memref<2560x128xi32, #tpu.memory_space<hbm>>
      %dma_start3A_355 = arith.constant 0 : i32
      %dma_start3A_356 = tpu.memref_slice %dma_start3A_354[%add3A_277, %dma_start3A_355] : memref<2560x128xi32, #tpu.memory_space<hbm>> -> memref<40x128xi32, #tpu.memory_space<hbm>>
      %dma_start3A_357 = arith.constant 0 : i32
      %dma_start3A_358 = arith.constant 0 : i32
      %dma_start3A_359 = tpu.memref_slice %arg3[%arg0, %dma_start3A_357, %dma_start3A_358] : memref<2x2560x128xi32, #tpu.memory_space<hbm>> -> memref<1x2560x128xi32, #tpu.memory_space<hbm>>
      %dma_start3A_360 = tpu.memref_squeeze %dma_start3A_359 : memref<1x2560x128xi32, #tpu.memory_space<hbm>> -> memref<2560x128xi32, #tpu.memory_space<hbm>>
      %dma_start3A_361 = arith.constant 0 : i32
      %dma_start3A_362 = tpu.memref_slice %dma_start3A_360[%add3A_277, %dma_start3A_361] : memref<2560x128xi32, #tpu.memory_space<hbm>> -> memref<40x128xi32, #tpu.memory_space<hbm>>
      tpu.enqueue_dma source(%dma_start3A_362 : memref<40x128xi32, #tpu.memory_space<hbm>>) target(%arg9 : memref<40x128xi32, #tpu.memory_space<vmem>>) target_semaphore(%run_scoped3A_351 : memref<!tpu.dma_semaphore, #tpu.memory_space<semaphore_mem>>)
      %dma_wait3A = arith.constant 0 : i32
      %dma_wait3A_363 = arith.constant 0 : i32
      %dma_wait3A_364 = tpu.memref_slice %arg3[%arg0, %dma_wait3A, %dma_wait3A_363] : memref<2x2560x128xi32, #tpu.memory_space<hbm>> -> memref<1x2560x128xi32, #tpu.memory_space<hbm>>
      %dma_wait3A_365 = tpu.memref_squeeze %dma_wait3A_364 : memref<1x2560x128xi32, #tpu.memory_space<hbm>> -> memref<2560x128xi32, #tpu.memory_space<hbm>>
      %dma_wait3A_366 = arith.constant 0 : i32
      %dma_wait3A_367 = tpu.memref_slice %dma_wait3A_365[%add3A_277, %dma_wait3A_366] : memref<2560x128xi32, #tpu.memory_space<hbm>> -> memref<40x128xi32, #tpu.memory_space<hbm>>
      %dma_wait3A_368 = arith.constant 0 : i32
      %dma_wait3A_369 = arith.constant 0 : i32
      %dma_wait3A_370 = tpu.memref_slice %arg3[%arg0, %dma_wait3A_368, %dma_wait3A_369] : memref<2x2560x128xi32, #tpu.memory_space<hbm>> -> memref<1x2560x128xi32, #tpu.memory_space<hbm>>
      %dma_wait3A_371 = tpu.memref_squeeze %dma_wait3A_370 : memref<1x2560x128xi32, #tpu.memory_space<hbm>> -> memref<2560x128xi32, #tpu.memory_space<hbm>>
      %dma_wait3A_372 = arith.constant 0 : i32
      %dma_wait3A_373 = tpu.memref_slice %dma_wait3A_371[%add3A_277, %dma_wait3A_372] : memref<2560x128xi32, #tpu.memory_space<hbm>> -> memref<40x128xi32, #tpu.memory_space<hbm>>
      tpu.wait_dma2 semaphore(%run_scoped3A_351 : memref<!tpu.dma_semaphore, #tpu.memory_space<semaphore_mem>>) src(%dma_wait3A_373 : memref<40x128xi32, #tpu.memory_space<hbm>>) dst(%arg9 : memref<40x128xi32, #tpu.memory_space<vmem>>)
      tpu.yield
    }) : () -> ()
    %sub3A_278 = arith.constant 120 : i32
    %sub3A_279 = arith.subi %max3A_68, %sub3A_278 : i32
    %min3A_280 = arith.constant 40 : i32
    %min3A_281 = arith.minsi %min3A_280, %sub3A_279 : i32
    %max3A_282 = arith.constant 0 : i32
    %max3A_283 = arith.maxsi %max3A_282, %min3A_281 : i32
    %mul3A_284 = arith.constant 160 : i32
    %mul3A_285 = arith.muli %arg1, %mul3A_284 : i32
    %add3A_286 = arith.constant 120 : i32
    %add3A_287 = arith.addi %mul3A_285, %add3A_286 : i32
    %gt3A_288 = arith.constant 0 : i32
    %gt3A_289 = arith.cmpi sgt, %max3A_283, %gt3A_288 : i32
    %convert_element_type3A_290 = arith.extui %gt3A_289 : i1 to i32
    %cond3A_291 = arith.constant 0 : i32
    %cond3A_292 = arith.cmpi ne, %convert_element_type3A_290, %cond3A_291 : i32
    scf.if %cond3A_292 {
      %add3A_351 = arith.constant 0 : i32
      %add3A_352 = arith.addi %add3A_287, %add3A_351 : i32
      %mul3A_353 = arith.constant 128 : i32
      %mul3A_354 = arith.muli %add3A_352, %mul3A_353 : i32
      %dma_start3A = arith.constant 0 : i32
      %dma_start3A_355 = arith.constant 0 : i32
      %dma_start3A_356 = arith.constant 0 : i32
      %dma_start3A_357 = tpu.memref_slice %arg8[%dma_start3A, %dma_start3A_355, %dma_start3A_356] : memref<2x128x128xf32, #tpu.memory_space<vmem>> -> memref<1x128x128xf32, #tpu.memory_space<vmem>>
      %dma_start3A_358 = tpu.memref_squeeze %dma_start3A_357 : memref<1x128x128xf32, #tpu.memory_space<vmem>> -> memref<128x128xf32, #tpu.memory_space<vmem>>
      %dma_start3A_359 = arith.constant 0 : i32
      %dma_start3A_360 = tpu.memref_slice %arg2[%mul3A_354, %dma_start3A_359] : memref<320000x128xf32, #tpu.memory_space<hbm>> -> memref<128x128xf32, #tpu.memory_space<hbm>>
      %dma_start3A_361 = arith.constant 0 : i32
      %dma_start3A_362 = arith.constant 0 : i32
      %dma_start3A_363 = tpu.memref_slice %arg8[%dma_start3A, %dma_start3A_361, %dma_start3A_362] : memref<2x128x128xf32, #tpu.memory_space<vmem>> -> memref<1x128x128xf32, #tpu.memory_space<vmem>>
      %dma_start3A_364 = tpu.memref_squeeze %dma_start3A_363 : memref<1x128x128xf32, #tpu.memory_space<vmem>> -> memref<128x128xf32, #tpu.memory_space<vmem>>
      %dma_start3A_365 = arith.constant 0 : i32
      %dma_start3A_366 = tpu.memref_slice %arg2[%mul3A_354, %dma_start3A_365] : memref<320000x128xf32, #tpu.memory_space<hbm>> -> memref<128x128xf32, #tpu.memory_space<hbm>>
      tpu.enqueue_dma source(%dma_start3A_366 : memref<128x128xf32, #tpu.memory_space<hbm>>) target(%dma_start3A_364 : memref<128x128xf32, #tpu.memory_space<vmem>>) target_semaphore(%arg13 : memref<!tpu.dma_semaphore, #tpu.memory_space<semaphore_mem>>)
    } else {
    }
    %jit3A_293 = arith.constant 2 : i32
    %div3A_294 = arith.divsi %max3A_283, %jit3A_293 : i32
    %sign3A_295 = arith.constant 0 : i32
    %sign3A_296 = arith.cmpi sgt, %max3A_283, %sign3A_295 : i32
    %sign3A_297 = arith.extui %sign3A_296 : i1 to i32
    %sign3A_298 = arith.constant 0 : i32
    %sign3A_299 = arith.cmpi slt, %max3A_283, %sign3A_298 : i32
    %sign3A_300 = arith.extui %sign3A_299 : i1 to i32
    %sign3A_301 = arith.subi %sign3A_297, %sign3A_300 : i32
    %sign3A_302 = arith.constant 0 : i32
    %sign3A_303 = arith.cmpi sgt, %jit3A_293, %sign3A_302 : i32
    %sign3A_304 = arith.extui %sign3A_303 : i1 to i32
    %sign3A_305 = arith.constant 0 : i32
    %sign3A_306 = arith.cmpi slt, %jit3A_293, %sign3A_305 : i32
    %sign3A_307 = arith.extui %sign3A_306 : i1 to i32
    %sign3A_308 = arith.subi %sign3A_304, %sign3A_307 : i32
    %ne3A_309 = arith.cmpi ne, %sign3A_301, %sign3A_308 : i32
    %rem3A_310 = arith.remsi %max3A_283, %jit3A_293 : i32
    %ne3A_311 = arith.constant 0 : i32
    %ne3A_312 = arith.cmpi ne, %rem3A_310, %ne3A_311 : i32
    %and3A_313 = arith.andi %ne3A_309, %ne3A_312 : i1
    %sub3A_314 = arith.constant 1 : i32
    %sub3A_315 = arith.subi %div3A_294, %sub3A_314 : i32
    %select_n3A_316 = arith.select %and3A_313, %sub3A_315, %div3A_294 : i32
    %while3A_317 = arith.constant 0 : i32
    %while3A_318 = arith.constant 0 : i32
    %while3A_319 = arith.subi %select_n3A_316, %while3A_317 : i32
    %while3A_320 = arith.addi %while3A_317, %while3A_319 : i32
    %while3A_321 = arith.constant 1 : i32
    %while3A_322 = arith.divsi %while3A_319, %while3A_321 : i32
    %while3A_323 = arith.muli %while3A_322, %while3A_321 : i32
    %while3A_324 = arith.addi %while3A_317, %while3A_323 : i32
    %while3A_325 = arith.constant 1 : i32
    %while3A_326 = scf.for %while3A_351 = %while3A_317 to %while3A_324 step %while3A_325 iter_args(%while3A_352 = %while3A_318) -> (i32)  : i32 {
      %mul3A_353 = arith.constant 2 : i32
      %mul3A_354 = arith.muli %mul3A_353, %while3A_351 : i32
      %add3A_355 = arith.constant 0 : i32
      %add3A_356 = arith.addi %mul3A_354, %add3A_355 : i32
      %add3A_357 = arith.addi %add3A_287, %add3A_356 : i32
      %mul3A_358 = arith.constant 128 : i32
      %mul3A_359 = arith.muli %add3A_357, %mul3A_358 : i32
      %dma_wait3A = arith.constant 0 : i32
      %dma_wait3A_360 = arith.constant 0 : i32
      %dma_wait3A_361 = arith.constant 0 : i32
      %dma_wait3A_362 = tpu.memref_slice %arg8[%dma_wait3A, %dma_wait3A_360, %dma_wait3A_361] : memref<2x128x128xf32, #tpu.memory_space<vmem>> -> memref<1x128x128xf32, #tpu.memory_space<vmem>>
      %dma_wait3A_363 = tpu.memref_squeeze %dma_wait3A_362 : memref<1x128x128xf32, #tpu.memory_space<vmem>> -> memref<128x128xf32, #tpu.memory_space<vmem>>
      %dma_wait3A_364 = arith.constant 0 : i32
      %dma_wait3A_365 = tpu.memref_slice %arg2[%mul3A_359, %dma_wait3A_364] : memref<320000x128xf32, #tpu.memory_space<hbm>> -> memref<128x128xf32, #tpu.memory_space<hbm>>
      %dma_wait3A_366 = arith.constant 0 : i32
      %dma_wait3A_367 = arith.constant 0 : i32
      %dma_wait3A_368 = tpu.memref_slice %arg8[%dma_wait3A, %dma_wait3A_366, %dma_wait3A_367] : memref<2x128x128xf32, #tpu.memory_space<vmem>> -> memref<1x128x128xf32, #tpu.memory_space<vmem>>
      %dma_wait3A_369 = tpu.memref_squeeze %dma_wait3A_368 : memref<1x128x128xf32, #tpu.memory_space<vmem>> -> memref<128x128xf32, #tpu.memory_space<vmem>>
      %dma_wait3A_370 = arith.constant 0 : i32
      %dma_wait3A_371 = tpu.memref_slice %arg2[%mul3A_359, %dma_wait3A_370] : memref<320000x128xf32, #tpu.memory_space<hbm>> -> memref<128x128xf32, #tpu.memory_space<hbm>>
      tpu.wait_dma2 semaphore(%arg13 : memref<!tpu.dma_semaphore, #tpu.memory_space<semaphore_mem>>) src(%dma_wait3A_371 : memref<128x128xf32, #tpu.memory_space<hbm>>) dst(%dma_wait3A_369 : memref<128x128xf32, #tpu.memory_space<vmem>>)
      %dma_start3A = arith.constant 0 : i32
      %dma_start3A_372 = arith.constant 0 : i32
      %dma_start3A_373 = arith.constant 0 : i32
      %dma_start3A_374 = tpu.memref_slice %arg8[%dma_start3A, %dma_start3A_372, %dma_start3A_373] : memref<2x128x128xf32, #tpu.memory_space<vmem>> -> memref<1x128x128xf32, #tpu.memory_space<vmem>>
      %dma_start3A_375 = tpu.memref_squeeze %dma_start3A_374 : memref<1x128x128xf32, #tpu.memory_space<vmem>> -> memref<128x128xf32, #tpu.memory_space<vmem>>
      %dma_start3A_376 = arith.constant 0 : i32
      %dma_start3A_377 = tpu.memref_slice %arg9[%add3A_356, %dma_start3A_376] : memref<40x128xi32, #tpu.memory_space<vmem>> -> memref<1x128xi32, #tpu.memory_space<vmem>>
      %dma_start3A_378 = tpu.memref_squeeze %dma_start3A_377 : memref<1x128xi32, #tpu.memory_space<vmem>> -> memref<128xi32, #tpu.memory_space<vmem>>
      %dma_start3A_379 = arith.constant 0 : i32
      %dma_start3A_380 = arith.constant 0 : i32
      %dma_start3A_381 = tpu.memref_slice %arg6[%dma_start3A_379, %dma_start3A_380] : memref<10240x128xf32, #tpu.memory_space<vmem_shared>> -> memref<10240x128xf32, #tpu.memory_space<vmem_shared>>
      tpu.enqueue_indirect_dma source(%dma_start3A_375 : memref<128x128xf32, #tpu.memory_space<vmem>>) target(%dma_start3A_381 : memref<10240x128xf32, #tpu.memory_space<vmem_shared>>) offsets(%dma_start3A_378 : memref<128xi32, #tpu.memory_space<vmem>>) semaphore(%arg14 : memref<!tpu.dma_semaphore, #tpu.memory_space<semaphore_mem>>) {add = true}
      %dma_start3A_382 = arith.constant 0 : i32
      %dma_start3A_383 = tpu.memref_slice %arg9[%add3A_356, %dma_start3A_382] : memref<40x128xi32, #tpu.memory_space<vmem>> -> memref<1x128xi32, #tpu.memory_space<vmem>>
      %dma_start3A_384 = tpu.memref_squeeze %dma_start3A_383 : memref<1x128xi32, #tpu.memory_space<vmem>> -> memref<128xi32, #tpu.memory_space<vmem>>
      %dma_start3A_385 = arith.constant 0 : i32
      %dma_start3A_386 = tpu.memref_slice %arg7[%dma_start3A_385] : memref<10240xf32, #tpu.memory_space<vmem_shared>> -> memref<10240xf32, #tpu.memory_space<vmem_shared>>
      tpu.enqueue_indirect_dma source(%arg10 : memref<128xf32, #tpu.memory_space<vmem>>) target(%dma_start3A_386 : memref<10240xf32, #tpu.memory_space<vmem_shared>>) offsets(%dma_start3A_384 : memref<128xi32, #tpu.memory_space<vmem>>) semaphore(%arg15 : memref<!tpu.dma_semaphore, #tpu.memory_space<semaphore_mem>>) {add = true}
      %gt3A_387 = arith.constant 0 : i32
      %gt3A_388 = arith.cmpi sgt, %add3A_356, %gt3A_387 : i32
      %convert_element_type3A_389 = arith.extui %gt3A_388 : i1 to i32
      %cond3A_390 = arith.constant 0 : i32
      %cond3A_391 = arith.cmpi ne, %convert_element_type3A_389, %cond3A_390 : i32
      scf.if %cond3A_391 {
        %sub3A_446 = arith.constant 1 : i32
        %sub3A_447 = arith.subi %add3A_356, %sub3A_446 : i32
        %dma_wait3A_448 = arith.constant 1 : i32
        %dma_wait3A_449 = arith.constant 0 : i32
        %dma_wait3A_450 = arith.constant 0 : i32
        %dma_wait3A_451 = tpu.memref_slice %arg8[%dma_wait3A_448, %dma_wait3A_449, %dma_wait3A_450] : memref<2x128x128xf32, #tpu.memory_space<vmem>> -> memref<1x128x128xf32, #tpu.memory_space<vmem>>
        %dma_wait3A_452 = tpu.memref_squeeze %dma_wait3A_451 : memref<1x128x128xf32, #tpu.memory_space<vmem>> -> memref<128x128xf32, #tpu.memory_space<vmem>>
        %dma_wait3A_453 = arith.constant 0 : i32
        %dma_wait3A_454 = tpu.memref_slice %arg9[%sub3A_447, %dma_wait3A_453] : memref<40x128xi32, #tpu.memory_space<vmem>> -> memref<1x128xi32, #tpu.memory_space<vmem>>
        %dma_wait3A_455 = tpu.memref_squeeze %dma_wait3A_454 : memref<1x128xi32, #tpu.memory_space<vmem>> -> memref<128xi32, #tpu.memory_space<vmem>>
        %dma_wait3A_456 = arith.constant 0 : i32
        %dma_wait3A_457 = arith.constant 0 : i32
        %dma_wait3A_458 = tpu.memref_slice %arg6[%dma_wait3A_456, %dma_wait3A_457] : memref<10240x128xf32, #tpu.memory_space<vmem_shared>> -> memref<10240x128xf32, #tpu.memory_space<vmem_shared>>
        tpu.wait_indirect_dma semaphore(%arg14 : memref<!tpu.dma_semaphore, #tpu.memory_space<semaphore_mem>>) src(%dma_wait3A_452 : memref<128x128xf32, #tpu.memory_space<vmem>>) dst(%dma_wait3A_458 : memref<10240x128xf32, #tpu.memory_space<vmem_shared>>)
      } else {
      }
      %add3A_392 = arith.constant 1 : i32
      %add3A_393 = arith.addi %add3A_356, %add3A_392 : i32
      %lt3A_394 = arith.cmpi slt, %add3A_393, %max3A_283 : i32
      %convert_element_type3A_395 = arith.extui %lt3A_394 : i1 to i32
      %cond3A_396 = arith.constant 0 : i32
      %cond3A_397 = arith.cmpi ne, %convert_element_type3A_395, %cond3A_396 : i32
      scf.if %cond3A_397 {
        %add3A_446 = arith.constant 1 : i32
        %add3A_447 = arith.addi %add3A_356, %add3A_446 : i32
        %add3A_448 = arith.addi %add3A_287, %add3A_447 : i32
        %mul3A_449 = arith.constant 128 : i32
        %mul3A_450 = arith.muli %add3A_448, %mul3A_449 : i32
        %dma_start3A_451 = arith.constant 1 : i32
        %dma_start3A_452 = arith.constant 0 : i32
        %dma_start3A_453 = arith.constant 0 : i32
        %dma_start3A_454 = tpu.memref_slice %arg8[%dma_start3A_451, %dma_start3A_452, %dma_start3A_453] : memref<2x128x128xf32, #tpu.memory_space<vmem>> -> memref<1x128x128xf32, #tpu.memory_space<vmem>>
        %dma_start3A_455 = tpu.memref_squeeze %dma_start3A_454 : memref<1x128x128xf32, #tpu.memory_space<vmem>> -> memref<128x128xf32, #tpu.memory_space<vmem>>
        %dma_start3A_456 = arith.constant 0 : i32
        %dma_start3A_457 = tpu.memref_slice %arg2[%mul3A_450, %dma_start3A_456] : memref<320000x128xf32, #tpu.memory_space<hbm>> -> memref<128x128xf32, #tpu.memory_space<hbm>>
        %dma_start3A_458 = arith.constant 0 : i32
        %dma_start3A_459 = arith.constant 0 : i32
        %dma_start3A_460 = tpu.memref_slice %arg8[%dma_start3A_451, %dma_start3A_458, %dma_start3A_459] : memref<2x128x128xf32, #tpu.memory_space<vmem>> -> memref<1x128x128xf32, #tpu.memory_space<vmem>>
        %dma_start3A_461 = tpu.memref_squeeze %dma_start3A_460 : memref<1x128x128xf32, #tpu.memory_space<vmem>> -> memref<128x128xf32, #tpu.memory_space<vmem>>
        %dma_start3A_462 = arith.constant 0 : i32
        %dma_start3A_463 = tpu.memref_slice %arg2[%mul3A_450, %dma_start3A_462] : memref<320000x128xf32, #tpu.memory_space<hbm>> -> memref<128x128xf32, #tpu.memory_space<hbm>>
        tpu.enqueue_dma source(%dma_start3A_463 : memref<128x128xf32, #tpu.memory_space<hbm>>) target(%dma_start3A_461 : memref<128x128xf32, #tpu.memory_space<vmem>>) target_semaphore(%arg13 : memref<!tpu.dma_semaphore, #tpu.memory_space<semaphore_mem>>)
      } else {
      }
      %mul3A_398 = arith.constant 2 : i32
      %mul3A_399 = arith.muli %mul3A_398, %while3A_351 : i32
      %add3A_400 = arith.constant 1 : i32
      %add3A_401 = arith.addi %mul3A_399, %add3A_400 : i32
      %add3A_402 = arith.addi %add3A_287, %add3A_401 : i32
      %mul3A_403 = arith.constant 128 : i32
      %mul3A_404 = arith.muli %add3A_402, %mul3A_403 : i32
      %dma_wait3A_405 = arith.constant 1 : i32
      %dma_wait3A_406 = arith.constant 0 : i32
      %dma_wait3A_407 = arith.constant 0 : i32
      %dma_wait3A_408 = tpu.memref_slice %arg8[%dma_wait3A_405, %dma_wait3A_406, %dma_wait3A_407] : memref<2x128x128xf32, #tpu.memory_space<vmem>> -> memref<1x128x128xf32, #tpu.memory_space<vmem>>
      %dma_wait3A_409 = tpu.memref_squeeze %dma_wait3A_408 : memref<1x128x128xf32, #tpu.memory_space<vmem>> -> memref<128x128xf32, #tpu.memory_space<vmem>>
      %dma_wait3A_410 = arith.constant 0 : i32
      %dma_wait3A_411 = tpu.memref_slice %arg2[%mul3A_404, %dma_wait3A_410] : memref<320000x128xf32, #tpu.memory_space<hbm>> -> memref<128x128xf32, #tpu.memory_space<hbm>>
      %dma_wait3A_412 = arith.constant 0 : i32
      %dma_wait3A_413 = arith.constant 0 : i32
      %dma_wait3A_414 = tpu.memref_slice %arg8[%dma_wait3A_405, %dma_wait3A_412, %dma_wait3A_413] : memref<2x128x128xf32, #tpu.memory_space<vmem>> -> memref<1x128x128xf32, #tpu.memory_space<vmem>>
      %dma_wait3A_415 = tpu.memref_squeeze %dma_wait3A_414 : memref<1x128x128xf32, #tpu.memory_space<vmem>> -> memref<128x128xf32, #tpu.memory_space<vmem>>
      %dma_wait3A_416 = arith.constant 0 : i32
      %dma_wait3A_417 = tpu.memref_slice %arg2[%mul3A_404, %dma_wait3A_416] : memref<320000x128xf32, #tpu.memory_space<hbm>> -> memref<128x128xf32, #tpu.memory_space<hbm>>
      tpu.wait_dma2 semaphore(%arg13 : memref<!tpu.dma_semaphore, #tpu.memory_space<semaphore_mem>>) src(%dma_wait3A_417 : memref<128x128xf32, #tpu.memory_space<hbm>>) dst(%dma_wait3A_415 : memref<128x128xf32, #tpu.memory_space<vmem>>)
      %dma_start3A_418 = arith.constant 1 : i32
      %dma_start3A_419 = arith.constant 0 : i32
      %dma_start3A_420 = arith.constant 0 : i32
      %dma_start3A_421 = tpu.memref_slice %arg8[%dma_start3A_418, %dma_start3A_419, %dma_start3A_420] : memref<2x128x128xf32, #tpu.memory_space<vmem>> -> memref<1x128x128xf32, #tpu.memory_space<vmem>>
      %dma_start3A_422 = tpu.memref_squeeze %dma_start3A_421 : memref<1x128x128xf32, #tpu.memory_space<vmem>> -> memref<128x128xf32, #tpu.memory_space<vmem>>
      %dma_start3A_423 = arith.constant 0 : i32
      %dma_start3A_424 = tpu.memref_slice %arg9[%add3A_401, %dma_start3A_423] : memref<40x128xi32, #tpu.memory_space<vmem>> -> memref<1x128xi32, #tpu.memory_space<vmem>>
      %dma_start3A_425 = tpu.memref_squeeze %dma_start3A_424 : memref<1x128xi32, #tpu.memory_space<vmem>> -> memref<128xi32, #tpu.memory_space<vmem>>
      %dma_start3A_426 = arith.constant 0 : i32
      %dma_start3A_427 = arith.constant 0 : i32
      %dma_start3A_428 = tpu.memref_slice %arg6[%dma_start3A_426, %dma_start3A_427] : memref<10240x128xf32, #tpu.memory_space<vmem_shared>> -> memref<10240x128xf32, #tpu.memory_space<vmem_shared>>
      tpu.enqueue_indirect_dma source(%dma_start3A_422 : memref<128x128xf32, #tpu.memory_space<vmem>>) target(%dma_start3A_428 : memref<10240x128xf32, #tpu.memory_space<vmem_shared>>) offsets(%dma_start3A_425 : memref<128xi32, #tpu.memory_space<vmem>>) semaphore(%arg14 : memref<!tpu.dma_semaphore, #tpu.memory_space<semaphore_mem>>) {add = true}
      %dma_start3A_429 = arith.constant 0 : i32
      %dma_start3A_430 = tpu.memref_slice %arg9[%add3A_401, %dma_start3A_429] : memref<40x128xi32, #tpu.memory_space<vmem>> -> memref<1x128xi32, #tpu.memory_space<vmem>>
      %dma_start3A_431 = tpu.memref_squeeze %dma_start3A_430 : memref<1x128xi32, #tpu.memory_space<vmem>> -> memref<128xi32, #tpu.memory_space<vmem>>
      %dma_start3A_432 = arith.constant 0 : i32
      %dma_start3A_433 = tpu.memref_slice %arg7[%dma_start3A_432] : memref<10240xf32, #tpu.memory_space<vmem_shared>> -> memref<10240xf32, #tpu.memory_space<vmem_shared>>
      tpu.enqueue_indirect_dma source(%arg10 : memref<128xf32, #tpu.memory_space<vmem>>) target(%dma_start3A_433 : memref<10240xf32, #tpu.memory_space<vmem_shared>>) offsets(%dma_start3A_431 : memref<128xi32, #tpu.memory_space<vmem>>) semaphore(%arg15 : memref<!tpu.dma_semaphore, #tpu.memory_space<semaphore_mem>>) {add = true}
      %gt3A_434 = arith.constant 0 : i32
      %gt3A_435 = arith.cmpi sgt, %add3A_401, %gt3A_434 : i32
      %convert_element_type3A_436 = arith.extui %gt3A_435 : i1 to i32
      %cond3A_437 = arith.constant 0 : i32
      %cond3A_438 = arith.cmpi ne, %convert_element_type3A_436, %cond3A_437 : i32
      scf.if %cond3A_438 {
        %sub3A_446 = arith.constant 1 : i32
        %sub3A_447 = arith.subi %add3A_401, %sub3A_446 : i32
        %dma_wait3A_448 = arith.constant 0 : i32
        %dma_wait3A_449 = arith.constant 0 : i32
        %dma_wait3A_450 = arith.constant 0 : i32
        %dma_wait3A_451 = tpu.memref_slice %arg8[%dma_wait3A_448, %dma_wait3A_449, %dma_wait3A_450] : memref<2x128x128xf32, #tpu.memory_space<vmem>> -> memref<1x128x128xf32, #tpu.memory_space<vmem>>
        %dma_wait3A_452 = tpu.memref_squeeze %dma_wait3A_451 : memref<1x128x128xf32, #tpu.memory_space<vmem>> -> memref<128x128xf32, #tpu.memory_space<vmem>>
        %dma_wait3A_453 = arith.constant 0 : i32
        %dma_wait3A_454 = tpu.memref_slice %arg9[%sub3A_447, %dma_wait3A_453] : memref<40x128xi32, #tpu.memory_space<vmem>> -> memref<1x128xi32, #tpu.memory_space<vmem>>
        %dma_wait3A_455 = tpu.memref_squeeze %dma_wait3A_454 : memref<1x128xi32, #tpu.memory_space<vmem>> -> memref<128xi32, #tpu.memory_space<vmem>>
        %dma_wait3A_456 = arith.constant 0 : i32
        %dma_wait3A_457 = arith.constant 0 : i32
        %dma_wait3A_458 = tpu.memref_slice %arg6[%dma_wait3A_456, %dma_wait3A_457] : memref<10240x128xf32, #tpu.memory_space<vmem_shared>> -> memref<10240x128xf32, #tpu.memory_space<vmem_shared>>
        tpu.wait_indirect_dma semaphore(%arg14 : memref<!tpu.dma_semaphore, #tpu.memory_space<semaphore_mem>>) src(%dma_wait3A_452 : memref<128x128xf32, #tpu.memory_space<vmem>>) dst(%dma_wait3A_458 : memref<10240x128xf32, #tpu.memory_space<vmem_shared>>)
      } else {
      }
      %add3A_439 = arith.constant 1 : i32
      %add3A_440 = arith.addi %add3A_401, %add3A_439 : i32
      %lt3A_441 = arith.cmpi slt, %add3A_440, %max3A_283 : i32
      %convert_element_type3A_442 = arith.extui %lt3A_441 : i1 to i32
      %cond3A_443 = arith.constant 0 : i32
      %cond3A_444 = arith.cmpi ne, %convert_element_type3A_442, %cond3A_443 : i32
      scf.if %cond3A_444 {
        %add3A_446 = arith.constant 1 : i32
        %add3A_447 = arith.addi %add3A_401, %add3A_446 : i32
        %add3A_448 = arith.addi %add3A_287, %add3A_447 : i32
        %mul3A_449 = arith.constant 128 : i32
        %mul3A_450 = arith.muli %add3A_448, %mul3A_449 : i32
        %dma_start3A_451 = arith.constant 0 : i32
        %dma_start3A_452 = arith.constant 0 : i32
        %dma_start3A_453 = arith.constant 0 : i32
        %dma_start3A_454 = tpu.memref_slice %arg8[%dma_start3A_451, %dma_start3A_452, %dma_start3A_453] : memref<2x128x128xf32, #tpu.memory_space<vmem>> -> memref<1x128x128xf32, #tpu.memory_space<vmem>>
        %dma_start3A_455 = tpu.memref_squeeze %dma_start3A_454 : memref<1x128x128xf32, #tpu.memory_space<vmem>> -> memref<128x128xf32, #tpu.memory_space<vmem>>
        %dma_start3A_456 = arith.constant 0 : i32
        %dma_start3A_457 = tpu.memref_slice %arg2[%mul3A_450, %dma_start3A_456] : memref<320000x128xf32, #tpu.memory_space<hbm>> -> memref<128x128xf32, #tpu.memory_space<hbm>>
        %dma_start3A_458 = arith.constant 0 : i32
        %dma_start3A_459 = arith.constant 0 : i32
        %dma_start3A_460 = tpu.memref_slice %arg8[%dma_start3A_451, %dma_start3A_458, %dma_start3A_459] : memref<2x128x128xf32, #tpu.memory_space<vmem>> -> memref<1x128x128xf32, #tpu.memory_space<vmem>>
        %dma_start3A_461 = tpu.memref_squeeze %dma_start3A_460 : memref<1x128x128xf32, #tpu.memory_space<vmem>> -> memref<128x128xf32, #tpu.memory_space<vmem>>
        %dma_start3A_462 = arith.constant 0 : i32
        %dma_start3A_463 = tpu.memref_slice %arg2[%mul3A_450, %dma_start3A_462] : memref<320000x128xf32, #tpu.memory_space<hbm>> -> memref<128x128xf32, #tpu.memory_space<hbm>>
        tpu.enqueue_dma source(%dma_start3A_463 : memref<128x128xf32, #tpu.memory_space<hbm>>) target(%dma_start3A_461 : memref<128x128xf32, #tpu.memory_space<vmem>>) target_semaphore(%arg13 : memref<!tpu.dma_semaphore, #tpu.memory_space<semaphore_mem>>)
      } else {
      }
      %while3A_445 = arith.constant 0 : i32
      scf.yield %while3A_445 : i32
    }
    %while3A_327 = arith.constant 1 : i32
    %while3A_328 = scf.for %while3A_351 = %while3A_324 to %while3A_320 step %while3A_327 iter_args(%while3A_352 = %while3A_326) -> (i32)  : i32 {
      %mul3A_353 = arith.constant 2 : i32
      %mul3A_354 = arith.muli %mul3A_353, %while3A_351 : i32
      %add3A_355 = arith.constant 0 : i32
      %add3A_356 = arith.addi %mul3A_354, %add3A_355 : i32
      %add3A_357 = arith.addi %add3A_287, %add3A_356 : i32
      %mul3A_358 = arith.constant 128 : i32
      %mul3A_359 = arith.muli %add3A_357, %mul3A_358 : i32
      %dma_wait3A = arith.constant 0 : i32
      %dma_wait3A_360 = arith.constant 0 : i32
      %dma_wait3A_361 = arith.constant 0 : i32
      %dma_wait3A_362 = tpu.memref_slice %arg8[%dma_wait3A, %dma_wait3A_360, %dma_wait3A_361] : memref<2x128x128xf32, #tpu.memory_space<vmem>> -> memref<1x128x128xf32, #tpu.memory_space<vmem>>
      %dma_wait3A_363 = tpu.memref_squeeze %dma_wait3A_362 : memref<1x128x128xf32, #tpu.memory_space<vmem>> -> memref<128x128xf32, #tpu.memory_space<vmem>>
      %dma_wait3A_364 = arith.constant 0 : i32
      %dma_wait3A_365 = tpu.memref_slice %arg2[%mul3A_359, %dma_wait3A_364] : memref<320000x128xf32, #tpu.memory_space<hbm>> -> memref<128x128xf32, #tpu.memory_space<hbm>>
      %dma_wait3A_366 = arith.constant 0 : i32
      %dma_wait3A_367 = arith.constant 0 : i32
      %dma_wait3A_368 = tpu.memref_slice %arg8[%dma_wait3A, %dma_wait3A_366, %dma_wait3A_367] : memref<2x128x128xf32, #tpu.memory_space<vmem>> -> memref<1x128x128xf32, #tpu.memory_space<vmem>>
      %dma_wait3A_369 = tpu.memref_squeeze %dma_wait3A_368 : memref<1x128x128xf32, #tpu.memory_space<vmem>> -> memref<128x128xf32, #tpu.memory_space<vmem>>
      %dma_wait3A_370 = arith.constant 0 : i32
      %dma_wait3A_371 = tpu.memref_slice %arg2[%mul3A_359, %dma_wait3A_370] : memref<320000x128xf32, #tpu.memory_space<hbm>> -> memref<128x128xf32, #tpu.memory_space<hbm>>
      tpu.wait_dma2 semaphore(%arg13 : memref<!tpu.dma_semaphore, #tpu.memory_space<semaphore_mem>>) src(%dma_wait3A_371 : memref<128x128xf32, #tpu.memory_space<hbm>>) dst(%dma_wait3A_369 : memref<128x128xf32, #tpu.memory_space<vmem>>)
      %dma_start3A = arith.constant 0 : i32
      %dma_start3A_372 = arith.constant 0 : i32
      %dma_start3A_373 = arith.constant 0 : i32
      %dma_start3A_374 = tpu.memref_slice %arg8[%dma_start3A, %dma_start3A_372, %dma_start3A_373] : memref<2x128x128xf32, #tpu.memory_space<vmem>> -> memref<1x128x128xf32, #tpu.memory_space<vmem>>
      %dma_start3A_375 = tpu.memref_squeeze %dma_start3A_374 : memref<1x128x128xf32, #tpu.memory_space<vmem>> -> memref<128x128xf32, #tpu.memory_space<vmem>>
      %dma_start3A_376 = arith.constant 0 : i32
      %dma_start3A_377 = tpu.memref_slice %arg9[%add3A_356, %dma_start3A_376] : memref<40x128xi32, #tpu.memory_space<vmem>> -> memref<1x128xi32, #tpu.memory_space<vmem>>
      %dma_start3A_378 = tpu.memref_squeeze %dma_start3A_377 : memref<1x128xi32, #tpu.memory_space<vmem>> -> memref<128xi32, #tpu.memory_space<vmem>>
      %dma_start3A_379 = arith.constant 0 : i32
      %dma_start3A_380 = arith.constant 0 : i32
      %dma_start3A_381 = tpu.memref_slice %arg6[%dma_start3A_379, %dma_start3A_380] : memref<10240x128xf32, #tpu.memory_space<vmem_shared>> -> memref<10240x128xf32, #tpu.memory_space<vmem_shared>>
      tpu.enqueue_indirect_dma source(%dma_start3A_375 : memref<128x128xf32, #tpu.memory_space<vmem>>) target(%dma_start3A_381 : memref<10240x128xf32, #tpu.memory_space<vmem_shared>>) offsets(%dma_start3A_378 : memref<128xi32, #tpu.memory_space<vmem>>) semaphore(%arg14 : memref<!tpu.dma_semaphore, #tpu.memory_space<semaphore_mem>>) {add = true}
      %dma_start3A_382 = arith.constant 0 : i32
      %dma_start3A_383 = tpu.memref_slice %arg9[%add3A_356, %dma_start3A_382] : memref<40x128xi32, #tpu.memory_space<vmem>> -> memref<1x128xi32, #tpu.memory_space<vmem>>
      %dma_start3A_384 = tpu.memref_squeeze %dma_start3A_383 : memref<1x128xi32, #tpu.memory_space<vmem>> -> memref<128xi32, #tpu.memory_space<vmem>>
      %dma_start3A_385 = arith.constant 0 : i32
      %dma_start3A_386 = tpu.memref_slice %arg7[%dma_start3A_385] : memref<10240xf32, #tpu.memory_space<vmem_shared>> -> memref<10240xf32, #tpu.memory_space<vmem_shared>>
      tpu.enqueue_indirect_dma source(%arg10 : memref<128xf32, #tpu.memory_space<vmem>>) target(%dma_start3A_386 : memref<10240xf32, #tpu.memory_space<vmem_shared>>) offsets(%dma_start3A_384 : memref<128xi32, #tpu.memory_space<vmem>>) semaphore(%arg15 : memref<!tpu.dma_semaphore, #tpu.memory_space<semaphore_mem>>) {add = true}
      %gt3A_387 = arith.constant 0 : i32
      %gt3A_388 = arith.cmpi sgt, %add3A_356, %gt3A_387 : i32
      %convert_element_type3A_389 = arith.extui %gt3A_388 : i1 to i32
      %cond3A_390 = arith.constant 0 : i32
      %cond3A_391 = arith.cmpi ne, %convert_element_type3A_389, %cond3A_390 : i32
      scf.if %cond3A_391 {
        %sub3A_446 = arith.constant 1 : i32
        %sub3A_447 = arith.subi %add3A_356, %sub3A_446 : i32
        %dma_wait3A_448 = arith.constant 1 : i32
        %dma_wait3A_449 = arith.constant 0 : i32
        %dma_wait3A_450 = arith.constant 0 : i32
        %dma_wait3A_451 = tpu.memref_slice %arg8[%dma_wait3A_448, %dma_wait3A_449, %dma_wait3A_450] : memref<2x128x128xf32, #tpu.memory_space<vmem>> -> memref<1x128x128xf32, #tpu.memory_space<vmem>>
        %dma_wait3A_452 = tpu.memref_squeeze %dma_wait3A_451 : memref<1x128x128xf32, #tpu.memory_space<vmem>> -> memref<128x128xf32, #tpu.memory_space<vmem>>
        %dma_wait3A_453 = arith.constant 0 : i32
        %dma_wait3A_454 = tpu.memref_slice %arg9[%sub3A_447, %dma_wait3A_453] : memref<40x128xi32, #tpu.memory_space<vmem>> -> memref<1x128xi32, #tpu.memory_space<vmem>>
        %dma_wait3A_455 = tpu.memref_squeeze %dma_wait3A_454 : memref<1x128xi32, #tpu.memory_space<vmem>> -> memref<128xi32, #tpu.memory_space<vmem>>
        %dma_wait3A_456 = arith.constant 0 : i32
        %dma_wait3A_457 = arith.constant 0 : i32
        %dma_wait3A_458 = tpu.memref_slice %arg6[%dma_wait3A_456, %dma_wait3A_457] : memref<10240x128xf32, #tpu.memory_space<vmem_shared>> -> memref<10240x128xf32, #tpu.memory_space<vmem_shared>>
        tpu.wait_indirect_dma semaphore(%arg14 : memref<!tpu.dma_semaphore, #tpu.memory_space<semaphore_mem>>) src(%dma_wait3A_452 : memref<128x128xf32, #tpu.memory_space<vmem>>) dst(%dma_wait3A_458 : memref<10240x128xf32, #tpu.memory_space<vmem_shared>>)
      } else {
      }
      %add3A_392 = arith.constant 1 : i32
      %add3A_393 = arith.addi %add3A_356, %add3A_392 : i32
      %lt3A_394 = arith.cmpi slt, %add3A_393, %max3A_283 : i32
      %convert_element_type3A_395 = arith.extui %lt3A_394 : i1 to i32
      %cond3A_396 = arith.constant 0 : i32
      %cond3A_397 = arith.cmpi ne, %convert_element_type3A_395, %cond3A_396 : i32
      scf.if %cond3A_397 {
        %add3A_446 = arith.constant 1 : i32
        %add3A_447 = arith.addi %add3A_356, %add3A_446 : i32
        %add3A_448 = arith.addi %add3A_287, %add3A_447 : i32
        %mul3A_449 = arith.constant 128 : i32
        %mul3A_450 = arith.muli %add3A_448, %mul3A_449 : i32
        %dma_start3A_451 = arith.constant 1 : i32
        %dma_start3A_452 = arith.constant 0 : i32
        %dma_start3A_453 = arith.constant 0 : i32
        %dma_start3A_454 = tpu.memref_slice %arg8[%dma_start3A_451, %dma_start3A_452, %dma_start3A_453] : memref<2x128x128xf32, #tpu.memory_space<vmem>> -> memref<1x128x128xf32, #tpu.memory_space<vmem>>
        %dma_start3A_455 = tpu.memref_squeeze %dma_start3A_454 : memref<1x128x128xf32, #tpu.memory_space<vmem>> -> memref<128x128xf32, #tpu.memory_space<vmem>>
        %dma_start3A_456 = arith.constant 0 : i32
        %dma_start3A_457 = tpu.memref_slice %arg2[%mul3A_450, %dma_start3A_456] : memref<320000x128xf32, #tpu.memory_space<hbm>> -> memref<128x128xf32, #tpu.memory_space<hbm>>
        %dma_start3A_458 = arith.constant 0 : i32
        %dma_start3A_459 = arith.constant 0 : i32
        %dma_start3A_460 = tpu.memref_slice %arg8[%dma_start3A_451, %dma_start3A_458, %dma_start3A_459] : memref<2x128x128xf32, #tpu.memory_space<vmem>> -> memref<1x128x128xf32, #tpu.memory_space<vmem>>
        %dma_start3A_461 = tpu.memref_squeeze %dma_start3A_460 : memref<1x128x128xf32, #tpu.memory_space<vmem>> -> memref<128x128xf32, #tpu.memory_space<vmem>>
        %dma_start3A_462 = arith.constant 0 : i32
        %dma_start3A_463 = tpu.memref_slice %arg2[%mul3A_450, %dma_start3A_462] : memref<320000x128xf32, #tpu.memory_space<hbm>> -> memref<128x128xf32, #tpu.memory_space<hbm>>
        tpu.enqueue_dma source(%dma_start3A_463 : memref<128x128xf32, #tpu.memory_space<hbm>>) target(%dma_start3A_461 : memref<128x128xf32, #tpu.memory_space<vmem>>) target_semaphore(%arg13 : memref<!tpu.dma_semaphore, #tpu.memory_space<semaphore_mem>>)
      } else {
      }
      %mul3A_398 = arith.constant 2 : i32
      %mul3A_399 = arith.muli %mul3A_398, %while3A_351 : i32
      %add3A_400 = arith.constant 1 : i32
      %add3A_401 = arith.addi %mul3A_399, %add3A_400 : i32
      %add3A_402 = arith.addi %add3A_287, %add3A_401 : i32
      %mul3A_403 = arith.constant 128 : i32
      %mul3A_404 = arith.muli %add3A_402, %mul3A_403 : i32
      %dma_wait3A_405 = arith.constant 1 : i32
      %dma_wait3A_406 = arith.constant 0 : i32
      %dma_wait3A_407 = arith.constant 0 : i32
      %dma_wait3A_408 = tpu.memref_slice %arg8[%dma_wait3A_405, %dma_wait3A_406, %dma_wait3A_407] : memref<2x128x128xf32, #tpu.memory_space<vmem>> -> memref<1x128x128xf32, #tpu.memory_space<vmem>>
      %dma_wait3A_409 = tpu.memref_squeeze %dma_wait3A_408 : memref<1x128x128xf32, #tpu.memory_space<vmem>> -> memref<128x128xf32, #tpu.memory_space<vmem>>
      %dma_wait3A_410 = arith.constant 0 : i32
      %dma_wait3A_411 = tpu.memref_slice %arg2[%mul3A_404, %dma_wait3A_410] : memref<320000x128xf32, #tpu.memory_space<hbm>> -> memref<128x128xf32, #tpu.memory_space<hbm>>
      %dma_wait3A_412 = arith.constant 0 : i32
      %dma_wait3A_413 = arith.constant 0 : i32
      %dma_wait3A_414 = tpu.memref_slice %arg8[%dma_wait3A_405, %dma_wait3A_412, %dma_wait3A_413] : memref<2x128x128xf32, #tpu.memory_space<vmem>> -> memref<1x128x128xf32, #tpu.memory_space<vmem>>
      %dma_wait3A_415 = tpu.memref_squeeze %dma_wait3A_414 : memref<1x128x128xf32, #tpu.memory_space<vmem>> -> memref<128x128xf32, #tpu.memory_space<vmem>>
      %dma_wait3A_416 = arith.constant 0 : i32
      %dma_wait3A_417 = tpu.memref_slice %arg2[%mul3A_404, %dma_wait3A_416] : memref<320000x128xf32, #tpu.memory_space<hbm>> -> memref<128x128xf32, #tpu.memory_space<hbm>>
      tpu.wait_dma2 semaphore(%arg13 : memref<!tpu.dma_semaphore, #tpu.memory_space<semaphore_mem>>) src(%dma_wait3A_417 : memref<128x128xf32, #tpu.memory_space<hbm>>) dst(%dma_wait3A_415 : memref<128x128xf32, #tpu.memory_space<vmem>>)
      %dma_start3A_418 = arith.constant 1 : i32
      %dma_start3A_419 = arith.constant 0 : i32
      %dma_start3A_420 = arith.constant 0 : i32
      %dma_start3A_421 = tpu.memref_slice %arg8[%dma_start3A_418, %dma_start3A_419, %dma_start3A_420] : memref<2x128x128xf32, #tpu.memory_space<vmem>> -> memref<1x128x128xf32, #tpu.memory_space<vmem>>
      %dma_start3A_422 = tpu.memref_squeeze %dma_start3A_421 : memref<1x128x128xf32, #tpu.memory_space<vmem>> -> memref<128x128xf32, #tpu.memory_space<vmem>>
      %dma_start3A_423 = arith.constant 0 : i32
      %dma_start3A_424 = tpu.memref_slice %arg9[%add3A_401, %dma_start3A_423] : memref<40x128xi32, #tpu.memory_space<vmem>> -> memref<1x128xi32, #tpu.memory_space<vmem>>
      %dma_start3A_425 = tpu.memref_squeeze %dma_start3A_424 : memref<1x128xi32, #tpu.memory_space<vmem>> -> memref<128xi32, #tpu.memory_space<vmem>>
      %dma_start3A_426 = arith.constant 0 : i32
      %dma_start3A_427 = arith.constant 0 : i32
      %dma_start3A_428 = tpu.memref_slice %arg6[%dma_start3A_426, %dma_start3A_427] : memref<10240x128xf32, #tpu.memory_space<vmem_shared>> -> memref<10240x128xf32, #tpu.memory_space<vmem_shared>>
      tpu.enqueue_indirect_dma source(%dma_start3A_422 : memref<128x128xf32, #tpu.memory_space<vmem>>) target(%dma_start3A_428 : memref<10240x128xf32, #tpu.memory_space<vmem_shared>>) offsets(%dma_start3A_425 : memref<128xi32, #tpu.memory_space<vmem>>) semaphore(%arg14 : memref<!tpu.dma_semaphore, #tpu.memory_space<semaphore_mem>>) {add = true}
      %dma_start3A_429 = arith.constant 0 : i32
      %dma_start3A_430 = tpu.memref_slice %arg9[%add3A_401, %dma_start3A_429] : memref<40x128xi32, #tpu.memory_space<vmem>> -> memref<1x128xi32, #tpu.memory_space<vmem>>
      %dma_start3A_431 = tpu.memref_squeeze %dma_start3A_430 : memref<1x128xi32, #tpu.memory_space<vmem>> -> memref<128xi32, #tpu.memory_space<vmem>>
      %dma_start3A_432 = arith.constant 0 : i32
      %dma_start3A_433 = tpu.memref_slice %arg7[%dma_start3A_432] : memref<10240xf32, #tpu.memory_space<vmem_shared>> -> memref<10240xf32, #tpu.memory_space<vmem_shared>>
      tpu.enqueue_indirect_dma source(%arg10 : memref<128xf32, #tpu.memory_space<vmem>>) target(%dma_start3A_433 : memref<10240xf32, #tpu.memory_space<vmem_shared>>) offsets(%dma_start3A_431 : memref<128xi32, #tpu.memory_space<vmem>>) semaphore(%arg15 : memref<!tpu.dma_semaphore, #tpu.memory_space<semaphore_mem>>) {add = true}
      %gt3A_434 = arith.constant 0 : i32
      %gt3A_435 = arith.cmpi sgt, %add3A_401, %gt3A_434 : i32
      %convert_element_type3A_436 = arith.extui %gt3A_435 : i1 to i32
      %cond3A_437 = arith.constant 0 : i32
      %cond3A_438 = arith.cmpi ne, %convert_element_type3A_436, %cond3A_437 : i32
      scf.if %cond3A_438 {
        %sub3A_446 = arith.constant 1 : i32
        %sub3A_447 = arith.subi %add3A_401, %sub3A_446 : i32
        %dma_wait3A_448 = arith.constant 0 : i32
        %dma_wait3A_449 = arith.constant 0 : i32
        %dma_wait3A_450 = arith.constant 0 : i32
        %dma_wait3A_451 = tpu.memref_slice %arg8[%dma_wait3A_448, %dma_wait3A_449, %dma_wait3A_450] : memref<2x128x128xf32, #tpu.memory_space<vmem>> -> memref<1x128x128xf32, #tpu.memory_space<vmem>>
        %dma_wait3A_452 = tpu.memref_squeeze %dma_wait3A_451 : memref<1x128x128xf32, #tpu.memory_space<vmem>> -> memref<128x128xf32, #tpu.memory_space<vmem>>
        %dma_wait3A_453 = arith.constant 0 : i32
        %dma_wait3A_454 = tpu.memref_slice %arg9[%sub3A_447, %dma_wait3A_453] : memref<40x128xi32, #tpu.memory_space<vmem>> -> memref<1x128xi32, #tpu.memory_space<vmem>>
        %dma_wait3A_455 = tpu.memref_squeeze %dma_wait3A_454 : memref<1x128xi32, #tpu.memory_space<vmem>> -> memref<128xi32, #tpu.memory_space<vmem>>
        %dma_wait3A_456 = arith.constant 0 : i32
        %dma_wait3A_457 = arith.constant 0 : i32
        %dma_wait3A_458 = tpu.memref_slice %arg6[%dma_wait3A_456, %dma_wait3A_457] : memref<10240x128xf32, #tpu.memory_space<vmem_shared>> -> memref<10240x128xf32, #tpu.memory_space<vmem_shared>>
        tpu.wait_indirect_dma semaphore(%arg14 : memref<!tpu.dma_semaphore, #tpu.memory_space<semaphore_mem>>) src(%dma_wait3A_452 : memref<128x128xf32, #tpu.memory_space<vmem>>) dst(%dma_wait3A_458 : memref<10240x128xf32, #tpu.memory_space<vmem_shared>>)
      } else {
      }
      %add3A_439 = arith.constant 1 : i32
      %add3A_440 = arith.addi %add3A_401, %add3A_439 : i32
      %lt3A_441 = arith.cmpi slt, %add3A_440, %max3A_283 : i32
      %convert_element_type3A_442 = arith.extui %lt3A_441 : i1 to i32
      %cond3A_443 = arith.constant 0 : i32
      %cond3A_444 = arith.cmpi ne, %convert_element_type3A_442, %cond3A_443 : i32
      scf.if %cond3A_444 {
        %add3A_446 = arith.constant 1 : i32
        %add3A_447 = arith.addi %add3A_401, %add3A_446 : i32
        %add3A_448 = arith.addi %add3A_287, %add3A_447 : i32
        %mul3A_449 = arith.constant 128 : i32
        %mul3A_450 = arith.muli %add3A_448, %mul3A_449 : i32
        %dma_start3A_451 = arith.constant 0 : i32
        %dma_start3A_452 = arith.constant 0 : i32
        %dma_start3A_453 = arith.constant 0 : i32
        %dma_start3A_454 = tpu.memref_slice %arg8[%dma_start3A_451, %dma_start3A_452, %dma_start3A_453] : memref<2x128x128xf32, #tpu.memory_space<vmem>> -> memref<1x128x128xf32, #tpu.memory_space<vmem>>
        %dma_start3A_455 = tpu.memref_squeeze %dma_start3A_454 : memref<1x128x128xf32, #tpu.memory_space<vmem>> -> memref<128x128xf32, #tpu.memory_space<vmem>>
        %dma_start3A_456 = arith.constant 0 : i32
        %dma_start3A_457 = tpu.memref_slice %arg2[%mul3A_450, %dma_start3A_456] : memref<320000x128xf32, #tpu.memory_space<hbm>> -> memref<128x128xf32, #tpu.memory_space<hbm>>
        %dma_start3A_458 = arith.constant 0 : i32
        %dma_start3A_459 = arith.constant 0 : i32
        %dma_start3A_460 = tpu.memref_slice %arg8[%dma_start3A_451, %dma_start3A_458, %dma_start3A_459] : memref<2x128x128xf32, #tpu.memory_space<vmem>> -> memref<1x128x128xf32, #tpu.memory_space<vmem>>
        %dma_start3A_461 = tpu.memref_squeeze %dma_start3A_460 : memref<1x128x128xf32, #tpu.memory_space<vmem>> -> memref<128x128xf32, #tpu.memory_space<vmem>>
        %dma_start3A_462 = arith.constant 0 : i32
        %dma_start3A_463 = tpu.memref_slice %arg2[%mul3A_450, %dma_start3A_462] : memref<320000x128xf32, #tpu.memory_space<hbm>> -> memref<128x128xf32, #tpu.memory_space<hbm>>
        tpu.enqueue_dma source(%dma_start3A_463 : memref<128x128xf32, #tpu.memory_space<hbm>>) target(%dma_start3A_461 : memref<128x128xf32, #tpu.memory_space<vmem>>) target_semaphore(%arg13 : memref<!tpu.dma_semaphore, #tpu.memory_space<semaphore_mem>>)
      } else {
      }
      %while3A_445 = arith.constant 0 : i32
      scf.yield %while3A_445 : i32
    }
    %gt3A_329 = arith.constant 0 : i32
    %gt3A_330 = arith.cmpi sgt, %max3A_283, %gt3A_329 : i32
    %convert_element_type3A_331 = arith.extui %gt3A_330 : i1 to i32
    %cond3A_332 = arith.constant 0 : i32
    %cond3A_333 = arith.cmpi ne, %convert_element_type3A_331, %cond3A_332 : i32
    scf.if %cond3A_333 {
      %sub3A_351 = arith.constant 1 : i32
      %sub3A_352 = arith.subi %max3A_283, %sub3A_351 : i32
      %dma_wait3A = arith.constant 1 : i32
      %dma_wait3A_353 = arith.constant 0 : i32
      %dma_wait3A_354 = arith.constant 0 : i32
      %dma_wait3A_355 = tpu.memref_slice %arg8[%dma_wait3A, %dma_wait3A_353, %dma_wait3A_354] : memref<2x128x128xf32, #tpu.memory_space<vmem>> -> memref<1x128x128xf32, #tpu.memory_space<vmem>>
      %dma_wait3A_356 = tpu.memref_squeeze %dma_wait3A_355 : memref<1x128x128xf32, #tpu.memory_space<vmem>> -> memref<128x128xf32, #tpu.memory_space<vmem>>
      %dma_wait3A_357 = arith.constant 0 : i32
      %dma_wait3A_358 = tpu.memref_slice %arg9[%sub3A_352, %dma_wait3A_357] : memref<40x128xi32, #tpu.memory_space<vmem>> -> memref<1x128xi32, #tpu.memory_space<vmem>>
      %dma_wait3A_359 = tpu.memref_squeeze %dma_wait3A_358 : memref<1x128xi32, #tpu.memory_space<vmem>> -> memref<128xi32, #tpu.memory_space<vmem>>
      %dma_wait3A_360 = arith.constant 0 : i32
      %dma_wait3A_361 = arith.constant 0 : i32
      %dma_wait3A_362 = tpu.memref_slice %arg6[%dma_wait3A_360, %dma_wait3A_361] : memref<10240x128xf32, #tpu.memory_space<vmem_shared>> -> memref<10240x128xf32, #tpu.memory_space<vmem_shared>>
      tpu.wait_indirect_dma semaphore(%arg14 : memref<!tpu.dma_semaphore, #tpu.memory_space<semaphore_mem>>) src(%dma_wait3A_356 : memref<128x128xf32, #tpu.memory_space<vmem>>) dst(%dma_wait3A_362 : memref<10240x128xf32, #tpu.memory_space<vmem_shared>>)
    } else {
    }
    %while3A_334 = arith.constant 0 : i32
    %while3A_335 = arith.constant 0 : i32
    %while3A_336 = arith.subi %max3A_283, %while3A_334 : i32
    %while3A_337 = arith.addi %while3A_334, %while3A_336 : i32
    %while3A_338 = arith.constant 1 : i32
    %while3A_339 = arith.divsi %while3A_336, %while3A_338 : i32
    %while3A_340 = arith.muli %while3A_339, %while3A_338 : i32
    %while3A_341 = arith.addi %while3A_334, %while3A_340 : i32
    %while3A_342 = arith.constant 1 : i32
    %while3A_343 = scf.for %while3A_351 = %while3A_334 to %while3A_341 step %while3A_342 iter_args(%while3A_352 = %while3A_335) -> (i32)  : i32 {
      %dma_wait3A = arith.constant 0 : i32
      %dma_wait3A_353 = tpu.memref_slice %arg9[%while3A_351, %dma_wait3A] : memref<40x128xi32, #tpu.memory_space<vmem>> -> memref<1x128xi32, #tpu.memory_space<vmem>>
      %dma_wait3A_354 = tpu.memref_squeeze %dma_wait3A_353 : memref<1x128xi32, #tpu.memory_space<vmem>> -> memref<128xi32, #tpu.memory_space<vmem>>
      %dma_wait3A_355 = arith.constant 0 : i32
      %dma_wait3A_356 = tpu.memref_slice %arg7[%dma_wait3A_355] : memref<10240xf32, #tpu.memory_space<vmem_shared>> -> memref<10240xf32, #tpu.memory_space<vmem_shared>>
      tpu.wait_indirect_dma semaphore(%arg15 : memref<!tpu.dma_semaphore, #tpu.memory_space<semaphore_mem>>) src(%arg10 : memref<128xf32, #tpu.memory_space<vmem>>) dst(%dma_wait3A_356 : memref<10240xf32, #tpu.memory_space<vmem_shared>>)
      %while3A_357 = arith.constant 0 : i32
      scf.yield %while3A_357 : i32
    }
    %while3A_344 = arith.constant 1 : i32
    %while3A_345 = scf.for %while3A_351 = %while3A_341 to %while3A_337 step %while3A_344 iter_args(%while3A_352 = %while3A_343) -> (i32)  : i32 {
      %dma_wait3A = arith.constant 0 : i32
      %dma_wait3A_353 = tpu.memref_slice %arg9[%while3A_351, %dma_wait3A] : memref<40x128xi32, #tpu.memory_space<vmem>> -> memref<1x128xi32, #tpu.memory_space<vmem>>
      %dma_wait3A_354 = tpu.memref_squeeze %dma_wait3A_353 : memref<1x128xi32, #tpu.memory_space<vmem>> -> memref<128xi32, #tpu.memory_space<vmem>>
      %dma_wait3A_355 = arith.constant 0 : i32
      %dma_wait3A_356 = tpu.memref_slice %arg7[%dma_wait3A_355] : memref<10240xf32, #tpu.memory_space<vmem_shared>> -> memref<10240xf32, #tpu.memory_space<vmem_shared>>
      tpu.wait_indirect_dma semaphore(%arg15 : memref<!tpu.dma_semaphore, #tpu.memory_space<semaphore_mem>>) src(%arg10 : memref<128xf32, #tpu.memory_space<vmem>>) dst(%dma_wait3A_356 : memref<10240xf32, #tpu.memory_space<vmem_shared>>)
      %while3A_357 = arith.constant 0 : i32
      scf.yield %while3A_357 : i32
    }
    %barrier3A_346 = arith.constant 0 : index
    tpu.barrier barrier_id(%barrier3A_346)
    "tpu.region"() ({
      %run_scoped3A_351 = tpu.sem_alloc : memref<!tpu.dma_semaphore, #tpu.memory_space<semaphore_mem>>
      %dma_start3A = arith.constant 0 : i32
      %dma_start3A_352 = arith.constant 0 : i32
      %dma_start3A_353 = tpu.memref_slice %arg4[%arg0, %dma_start3A, %dma_start3A_352] : memref<2x10240x128xf32, #tpu.memory_space<hbm>> -> memref<1x10240x128xf32, #tpu.memory_space<hbm>>
      %dma_start3A_354 = tpu.memref_squeeze %dma_start3A_353 : memref<1x10240x128xf32, #tpu.memory_space<hbm>> -> memref<10240x128xf32, #tpu.memory_space<hbm>>
      %dma_start3A_355 = arith.constant 0 : i32
      %dma_start3A_356 = tpu.memref_slice %dma_start3A_354[%mul3A_50, %dma_start3A_355] : memref<10240x128xf32, #tpu.memory_space<hbm>> -> memref<640x128xf32, #tpu.memory_space<hbm>>
      %dma_start3A_357 = arith.constant 0 : i32
      %dma_start3A_358 = tpu.memref_slice %arg6[%mul3A_50, %dma_start3A_357] : memref<10240x128xf32, #tpu.memory_space<vmem_shared>> -> memref<640x128xf32, #tpu.memory_space<vmem_shared>>
      tpu.enqueue_dma source(%dma_start3A_358 : memref<640x128xf32, #tpu.memory_space<vmem_shared>>) target(%dma_start3A_356 : memref<640x128xf32, #tpu.memory_space<hbm>>) target_semaphore(%run_scoped3A_351 : memref<!tpu.dma_semaphore, #tpu.memory_space<semaphore_mem>>)
      %dma_wait3A = arith.constant 0 : i32
      %dma_wait3A_359 = arith.constant 0 : i32
      %dma_wait3A_360 = tpu.memref_slice %arg4[%arg0, %dma_wait3A, %dma_wait3A_359] : memref<2x10240x128xf32, #tpu.memory_space<hbm>> -> memref<1x10240x128xf32, #tpu.memory_space<hbm>>
      %dma_wait3A_361 = tpu.memref_squeeze %dma_wait3A_360 : memref<1x10240x128xf32, #tpu.memory_space<hbm>> -> memref<10240x128xf32, #tpu.memory_space<hbm>>
      %dma_wait3A_362 = arith.constant 0 : i32
      %dma_wait3A_363 = tpu.memref_slice %dma_wait3A_361[%mul3A_50, %dma_wait3A_362] : memref<10240x128xf32, #tpu.memory_space<hbm>> -> memref<640x128xf32, #tpu.memory_space<hbm>>
      %dma_wait3A_364 = arith.constant 0 : i32
      %dma_wait3A_365 = tpu.memref_slice %arg6[%mul3A_50, %dma_wait3A_364] : memref<10240x128xf32, #tpu.memory_space<vmem_shared>> -> memref<640x128xf32, #tpu.memory_space<vmem_shared>>
      tpu.wait_dma2 semaphore(%run_scoped3A_351 : memref<!tpu.dma_semaphore, #tpu.memory_space<semaphore_mem>>) src(%dma_wait3A_365 : memref<640x128xf32, #tpu.memory_space<vmem_shared>>) dst(%dma_wait3A_363 : memref<640x128xf32, #tpu.memory_space<hbm>>)
      tpu.yield
    }) : () -> ()
    %lt3A = arith.constant 10 : i32
    %lt3A_347 = arith.cmpi slt, %arg1, %lt3A : i32
    %convert_element_type3A_348 = arith.extui %lt3A_347 : i1 to i32
    %cond3A_349 = arith.constant 0 : i32
    %cond3A_350 = arith.cmpi ne, %convert_element_type3A_348, %cond3A_349 : i32
    scf.if %cond3A_350 {
      %mul3A_351 = arith.constant 1024 : i32
      %mul3A_352 = arith.muli %arg1, %mul3A_351 : i32
      "tpu.region"() ({
        %run_scoped3A_360 = tpu.sem_alloc : memref<!tpu.dma_semaphore, #tpu.memory_space<semaphore_mem>>
        %dma_start3A = tpu.memref_slice %arg7[%mul3A_352] : memref<10240xf32, #tpu.memory_space<vmem_shared>> -> memref<1024xf32, #tpu.memory_space<vmem_shared>>
        %dma_start3A_361 = tpu.memref_slice %arg7[%mul3A_352] : memref<10240xf32, #tpu.memory_space<vmem_shared>> -> memref<1024xf32, #tpu.memory_space<vmem_shared>>
        tpu.enqueue_dma source(%dma_start3A_361 : memref<1024xf32, #tpu.memory_space<vmem_shared>>) target(%arg11 : memref<1024xf32, #tpu.memory_space<vmem>>) target_semaphore(%run_scoped3A_360 : memref<!tpu.dma_semaphore, #tpu.memory_space<semaphore_mem>>)
        %dma_wait3A = tpu.memref_slice %arg7[%mul3A_352] : memref<10240xf32, #tpu.memory_space<vmem_shared>> -> memref<1024xf32, #tpu.memory_space<vmem_shared>>
        %dma_wait3A_362 = tpu.memref_slice %arg7[%mul3A_352] : memref<10240xf32, #tpu.memory_space<vmem_shared>> -> memref<1024xf32, #tpu.memory_space<vmem_shared>>
        tpu.wait_dma2 semaphore(%run_scoped3A_360 : memref<!tpu.dma_semaphore, #tpu.memory_space<semaphore_mem>>) src(%dma_wait3A_362 : memref<1024xf32, #tpu.memory_space<vmem_shared>>) dst(%arg11 : memref<1024xf32, #tpu.memory_space<vmem>>)
        tpu.yield
      }) : () -> ()
      %scan3A_353 = arith.constant 0 : i32
      %scan3A_354 = arith.constant 0 : i32
      %scan3A_355 = arith.constant 8 : i32
      %scan3A_356 = arith.addi %scan3A_354, %scan3A_355 : i32
      %scan3A_357 = arith.constant 1 : i32
      %scan3A_358 = scf.for %scan3A_360 = %scan3A_354 to %scan3A_356 step %scan3A_357 iter_args(%scan3A_361 = %scan3A_353) -> (i32)  : i32 {
        %mul3A_362 = arith.constant 128 : i32
        %mul3A_363 = arith.muli %scan3A_360, %mul3A_362 : i32
        %add3A_364 = arith.constant 0 : i32
        %add3A_365 = arith.addi %mul3A_363, %add3A_364 : i32
        %get3A = arith.index_cast %add3A_365 : i32 to index
        %get3A_366 = tpu.vector_load %arg11[%get3A] {strides = array<i32>} : memref<1024xf32, #tpu.memory_space<vmem>>, vector<16xf32>,
        %get3A_367 = vector.shape_cast %get3A_366 : vector<16xf32> to vector<16xf32>
        %swap3A_368 = arith.index_cast %scan3A_360 : i32 to index
        %swap3A_369 = arith.constant 0 : index
        %swap3A_370 = tpu.vector_load %arg12[%swap3A_368, %swap3A_369] {strides = array<i32>} : memref<8x128xf32, #tpu.memory_space<vmem>>, vector<1x16xf32>,
        %swap3A_371 = vector.shape_cast %swap3A_370 : vector<1x16xf32> to vector<16xf32>
        %swap3A_372 = vector.shape_cast %get3A_367 : vector<16xf32> to vector<1x16xf32>
        tpu.vector_store %arg12[%swap3A_368, %swap3A_369], %swap3A_372 {strides = array<i32>} : memref<8x128xf32, #tpu.memory_space<vmem>>, vector<1x16xf32>,
        %mul3A_373 = arith.constant 128 : i32
        %mul3A_374 = arith.muli %scan3A_360, %mul3A_373 : i32
        %add3A_375 = arith.constant 16 : i32
        %add3A_376 = arith.addi %mul3A_374, %add3A_375 : i32
        %get3A_377 = arith.index_cast %add3A_376 : i32 to index
        %get3A_378 = tpu.vector_load %arg11[%get3A_377] {strides = array<i32>} : memref<1024xf32, #tpu.memory_space<vmem>>, vector<16xf32>,
        %get3A_379 = vector.shape_cast %get3A_378 : vector<16xf32> to vector<16xf32>
        %swap3A_380 = arith.index_cast %scan3A_360 : i32 to index
        %swap3A_381 = arith.constant 16 : index
        %swap3A_382 = tpu.vector_load %arg12[%swap3A_380, %swap3A_381] {strides = array<i32>} : memref<8x128xf32, #tpu.memory_space<vmem>>, vector<1x16xf32>,
        %swap3A_383 = vector.shape_cast %swap3A_382 : vector<1x16xf32> to vector<16xf32>
        %swap3A_384 = vector.shape_cast %get3A_379 : vector<16xf32> to vector<1x16xf32>
        tpu.vector_store %arg12[%swap3A_380, %swap3A_381], %swap3A_384 {strides = array<i32>} : memref<8x128xf32, #tpu.memory_space<vmem>>, vector<1x16xf32>,
        %mul3A_385 = arith.constant 128 : i32
        %mul3A_386 = arith.muli %scan3A_360, %mul3A_385 : i32
        %add3A_387 = arith.constant 32 : i32
        %add3A_388 = arith.addi %mul3A_386, %add3A_387 : i32
        %get3A_389 = arith.index_cast %add3A_388 : i32 to index
        %get3A_390 = tpu.vector_load %arg11[%get3A_389] {strides = array<i32>} : memref<1024xf32, #tpu.memory_space<vmem>>, vector<16xf32>,
        %get3A_391 = vector.shape_cast %get3A_390 : vector<16xf32> to vector<16xf32>
        %swap3A_392 = arith.index_cast %scan3A_360 : i32 to index
        %swap3A_393 = arith.constant 32 : index
        %swap3A_394 = tpu.vector_load %arg12[%swap3A_392, %swap3A_393] {strides = array<i32>} : memref<8x128xf32, #tpu.memory_space<vmem>>, vector<1x16xf32>,
        %swap3A_395 = vector.shape_cast %swap3A_394 : vector<1x16xf32> to vector<16xf32>
        %swap3A_396 = vector.shape_cast %get3A_391 : vector<16xf32> to vector<1x16xf32>
        tpu.vector_store %arg12[%swap3A_392, %swap3A_393], %swap3A_396 {strides = array<i32>} : memref<8x128xf32, #tpu.memory_space<vmem>>, vector<1x16xf32>,
        %mul3A_397 = arith.constant 128 : i32
        %mul3A_398 = arith.muli %scan3A_360, %mul3A_397 : i32
        %add3A_399 = arith.constant 48 : i32
        %add3A_400 = arith.addi %mul3A_398, %add3A_399 : i32
        %get3A_401 = arith.index_cast %add3A_400 : i32 to index
        %get3A_402 = tpu.vector_load %arg11[%get3A_401] {strides = array<i32>} : memref<1024xf32, #tpu.memory_space<vmem>>, vector<16xf32>,
        %get3A_403 = vector.shape_cast %get3A_402 : vector<16xf32> to vector<16xf32>
        %swap3A_404 = arith.index_cast %scan3A_360 : i32 to index
        %swap3A_405 = arith.constant 48 : index
        %swap3A_406 = tpu.vector_load %arg12[%swap3A_404, %swap3A_405] {strides = array<i32>} : memref<8x128xf32, #tpu.memory_space<vmem>>, vector<1x16xf32>,
        %swap3A_407 = vector.shape_cast %swap3A_406 : vector<1x16xf32> to vector<16xf32>
        %swap3A_408 = vector.shape_cast %get3A_403 : vector<16xf32> to vector<1x16xf32>
        tpu.vector_store %arg12[%swap3A_404, %swap3A_405], %swap3A_408 {strides = array<i32>} : memref<8x128xf32, #tpu.memory_space<vmem>>, vector<1x16xf32>,
        %mul3A_409 = arith.constant 128 : i32
        %mul3A_410 = arith.muli %scan3A_360, %mul3A_409 : i32
        %add3A_411 = arith.constant 64 : i32
        %add3A_412 = arith.addi %mul3A_410, %add3A_411 : i32
        %get3A_413 = arith.index_cast %add3A_412 : i32 to index
        %get3A_414 = tpu.vector_load %arg11[%get3A_413] {strides = array<i32>} : memref<1024xf32, #tpu.memory_space<vmem>>, vector<16xf32>,
        %get3A_415 = vector.shape_cast %get3A_414 : vector<16xf32> to vector<16xf32>
        %swap3A_416 = arith.index_cast %scan3A_360 : i32 to index
        %swap3A_417 = arith.constant 64 : index
        %swap3A_418 = tpu.vector_load %arg12[%swap3A_416, %swap3A_417] {strides = array<i32>} : memref<8x128xf32, #tpu.memory_space<vmem>>, vector<1x16xf32>,
        %swap3A_419 = vector.shape_cast %swap3A_418 : vector<1x16xf32> to vector<16xf32>
        %swap3A_420 = vector.shape_cast %get3A_415 : vector<16xf32> to vector<1x16xf32>
        tpu.vector_store %arg12[%swap3A_416, %swap3A_417], %swap3A_420 {strides = array<i32>} : memref<8x128xf32, #tpu.memory_space<vmem>>, vector<1x16xf32>,
        %mul3A_421 = arith.constant 128 : i32
        %mul3A_422 = arith.muli %scan3A_360, %mul3A_421 : i32
        %add3A_423 = arith.constant 80 : i32
        %add3A_424 = arith.addi %mul3A_422, %add3A_423 : i32
        %get3A_425 = arith.index_cast %add3A_424 : i32 to index
        %get3A_426 = tpu.vector_load %arg11[%get3A_425] {strides = array<i32>} : memref<1024xf32, #tpu.memory_space<vmem>>, vector<16xf32>,
        %get3A_427 = vector.shape_cast %get3A_426 : vector<16xf32> to vector<16xf32>
        %swap3A_428 = arith.index_cast %scan3A_360 : i32 to index
        %swap3A_429 = arith.constant 80 : index
        %swap3A_430 = tpu.vector_load %arg12[%swap3A_428, %swap3A_429] {strides = array<i32>} : memref<8x128xf32, #tpu.memory_space<vmem>>, vector<1x16xf32>,
        %swap3A_431 = vector.shape_cast %swap3A_430 : vector<1x16xf32> to vector<16xf32>
        %swap3A_432 = vector.shape_cast %get3A_427 : vector<16xf32> to vector<1x16xf32>
        tpu.vector_store %arg12[%swap3A_428, %swap3A_429], %swap3A_432 {strides = array<i32>} : memref<8x128xf32, #tpu.memory_space<vmem>>, vector<1x16xf32>,
        %mul3A_433 = arith.constant 128 : i32
        %mul3A_434 = arith.muli %scan3A_360, %mul3A_433 : i32
        %add3A_435 = arith.constant 96 : i32
        %add3A_436 = arith.addi %mul3A_434, %add3A_435 : i32
        %get3A_437 = arith.index_cast %add3A_436 : i32 to index
        %get3A_438 = tpu.vector_load %arg11[%get3A_437] {strides = array<i32>} : memref<1024xf32, #tpu.memory_space<vmem>>, vector<16xf32>,
        %get3A_439 = vector.shape_cast %get3A_438 : vector<16xf32> to vector<16xf32>
        %swap3A_440 = arith.index_cast %scan3A_360 : i32 to index
        %swap3A_441 = arith.constant 96 : index
        %swap3A_442 = tpu.vector_load %arg12[%swap3A_440, %swap3A_441] {strides = array<i32>} : memref<8x128xf32, #tpu.memory_space<vmem>>, vector<1x16xf32>,
        %swap3A_443 = vector.shape_cast %swap3A_442 : vector<1x16xf32> to vector<16xf32>
        %swap3A_444 = vector.shape_cast %get3A_439 : vector<16xf32> to vector<1x16xf32>
        tpu.vector_store %arg12[%swap3A_440, %swap3A_441], %swap3A_444 {strides = array<i32>} : memref<8x128xf32, #tpu.memory_space<vmem>>, vector<1x16xf32>,
        %mul3A_445 = arith.constant 128 : i32
        %mul3A_446 = arith.muli %scan3A_360, %mul3A_445 : i32
        %add3A_447 = arith.constant 112 : i32
        %add3A_448 = arith.addi %mul3A_446, %add3A_447 : i32
        %get3A_449 = arith.index_cast %add3A_448 : i32 to index
        %get3A_450 = tpu.vector_load %arg11[%get3A_449] {strides = array<i32>} : memref<1024xf32, #tpu.memory_space<vmem>>, vector<16xf32>,
        %get3A_451 = vector.shape_cast %get3A_450 : vector<16xf32> to vector<16xf32>
        %swap3A_452 = arith.index_cast %scan3A_360 : i32 to index
        %swap3A_453 = arith.constant 112 : index
        %swap3A_454 = tpu.vector_load %arg12[%swap3A_452, %swap3A_453] {strides = array<i32>} : memref<8x128xf32, #tpu.memory_space<vmem>>, vector<1x16xf32>,
        %swap3A_455 = vector.shape_cast %swap3A_454 : vector<1x16xf32> to vector<16xf32>
        %swap3A_456 = vector.shape_cast %get3A_451 : vector<16xf32> to vector<1x16xf32>
        tpu.vector_store %arg12[%swap3A_452, %swap3A_453], %swap3A_456 {strides = array<i32>} : memref<8x128xf32, #tpu.memory_space<vmem>>, vector<1x16xf32>,
        %scan3A_457 = arith.constant 0 : i32
        scf.yield %scan3A_457 : i32
      }
      %scan3A_359 = arith.constant 8 : i32
      "tpu.region"() ({
        %run_scoped3A_360 = tpu.sem_alloc : memref<!tpu.dma_semaphore, #tpu.memory_space<semaphore_mem>>
        %dma_start3A = arith.constant 0 : i32
        %dma_start3A_361 = arith.constant 0 : i32
        %dma_start3A_362 = tpu.memref_slice %arg5[%arg0, %arg1, %dma_start3A, %dma_start3A_361] : memref<2x10x8x128xf32, #tpu.memory_space<hbm>> -> memref<1x1x8x128xf32, #tpu.memory_space<hbm>>
        %dma_start3A_363 = tpu.memref_squeeze %dma_start3A_362 : memref<1x1x8x128xf32, #tpu.memory_space<hbm>> -> memref<8x128xf32, #tpu.memory_space<hbm>>
        %dma_start3A_364 = arith.constant 0 : i32
        %dma_start3A_365 = arith.constant 0 : i32
        %dma_start3A_366 = tpu.memref_slice %arg5[%arg0, %arg1, %dma_start3A_364, %dma_start3A_365] : memref<2x10x8x128xf32, #tpu.memory_space<hbm>> -> memref<1x1x8x128xf32, #tpu.memory_space<hbm>>
        %dma_start3A_367 = tpu.memref_squeeze %dma_start3A_366 : memref<1x1x8x128xf32, #tpu.memory_space<hbm>> -> memref<8x128xf32, #tpu.memory_space<hbm>>
        tpu.enqueue_dma source(%arg12 : memref<8x128xf32, #tpu.memory_space<vmem>>) target(%dma_start3A_367 : memref<8x128xf32, #tpu.memory_space<hbm>>) target_semaphore(%run_scoped3A_360 : memref<!tpu.dma_semaphore, #tpu.memory_space<semaphore_mem>>)
        %dma_wait3A = arith.constant 0 : i32
        %dma_wait3A_368 = arith.constant 0 : i32
        %dma_wait3A_369 = tpu.memref_slice %arg5[%arg0, %arg1, %dma_wait3A, %dma_wait3A_368] : memref<2x10x8x128xf32, #tpu.memory_space<hbm>> -> memref<1x1x8x128xf32, #tpu.memory_space<hbm>>
        %dma_wait3A_370 = tpu.memref_squeeze %dma_wait3A_369 : memref<1x1x8x128xf32, #tpu.memory_space<hbm>> -> memref<8x128xf32, #tpu.memory_space<hbm>>
        %dma_wait3A_371 = arith.constant 0 : i32
        %dma_wait3A_372 = arith.constant 0 : i32
        %dma_wait3A_373 = tpu.memref_slice %arg5[%arg0, %arg1, %dma_wait3A_371, %dma_wait3A_372] : memref<2x10x8x128xf32, #tpu.memory_space<hbm>> -> memref<1x1x8x128xf32, #tpu.memory_space<hbm>>
        %dma_wait3A_374 = tpu.memref_squeeze %dma_wait3A_373 : memref<1x1x8x128xf32, #tpu.memory_space<hbm>> -> memref<8x128xf32, #tpu.memory_space<hbm>>
        tpu.wait_dma2 semaphore(%run_scoped3A_360 : memref<!tpu.dma_semaphore, #tpu.memory_space<semaphore_mem>>) src(%arg12 : memref<8x128xf32, #tpu.memory_space<vmem>>) dst(%dma_wait3A_374 : memref<8x128xf32, #tpu.memory_space<hbm>>)
        tpu.yield
      }) : () -> ()
    } else {
    }
    return
  }
}

module attributes {stable_mosaic.version = 14 : i64} {
  func.func @_tc_aself_body(%arg0: memref<128x128xf32, #tpu.memory_space<vmem>>, %arg1: memref<128x512xf32, #tpu.memory_space<vmem>>, %arg2: memref<128x128xf32, #tpu.memory_space<vmem>>) attributes {dimension_semantics = [], scalar_prefetch = 0 : i64, scratch_operands = 0 : i64, tpu.core_type = #tpu.core_type<tc>} {
    %get3A = arith.constant 0 : index
    %get3A_0 = arith.constant 0 : index
    %get3A_1 = vector.load %arg1[%get3A, %get3A_0] : memref<128x512xf32, #tpu.memory_space<vmem>>, vector<128x128xf32>
    %get3A_2 = arith.constant 0 : index
    %get3A_3 = arith.constant 0 : index
    %get3A_4 = vector.load %arg0[%get3A_2, %get3A_3] : memref<128x128xf32, #tpu.memory_space<vmem>>, vector<128x128xf32>
    %dot_general3A = arith.constant dense<0.000000e+00> : vector<128x128xf32>
    %dot_general3A_5 = tpu.matmul %get3A_1, %get3A_4, %dot_general3A {dimension_numbers = #tpu.dot_dimension_numbers<[1], [0], [0], [1], [0, 0, 1, 1], [], []>, transpose_lhs_hint = false} : vector<128x128xf32>, vector<128x128xf32>, vector<128x128xf32> -> vector<128x128xf32>
    %swap3A = arith.constant 0 : index
    %swap3A_6 = arith.constant 0 : index
    %swap3A_7 = vector.load %arg2[%swap3A, %swap3A_6] : memref<128x128xf32, #tpu.memory_space<vmem>>, vector<128x128xf32>
    tpu.vector_store %arg2[%swap3A, %swap3A_6], %dot_general3A_5 {strides = array<i32>} : memref<128x128xf32, #tpu.memory_space<vmem>>, vector<128x128xf32>,
    return
  }
}

module attributes {stable_mosaic.version = 14 : i64} {
  func.func @_tc_y_body(%arg0: i32, %arg1: memref<1280x128xf32, #tpu.memory_space<vmem>>, %arg2: memref<128x128xf32, #tpu.memory_space<vmem>>, %arg3: memref<1280x128xf32, #tpu.memory_space<vmem>>) attributes {dimension_semantics = [#tpu.dimension_semantics<arbitrary>], iteration_bounds = array<i64: 250>, scalar_prefetch = 0 : i64, scratch_operands = 0 : i64, tpu.core_type = #tpu.core_type<tc>, window_params = [{transform_indices = @transform_0, window_bounds = array<i64: 1280, 128>}, {pipeline_mode = #tpu.pipeline_mode<synchronous>, transform_indices = @transform_1, window_bounds = array<i64: 128, 128>}, {transform_indices = @transform_2, window_bounds = array<i64: 1280, 128>}]} {
    %get3A = arith.constant 0 : index
    %get3A_0 = arith.constant 0 : index
    %get3A_1 = vector.load %arg1[%get3A, %get3A_0] : memref<1280x128xf32, #tpu.memory_space<vmem>>, vector<1280x128xf32>
    %get3A_2 = arith.constant 0 : index
    %get3A_3 = arith.constant 0 : index
    %get3A_4 = vector.load %arg2[%get3A_2, %get3A_3] : memref<128x128xf32, #tpu.memory_space<vmem>>, vector<128x128xf32>
    %dot_general3A = arith.constant dense<0.000000e+00> : vector<1280x128xf32>
    %dot_general3A_5 = tpu.matmul %get3A_1, %get3A_4, %dot_general3A {dimension_numbers = #tpu.dot_dimension_numbers<[1], [1], [0], [0], [0, 0, 1, 0], [], []>, transpose_lhs_hint = false} : vector<1280x128xf32>, vector<128x128xf32>, vector<1280x128xf32> -> vector<1280x128xf32>
    %swap3A = arith.constant 0 : index
    %swap3A_6 = arith.constant 0 : index
    %swap3A_7 = vector.load %arg3[%swap3A, %swap3A_6] : memref<1280x128xf32, #tpu.memory_space<vmem>>, vector<1280x128xf32>
    tpu.vector_store %arg3[%swap3A, %swap3A_6], %dot_general3A_5 {strides = array<i32>} : memref<1280x128xf32, #tpu.memory_space<vmem>>, vector<1280x128xf32>,
    return
  }
  func.func @transform_0(%arg0: i32) -> (i32, i32) {
    %c0_i32 = arith.constant 0 : i32
    %c0_i32_0 = arith.constant 0 : i32
    return %arg0, %c0_i32 : i32, i32
  }
  func.func @transform_1(%arg0: i32) -> (i32, i32) {
    %c0_i32 = arith.constant 0 : i32
    %c0_i32_0 = arith.constant 0 : i32
    %c0_i32_1 = arith.constant 0 : i32
    return %c0_i32, %c0_i32_0 : i32, i32
  }
  func.func @transform_2(%arg0: i32) -> (i32, i32) {
    %c0_i32 = arith.constant 0 : i32
    %c0_i32_0 = arith.constant 0 : i32
    return %arg0, %c0_i32 : i32, i32
  }
}

module attributes {stable_mosaic.version = 14 : i64} {
  func.func @_tc_node_body(%arg0: memref<2x10240x128xf32, #tpu.memory_space<vmem>>, %arg1: memref<10240x1xf32, #tpu.memory_space<vmem>>, %arg2: memref<10240x1xf32, #tpu.memory_space<vmem>>, %arg3: memref<128x128xf32, #tpu.memory_space<vmem>>, %arg4: memref<128x128xf32, #tpu.memory_space<vmem>>, %arg5: memref<128x128xf32, #tpu.memory_space<vmem>>, %arg6: memref<128x512xf32, #tpu.memory_space<vmem>>, %arg7: memref<1x128xf32, #tpu.memory_space<vmem>>, %arg8: memref<1x128xf32, #tpu.memory_space<vmem>>, %arg9: memref<1x128xf32, #tpu.memory_space<vmem>>, %arg10: memref<1x128xf32, #tpu.memory_space<vmem>>, %arg11: memref<1x128xf32, #tpu.memory_space<vmem>>, %arg12: memref<1x1xf32, #tpu.memory_space<vmem>>, %arg13: memref<2x10240x128xf32, #tpu.memory_space<vmem>>) attributes {dimension_semantics = [], scalar_prefetch = 0 : i64, scratch_operands = 0 : i64, tpu.core_type = #tpu.core_type<tc>} {
    %get3A = arith.constant 0 : index
    %get3A_0 = arith.constant 0 : index
    %get3A_1 = vector.load %arg6[%get3A, %get3A_0] : memref<128x512xf32, #tpu.memory_space<vmem>>, vector<128x128xf32>
    %get3A_2 = arith.constant 0 : index
    %get3A_3 = arith.constant 128 : index
    %get3A_4 = vector.load %arg6[%get3A_2, %get3A_3] : memref<128x512xf32, #tpu.memory_space<vmem>>, vector<128x128xf32>
    %get3A_5 = arith.constant 0 : index
    %get3A_6 = arith.constant 256 : index
    %get3A_7 = vector.load %arg6[%get3A_5, %get3A_6] : memref<128x512xf32, #tpu.memory_space<vmem>>, vector<128x128xf32>
    %get3A_8 = arith.constant 0 : index
    %get3A_9 = arith.constant 384 : index
    %get3A_10 = vector.load %arg6[%get3A_8, %get3A_9] : memref<128x512xf32, #tpu.memory_space<vmem>>, vector<128x128xf32>
    %get3A_11 = arith.constant 0 : index
    %get3A_12 = arith.constant 0 : index
    %get3A_13 = arith.constant 0 : index
    %get3A_14 = vector.load %arg0[%get3A_11, %get3A_12, %get3A_13] : memref<2x10240x128xf32, #tpu.memory_space<vmem>>, vector<1x10240x128xf32>
    %get3A_15 = vector.shape_cast %get3A_14 : vector<1x10240x128xf32> to vector<10240x128xf32>
    %get3A_16 = arith.constant 1 : index
    %get3A_17 = arith.constant 0 : index
    %get3A_18 = arith.constant 0 : index
    %get3A_19 = vector.load %arg0[%get3A_16, %get3A_17, %get3A_18] : memref<2x10240x128xf32, #tpu.memory_space<vmem>>, vector<1x10240x128xf32>
    %get3A_20 = vector.shape_cast %get3A_19 : vector<1x10240x128xf32> to vector<10240x128xf32>
    %get3A_21 = arith.constant 0 : index
    %get3A_22 = arith.constant 0 : index
    %get3A_23 = vector.load %arg1[%get3A_21, %get3A_22] : memref<10240x1xf32, #tpu.memory_space<vmem>>, vector<10240x1xf32>
    %add3A = arith.constant 9.99999971E-10 : f32
    %add3A_24 = vector.broadcast %add3A : f32 to vector<10240x1xf32>
    %add3A_25 = arith.addf %get3A_23, %add3A_24 : vector<10240x1xf32>
    %div3A = vector.broadcast %add3A_25 : vector<10240x1xf32> to vector<10240x128xf32>
    %div3A_26 = arith.divf %get3A_15, %div3A : vector<10240x128xf32>
    %get3A_27 = arith.constant 0 : index
    %get3A_28 = arith.constant 0 : index
    %get3A_29 = vector.load %arg2[%get3A_27, %get3A_28] : memref<10240x1xf32, #tpu.memory_space<vmem>>, vector<10240x1xf32>
    %add3A_30 = arith.constant 9.99999971E-10 : f32
    %add3A_31 = vector.broadcast %add3A_30 : f32 to vector<10240x1xf32>
    %add3A_32 = arith.addf %get3A_29, %add3A_31 : vector<10240x1xf32>
    %div3A_33 = vector.broadcast %add3A_32 : vector<10240x1xf32> to vector<10240x128xf32>
    %div3A_34 = arith.divf %get3A_20, %div3A_33 : vector<10240x128xf32>
    %get3A_35 = arith.constant 0 : index
    %get3A_36 = arith.constant 0 : index
    %get3A_37 = vector.load %arg3[%get3A_35, %get3A_36] : memref<128x128xf32, #tpu.memory_space<vmem>>, vector<128x128xf32>
    %dot_general3A = arith.constant dense<0.000000e+00> : vector<128x128xf32>
    %dot_general3A_38 = tpu.matmul %get3A_4, %get3A_37, %dot_general3A {dimension_numbers = #tpu.dot_dimension_numbers<[1], [0], [0], [1], [0, 0, 1, 1], [], []>, transpose_lhs_hint = false} : vector<128x128xf32>, vector<128x128xf32>, vector<128x128xf32> -> vector<128x128xf32>
    %get3A_39 = arith.constant 0 : index
    %get3A_40 = arith.constant 0 : index
    %get3A_41 = vector.load %arg4[%get3A_39, %get3A_40] : memref<128x128xf32, #tpu.memory_space<vmem>>, vector<128x128xf32>
    %dot_general3A_42 = arith.constant dense<0.000000e+00> : vector<128x128xf32>
    %dot_general3A_43 = tpu.matmul %get3A_7, %get3A_41, %dot_general3A_42 {dimension_numbers = #tpu.dot_dimension_numbers<[1], [0], [0], [1], [0, 0, 1, 1], [], []>, transpose_lhs_hint = false} : vector<128x128xf32>, vector<128x128xf32>, vector<128x128xf32> -> vector<128x128xf32>
    %reduce_sum3A = arith.constant dense<0.000000e+00> : vector<128xf32>
    %reduce_sum3A_44 = vector.multi_reduction <add>, %get3A_15, %reduce_sum3A [0] : vector<10240x128xf32> to vector<128xf32>
    %broadcast_in_dim3A = vector.shape_cast %reduce_sum3A_44 : vector<128xf32> to vector<1x128xf32>
    %get3A_45 = arith.constant 0 : index
    %get3A_46 = arith.constant 0 : index
    %get3A_47 = vector.load %arg12[%get3A_45, %get3A_46] : memref<1x1xf32, #tpu.memory_space<vmem>>, vector<1x1xf32>
    %get3A_48 = vector.extract %get3A_47[0, 0] : f32 from vector<1x1xf32>
    %div3A_49 = vector.broadcast %get3A_48 : f32 to vector<1x128xf32>
    %div3A_50 = arith.divf %broadcast_in_dim3A, %div3A_49 : vector<1x128xf32>
    %get3A_51 = arith.constant 0 : index
    %get3A_52 = arith.constant 0 : index
    %get3A_53 = vector.load %arg5[%get3A_51, %get3A_52] : memref<128x128xf32, #tpu.memory_space<vmem>>, vector<128x128xf32>
    %dot_general3A_54 = arith.constant dense<0.000000e+00> : vector<1x128xf32>
    %dot_general3A_55 = tpu.matmul %div3A_50, %get3A_53, %dot_general3A_54 {dimension_numbers = #tpu.dot_dimension_numbers<[1], [1], [0], [0], [0, 0, 1, 0], [], []>, transpose_lhs_hint = false} : vector<1x128xf32>, vector<128x128xf32>, vector<1x128xf32> -> vector<1x128xf32>
    %get3A_56 = arith.constant 0 : index
    %get3A_57 = arith.constant 0 : index
    %get3A_58 = vector.load %arg10[%get3A_56, %get3A_57] : memref<1x128xf32, #tpu.memory_space<vmem>>, vector<1x128xf32>
    %add3A_59 = arith.addf %dot_general3A_55, %get3A_58 : vector<1x128xf32>
    %get3A_60 = arith.constant 0 : index
    %get3A_61 = arith.constant 0 : index
    %get3A_62 = vector.load %arg11[%get3A_60, %get3A_61] : memref<1x128xf32, #tpu.memory_space<vmem>>, vector<1x128xf32>
    %get3A_63 = arith.constant 0 : index
    %get3A_64 = arith.constant 0 : index
    %get3A_65 = vector.load %arg7[%get3A_63, %get3A_64] : memref<1x128xf32, #tpu.memory_space<vmem>>, vector<1x128xf32>
    %dot_general3A_66 = arith.constant dense<0.000000e+00> : vector<1x128xf32>
    %dot_general3A_67 = tpu.matmul %get3A_65, %get3A_1, %dot_general3A_66 {dimension_numbers = #tpu.dot_dimension_numbers<[1], [1], [0], [0], [0, 0, 1, 0], [], []>, transpose_lhs_hint = false} : vector<1x128xf32>, vector<128x128xf32>, vector<1x128xf32> -> vector<1x128xf32>
    %add3A_68 = arith.addf %get3A_62, %dot_general3A_67 : vector<1x128xf32>
    %get3A_69 = arith.constant 0 : index
    %get3A_70 = arith.constant 0 : index
    %get3A_71 = vector.load %arg8[%get3A_69, %get3A_70] : memref<1x128xf32, #tpu.memory_space<vmem>>, vector<1x128xf32>
    %dot_general3A_72 = arith.constant dense<0.000000e+00> : vector<1x128xf32>
    %dot_general3A_73 = tpu.matmul %get3A_71, %get3A_4, %dot_general3A_72 {dimension_numbers = #tpu.dot_dimension_numbers<[1], [1], [0], [0], [0, 0, 1, 0], [], []>, transpose_lhs_hint = false} : vector<1x128xf32>, vector<128x128xf32>, vector<1x128xf32> -> vector<1x128xf32>
    %add3A_74 = arith.addf %add3A_68, %dot_general3A_73 : vector<1x128xf32>
    %get3A_75 = arith.constant 0 : index
    %get3A_76 = arith.constant 0 : index
    %get3A_77 = vector.load %arg9[%get3A_75, %get3A_76] : memref<1x128xf32, #tpu.memory_space<vmem>>, vector<1x128xf32>
    %dot_general3A_78 = arith.constant dense<0.000000e+00> : vector<1x128xf32>
    %dot_general3A_79 = tpu.matmul %get3A_77, %get3A_7, %dot_general3A_78 {dimension_numbers = #tpu.dot_dimension_numbers<[1], [1], [0], [0], [0, 0, 1, 0], [], []>, transpose_lhs_hint = false} : vector<1x128xf32>, vector<128x128xf32>, vector<1x128xf32> -> vector<1x128xf32>
    %add3A_80 = arith.addf %add3A_74, %dot_general3A_79 : vector<1x128xf32>
    %dot_general3A_81 = arith.constant dense<0.000000e+00> : vector<1x128xf32>
    %dot_general3A_82 = tpu.matmul %add3A_59, %get3A_10, %dot_general3A_81 {dimension_numbers = #tpu.dot_dimension_numbers<[1], [1], [0], [0], [0, 0, 1, 0], [], []>, transpose_lhs_hint = false} : vector<1x128xf32>, vector<128x128xf32>, vector<1x128xf32> -> vector<1x128xf32>
    %add3A_83 = arith.addf %add3A_80, %dot_general3A_82 : vector<1x128xf32>
    %dot_general3A_84 = arith.constant dense<0.000000e+00> : vector<10240x128xf32>
    %dot_general3A_85 = tpu.matmul %div3A_26, %dot_general3A_38, %dot_general3A_84 {dimension_numbers = #tpu.dot_dimension_numbers<[1], [1], [0], [0], [0, 0, 1, 0], [], []>, transpose_lhs_hint = false} : vector<10240x128xf32>, vector<128x128xf32>, vector<10240x128xf32> -> vector<10240x128xf32>
    %mul3A = arith.constant 5.000000e-01 : f32
    %mul3A_86 = vector.broadcast %mul3A : f32 to vector<1x128xf32>
    %mul3A_87 = arith.mulf %mul3A_86, %add3A_83 : vector<1x128xf32>
    %add3A_88 = vector.broadcast %mul3A_87 : vector<1x128xf32> to vector<10240x128xf32>
    %add3A_89 = arith.addf %dot_general3A_85, %add3A_88 : vector<10240x128xf32>
    %swap3A = arith.constant 0 : index
    %swap3A_90 = arith.constant 0 : index
    %swap3A_91 = arith.constant 0 : index
    %swap3A_92 = vector.load %arg13[%swap3A, %swap3A_90, %swap3A_91] : memref<2x10240x128xf32, #tpu.memory_space<vmem>>, vector<1x10240x128xf32>
    %swap3A_93 = vector.shape_cast %swap3A_92 : vector<1x10240x128xf32> to vector<10240x128xf32>
    %swap3A_94 = vector.shape_cast %add3A_89 : vector<10240x128xf32> to vector<1x10240x128xf32>
    tpu.vector_store %arg13[%swap3A, %swap3A_90, %swap3A_91], %swap3A_94 {strides = array<i32>} : memref<2x10240x128xf32, #tpu.memory_space<vmem>>, vector<1x10240x128xf32>,
    %dot_general3A_95 = arith.constant dense<0.000000e+00> : vector<10240x128xf32>
    %dot_general3A_96 = tpu.matmul %div3A_34, %dot_general3A_43, %dot_general3A_95 {dimension_numbers = #tpu.dot_dimension_numbers<[1], [1], [0], [0], [0, 0, 1, 0], [], []>, transpose_lhs_hint = false} : vector<10240x128xf32>, vector<128x128xf32>, vector<10240x128xf32> -> vector<10240x128xf32>
    %mul3A_97 = arith.constant 5.000000e-01 : f32
    %mul3A_98 = vector.broadcast %mul3A_97 : f32 to vector<1x128xf32>
    %mul3A_99 = arith.mulf %mul3A_98, %add3A_83 : vector<1x128xf32>
    %add3A_100 = vector.broadcast %mul3A_99 : vector<1x128xf32> to vector<10240x128xf32>
    %add3A_101 = arith.addf %dot_general3A_96, %add3A_100 : vector<10240x128xf32>
    %swap3A_102 = arith.constant 1 : index
    %swap3A_103 = arith.constant 0 : index
    %swap3A_104 = arith.constant 0 : index
    %swap3A_105 = vector.load %arg13[%swap3A_102, %swap3A_103, %swap3A_104] : memref<2x10240x128xf32, #tpu.memory_space<vmem>>, vector<1x10240x128xf32>
    %swap3A_106 = vector.shape_cast %swap3A_105 : vector<1x10240x128xf32> to vector<10240x128xf32>
    %swap3A_107 = vector.shape_cast %add3A_101 : vector<10240x128xf32> to vector<1x10240x128xf32>
    tpu.vector_store %arg13[%swap3A_102, %swap3A_103, %swap3A_104], %swap3A_107 {strides = array<i32>} : memref<2x10240x128xf32, #tpu.memory_space<vmem>>, vector<1x10240x128xf32>,
    return
  }
}

</mosaic_0001>

<sc_bundles>
// kernel: kernel.10.cloned.1.call-start
scs
__scs_entry_jumppad:
0x0: {  	(pc) =	sbr.rel $0x88, $3  }
0x1: {  	(tag) =	ssettag $0x0;
	lr =	simm.s32 $0x1  }
0x2: {  	[smem:$0x3F95] =	sst lr;
	_ =	strace $0xD0000000  }
0x3: {  	_ = 	snop  }
0x4: {  	_ = 	snop  }
0x5: {  	_ = 	snop  }
0x6: {  	_ = 	snop  }
0x7: {  	_ = 	snop  }
__scs_overlays_trampoline_lowered:
0x8: {  	[smem:$0x3FA4] =	sst s0  }
0x9: {  	[smem:$0x3FA5] =	sst s1  }
0xa: {  	[smem:$0x3FA6] =	sst s2  }
0xb: {  	[smem:$0x3FA7] =	sst s3  }
0xc: {  	[smem:$0x3FA8] =	sst s4  }
0xd: {  	[smem:$0x3FA9] =	sst s5  }
0xe: {  	[smem:$0x3FAA] =	sst s6  }
0xf: {  	[smem:$0x3FAB] =	sst s7  }
0x10: {  	[smem:$0x3FAC] =	sst s8  }
0x11: {  	[smem:$0x3FAD] =	sst s9;
	s0 =	simm.s32 @!p0 $0x0  }
0x12: {  	s1 =	sld [smem:$0x3F93];
	s0 =	simm.s32 @p0 $0x1  }
0x13: {  	[smem:$0x3FAE] =	sst s0;
	s0 =	simm.s32 @!p1 $0x0  }
0x14: {  	s2 =	sld [smem:$0x3F92];
	s0 =	simm.s32 @p1 $0x1  }
0x15: {  	[smem:$0x3FAF] =	sst s0;
	s0 =	simm.s32 @!p2 $0x0  }
0x16: {  	s3 =	sld [smem:$0x3FDB];
	s0 =	simm.s32 @p2 $0x1  }
0x17: {  	s4 =	simm.s32 $0x1BF5;
	[smem:$0x3FB1] =	sst s0  }
0x18: {  	s0 =	sld [smem:$0x3F94];
	_ =	swait.ge [sflag:s4], $0x0  }
0x19: {  	s7 =	sld [smem:$0x3F95]  }
0x1a: {  	s8 =	sadd.s32 $0xFFFFE003, lr  }
0x1b: {  	s9 =	sadd.s32 $0xFFFFFEF7, lr;
	s5 =	simm.s32 $0xFFFFFFFF;
	p2 =	slt.u32 s8, $0xFFFFF086  }
0x1c: {  	p1 =	slt.u32 s9, $0xF7A;
	s5 =	simm.s32 @!p2 $0x0  }
0x1d: {  	s5 =	simm.s32 @p1 $0x1;
	p0 =	seq.s32 s7, s2  }
0x1e: {  	s7 =	smul.u32 @!p0 $0xF7A, s2;
	p2 =	seq.s32 @!p0 s5, $0x0  }
0x1f: {  	s9 =	smul.u32 $0xF7A, s1;
	s8 =	simm.s32 @!p0 $0x1BF5;
	p2 =	por !p2, p0  }
0x20: {  	[sflag:s8] =	ssyncset.s32 @!p0 $0xFFFFF086;
	s6 =	sadd.s32 @!p0 s3, s7;
	s7 =	simm.s32 @!p0 $0x108  }
0x21: {  	s3 =	sadd.s32 s3, s9;
	s6 =	sadd.s32 @!p0 $0x88, s6;
	s7 =	simm.s32 @p2 $0x1082  }
0x22: {  	[simem:s7], [sflag:s8] =	dma.local @!p0 [hbm:s6], $0xF7A  }
0x23: {  	s9 =	sor.u32 $0xD0000000, s2;
	s6 =	simm.s32 $0x108;
	_ =	swait.ge @!p0 [sflag:s8], $0x0  }
0x24: {  	s3 =	sadd.s32 $0x88, s3;
	s6 =	simm.s32 @!p1 $0x1082;
	[sflag:s4] =	ssyncset.s32 $0xFFFFF086  }
0x25: {  	[simem:s6], [sflag:s4] =	dma.local [hbm:s3], $0xF7A  }
0x26: {  	[smem:$0x3F95] =	sst s1;
	(tag) =	ssettag s2;
	_ =	strace s9  }
0x27: {  	s1 =	sld [smem:$0x3FA5]  }
0x28: {  	s2 =	sld [smem:$0x3FA6]  }
0x29: {  	s4 =	sld [smem:$0x3FA8]  }
0x2a: {  	p0 =	seq.s32 s5, $0x0;
	s5 =	sld [smem:$0x3FA9]  }
0x2b: {  	s6 =	sld [smem:$0x3FAA]  }
0x2c: {  	s7 =	sld [smem:$0x3FAB]  }
0x2d: {  	s3 =	simm.s32 $0x108;
	s8 =	sld [smem:$0x3FAC]  }
0x2e: {  	s3 =	simm.s32 @!p0 $0x1082;
	s9 =	sld [smem:$0x3FAD]  }
0x2f: {  	lr =	sadd.s32 s0, s3;
	s0 =	sld [smem:$0x3FA4]  }
0x30: {  	s3 =	sld [smem:$0x3FA7]  }
0x31: {  	[smem:$0x3FB0] =	sst s10  }
0x32: {  	s10 =	sld [smem:$0x3FAE];
	_ =	sdelay $0x3  }
0x33: {  	p0 =	seq.s32 s10, $0x1;
	s10 =	sld [smem:$0x3FB0];
	_ =	sdelay $0x3  }
0x34: {  	[smem:$0x3FB0] =	sst s10  }
0x35: {  	s10 =	sld [smem:$0x3FAF];
	_ =	sdelay $0x3  }
0x36: {  	p1 =	seq.s32 s10, $0x1;
	s10 =	sld [smem:$0x3FB0];
	_ =	sdelay $0x3  }
0x37: {  	[smem:$0x3FB0] =	sst s10  }
0x38: {  	s10 =	sld [smem:$0x3FB1]  }
0x39: {  	_ = 	snop;
	(pc) =	sbr.ind lr, $3  }
0x3a: {  	_ = 	snop  }
0x3b: {  	_ = 	snop  }
0x3c: {  	p2 =	seq.s32 s10, $0x1;
	s10 =	sld [smem:$0x3FB0]  }
0x3d: {  	_ =	shalt  }
0x3e: {  	_ =	shalt  }
0x3f: {  	_ =	shalt  }
0x40: {  	_ =	shalt  }
0x41: {  	_ =	shalt  }
0x42: {  	_ =	shalt  }
0x43: {  	_ =	shalt  }
0x44: {  	_ =	shalt  }
0x45: {  	_ =	shalt  }
0x46: {  	_ =	shalt  }
0x47: {  	_ =	shalt  }
0x48: {  	_ =	shalt  }
0x49: {  	_ =	shalt  }
0x4a: {  	_ =	shalt  }
0x4b: {  	_ =	shalt  }
0x4c: {  	_ =	shalt  }
0x4d: {  	_ =	shalt  }
0x4e: {  	_ =	shalt  }
0x4f: {  	_ =	shalt  }
0x50: {  	_ =	shalt  }
0x51: {  	_ =	shalt  }
0x52: {  	_ =	shalt  }
0x53: {  	_ =	shalt  }
0x54: {  	_ =	shalt  }
0x55: {  	_ =	shalt  }
0x56: {  	_ =	shalt  }
0x57: {  	_ =	shalt  }
0x58: {  	_ =	shalt  }
0x59: {  	_ =	shalt  }
0x5a: {  	_ =	shalt  }
0x5b: {  	_ =	shalt  }
0x5c: {  	_ =	shalt  }
0x5d: {  	_ =	shalt  }
0x5e: {  	_ =	shalt  }
0x5f: {  	_ =	shalt  }
0x60: {  	_ =	shalt  }
0x61: {  	_ =	shalt  }
0x62: {  	_ =	shalt  }
0x63: {  	_ =	shalt  }
0x64: {  	_ =	shalt  }
0x65: {  	_ =	shalt  }
0x66: {  	_ =	shalt  }
0x67: {  	_ =	shalt  }
0x68: {  	_ =	shalt  }
0x69: {  	_ =	shalt  }
0x6a: {  	_ =	shalt  }
0x6b: {  	_ =	shalt  }
0x6c: {  	_ =	shalt  }
0x6d: {  	_ =	shalt  }
0x6e: {  	_ =	shalt  }
0x6f: {  	_ =	shalt  }
0x70: {  	_ =	shalt  }
0x71: {  	_ =	shalt  }
0x72: {  	_ =	shalt  }
0x73: {  	_ =	shalt  }
0x74: {  	_ =	shalt  }
0x75: {  	_ =	shalt  }
0x76: {  	_ =	shalt  }
0x77: {  	_ =	shalt  }
0x78: {  	_ =	shalt  }
0x79: {  	_ =	shalt  }
0x7a: {  	_ =	shalt  }
0x7b: {  	_ =	shalt  }
0x7c: {  	_ =	shalt  }
0x7d: {  	_ =	shalt  }
0x7e: {  	_ =	shalt  }
0x7f: {  	_ =	shalt  }
0x80: {  	_ =	shalt  }
0x81: {  	_ =	shalt  }
0x82: {  	_ =	shalt  }
0x83: {  	_ =	shalt  }
0x84: {  	_ =	shalt  }
0x85: {  	_ =	shalt  }
0x86: {  	_ =	shalt  }
0x87: {  	_ =	shalt  }
.Lfunc_end0:
.L_simem_size_0:
called_computation.1_lowered:
.L_overlay_start_0:
0x88: {  	s2 =	sld [smem:$0x3FD9]  }
0x89: {  	s3 =	sld [smem:$0x3FFE];
	_ =	sdelay $0x1  }
0x8a: {  	s1 =	srdreg.scid  }
0x8b: {  	s0 =	sand.u32 $0x1, s1  }
0x8c: {  	s14 =	sshll.u32 s0, $0xA;
	s2 =	sadd.s32 s3, s2  }
0x8d: {  	s2 =	sadd.s32 s2, s14  }
0x8e: {  	[smem:$0x3FBC] =	sst s2  }
0x8f: {  	_ = 	snop  }
0x90: {  	s2 =	sld [smem:$0x3FD0];
	_ =	sdelay $0x2  }
0x91: {  	s15 =	simm.s32 $0xA;
	s4 =	simm.s32 $0x10  }
0x92: {  	[smem:s4], [sflag:s15] =	dma.local [hbm:s2], $0x1  }
0x93: {  	_ =	swait.eq [sflag:s15], $0x1  }
0x94: {  	[sflag:s15] =	ssyncset.done $0x0  }
0x95: {  	[sflag:s15] =	ssyncadd.s32 $0xFFFFFFFF  }
0x96: {  	s16 =	sld [smem:$0x11];
	(tm) =	ssettm $0x1  }
0x97: {  	s17 =	sld [smem:$0x3FFB];
	_ =	sdelay $0x3  }
0x98: {  	_ =	strace s17  }
0x99: {  	s3 =	sld [smem:$0x3FFC];
	_ =	sdelay $0x3  }
0x9a: {  	_ =	strace s3  }
0x9b: {  	s3 =	sld [smem:$0x3FFD];
	_ =	sdelay $0x3  }
0x9c: {  	_ =	strace s3  }
0x9d: {  	_ =	strace $0x8FFFFFFF  }
0x9e: {  	s18 =	sld [smem:$0x3FDB];
	_ =	sdelay $0x1  }
0x9f: {  	s19 =	simm.s32 $_scs_section_size  }
0xa0: {  	s5 =	simm.s32 $_size__tile_overlayer_lowered;
	s6 =	simm.s32 $_tile_overlayer_lowered  }
0xa1: {  	s22 =	simm.s32 $0x1BFF;
	s21 =	sshll.u32 s6, $0x1;
	s3 =	sadd.s32 s19, s18  }
0xa2: {  	s7 =	simm.s32 $0x0;
	s20 =	sshll.u32 s5, $0x1;
	s5 =	sadd.s32 s21, s3  }
0xa3: {  	[timem:s7], [sflag:s22] =	dma.local [hbm:s5], s20  }
0xa4: {  	_ =	swait.ge [sflag:s22], s20  }
0xa5: {  	s4 =	ssub.s32 $0x0, s20;
	[sflag:s22] =	ssyncset.done $0x0  }
0xa6: {  	[sflag:s22] =	ssyncadd.s32 s4;
	_ =	sdelay $0x1  }
0xa7: {  	s23 =	simm.s32 $0x1B8B  }
0xa8: {  	_ =	swait.ge [sflag:s23], $0x1  }
0xa9: {  	[sflag:s23] =	ssyncset.done $0x0  }
0xaa: {  	s25 =	simm.s32 $0x1B8E;
	s24 =	sld [smem:$0x3FFE];
	[sflag:s23] =	ssyncadd.s32 $0xFFFFFFFF  }
0xab: {  	s26 =	simm.s32 $execute0_lowered;
	[smem:$0x3FD2] =	sst s25  }
0xac: {  	s5 =	sshll.u32 s26, $0x1;
	_ =	strace $0x80000049;
	[dreg:$0x1] =	wrdreg $0xFFFFFFFF  }
0xad: {  	s28 =	simm.s32 $_size_execute0_lowered;
	s3 =	sadd.s32 s3, s5;
	[dreg:$0x0] =	wrdreg $0x0  }
0xae: {  	s5 =	sshll.u32 s28, $0x1;
	[dreg:$0x2] =	wrdreg s3  }
0xaf: {  	[dreg:$0x3] =	wrdreg s5  }
0xb0: {  	[dreg:$0x4] =	wrdreg $0xC0  }
0xb1: {  	_ =	task [dreg:s7], $0x5FFFF  }
0xb2: {  	[dreg:$0x1] =	wrdreg $0xFFFFFFFF  }
0xb3: {  	[dreg:$0x0] =	wrdreg $0x60  }
0xb4: {  	[dreg:$0x2] =	wrdreg s24  }
0xb5: {  	[dreg:$0x3] =	wrdreg s16  }
0xb6: {  	[dreg:$0x4] =	wrdreg $0x9  }
0xb7: {  	_ =	task.clear_ibuf [dreg:s7], $0x5FFFF;
	_ =	strace $0x90000049  }
0xb8: {  	s29 =	simm.s32 $0x9;
	_ =	strace $0x8000004B  }
0xb9: {  	_ =	swait.ge [sflag:s29], $0x1  }
0xba: {  	[sflag:s29] =	ssyncadd.s32 $0xFFFFFFFF  }
0xbb: {  	_ =	strace $0x9000004B  }
0xbc: {  	_ =	sfence  }
0xbd: {  	s30 =	sld [smem:$0x0];
	_ =	sdelay $0x2  }
0xbe: {  	s31 =	sshll.u32 s1, $0xD;
	s1 =	sshrl.u32 s1, $0x2  }
0xbf: {  	s3 =	sand.u32 $0x4000, s31;
	s1 =	sadd.s32 s1, s30  }
0xc0: {  	s0 =	sor.u32 s3, s0;
	s1 =	sshll.u32 s1, $0x11  }
0xc1: {  	s0 =	sor.u32 s1, s0  }
0xc2: {  	s0 =	sadd.s32 $0x8F2B, s0  }
0xc3: {  	[sflag:s0] =	ssyncadd.remote.s32 $0x1  }
0xc4: {  	_ =	sfence.sel $0xFFFF  }
0xc5: {  	[dreg:$0x0] =	wrdreg $0xFFFFFFFF;
	(pc) =	sbr.abs _section_cstart, $3  }
0xc6: {  	[dreg:$0x1] =	wrdreg $0xFFFFFFFF  }
0xc7: {  	_ =	task.clear_ibuf [dreg:s7], $0x2FFFF;
	_ =	strace $0x9FFFFFFF  }
0xc8: {  	(tm) =	ssettm $0x7FFFFFFF  }
0xc9: {  	_ =	shalt  }
tec
execute0_lowered:
.L_overlay_start_1:
0x0: {  	(tag) =	ssettag $0x1  }
0x1: {  	s1 =	rddreg [dreg:$0x0]  }
0x2: {  	s3 =	srdreg.scid;
	s0 =	stileid.u32  }
0x3: {  	s2 =	rddreg [dreg:$0x1];
	s16 =	simm.s32 $0x80;
	s17 =	simm.s32 $0x5000  }
0x4: {  	s18 =	simm.s32 $0xD000;
	s19 =	simm.s32 $0x15000;
	s20 =	simm.s32 $0x1  }
0x5: {  	s21 =	simm.s32 $0x3;
	s22 =	simm.s32 $0x4;
	s23 =	simm.s32 $0x2  }
0x6: {  	s24 =	simm.s32 $0x9000;
	s25 =	simm.s32 $0x0;
	s6 =	sand.u32 $0x1, s3  }
0x7: {  	s4 =	sshll.u32 s0, $0x1;
	s3 =	simm.s32 $0x0;
	s12 =	smul.u32 $0xFFFFFF60, s0  }
0x8: {  	s5 =	sadd.s32 $0x4F8400, s1;
	s8 =	sor.u32 s6, s4;
	s9 =	smul.u32 $0xFFFFFFB0, s6  }
0x9: {  	s15 =	sadd.s32 $0xC400, s1;
	[smem:$0x7FF] =	sst s3;
	s14 =	smul.u32 $0x500, s8  }
0xa: {  	s7 =	ssub.s32 $0x2, s6;
	s6 =	sadd.s32 $0x16400, s1;
	s4 =	smul.u32 $0x50, s8  }
0xb: {  	_ =	strace $0x8000004A;
	s11 =	sshrl.u32 s7, $0x1;
	s30 =	smul.u32 $0x28000, s8  }
0xc: {  	s13 =	ssub.s32 s7, s11;
	s9 =	sadd.s32 s12, s9;
	s10 =	sadd.s32 s14, s1  }
0xd: {  	s29 =	ssub.s32 $0x9C4, s4;
	s12 =	sadd.s32 $0x9C4, s9;
	s9 =	sadd.s32 $0x520400, s1  }
0xe: {  	s14 =	sadd.s32 s14, s15;
	s15 =	simm.s32 $0x2800;
	s7 =	sadd.s32 $0x2400, s10  }
0xf: {  	s8 =	smin.u32 s29, $0x50;
	s10 =	sadd.s32 s6, s30;
	s31 =	smin.u32 s12, $0x50  }
0x10: {  	s12 =	smax.u32 s13, $0x1;
	s13 =	simm.s32 $0x5;
	s11 =	sshrl.u32 s31, $0x1  }
.LBB2_1:
0x11: {  	[tilespmem:s3], [sflag:$0x5] =	stream.linear.gather [hbm4b:s7+s3], $0x2800, $0x38;
	[tilespmem:$0x1D000] =	vst v63  }
0x12: {  	_ =	swait.ge [sflag:s13], $0x2800  }
0x13: {  	[sflag:s13] =	ssyncset.done $0x0  }
0x14: {  	[sflag:s13] =	ssyncadd.s32 $0xFFFFD800  }
0x15: {  	[tilespmem:s15], [sflag:$0x5] =	stream.linear.gather [hbm4b:s14+s3], $0x2800, $0x38;
	[tilespmem:$0x1D000] =	vst v63  }
0x16: {  	_ =	swait.ge [sflag:s13], $0x2800  }
0x17: {  	[sflag:s13] =	ssyncset.done $0x0  }
0x18: {  	[sflag:s13] =	ssyncadd.s32 $0xFFFFD800  }
0x19: {  	[tilespmem:s17], [sflag:$0x1] =	stream.indirect.gather [hbm4b:s5+s16], $0x80, s3, s16, $0xb8;
	[tilespmem:$0x1D000] =	vst v63  }
0x1a: {  	_ = 	snop  }
0x1b: {  	[tilespmem:s18], [sflag:$0x3] =	stream.indirect.gather [hbm4b:s9+s16], $0x80, s15, s16, $0xb8;
	[tilespmem:$0x1D000] =	vst v63  }
0x1c: {  	s26 =	simm.s32 $0x0  }
0x1d: {  	[tilespmem:s19], [sflag:$0x4] =	stream.linear.gather [hbm4b:s10+s3], $0x4000, $0x38;
	[tilespmem:$0x1D000] =	vst v63  }
.LBB2_2:
0x1e: {  	_ =	swait.ge [sflag:s20], $0x4000  }
0x1f: {  	[sflag:s20] =	ssyncset.done $0x0  }
0x20: {  	[sflag:s20] =	ssyncadd.s32 $0xFFFFC000  }
0x21: {  	_ =	swait.ge [sflag:s21], $0x4000  }
0x22: {  	[sflag:s21] =	ssyncset.done $0x0  }
0x23: {  	[sflag:s21] =	ssyncadd.s32 $0xFFFFC000  }
0x24: {  	_ =	swait.ge [sflag:s22], $0x4000  }
0x25: {  	p0 =	seq.s32 s26, $0x0;
	[sflag:s22] =	ssyncset.done $0x0  }
0x26: {  	s1 =	simm.s32 @!p0 $0x2;
	[sflag:s22] =	ssyncadd.s32 $0xFFFFC000  }
0x27: {  	s29 =	sshll.u32 s26, $0x1;
	_ =	swait.ge @!p0 [sflag:s1], $0x4000  }
0x28: {  	s28 =	sor.u32 $0x1, s29;
	[sflag:s1] =	ssyncset.done @!p0 $0x0  }
0x29: {  	[sflag:s1] =	ssyncadd.s32 @!p0 $0xFFFFC000;
	p0 =	sge.u32 s28, s8  }
0x2a: {  	s1 =	sshll.u32 @!p0 s28, $0x7;
	s30 =	simm.s32 @!p0 $0x80;
	s31 =	simm.s32 @!p0 $0x9000  }
0x2b: {  	[tilespmem:s31], [sflag:$0x1] =	stream.indirect.gather @!p0 [hbm4b:s5+s30], $0x80, s1, s30, $0xb8;
	[tilespmem:$0x1D000] =	vst v63  }
0x2c: {  	s1 =	sadd.s32 @!p0 $0x2800, s1;
	s31 =	simm.s32 @!p0 $0x11000  }
0x2d: {  	[tilespmem:s31], [sflag:$0x3] =	stream.indirect.gather @!p0 [hbm4b:s9+s30], $0x80, s1, s30, $0xb8;
	[tilespmem:$0x1D000] =	vst v63  }
0x2e: {  	s1 =	sadd.s32 @!p0 s4, s28  }
0x2f: {  	s1 =	sshll.u32 @!p0 s1, $0xB  }
0x30: {  	s1 =	sand.u32 @!p0 $0x1FFFF800, s1  }
0x31: {  	s30 =	simm.s32 @!p0 $0x0;
	s31 =	simm.s32 @!p0 $0x19000;
	s1 =	sadd.s32 @!p0 s6, s1  }
0x32: {  	[tilespmem:s31], [sflag:$0x4] =	stream.linear.gather @!p0 [hbm4b:s1+s30], $0x4000, $0x38;
	[tilespmem:$0x1D000] =	vst v63  }
0x33: {  	s30 =	simm.s32 $0x0  }
0x34: {  	v10 =	vld [tilespmem:s30+$0xD000]  }
0x35: {  	v13 =	vld [tilespmem:s30+$0xD010]  }
0x36: {  	v3 =	vld [tilespmem:s30+$0xD020]  }
0x37: {  	v2 =	vld [tilespmem:s30+$0xD030]  }
0x38: {  	v1 =	vld [tilespmem:s30+$0xD040]  }
0x39: {  	v0 =	vld [tilespmem:s30+$0xD050]  }
0x3a: {  	v11 =	vld [tilespmem:s30+$0x15000]  }
0x3b: {  	v12 =	vld [tilespmem:s30+$0x15010]  }
0x3c: {  	v9 =	vld [tilespmem:s30+$0x15020]  }
0x3d: {  	v8 =	vld [tilespmem:s30+$0x15030]  }
0x3e: {  	v7 =	vld [tilespmem:s30+$0x15040]  }
0x3f: {  	v5 =	vld [tilespmem:s30+$0x15050]  }
0x40: {  	v16 =	vld [tilespmem:s30+$0x5000]  }
0x41: {  	v17 =	vld [tilespmem:s30+$0x5010]  }
0x42: {  	v6 =	vld [tilespmem:s30+$0x15060]  }
0x43: {  	v4 =	vld [tilespmem:s30+$0x15070]  }
0x44: {  	v15 =	vld [tilespmem:s30+$0x5020]  }
0x45: {  	v14 =	vld [tilespmem:s30+$0x5030];
	v16 =	vadd.f32 v16, v11  }
0x46: {  	v17 =	vadd.f32 v17, v12;
	v12 =	vld [tilespmem:s30+$0x5040]  }
0x47: {  	v11 =	vld [tilespmem:s30+$0x5050];
	v16 =	vadd.f32 v10, v16  }
0x48: {  	s31 =	sadd.s32 s4, s29;
	s1 =	simm.s32 $0x200;
	v13 =	vadd.f32 v13, v17;
	v10 =	vld [tilespmem:s30+$0x5060]  }
.LBB2_3:
0x49: {  	p0 =	sne.s32 s1, $0xFE00;
	v17 =	vmul.f32 $9.999999770e-03, v16;
	v9 =	vadd.f32 v15, v9;
	v15 =	vld [tilespmem:s30+$0x5070]  }
0x4a: {  	v18 =	vmul.f32 $9.999999770e-03, v13;
	v8 =	vadd.f32 v14, v8;
	v14 =	vld [tilespmem:s30+$0xD060]  }
0x4b: {  	s0 =	sshra.s32 s1, $0x2;
	v16 =	vmax.f32 v16, v17;
	v9 =	vadd.f32 v3, v9;
	v3 =	vadd.f32 v12, v7;
	v7 =	vld [tilespmem:s30+$0xD070]  }
0x4c: {  	v17 =	vld [tilespmem:s0+$0xD000];
	v12 =	vmax.f32 v13, v18;
	v8 =	vadd.f32 v2, v8;
	v2 =	vadd.f32 v11, v5  }
0x4d: {  	v13 =	vld [tilespmem:s0+$0xD010];
	v5 =	vmul.f32 $9.999999770e-03, v9;
	v11 =	vadd.f32 v1, v3;
	v1 =	vadd.f32 v10, v6  }
0x4e: {  	v3 =	vld [tilespmem:s0+$0xD020];
	[tilespmem:s30+$0x5000] =	vst v16;
	v6 =	vmul.f32 $9.999999770e-03, v8;
	v10 =	vadd.f32 v0, v2;
	v0 =	vadd.f32 v15, v4  }
0x4f: {  	v2 =	vld [tilespmem:s0+$0xD030];
	[tilespmem:s30+$0x5010] =	vst v12;
	v4 =	vmax.f32 v9, v5;
	v5 =	vmul.f32 $9.999999770e-03, v11;
	v9 =	vadd.f32 v14, v1  }
0x50: {  	v1 =	vld [tilespmem:s0+$0xD040];
	[tilespmem:s30+$0x5020] =	vst v4;
	v4 =	vmax.f32 v8, v6;
	v6 =	vmul.f32 $9.999999770e-03, v10;
	v7 =	vadd.f32 v7, v0  }
0x51: {  	v0 =	vld [tilespmem:s0+$0xD050];
	[tilespmem:s30+$0x5030] =	vst v4;
	v4 =	vmax.f32 v11, v5;
	v5 =	vmul.f32 $9.999999770e-03, v9  }
0x52: {  	v11 =	vld [tilespmem:s0+$0x15000];
	[tilespmem:s30+$0x5040] =	vst v4;
	v4 =	vmax.f32 v10, v6;
	v6 =	vmul.f32 $9.999999770e-03, v7  }
0x53: {  	v10 =	vld [tilespmem:s0+$0x15010];
	[tilespmem:s30+$0x5050] =	vst v4;
	v4 =	vmax.f32 v9, v5  }
0x54: {  	v9 =	vld [tilespmem:s0+$0x15020];
	[tilespmem:s30+$0x5060] =	vst v4;
	v4 =	vmax.f32 v7, v6  }
0x55: {  	v8 =	vld [tilespmem:s0+$0x15030];
	[tilespmem:s30+$0x5070] =	vst v4;
	s30 =	smov.u32 s0  }
0x56: {  	v7 =	vld [tilespmem:s30+$0x15040]  }
0x57: {  	v5 =	vld [tilespmem:s30+$0x15050]  }
0x58: {  	v12 =	vld [tilespmem:s30+$0x5000]  }
0x59: {  	v16 =	vld [tilespmem:s30+$0x5010]  }
0x5a: {  	v6 =	vld [tilespmem:s30+$0x15060]  }
0x5b: {  	v4 =	vld [tilespmem:s30+$0x15070]  }
.Ltmp0:
0x5c: {  	v15 =	vld [tilespmem:s30+$0x5020];
	(pc) =	sbr.rel @p0 .LBB2_3-.Ltmp0, $4  }
0x5d: {  	v11 =	vadd.f32 v12, v11;
	v14 =	vld [tilespmem:s30+$0x5030]  }
0x5e: {  	v10 =	vadd.f32 v16, v10;
	v12 =	vld [tilespmem:s30+$0x5040]  }
0x5f: {  	v16 =	vadd.f32 v17, v11;
	v11 =	vld [tilespmem:s30+$0x5050]  }
0x60: {  	s1 =	sadd.s32 $0x200, s1;
	v13 =	vadd.f32 v13, v10;
	v10 =	vld [tilespmem:s30+$0x5060]  }
0x61: {  	v17 =	vmul.f32 $9.999999770e-03, v16;
	v9 =	vadd.f32 v15, v9;
	v15 =	vld [tilespmem:s30+$0x5070]  }
0x62: {  	v18 =	vmul.f32 $9.999999770e-03, v13;
	v8 =	vadd.f32 v14, v8;
	v14 =	vld [tilespmem:s30+$0xD060]  }
0x63: {  	v16 =	vmax.f32 v16, v17;
	v3 =	vadd.f32 v3, v9;
	v7 =	vadd.f32 v12, v7;
	v9 =	vld [tilespmem:s30+$0xD070]  }
0x64: {  	v12 =	vmax.f32 v13, v18;
	v2 =	vadd.f32 v2, v8;
	v5 =	vadd.f32 v11, v5  }
0x65: {  	v8 =	vmul.f32 $9.999999770e-03, v3;
	v1 =	vadd.f32 v1, v7;
	v6 =	vadd.f32 v10, v6  }
0x66: {  	[tilespmem:s30+$0x5000] =	vst v16;
	v7 =	vmul.f32 $9.999999770e-03, v2;
	v0 =	vadd.f32 v0, v5;
	v4 =	vadd.f32 v15, v4  }
0x67: {  	[tilespmem:s30+$0x5010] =	vst v12;
	v3 =	vmax.f32 v3, v8;
	v5 =	vmul.f32 $9.999999770e-03, v1;
	v6 =	vadd.f32 v14, v6  }
0x68: {  	[tilespmem:s30+$0x5020] =	vst v3;
	v2 =	vmax.f32 v2, v7;
	v3 =	vmul.f32 $9.999999770e-03, v0;
	v4 =	vadd.f32 v9, v4  }
0x69: {  	[tilespmem:s30+$0x5030] =	vst v2;
	v1 =	vmax.f32 v1, v5;
	v2 =	vmul.f32 $9.999999770e-03, v6  }
0x6a: {  	[tilespmem:s30+$0x5040] =	vst v1;
	v0 =	vmax.f32 v0, v3;
	v1 =	vmul.f32 $9.999999770e-03, v4  }
0x6b: {  	[tilespmem:s30+$0x5050] =	vst v0;
	v0 =	vmax.f32 v6, v2  }
0x6c: {  	s0 =	sshll.u32 s31, $0xB;
	[tilespmem:s30+$0x5060] =	vst v0;
	v0 =	vmax.f32 v4, v1  }
0x6d: {  	s0 =	sadd.s32 s2, s0;
	[tilespmem:s30+$0x5070] =	vst v0  }
0x6e: {  	[hbm4b:s0+s3] =	stream.linear.scatter [tilespmem:s17], [sflag:$0x2], $0x4000, $0x38;
	[tilespmem:$0x1D000] =	vst v63  }
0x6f: {  	_ =	swait.ge [sflag:s20], $0x4000  }
0x70: {  	[sflag:s20] =	ssyncset.done $0x0  }
0x71: {  	[sflag:s20] =	ssyncadd.s32 $0xFFFFC000  }
0x72: {  	_ =	swait.ge [sflag:s21], $0x4000  }
0x73: {  	[sflag:s21] =	ssyncset.done $0x0  }
0x74: {  	[sflag:s21] =	ssyncadd.s32 $0xFFFFC000  }
0x75: {  	_ =	swait.ge [sflag:s22], $0x4000  }
0x76: {  	s0 =	sadd.s32 $0x2, s29;
	[sflag:s22] =	ssyncset.done $0x0  }
0x77: {  	p0 =	sge.u32 s0, s8;
	[sflag:s22] =	ssyncadd.s32 $0xFFFFC000  }
0x78: {  	s1 =	sshll.u32 @!p0 s0, $0x7;
	_ =	swait.ge [sflag:s23], $0x4000  }
0x79: {  	s29 =	simm.s32 @!p0 $0x80;
	s0 =	sadd.s32 @!p0 s4, s0;
	[sflag:s23] =	ssyncset.done $0x0  }
0x7a: {  	s30 =	simm.s32 @!p0 $0x5000;
	s0 =	sshll.u32 @!p0 s0, $0xB;
	[sflag:s23] =	ssyncadd.s32 $0xFFFFC000  }
0x7b: {  	[tilespmem:s30], [sflag:$0x1] =	stream.indirect.gather @!p0 [hbm4b:s5+s29], $0x80, s1, s29, $0xb8;
	[tilespmem:$0x1D000] =	vst v63  }
0x7c: {  	s0 =	sand.u32 @!p0 $0x1FFFF000, s0;
	s1 =	sadd.s32 @!p0 $0x2800, s1;
	s30 =	simm.s32 @!p0 $0xD000  }
0x7d: {  	[tilespmem:s30], [sflag:$0x3] =	stream.indirect.gather @!p0 [hbm4b:s9+s29], $0x80, s1, s29, $0xb8;
	[tilespmem:$0x1D000] =	vst v63  }
0x7e: {  	s0 =	sadd.s32 @!p0 s6, s0;
	s1 =	simm.s32 @!p0 $0x0;
	s29 =	simm.s32 @!p0 $0x15000  }
0x7f: {  	[tilespmem:s29], [sflag:$0x4] =	stream.linear.gather @!p0 [hbm4b:s0+s1], $0x4000, $0x38;
	[tilespmem:$0x1D000] =	vst v63  }
0x80: {  	s29 =	simm.s32 $0x0  }
0x81: {  	v10 =	vld [tilespmem:s29+$0x11000]  }
0x82: {  	v13 =	vld [tilespmem:s29+$0x11010]  }
0x83: {  	v3 =	vld [tilespmem:s29+$0x11020]  }
0x84: {  	v2 =	vld [tilespmem:s29+$0x11030]  }
0x85: {  	v1 =	vld [tilespmem:s29+$0x11040]  }
0x86: {  	v0 =	vld [tilespmem:s29+$0x11050]  }
0x87: {  	v11 =	vld [tilespmem:s29+$0x19000]  }
0x88: {  	v12 =	vld [tilespmem:s29+$0x19010]  }
0x89: {  	v9 =	vld [tilespmem:s29+$0x19020]  }
0x8a: {  	v8 =	vld [tilespmem:s29+$0x19030]  }
0x8b: {  	v7 =	vld [tilespmem:s29+$0x19040]  }
0x8c: {  	v5 =	vld [tilespmem:s29+$0x19050]  }
0x8d: {  	v16 =	vld [tilespmem:s29+$0x9000]  }
0x8e: {  	v17 =	vld [tilespmem:s29+$0x9010]  }
0x8f: {  	v6 =	vld [tilespmem:s29+$0x19060]  }
0x90: {  	v4 =	vld [tilespmem:s29+$0x19070]  }
0x91: {  	v15 =	vld [tilespmem:s29+$0x9020]  }
0x92: {  	v14 =	vld [tilespmem:s29+$0x9030];
	v16 =	vadd.f32 v16, v11  }
0x93: {  	v17 =	vadd.f32 v17, v12;
	v12 =	vld [tilespmem:s29+$0x9040]  }
0x94: {  	v11 =	vld [tilespmem:s29+$0x9050];
	v16 =	vadd.f32 v10, v16  }
0x95: {  	s28 =	sadd.s32 s4, s28;
	s1 =	simm.s32 $0x200;
	v13 =	vadd.f32 v13, v17;
	v10 =	vld [tilespmem:s29+$0x9060]  }
.LBB2_5:
0x96: {  	p0 =	sne.s32 s1, $0xFE00;
	v17 =	vmul.f32 $9.999999770e-03, v16;
	v9 =	vadd.f32 v15, v9;
	v15 =	vld [tilespmem:s29+$0x9070]  }
0x97: {  	v18 =	vmul.f32 $9.999999770e-03, v13;
	v8 =	vadd.f32 v14, v8;
	v14 =	vld [tilespmem:s29+$0x11060]  }
0x98: {  	s0 =	sshra.s32 s1, $0x2;
	v16 =	vmax.f32 v16, v17;
	v9 =	vadd.f32 v3, v9;
	v3 =	vadd.f32 v12, v7;
	v7 =	vld [tilespmem:s29+$0x11070]  }
0x99: {  	v17 =	vld [tilespmem:s0+$0x11000];
	v12 =	vmax.f32 v13, v18;
	v8 =	vadd.f32 v2, v8;
	v2 =	vadd.f32 v11, v5  }
0x9a: {  	v13 =	vld [tilespmem:s0+$0x11010];
	v5 =	vmul.f32 $9.999999770e-03, v9;
	v11 =	vadd.f32 v1, v3;
	v1 =	vadd.f32 v10, v6  }
0x9b: {  	v3 =	vld [tilespmem:s0+$0x11020];
	[tilespmem:s29+$0x9000] =	vst v16;
	v6 =	vmul.f32 $9.999999770e-03, v8;
	v10 =	vadd.f32 v0, v2;
	v0 =	vadd.f32 v15, v4  }
0x9c: {  	v2 =	vld [tilespmem:s0+$0x11030];
	[tilespmem:s29+$0x9010] =	vst v12;
	v4 =	vmax.f32 v9, v5;
	v5 =	vmul.f32 $9.999999770e-03, v11;
	v9 =	vadd.f32 v14, v1  }
0x9d: {  	v1 =	vld [tilespmem:s0+$0x11040];
	[tilespmem:s29+$0x9020] =	vst v4;
	v4 =	vmax.f32 v8, v6;
	v6 =	vmul.f32 $9.999999770e-03, v10;
	v7 =	vadd.f32 v7, v0  }
0x9e: {  	v0 =	vld [tilespmem:s0+$0x11050];
	[tilespmem:s29+$0x9030] =	vst v4;
	v4 =	vmax.f32 v11, v5;
	v5 =	vmul.f32 $9.999999770e-03, v9  }
0x9f: {  	v11 =	vld [tilespmem:s0+$0x19000];
	[tilespmem:s29+$0x9040] =	vst v4;
	v4 =	vmax.f32 v10, v6;
	v6 =	vmul.f32 $9.999999770e-03, v7  }
0xa0: {  	v10 =	vld [tilespmem:s0+$0x19010];
	[tilespmem:s29+$0x9050] =	vst v4;
	v4 =	vmax.f32 v9, v5  }
0xa1: {  	v9 =	vld [tilespmem:s0+$0x19020];
	[tilespmem:s29+$0x9060] =	vst v4;
	v4 =	vmax.f32 v7, v6  }
0xa2: {  	v8 =	vld [tilespmem:s0+$0x19030];
	[tilespmem:s29+$0x9070] =	vst v4;
	s29 =	smov.u32 s0  }
0xa3: {  	v7 =	vld [tilespmem:s29+$0x19040]  }
0xa4: {  	v5 =	vld [tilespmem:s29+$0x19050]  }
0xa5: {  	v12 =	vld [tilespmem:s29+$0x9000]  }
0xa6: {  	v16 =	vld [tilespmem:s29+$0x9010]  }
0xa7: {  	v6 =	vld [tilespmem:s29+$0x19060]  }
0xa8: {  	v4 =	vld [tilespmem:s29+$0x19070]  }
.Ltmp1:
0xa9: {  	v15 =	vld [tilespmem:s29+$0x9020];
	(pc) =	sbr.rel @p0 .LBB2_5-.Ltmp1, $4  }
0xaa: {  	v11 =	vadd.f32 v12, v11;
	v14 =	vld [tilespmem:s29+$0x9030]  }
0xab: {  	v10 =	vadd.f32 v16, v10;
	v12 =	vld [tilespmem:s29+$0x9040]  }
0xac: {  	v16 =	vadd.f32 v17, v11;
	v11 =	vld [tilespmem:s29+$0x9050]  }
0xad: {  	s1 =	sadd.s32 $0x200, s1;
	v13 =	vadd.f32 v13, v10;
	v10 =	vld [tilespmem:s29+$0x9060]  }
0xae: {  	v17 =	vmul.f32 $9.999999770e-03, v16;
	v9 =	vadd.f32 v15, v9;
	v52 =	vld [tilespmem:s29+$0x9070]  }
0xaf: {  	v53 =	vld [tilespmem:s29+$0x11060];
	v18 =	vmul.f32 $9.999999770e-03, v13;
	v8 =	vadd.f32 v14, v8  }
0xb0: {  	v54 =	vld [tilespmem:s29+$0x11070];
	v16 =	vmax.f32 v16, v17;
	v3 =	vadd.f32 v3, v9;
	v7 =	vadd.f32 v12, v7  }
0xb1: {  	v55 =	vmax.f32 v13, v18;
	v2 =	vadd.f32 v2, v8;
	v5 =	vadd.f32 v11, v5  }
0xb2: {  	v56 =	vmul.f32 $9.999999770e-03, v3;
	v1 =	vadd.f32 v1, v7;
	v6 =	vadd.f32 v10, v6  }
0xb3: {  	[tilespmem:s29+$0x9000] =	vst v16;
	v57 =	vmul.f32 $9.999999770e-03, v2;
	v0 =	vadd.f32 v0, v5;
	v4 =	vadd.f32 v52, v4  }
0xb4: {  	[tilespmem:s29+$0x9010] =	vst v55;
	v3 =	vmax.f32 v3, v56;
	v58 =	vmul.f32 $9.999999770e-03, v1;
	v6 =	vadd.f32 v53, v6  }
0xb5: {  	s26 =	sadd.s32 $0x1, s26;
	[tilespmem:s29+$0x9020] =	vst v3;
	v2 =	vmax.f32 v2, v57;
	v59 =	vmul.f32 $9.999999770e-03, v0;
	v4 =	vadd.f32 v54, v4  }
0xb6: {  	p0 =	sne.s32 s26, s11;
	[tilespmem:s29+$0x9030] =	vst v2;
	v1 =	vmax.f32 v1, v58;
	v60 =	vmul.f32 $9.999999770e-03, v6  }
.Ltmp2:
0xb7: {  	[tilespmem:s29+$0x9040] =	vst v1;
	v0 =	vmax.f32 v0, v59;
	v61 =	vmul.f32 $9.999999770e-03, v4;
	(pc) =	sbr.rel @p0 .LBB2_2-.Ltmp2, $4  }
0xb8: {  	s0 =	sshll.u32 s28, $0xB;
	[tilespmem:s29+$0x9050] =	vst v0;
	v62 =	vmax.f32 v6, v60  }
0xb9: {  	s0 =	sand.u32 $0x1FFFF800, s0;
	[tilespmem:s29+$0x9060] =	vst v62;
	v63 =	vmax.f32 v4, v61  }
0xba: {  	s0 =	sadd.s32 s2, s0;
	[tilespmem:s29+$0x9070] =	vst v63  }
0xbb: {  	[hbm4b:s0+s3] =	stream.linear.scatter [tilespmem:s24], [sflag:$0x2], $0x4000, $0x38;
	[tilespmem:$0x1D000] =	vst v63  }
0xbc: {  	s25 =	sadd.s32 $0x1, s25  }
0xbd: {  	p0 =	sne.s32 s25, s12  }
.Ltmp3:
0xbe: {  	_ = 	snop;
	(pc) =	sbr.rel @p0 .LBB2_1-.Ltmp3, $4  }
0xbf: {  	_ = 	snop  }
0xc0: {  	_ =	swait.ge [sflag:s23], $0x4000  }
0xc1: {  	[sflag:s23] =	ssyncset.done $0x0  }
0xc2: {  	[sflag:s23] =	ssyncadd.s32 $0xFFFFC000  }
0xc3: {  	_ =	sfence.sel $0x180000  }
0xc4: {  	[bflag:$0x0] =	sbarrier.arrive $0xFFFF  }
0xc5: {  	_ =	strace $0x9000004A  }
0xc6: {  	s0 =	stileid.u32;
	[bflag:$0x2] =	sbarrier.arrive $0xFFFF  }
0xc7: {  	p0 =	sne.s32 s0, $0x0;
	s0 =	rddreg [dreg:$0x2]  }
0xc8: {  	s0 =	sadd.s32 @!p0 $0x100000, s0  }
0xc9: {  	[sflag:s0] =	ssyncadd.tile.s32 @!p0 $0x1;
	_ =	shalt  }
.Lfunc_end2:
_tile_overlayer_lowered:
.L_overlay_start_2:
0xca: {  	(tag) =	ssettag $0x2  }
0xcb: {  	s0 =	rddreg [dreg:$0x0];
	s2 =	stileid.u32  }
0xcc: {  	s1 =	rddreg [dreg:$0x1];
	p0 =	sne.s32 s2, $0x0  }
0xcd: {  	s3 =	rddreg [dreg:$0x2];
	[bflag:$0x3] =	sbarrier.arrive $0xFFFF;
	s2 =	simm.s32 @!p0 $0x1C05  }
0xce: {  	[timem:s3], [sflag:s2] =	dma.local @!p0 [hbm:s0], s1  }
0xcf: {  	s0 =	simm.s32 @!p0 $0x5  }
0xd0: {  	_ =	swait.ge @!p0 [sflag:s0], s1  }
0xd1: {  	s1 =	ssub.s32 @!p0 $0x0, s1;
	[sflag:s0] =	ssyncset.done @!p0 $0x0  }
0xd2: {  	[sflag:s0] =	ssyncadd.s32 @!p0 s1  }
0xd3: {  	[bflag:$0x3] =	sbarrier.arrive $0xFFFF  }
0xd4: {  	_ =	shalt  }

// kernel: kernel.7.cloned.1.call-start
scs
__scs_entry_jumppad:
0x0: {  	(pc) =	sbr.rel $0x88, $3  }
0x1: {  	(tag) =	ssettag $0x0;
	lr =	simm.s32 $0x1  }
0x2: {  	[smem:$0x3F95] =	sst lr;
	_ =	strace $0xD0000000  }
0x3: {  	_ = 	snop  }
0x4: {  	_ = 	snop  }
0x5: {  	_ = 	snop  }
0x6: {  	_ = 	snop  }
0x7: {  	_ = 	snop  }
__scs_overlays_trampoline_lowered:
0x8: {  	[smem:$0x3FA4] =	sst s0  }
0x9: {  	[smem:$0x3FA5] =	sst s1  }
0xa: {  	[smem:$0x3FA6] =	sst s2  }
0xb: {  	[smem:$0x3FA7] =	sst s3  }
0xc: {  	[smem:$0x3FA8] =	sst s4  }
0xd: {  	[smem:$0x3FA9] =	sst s5  }
0xe: {  	[smem:$0x3FAA] =	sst s6  }
0xf: {  	[smem:$0x3FAB] =	sst s7  }
0x10: {  	[smem:$0x3FAC] =	sst s8  }
0x11: {  	[smem:$0x3FAD] =	sst s9;
	s0 =	simm.s32 @!p0 $0x0  }
0x12: {  	s1 =	sld [smem:$0x3F93];
	s0 =	simm.s32 @p0 $0x1  }
0x13: {  	[smem:$0x3FAE] =	sst s0;
	s0 =	simm.s32 @!p1 $0x0  }
0x14: {  	s2 =	sld [smem:$0x3F92];
	s0 =	simm.s32 @p1 $0x1  }
0x15: {  	[smem:$0x3FAF] =	sst s0;
	s0 =	simm.s32 @!p2 $0x0  }
0x16: {  	s3 =	sld [smem:$0x3FDB];
	s0 =	simm.s32 @p2 $0x1  }
0x17: {  	s4 =	simm.s32 $0x1BF5;
	[smem:$0x3FB1] =	sst s0  }
0x18: {  	s0 =	sld [smem:$0x3F94];
	_ =	swait.ge [sflag:s4], $0x0  }
0x19: {  	s7 =	sld [smem:$0x3F95]  }
0x1a: {  	s8 =	sadd.s32 $0xFFFFE003, lr  }
0x1b: {  	s9 =	sadd.s32 $0xFFFFFEF7, lr;
	s5 =	simm.s32 $0xFFFFFFFF;
	p2 =	slt.u32 s8, $0xFFFFF086  }
0x1c: {  	p1 =	slt.u32 s9, $0xF7A;
	s5 =	simm.s32 @!p2 $0x0  }
0x1d: {  	s5 =	simm.s32 @p1 $0x1;
	p0 =	seq.s32 s7, s2  }
0x1e: {  	s7 =	smul.u32 @!p0 $0xF7A, s2;
	p2 =	seq.s32 @!p0 s5, $0x0  }
0x1f: {  	s9 =	smul.u32 $0xF7A, s1;
	s8 =	simm.s32 @!p0 $0x1BF5;
	p2 =	por !p2, p0  }
0x20: {  	[sflag:s8] =	ssyncset.s32 @!p0 $0xFFFFF086;
	s6 =	sadd.s32 @!p0 s3, s7;
	s7 =	simm.s32 @!p0 $0x108  }
0x21: {  	s3 =	sadd.s32 s3, s9;
	s6 =	sadd.s32 @!p0 $0x88, s6;
	s7 =	simm.s32 @p2 $0x1082  }
0x22: {  	[simem:s7], [sflag:s8] =	dma.local @!p0 [hbm:s6], $0xF7A  }
0x23: {  	s9 =	sor.u32 $0xD0000000, s2;
	s6 =	simm.s32 $0x108;
	_ =	swait.ge @!p0 [sflag:s8], $0x0  }
0x24: {  	s3 =	sadd.s32 $0x88, s3;
	s6 =	simm.s32 @!p1 $0x1082;
	[sflag:s4] =	ssyncset.s32 $0xFFFFF086  }
0x25: {  	[simem:s6], [sflag:s4] =	dma.local [hbm:s3], $0xF7A  }
0x26: {  	[smem:$0x3F95] =	sst s1;
	(tag) =	ssettag s2;
	_ =	strace s9  }
0x27: {  	s1 =	sld [smem:$0x3FA5]  }
0x28: {  	s2 =	sld [smem:$0x3FA6]  }
0x29: {  	s4 =	sld [smem:$0x3FA8]  }
0x2a: {  	p0 =	seq.s32 s5, $0x0;
	s5 =	sld [smem:$0x3FA9]  }
0x2b: {  	s6 =	sld [smem:$0x3FAA]  }
0x2c: {  	s7 =	sld [smem:$0x3FAB]  }
0x2d: {  	s3 =	simm.s32 $0x108;
	s8 =	sld [smem:$0x3FAC]  }
0x2e: {  	s3 =	simm.s32 @!p0 $0x1082;
	s9 =	sld [smem:$0x3FAD]  }
0x2f: {  	lr =	sadd.s32 s0, s3;
	s0 =	sld [smem:$0x3FA4]  }
0x30: {  	s3 =	sld [smem:$0x3FA7]  }
0x31: {  	[smem:$0x3FB0] =	sst s10  }
0x32: {  	s10 =	sld [smem:$0x3FAE];
	_ =	sdelay $0x3  }
0x33: {  	p0 =	seq.s32 s10, $0x1;
	s10 =	sld [smem:$0x3FB0];
	_ =	sdelay $0x3  }
0x34: {  	[smem:$0x3FB0] =	sst s10  }
0x35: {  	s10 =	sld [smem:$0x3FAF];
	_ =	sdelay $0x3  }
0x36: {  	p1 =	seq.s32 s10, $0x1;
	s10 =	sld [smem:$0x3FB0];
	_ =	sdelay $0x3  }
0x37: {  	[smem:$0x3FB0] =	sst s10  }
0x38: {  	s10 =	sld [smem:$0x3FB1]  }
0x39: {  	_ = 	snop;
	(pc) =	sbr.ind lr, $3  }
0x3a: {  	_ = 	snop  }
0x3b: {  	_ = 	snop  }
0x3c: {  	p2 =	seq.s32 s10, $0x1;
	s10 =	sld [smem:$0x3FB0]  }
0x3d: {  	_ =	shalt  }
0x3e: {  	_ =	shalt  }
0x3f: {  	_ =	shalt  }
0x40: {  	_ =	shalt  }
0x41: {  	_ =	shalt  }
0x42: {  	_ =	shalt  }
0x43: {  	_ =	shalt  }
0x44: {  	_ =	shalt  }
0x45: {  	_ =	shalt  }
0x46: {  	_ =	shalt  }
0x47: {  	_ =	shalt  }
0x48: {  	_ =	shalt  }
0x49: {  	_ =	shalt  }
0x4a: {  	_ =	shalt  }
0x4b: {  	_ =	shalt  }
0x4c: {  	_ =	shalt  }
0x4d: {  	_ =	shalt  }
0x4e: {  	_ =	shalt  }
0x4f: {  	_ =	shalt  }
0x50: {  	_ =	shalt  }
0x51: {  	_ =	shalt  }
0x52: {  	_ =	shalt  }
0x53: {  	_ =	shalt  }
0x54: {  	_ =	shalt  }
0x55: {  	_ =	shalt  }
0x56: {  	_ =	shalt  }
0x57: {  	_ =	shalt  }
0x58: {  	_ =	shalt  }
0x59: {  	_ =	shalt  }
0x5a: {  	_ =	shalt  }
0x5b: {  	_ =	shalt  }
0x5c: {  	_ =	shalt  }
0x5d: {  	_ =	shalt  }
0x5e: {  	_ =	shalt  }
0x5f: {  	_ =	shalt  }
0x60: {  	_ =	shalt  }
0x61: {  	_ =	shalt  }
0x62: {  	_ =	shalt  }
0x63: {  	_ =	shalt  }
0x64: {  	_ =	shalt  }
0x65: {  	_ =	shalt  }
0x66: {  	_ =	shalt  }
0x67: {  	_ =	shalt  }
0x68: {  	_ =	shalt  }
0x69: {  	_ =	shalt  }
0x6a: {  	_ =	shalt  }
0x6b: {  	_ =	shalt  }
0x6c: {  	_ =	shalt  }
0x6d: {  	_ =	shalt  }
0x6e: {  	_ =	shalt  }
0x6f: {  	_ =	shalt  }
0x70: {  	_ =	shalt  }
0x71: {  	_ =	shalt  }
0x72: {  	_ =	shalt  }
0x73: {  	_ =	shalt  }
0x74: {  	_ =	shalt  }
0x75: {  	_ =	shalt  }
0x76: {  	_ =	shalt  }
0x77: {  	_ =	shalt  }
0x78: {  	_ =	shalt  }
0x79: {  	_ =	shalt  }
0x7a: {  	_ =	shalt  }
0x7b: {  	_ =	shalt  }
0x7c: {  	_ =	shalt  }
0x7d: {  	_ =	shalt  }
0x7e: {  	_ =	shalt  }
0x7f: {  	_ =	shalt  }
0x80: {  	_ =	shalt  }
0x81: {  	_ =	shalt  }
0x82: {  	_ =	shalt  }
0x83: {  	_ =	shalt  }
0x84: {  	_ =	shalt  }
0x85: {  	_ =	shalt  }
0x86: {  	_ =	shalt  }
0x87: {  	_ =	shalt  }
.Lfunc_end0:
.L_simem_size_0:
called_computation_lowered:
.L_overlay_start_0:
0x88: {  	s2 =	sld [smem:$0x3FD9]  }
0x89: {  	s3 =	sld [smem:$0x3FFE];
	_ =	sdelay $0x1  }
0x8a: {  	s1 =	srdreg.scid  }
0x8b: {  	s0 =	sand.u32 $0x1, s1  }
0x8c: {  	s14 =	sshll.u32 s0, $0xA;
	s2 =	sadd.s32 s3, s2  }
0x8d: {  	s2 =	sadd.s32 s2, s14  }
0x8e: {  	[smem:$0x3FBC] =	sst s2  }
0x8f: {  	_ = 	snop  }
0x90: {  	s2 =	sld [smem:$0x3FD0];
	_ =	sdelay $0x2  }
0x91: {  	s4 =	simm.s32 $0xA;
	s5 =	simm.s32 $0x10;
	s15 =	sld [smem:$0x3FC8]  }
0x92: {  	[smem:s5], [sflag:s4] =	dma.local [hbm:s2], $0x1  }
0x93: {  	_ =	swait.eq [sflag:s4], $0x1  }
0x94: {  	[sflag:s4] =	ssyncset.done $0x0  }
0x95: {  	s16 =	sld [smem:$0x10];
	[sflag:s4] =	ssyncadd.s32 $0xFFFFFFFF  }
0x96: {  	s17 =	sld [smem:$0x11];
	(tm) =	ssettm $0x1  }
0x97: {  	s18 =	sld [smem:$0x3FFB];
	_ =	sdelay $0x3  }
0x98: {  	_ =	strace s18  }
0x99: {  	s5 =	sld [smem:$0x3FFC];
	_ =	sdelay $0x3  }
0x9a: {  	_ =	strace s5  }
0x9b: {  	s5 =	sld [smem:$0x3FFD];
	_ =	sdelay $0x3  }
0x9c: {  	_ =	strace s5  }
0x9d: {  	_ =	strace $0x8FFFFFFF  }
0x9e: {  	s19 =	sld [smem:$0x3FDB];
	_ =	sdelay $0x1  }
0x9f: {  	s6 =	simm.s32 $_scs_section_size  }
0xa0: {  	s7 =	simm.s32 $_size__tile_overlayer_lowered;
	s8 =	simm.s32 $_tile_overlayer_lowered  }
0xa1: {  	s22 =	simm.s32 $0x1BFF;
	s21 =	sshll.u32 s8, $0x1;
	s5 =	sadd.s32 s6, s19  }
0xa2: {  	s9 =	simm.s32 $0x0;
	s20 =	sshll.u32 s7, $0x1;
	s7 =	sadd.s32 s21, s5  }
0xa3: {  	[timem:s9], [sflag:s22] =	dma.local [hbm:s7], s20  }
0xa4: {  	_ =	swait.ge [sflag:s22], s20  }
0xa5: {  	s6 =	ssub.s32 $0x0, s20;
	[sflag:s22] =	ssyncset.done $0x0  }
0xa6: {  	[sflag:s22] =	ssyncadd.s32 s6;
	_ =	sdelay $0x1  }
0xa7: {  	s23 =	simm.s32 $0x1B8B  }
0xa8: {  	_ =	swait.ge [sflag:s23], $0x1  }
0xa9: {  	[sflag:s23] =	ssyncset.done $0x0  }
0xaa: {  	s25 =	simm.s32 $0x1B8E;
	s24 =	sld [smem:$0x3FFE];
	[sflag:s23] =	ssyncadd.s32 $0xFFFFFFFF  }
0xab: {  	s26 =	simm.s32 $execute0_lowered;
	[smem:$0x3FD2] =	sst s25  }
0xac: {  	s7 =	sshll.u32 s26, $0x1;
	_ =	strace $0x80000046;
	[dreg:$0x1] =	wrdreg $0xFFFFFFFF  }
0xad: {  	s28 =	simm.s32 $_size_execute0_lowered;
	s5 =	sadd.s32 s5, s7;
	[dreg:$0x0] =	wrdreg $0x0  }
0xae: {  	s7 =	sshll.u32 s28, $0x1;
	[dreg:$0x2] =	wrdreg s5  }
0xaf: {  	[dreg:$0x3] =	wrdreg s7  }
0xb0: {  	[dreg:$0x4] =	wrdreg $0xC0  }
0xb1: {  	_ =	task [dreg:s9], $0x5FFFF  }
0xb2: {  	[dreg:$0x1] =	wrdreg $0xFFFFFFFF  }
0xb3: {  	[dreg:$0x0] =	wrdreg $0x60  }
0xb4: {  	[dreg:$0x2] =	wrdreg s15  }
0xb5: {  	[dreg:$0x3] =	wrdreg s24  }
0xb6: {  	[dreg:$0x4] =	wrdreg s17  }
0xb7: {  	[dreg:$0x5] =	wrdreg s16  }
0xb8: {  	[dreg:$0x6] =	wrdreg $0x0  }
0xb9: {  	[dreg:$0x7] =	wrdreg $0x140000  }
0xba: {  	[dreg:$0x8] =	wrdreg $0x9  }
0xbb: {  	_ =	task.clear_ibuf [dreg:s9], $0x9FFFF;
	_ =	strace $0x90000046  }
0xbc: {  	s29 =	simm.s32 $0x9;
	_ =	strace $0x80000048  }
0xbd: {  	_ =	swait.ge [sflag:s29], $0x1  }
0xbe: {  	[sflag:s29] =	ssyncadd.s32 $0xFFFFFFFF  }
0xbf: {  	_ =	strace $0x90000048  }
0xc0: {  	_ =	sfence  }
0xc1: {  	s30 =	sld [smem:$0x0];
	_ =	sdelay $0x2  }
0xc2: {  	s31 =	sshll.u32 s1, $0xD;
	s1 =	sshrl.u32 s1, $0x2  }
0xc3: {  	s3 =	sand.u32 $0x4000, s31;
	s1 =	sadd.s32 s1, s30  }
0xc4: {  	s0 =	sor.u32 s3, s0;
	s1 =	sshll.u32 s1, $0x11  }
0xc5: {  	s0 =	sor.u32 s1, s0  }
0xc6: {  	s0 =	sadd.s32 $0x8F2B, s0  }
0xc7: {  	[sflag:s0] =	ssyncadd.remote.s32 $0x1  }
0xc8: {  	_ =	sfence.sel $0xFFFF  }
0xc9: {  	[dreg:$0x0] =	wrdreg $0xFFFFFFFF;
	(pc) =	sbr.abs _section_cstart, $3  }
0xca: {  	[dreg:$0x1] =	wrdreg $0xFFFFFFFF  }
0xcb: {  	_ =	task.clear_ibuf [dreg:s9], $0x2FFFF;
	_ =	strace $0x9FFFFFFF  }
0xcc: {  	(tm) =	ssettm $0x7FFFFFFF  }
0xcd: {  	_ =	shalt  }
tec
execute0_lowered:
.L_overlay_start_1:
0x0: {  	(tag) =	ssettag $0x1  }
0x1: {  	s0 =	rddreg [dreg:$0x0]  }
0x2: {  	s1 =	rddreg [dreg:$0x1]  }
0x3: {  	s3 =	rddreg [dreg:$0x2]  }
0x4: {  	s6 =	rddreg [dreg:$0x3];
	s20 =	stileid.u32  }
0x5: {  	s2 =	rddreg [dreg:$0x4];
	s10 =	smul.u32 $0x50000, s20  }
0x6: {  	s5 =	srdreg.scid;
	s13 =	smul.u32 $0xA00, s20  }
0x7: {  	s4 =	rddreg [dreg:$0x5];
	s28 =	simm.s32 $0x0;
	s12 =	smul.u32 $0xA0, s20  }
0x8: {  	s8 =	sand.u32 $0x1, s5;
	s5 =	simm.s32 $0x0;
	s26 =	smul.u32 $0x2800, s20  }
0x9: {  	p1 =	seq.s32 s20, $0xF;
	p3 =	sgt.u32 s20, $0x9;
	s7 =	smul.u32 $0xA000, s8  }
0xa: {  	[smem:$0x7FF] =	sst s5;
	s9 =	ssub.s32 $0x2, s8;
	s23 =	smul.u32 $0x2800, s8  }
0xb: {  	s8 =	smul.u32 $0x28000, s8;
	_ =	strace $0x80000047;
	s11 =	sshrl.u32 s9, $0x1  }
0xc: {  	s15 =	sshrl.u32 s10, $0x2;
	[dreg:$0x7] =	wrdreg s13;
	s16 =	sshrl.u32 s13, $0x2  }
0xd: {  	s17 =	sadd.s32 $0x28, s12;
	s18 =	ssub.s32 $0x9C4, s12;
	s21 =	sshll.u32 s12, $0xB  }
0xe: {  	s1 =	sadd.s32 s7, s1;
	s14 =	ssub.s32 s9, s11;
	s7 =	sadd.s32 s15, s2  }
0xf: {  	s9 =	sadd.s32 s16, s4;
	s15 =	sshll.u32 s17, $0xB;
	s16 =	sadd.s32 $0x50, s12  }
0x10: {  	s22 =	smin.u32 s18, $0x78;
	s13 =	smax.u32 s18, $0x78;
	s18 =	sshll.u32 s20, $0xA  }
0x11: {  	s12 =	sadd.s32 $0x78, s12;
	s3 =	sadd.s32 s3, s8;
	s31 =	sadd.s32 s0, s21  }
0x12: {  	s21 =	sadd.s32 s0, s10;
	[dreg:$0x8] =	wrdreg s9;
	s9 =	sadd.s32 $0x2400, s1  }
0x13: {  	s1 =	sshll.u32 s17, $0x4;
	s19 =	sadd.s32 s0, s15;
	s17 =	sshll.u32 s16, $0x4  }
0x14: {  	s11 =	sadd.s32 $0xFFFFFFB0, s22;
	s29 =	sadd.s32 s18, s4;
	[dreg:$0x9] =	wrdreg s19  }
0x15: {  	s16 =	sshll.u32 s16, $0xB;
	s30 =	smax.u32 s14, $0x1;
	[dreg:$0xd] =	wrdreg s29  }
0x16: {  	s13 =	smin.u32 s13, $0xA0;
	s3 =	sadd.s32 s26, s3;
	[dreg:$0xe] =	wrdreg s30  }
0x17: {  	s25 =	sshll.u32 s12, $0xB;
	s14 =	sadd.s32 $0x15000, s31;
	[dreg:$0xf] =	wrdreg s3  }
0x18: {  	s12 =	sshll.u32 s12, $0x4;
	s20 =	sadd.s32 $0x8000, s7;
	[dreg:$0x11] =	wrdreg s14  }
0x19: {  	s22 =	sadd.s32 $0x28800, s10;
	s26 =	sadd.s32 $0x800, s21;
	[dreg:$0x18] =	wrdreg s20  }
0x1a: {  	s10 =	simm.s32 $0x14280;
	s16 =	sadd.s32 s0, s16;
	[dreg:$0x1c] =	wrdreg s26  }
0x1b: {  	s13 =	sadd.s32 $0xFFFFFF88, s13;
	s8 =	sadd.s32 s0, s25;
	[dreg:$0xa] =	wrdreg s16  }
0x1c: {  	s1 =	sadd.s32 s1, s9;
	s17 =	sadd.s32 s17, s9;
	[dreg:$0xc] =	wrdreg s8  }
0x1d: {  	s25 =	sshrl.u32 s11, $0x1;
	s29 =	sadd.s32 $0x14800, s21;
	[dreg:$0x14] =	wrdreg s1  }
0x1e: {  	s30 =	sadd.s32 $0x3C800, s21;
	s20 =	simm.s32 $0x1C300;
	[dreg:$0x15] =	wrdreg s17  }
0x1f: {  	s26 =	simm.s32 $0x3;
	s16 =	sadd.s32 s18, s23;
	[dreg:$0x1b] =	wrdreg s25  }
0x20: {  	s19 =	sshrl.u32 s13, $0x1;
	p0 =	seq.s32 s13, $0x0;
	[dreg:$0x1d] =	wrdreg s29  }
0x21: {  	s18 =	sadd.s32 s12, s9;
	s23 =	sadd.s32 $0xC000, s7;
	[dreg:$0x1e] =	wrdreg s30  }
0x22: {  	s8 =	sadd.s32 $0x3D800, s21;
	s12 =	simm.s32 $0x4;
	s17 =	simm.s32 $0x80  }
0x23: {  	s25 =	simm.s32 $0x2;
	s24 =	sshrl.u32 s16, $0x3;
	[dreg:$0x16] =	wrdreg s18  }
0x24: {  	s15 =	sadd.s32 $0xFFFFFFFF, s19;
	s16 =	smax.u32 s13, $0x1;
	[dreg:$0x19] =	wrdreg s23  }
0x25: {  	s18 =	simm.s32 $0x1D680;
	s6 =	sadd.s32 s6, s24;
	[dreg:$0x12] =	wrdreg s15  }
0x26: {  	s3 =	ssub.s32 $0x0, s16;
	s24 =	sadd.s32 $0x10000, s7;
	[dreg:$0xb] =	wrdreg s6  }
.Ltmp0:
0x27: {  	s15 =	simm.s32 $0x1;
	[dreg:$0x13] =	wrdreg s3;
	(pc) =	sbr.rel .LBB2_1-.Ltmp0, $4  }
0x28: {  	s6 =	smax.u32 s19, $0x1;
	s19 =	sadd.s32 $0x4000, s7;
	[dreg:$0x1a] =	wrdreg s24  }
0x29: {  	p2 =	seq.s32 @!p0 s6, $0x1;
	s6 =	sadd.s32 $0x1000, s31;
	[dreg:$0x17] =	wrdreg s19  }
0x2a: {  	s31 =	sadd.s32 $0x3D000, s21;
	s19 =	simm.s32 $0x18280;
	[dreg:$0x10] =	wrdreg s6  }
0x2b: {  	v0 =	vimm.f32 $0.0e+00;
	v1 =	vimm.f32 $1.000000000e+00;
	p2 =	por p0, p2;
	[dreg:$0x1f] =	wrdreg s31;
	s6 =	simm.s32 $0x1C280  }
.LBB2_27:
0x2c: {  	s28 =	sadd.s32 $0x1, s28;
	s1 =	rddreg [dreg:$0xe]  }
0x2d: {  	p4 =	sne.s32 s28, s1  }
.Ltmp1:
0x2e: {  	_ = 	snop;
	(pc) =	sbr.rel @!p4 .LBB2_28-.Ltmp1, $1  }
0x2f: {  	_ =	sdelay $0x3  }
.LBB2_1:
0x30: {  	s1 =	simm.s32 $0x0;
	s14 =	simm.s32 $0x200  }
.LBB2_2:
0x31: {  	p4 =	sne.s32 s14, $0xFE00;
	[tilespmem:s1+$0x142F0] =	vst v0  }
0x32: {  	[tilespmem:s1+$0x14280] =	vst v0  }
0x33: {  	[tilespmem:s1+$0x14290] =	vst v0  }
.Ltmp2:
0x34: {  	[tilespmem:s1+$0x142A0] =	vst v0;
	(pc) =	sbr.rel @p4 .LBB2_2-.Ltmp2, $4  }
0x35: {  	[tilespmem:s1+$0x142B0] =	vst v0  }
0x36: {  	[tilespmem:s1+$0x142C0] =	vst v0  }
0x37: {  	[tilespmem:s1+$0x142D0] =	vst v0  }
0x38: {  	[tilespmem:s1+$0x142E0] =	vst v0;
	s1 =	sshra.s32 s14, $0x2;
	s14 =	sadd.s32 $0x200, s14  }
0x39: {  	[tilespmem:s1+$0x142F0] =	vst v0  }
0x3a: {  	[tilespmem:s1+$0x14280] =	vst v0  }
0x3b: {  	[tilespmem:s1+$0x14290] =	vst v0  }
0x3c: {  	[tilespmem:s1+$0x142A0] =	vst v0  }
0x3d: {  	[tilespmem:s1+$0x142B0] =	vst v0  }
0x3e: {  	[tilespmem:s1+$0x142C0] =	vst v0  }
0x3f: {  	[tilespmem:s1+$0x142D0] =	vst v0  }
0x40: {  	[tilespmem:s1+$0x142E0] =	vst v0  }
0x41: {  	[tilespmem:$0x1D700] =	vst v0  }
0x42: {  	[tilespmem:$0x1D710] =	vst v0  }
0x43: {  	[tilespmem:$0x1D720] =	vst v0  }
0x44: {  	[tilespmem:$0x1D730] =	vst v0  }
0x45: {  	[tilespmem:$0x1D740] =	vst v0  }
0x46: {  	[tilespmem:$0x1D750] =	vst v0  }
0x47: {  	[tilespmem:$0x1D760] =	vst v0  }
0x48: {  	[tilespmem:$0x1D770] =	vst v0  }
0x49: {  	[tilespmem:$0x1D780] =	vst v0  }
0x4a: {  	[tilespmem:$0x1D790] =	vst v0  }
0x4b: {  	[tilespmem:$0x1D7A0] =	vst v0  }
0x4c: {  	[tilespmem:$0x1D7B0] =	vst v0  }
0x4d: {  	[tilespmem:$0x1D7C0] =	vst v0  }
0x4e: {  	[tilespmem:$0x1D7D0] =	vst v0  }
0x4f: {  	[tilespmem:$0x1D7E0] =	vst v0  }
0x50: {  	[tilespmem:$0x1D7F0] =	vst v0  }
0x51: {  	[tilespmem:$0x1D800] =	vst v0  }
0x52: {  	[tilespmem:$0x1D810] =	vst v0  }
0x53: {  	[tilespmem:$0x1D820] =	vst v0  }
0x54: {  	[tilespmem:$0x1D830] =	vst v0  }
0x55: {  	[tilespmem:$0x1D840] =	vst v0  }
0x56: {  	[tilespmem:$0x1D850] =	vst v0  }
0x57: {  	[tilespmem:$0x1D860] =	vst v0  }
0x58: {  	[tilespmem:$0x1D870] =	vst v0  }
0x59: {  	[tilespmem:$0x1D880] =	vst v0  }
0x5a: {  	[tilespmem:$0x1D890] =	vst v0  }
0x5b: {  	[tilespmem:$0x1D8A0] =	vst v0  }
0x5c: {  	[tilespmem:$0x1D8B0] =	vst v0  }
0x5d: {  	[tilespmem:$0x1D8C0] =	vst v0  }
0x5e: {  	[tilespmem:$0x1D8D0] =	vst v0  }
0x5f: {  	[tilespmem:$0x1D8E0] =	vst v0  }
0x60: {  	[tilespmem:$0x1D8F0] =	vst v0  }
0x61: {  	[tilespmem:$0x1D900] =	vst v0  }
0x62: {  	[tilespmem:$0x1D910] =	vst v0  }
0x63: {  	[tilespmem:$0x1D920] =	vst v0  }
0x64: {  	[tilespmem:$0x1D930] =	vst v0  }
0x65: {  	[tilespmem:$0x1D940] =	vst v0  }
0x66: {  	[tilespmem:$0x1D950] =	vst v0  }
0x67: {  	[tilespmem:$0x1D960] =	vst v0  }
0x68: {  	[tilespmem:$0x1D970] =	vst v0  }
0x69: {  	[tilespmem:$0x1D680] =	vst v1  }
0x6a: {  	[tilespmem:$0x1D690] =	vst v1  }
0x6b: {  	[tilespmem:$0x1D6A0] =	vst v1  }
0x6c: {  	[tilespmem:$0x1D6B0] =	vst v1  }
0x6d: {  	[tilespmem:$0x1D6C0] =	vst v1  }
0x6e: {  	[tilespmem:$0x1D6D0] =	vst v1  }
0x6f: {  	[tilespmem:$0x1D6E0] =	vst v1  }
0x70: {  	[tilespmem:$0x1D6F0] =	vst v1  }
0x71: {  	[spmem:s7] =	stream.linear.scatter [tilespmem:s10], [sflag:$0x4], $0x4000, $0x38;
	[tilespmem:$0x1DF00] =	vst v63  }
0x72: {  	_ =	swait.ge [sflag:s12], $0x4000  }
0x73: {  	[sflag:s12] =	ssyncset.done $0x0  }
0x74: {  	s3 =	rddreg [dreg:$0x17];
	[sflag:s12] =	ssyncadd.s32 $0xFFFFC000  }
0x75: {  	[spmem:s3] =	stream.linear.scatter [tilespmem:s10], [sflag:$0x4], $0x4000, $0x38;
	[tilespmem:$0x1DF00] =	vst v63  }
0x76: {  	_ =	swait.ge [sflag:s12], $0x4000  }
0x77: {  	[sflag:s12] =	ssyncset.done $0x0  }
0x78: {  	s14 =	rddreg [dreg:$0x18];
	[sflag:s12] =	ssyncadd.s32 $0xFFFFC000  }
0x79: {  	[spmem:s14] =	stream.linear.scatter [tilespmem:s10], [sflag:$0x4], $0x4000, $0x38;
	[tilespmem:$0x1DF00] =	vst v63  }
0x7a: {  	_ =	swait.ge [sflag:s12], $0x4000  }
0x7b: {  	[sflag:s12] =	ssyncset.done $0x0  }
0x7c: {  	s16 =	rddreg [dreg:$0x19];
	[sflag:s12] =	ssyncadd.s32 $0xFFFFC000  }
0x7d: {  	[spmem:s16] =	stream.linear.scatter [tilespmem:s10], [sflag:$0x4], $0x4000, $0x38;
	[tilespmem:$0x1DF00] =	vst v63  }
0x7e: {  	_ =	swait.ge [sflag:s12], $0x4000  }
0x7f: {  	[sflag:s12] =	ssyncset.done $0x0  }
0x80: {  	s23 =	rddreg [dreg:$0x1a];
	[sflag:s12] =	ssyncadd.s32 $0xFFFFC000  }
0x81: {  	[spmem:s23] =	stream.linear.scatter [tilespmem:s10], [sflag:$0x4], $0x4000, $0x38;
	[tilespmem:$0x1DF00] =	vst v63  }
0x82: {  	_ =	swait.ge [sflag:s12], $0x4000  }
0x83: {  	[sflag:s12] =	ssyncset.done $0x0  }
0x84: {  	s3 =	simm.s32 $0x1D700;
	s24 =	rddreg [dreg:$0x8];
	[sflag:s12] =	ssyncadd.s32 $0xFFFFC000  }
0x85: {  	[spmem:s24] =	stream.linear.scatter [tilespmem:s3], [sflag:$0x4], $0x280, $0x38;
	[tilespmem:$0x1DF00] =	vst v63  }
0x86: {  	_ =	swait.ge [sflag:s12], $0x280  }
0x87: {  	[sflag:s12] =	ssyncset.done $0x0  }
0x88: {  	[sflag:s12] =	ssyncadd.s32 $0xFFFFFD80  }
0x89: {  	[bflag:$0x0] =	sbarrier.arrive $0xFFFF  }
0x8a: {  	s29 =	rddreg [dreg:$0x7]  }
0x8b: {  	s1 =	sadd.s32 s29, s9  }
0x8c: {  	[tilespmem:s6], [sflag:$0x4] =	stream.linear.gather [hbm4b:s1+s5], $0x1400, $0x38;
	[tilespmem:$0x1DF00] =	vst v63  }
0x8d: {  	_ =	swait.ge [sflag:s12], $0x1400  }
0x8e: {  	[sflag:s12] =	ssyncset.done $0x0  }
0x8f: {  	[sflag:s12] =	ssyncadd.s32 $0xFFFFEC00  }
0x90: {  	[tilespmem:s10], [sflag:$0x1] =	stream.linear.gather [hbm4b:s21+s5], $0x4000, $0x38;
	[tilespmem:$0x1DF00] =	vst v63  }
0x91: {  	_ =	swait.ge [sflag:s15], $0x4000  }
0x92: {  	[sflag:s15] =	ssyncset.done $0x0  }
0x93: {  	[sflag:s15] =	ssyncadd.s32 $0xFFFFC000  }
0x94: {  	[spmem:s2] =	stream.indirect.scatter.add.f32 [tilespmem:s10], [sflag:$0x2], $0x80, s6, s17, $0xb8;
	[tilespmem:$0x1DF00] =	vst v63  }
0x95: {  	_ = 	snop  }
0x96: {  	[spmem:s4] =	stream.indirect.scatter.add.f32 [tilespmem:s18], [sflag:$0x3], $0x1, s6, s17, $0xb8;
	[tilespmem:$0x1DF00] =	vst v63  }
0x97: {  	s30 =	rddreg [dreg:$0x1c]  }
0x98: {  	[tilespmem:s19], [sflag:$0x1] =	stream.linear.gather [hbm4b:s30+s5], $0x4000, $0x38;
	[tilespmem:$0x1DF00] =	vst v63  }
0x99: {  	_ =	swait.ge [sflag:s15], $0x4000  }
0x9a: {  	[sflag:s15] =	ssyncset.done $0x0  }
0x9b: {  	[sflag:s15] =	ssyncadd.s32 $0xFFFFC000  }
0x9c: {  	[spmem:s2] =	stream.indirect.scatter.add.f32 [tilespmem:s19], [sflag:$0x2], $0x80, s20, s17, $0xb8;
	[tilespmem:$0x1DF00] =	vst v63  }
0x9d: {  	_ = 	snop  }
0x9e: {  	[spmem:s4] =	stream.indirect.scatter.add.f32 [tilespmem:s18], [sflag:$0x3], $0x1, s20, s17, $0xb8;
	[tilespmem:$0x1DF00] =	vst v63  }
0x9f: {  	_ =	swait.ge [sflag:s25], $0x4000  }
0xa0: {  	s14 =	simm.s32 $0xFFFEE000;
	[sflag:s25] =	ssyncset.done $0x0  }
0xa1: {  	s1 =	simm.s32 $0x1C380;
	s31 =	rddreg [dreg:$0x10];
	[sflag:s25] =	ssyncadd.s32 $0xFFFFC000  }
0xa2: {  	[tilespmem:s10], [sflag:$0x1] =	stream.linear.gather [hbm4b:s31+s5], $0x4000, $0x38;
	[tilespmem:$0x1DF00] =	vst v63  }
.LBB2_4:
0xa3: {  	_ =	swait.ge [sflag:s15], $0x4000  }
0xa4: {  	[sflag:s15] =	ssyncset.done $0x0  }
0xa5: {  	[sflag:s15] =	ssyncadd.s32 $0xFFFFC000  }
0xa6: {  	[spmem:s2] =	stream.indirect.scatter.add.f32 [tilespmem:s10], [sflag:$0x2], $0x80, s1, s17, $0xb8;
	[tilespmem:$0x1DF00] =	vst v63  }
0xa7: {  	_ = 	snop  }
0xa8: {  	[spmem:s4] =	stream.indirect.scatter.add.f32 [tilespmem:s18], [sflag:$0x3], $0x1, s1, s17, $0xb8;
	[tilespmem:$0x1DF00] =	vst v63  }
0xa9: {  	_ =	swait.ge [sflag:s25], $0x4000  }
0xaa: {  	s16 =	sadd.s32 s14, s21;
	[sflag:s25] =	ssyncset.done $0x0  }
0xab: {  	s23 =	sadd.s32 $0x13800, s16;
	[sflag:s25] =	ssyncadd.s32 $0xFFFFC000  }
0xac: {  	[tilespmem:s19], [sflag:$0x1] =	stream.linear.gather [hbm4b:s23+s5], $0x4000, $0x38;
	[tilespmem:$0x1DF00] =	vst v63  }
0xad: {  	_ =	swait.ge [sflag:s15], $0x4000  }
0xae: {  	[sflag:s15] =	ssyncset.done $0x0  }
0xaf: {  	s31 =	sadd.s32 $0x80, s1;
	p4 =	seq.s32 s14, $0x0;
	[sflag:s15] =	ssyncadd.s32 $0xFFFFC000  }
0xb0: {  	[spmem:s2] =	stream.indirect.scatter.add.f32 [tilespmem:s19], [sflag:$0x2], $0x80, s31, s17, $0xb8;
	[tilespmem:$0x1DF00] =	vst v63  }
.Ltmp3:
0xb1: {  	_ = 	snop;
	(pc) =	sbr.rel @p4 .LBB2_6-.Ltmp3, $4  }
0xb2: {  	[spmem:s4] =	stream.indirect.scatter.add.f32 [tilespmem:s18], [sflag:$0x3], $0x1, s31, s17, $0xb8;
	[tilespmem:$0x1DF00] =	vst v63  }
0xb3: {  	_ =	swait.ge [sflag:s25], $0x4000  }
0xb4: {  	[sflag:s25] =	ssyncset.done $0x0  }
0xb5: {  	[sflag:s25] =	ssyncadd.s32 $0xFFFFC000  }
.Ltmp4:
0xb6: {  	(pc) =	sbr.rel .LBB2_4-.Ltmp4, $3  }
0xb7: {  	_ =	sdelay $0x1  }
0xb8: {  	s16 =	sadd.s32 $0x14000, s16;
	s1 =	sadd.s32 $0x100, s1;
	s14 =	sadd.s32 $0x1000, s14  }
0xb9: {  	[tilespmem:s10], [sflag:$0x1] =	stream.linear.gather [hbm4b:s16+s5], $0x4000, $0x38;
	[tilespmem:$0x1DF00] =	vst v63  }
.LBB2_6:
0xba: {  	_ =	swait.ge [sflag:s25], $0x4000  }
0xbb: {  	[sflag:s25] =	ssyncset.done $0x0  }
0xbc: {  	[sflag:s25] =	ssyncadd.s32 $0xFFFFC000  }
0xbd: {  	_ =	swait.ge [sflag:s26], $0x80  }
0xbe: {  	s1 =	simm.s32 $0x27;
	[sflag:s26] =	ssyncset.done $0x0  }
.LBB2_7:
0xbf: {  	p4 =	sne.s32 s1, $0x1;
	s1 =	sadd.s32 $0xFFFFFFFF, s1;
	[sflag:s26] =	ssyncadd.s32 $0xFFFFFF80  }
.Ltmp5:
0xc0: {  	(pc) =	sbr.rel @p4 .LBB2_7-.Ltmp5, $3  }
0xc1: {  	_ =	sdelay $0x1  }
0xc2: {  	_ =	swait.ge [sflag:s26], $0x80  }
0xc3: {  	[sflag:s26] =	ssyncset.done $0x0  }
0xc4: {  	[sflag:s26] =	ssyncadd.s32 $0xFFFFFF80;
	s1 =	rddreg [dreg:$0x14]  }
0xc5: {  	[tilespmem:s6], [sflag:$0x4] =	stream.linear.gather [hbm4b:s1+s5], $0x1400, $0x38;
	[tilespmem:$0x1DF00] =	vst v63  }
0xc6: {  	_ =	swait.ge [sflag:s12], $0x1400  }
0xc7: {  	[sflag:s12] =	ssyncset.done $0x0  }
0xc8: {  	s29 =	rddreg [dreg:$0x9];
	[sflag:s12] =	ssyncadd.s32 $0xFFFFEC00  }
0xc9: {  	[tilespmem:s10], [sflag:$0x1] =	stream.linear.gather [hbm4b:s29+s5], $0x4000, $0x38;
	[tilespmem:$0x1DF00] =	vst v63  }
0xca: {  	_ =	swait.ge [sflag:s15], $0x4000  }
0xcb: {  	[sflag:s15] =	ssyncset.done $0x0  }
0xcc: {  	[sflag:s15] =	ssyncadd.s32 $0xFFFFC000  }
0xcd: {  	[spmem:s2] =	stream.indirect.scatter.add.f32 [tilespmem:s10], [sflag:$0x2], $0x80, s6, s17, $0xb8;
	[tilespmem:$0x1DF00] =	vst v63  }
0xce: {  	_ = 	snop  }
0xcf: {  	[spmem:s4] =	stream.indirect.scatter.add.f32 [tilespmem:s18], [sflag:$0x3], $0x1, s6, s17, $0xb8;
	[tilespmem:$0x1DF00] =	vst v63  }
0xd0: {  	s30 =	rddreg [dreg:$0x1d]  }
0xd1: {  	[tilespmem:s19], [sflag:$0x1] =	stream.linear.gather [hbm4b:s30+s5], $0x4000, $0x38;
	[tilespmem:$0x1DF00] =	vst v63  }
0xd2: {  	_ =	swait.ge [sflag:s15], $0x4000  }
0xd3: {  	[sflag:s15] =	ssyncset.done $0x0  }
0xd4: {  	[sflag:s15] =	ssyncadd.s32 $0xFFFFC000  }
0xd5: {  	[spmem:s2] =	stream.indirect.scatter.add.f32 [tilespmem:s19], [sflag:$0x2], $0x80, s20, s17, $0xb8;
	[tilespmem:$0x1DF00] =	vst v63  }
0xd6: {  	_ = 	snop  }
0xd7: {  	[spmem:s4] =	stream.indirect.scatter.add.f32 [tilespmem:s18], [sflag:$0x3], $0x1, s20, s17, $0xb8;
	[tilespmem:$0x1DF00] =	vst v63  }
0xd8: {  	_ =	swait.ge [sflag:s25], $0x4000  }
0xd9: {  	s14 =	simm.s32 $0xFFFEE000;
	[sflag:s25] =	ssyncset.done $0x0  }
0xda: {  	s1 =	simm.s32 $0x1C380;
	s31 =	rddreg [dreg:$0x11];
	[sflag:s25] =	ssyncadd.s32 $0xFFFFC000  }
0xdb: {  	[tilespmem:s10], [sflag:$0x1] =	stream.linear.gather [hbm4b:s31+s5], $0x4000, $0x38;
	[tilespmem:$0x1DF00] =	vst v63  }
.LBB2_9:
0xdc: {  	_ =	swait.ge [sflag:s15], $0x4000  }
0xdd: {  	[sflag:s15] =	ssyncset.done $0x0  }
0xde: {  	[sflag:s15] =	ssyncadd.s32 $0xFFFFC000  }
0xdf: {  	[spmem:s2] =	stream.indirect.scatter.add.f32 [tilespmem:s10], [sflag:$0x2], $0x80, s1, s17, $0xb8;
	[tilespmem:$0x1DF00] =	vst v63  }
0xe0: {  	_ = 	snop  }
0xe1: {  	[spmem:s4] =	stream.indirect.scatter.add.f32 [tilespmem:s18], [sflag:$0x3], $0x1, s1, s17, $0xb8;
	[tilespmem:$0x1DF00] =	vst v63  }
0xe2: {  	_ =	swait.ge [sflag:s25], $0x4000  }
0xe3: {  	s16 =	sadd.s32 s14, s21;
	[sflag:s25] =	ssyncset.done $0x0  }
0xe4: {  	s23 =	sadd.s32 $0x27800, s16;
	[sflag:s25] =	ssyncadd.s32 $0xFFFFC000  }
0xe5: {  	[tilespmem:s19], [sflag:$0x1] =	stream.linear.gather [hbm4b:s23+s5], $0x4000, $0x38;
	[tilespmem:$0x1DF00] =	vst v63  }
0xe6: {  	_ =	swait.ge [sflag:s15], $0x4000  }
0xe7: {  	[sflag:s15] =	ssyncset.done $0x0  }
0xe8: {  	s31 =	sadd.s32 $0x80, s1;
	p4 =	seq.s32 s14, $0x0;
	[sflag:s15] =	ssyncadd.s32 $0xFFFFC000  }
0xe9: {  	[spmem:s2] =	stream.indirect.scatter.add.f32 [tilespmem:s19], [sflag:$0x2], $0x80, s31, s17, $0xb8;
	[tilespmem:$0x1DF00] =	vst v63  }
.Ltmp6:
0xea: {  	_ = 	snop;
	(pc) =	sbr.rel @p4 .LBB2_11-.Ltmp6, $4  }
0xeb: {  	[spmem:s4] =	stream.indirect.scatter.add.f32 [tilespmem:s18], [sflag:$0x3], $0x1, s31, s17, $0xb8;
	[tilespmem:$0x1DF00] =	vst v63  }
0xec: {  	_ =	swait.ge [sflag:s25], $0x4000  }
0xed: {  	[sflag:s25] =	ssyncset.done $0x0  }
0xee: {  	[sflag:s25] =	ssyncadd.s32 $0xFFFFC000  }
.Ltmp7:
0xef: {  	(pc) =	sbr.rel .LBB2_9-.Ltmp7, $3  }
0xf0: {  	_ =	sdelay $0x1  }
0xf1: {  	s16 =	sadd.s32 $0x28000, s16;
	s1 =	sadd.s32 $0x100, s1;
	s14 =	sadd.s32 $0x1000, s14  }
0xf2: {  	[tilespmem:s10], [sflag:$0x1] =	stream.linear.gather [hbm4b:s16+s5], $0x4000, $0x38;
	[tilespmem:$0x1DF00] =	vst v63  }
.LBB2_11:
0xf3: {  	_ =	swait.ge [sflag:s25], $0x4000  }
0xf4: {  	[sflag:s25] =	ssyncset.done $0x0  }
0xf5: {  	[sflag:s25] =	ssyncadd.s32 $0xFFFFC000  }
0xf6: {  	_ =	swait.ge [sflag:s26], $0x80  }
0xf7: {  	s1 =	simm.s32 $0x27;
	[sflag:s26] =	ssyncset.done $0x0  }
.LBB2_12:
0xf8: {  	p4 =	sne.s32 s1, $0x1;
	s1 =	sadd.s32 $0xFFFFFFFF, s1;
	[sflag:s26] =	ssyncadd.s32 $0xFFFFFF80  }
.Ltmp8:
0xf9: {  	(pc) =	sbr.rel @p4 .LBB2_12-.Ltmp8, $3  }
0xfa: {  	_ =	sdelay $0x1  }
0xfb: {  	_ =	swait.ge [sflag:s26], $0x80  }
0xfc: {  	[sflag:s26] =	ssyncset.done $0x0  }
0xfd: {  	[sflag:s26] =	ssyncadd.s32 $0xFFFFFF80  }
0xfe: {  	s1 =	simm.s32 $0x0;
	s14 =	simm.s32 $0x1C280;
	s3 =	rddreg [dreg:$0x15]  }
0xff: {  	[tilespmem:s14], [sflag:$0x4] =	stream.linear.gather [hbm4b:s3+s1], $0x1400, $0x38;
	[tilespmem:$0x1DF00] =	vst v63  }
0x100: {  	_ =	swait.ge [sflag:s12], $0x1400  }
0x101: {  	[sflag:s12] =	ssyncset.done $0x0  }
0x102: {  	s16 =	rddreg [dreg:$0xa];
	[sflag:s12] =	ssyncadd.s32 $0xFFFFEC00  }
0x103: {  	[tilespmem:s10], [sflag:$0x1] =	stream.linear.gather [hbm4b:s16+s1], $0x4000, $0x38;
	[tilespmem:$0x1DF00] =	vst v63  }
0x104: {  	_ =	swait.ge [sflag:s15], $0x4000  }
0x105: {  	[sflag:s15] =	ssyncset.done $0x0  }
0x106: {  	p4 =	por $0x1, $0x1;
	[sflag:s15] =	ssyncadd.s32 $0xFFFFC000  }
0x107: {  	[spmem:s2] =	stream.indirect.scatter.add.f32 [tilespmem:s10], [sflag:$0x2], $0x80, s14, s17, $0xb8;
	[tilespmem:$0x1DF00] =	vst v63  }
0x108: {  	p5 =	sle.s32 s11, $0x1;
	s1 =	simm.s32 @!p4 $0x2  }
0x109: {  	[spmem:s4] =	stream.indirect.scatter.add.f32 [tilespmem:s18], [sflag:$0x3], $0x1, s14, s17, $0xb8;
	[tilespmem:$0x1DF00] =	vst v63  }
0x10a: {  	s16 =	simm.s32 @!p5 $0x18280;
	s23 =	rddreg [dreg:$0x1b];
	_ =	swait.ge @!p4 [sflag:s1], $0x4000  }
0x10b: {  	s29 =	sadd.s32 $0xFFFFFFFF, s23;
	s14 =	sand.u32 @!p5 $0x1FFFF800, s22;
	[sflag:s1] =	ssyncset.done @!p4 $0x0  }
0x10c: {  	s23 =	simm.s32 @!p5 $0x0;
	s14 =	sadd.s32 @!p5 s0, s14;
	[sflag:s1] =	ssyncadd.s32 @!p4 $0xFFFFC000  }
0x10d: {  	[tilespmem:s16], [sflag:$0x1] =	stream.linear.gather @!p5 [hbm4b:s14+s23], $0x4000, $0x38;
	[tilespmem:$0x1DF00] =	vst v63  }
0x10e: {  	_ =	swait.ge [sflag:s15], $0x4000  }
0x10f: {  	s24 =	simm.s32 $0x1C300;
	[sflag:s15] =	ssyncset.done $0x0  }
0x110: {  	s30 =	sadd.s32 $0x1000, s22;
	p4 =	sne.s32 s29, $0x0;
	[sflag:s15] =	ssyncadd.s32 $0xFFFFC000  }
0x111: {  	[spmem:s2] =	stream.indirect.scatter.add.f32 [tilespmem:s19], [sflag:$0x2], $0x80, s24, s17, $0xb8;
	[tilespmem:$0x1DF00] =	vst v63  }
.Ltmp9:
0x112: {  	s31 =	simm.s32 $0x2;
	p5 =	por $0x0, $0x0;
	(pc) =	sbr.rel @!p4 .LBB2_15-.Ltmp9, $4  }
0x113: {  	p6 =	sle.s32 s11, $0x2;
	s1 =	simm.s32 $0x1C380;
	s14 =	simm.s32 @!p5 $0x2  }
0x114: {  	[spmem:s4] =	stream.indirect.scatter.add.f32 [tilespmem:s18], [sflag:$0x3], $0x1, s24, s17, $0xb8;
	[tilespmem:$0x1DF00] =	vst v63  }
0x115: {  	s23 =	sadd.s32 @!p6 $0x800, s22;
	s16 =	simm.s32 @!p6 $0x0;
	_ =	swait.ge @!p5 [sflag:s14], $0x4000  }
0x116: {  	s24 =	sand.u32 @!p6 $0x1FFFF000, s23;
	s23 =	simm.s32 @!p6 $0x14280;
	[sflag:s14] =	ssyncset.done @!p5 $0x0  }
.LBB2_14:
0x117: {  	s29 =	sadd.s32 $0xFFFFFFFF, s29;
	[sflag:s14] =	ssyncadd.s32 @!p5 $0xFFFFC000;
	s14 =	sadd.s32 @!p6 s0, s24  }
0x118: {  	[tilespmem:s23], [sflag:$0x1] =	stream.linear.gather @!p6 [hbm4b:s14+s16], $0x4000, $0x38;
	[tilespmem:$0x1DF00] =	vst v63  }
0x119: {  	p4 =	sne.s32 s29, $0x0;
	s16 =	smov.u32 s30;
	_ =	swait.ge [sflag:s15], $0x4000  }
0x11a: {  	[sflag:s15] =	ssyncset.done $0x0  }
0x11b: {  	[sflag:s15] =	ssyncadd.s32 $0xFFFFC000  }
0x11c: {  	[spmem:s2] =	stream.indirect.scatter.add.f32 [tilespmem:s10], [sflag:$0x2], $0x80, s1, s17, $0xb8;
	[tilespmem:$0x1DF00] =	vst v63  }
0x11d: {  	p5 =	slt.s32 s31, $0x1;
	s14 =	sadd.s32 $0x1, s31  }
0x11e: {  	[spmem:s4] =	stream.indirect.scatter.add.f32 [tilespmem:s18], [sflag:$0x3], $0x1, s1, s17, $0xb8;
	[tilespmem:$0x1DF00] =	vst v63  }
0x11f: {  	s23 =	simm.s32 @!p5 $0x2;
	p6 =	sge.s32 s14, s11  }
0x120: {  	s14 =	sand.u32 @!p6 $0x1FFFF800, s30;
	s24 =	simm.s32 @!p6 $0x18280;
	_ =	swait.ge @!p5 [sflag:s23], $0x4000  }
0x121: {  	s3 =	simm.s32 @!p6 $0x0;
	s14 =	sadd.s32 @!p6 s0, s14;
	[sflag:s23] =	ssyncset.done @!p5 $0x0  }
0x122: {  	[sflag:s23] =	ssyncadd.s32 @!p5 $0xFFFFC000  }
0x123: {  	[tilespmem:s24], [sflag:$0x1] =	stream.linear.gather @!p6 [hbm4b:s14+s3], $0x4000, $0x38;
	[tilespmem:$0x1DF00] =	vst v63  }
0x124: {  	_ =	swait.ge [sflag:s15], $0x4000  }
0x125: {  	s30 =	sadd.s32 $0x1000, s30;
	s3 =	sadd.s32 $0x80, s1;
	[sflag:s15] =	ssyncset.done $0x0  }
0x126: {  	p5 =	slt.s32 s31, $0x0;
	s31 =	sadd.s32 $0x2, s31;
	[sflag:s15] =	ssyncadd.s32 $0xFFFFC000  }
0x127: {  	[spmem:s2] =	stream.indirect.scatter.add.f32 [tilespmem:s19], [sflag:$0x2], $0x80, s3, s17, $0xb8;
	[tilespmem:$0x1DF00] =	vst v63  }
.Ltmp10:
0x128: {  	_ = 	snop;
	(pc) =	sbr.rel @p4 .LBB2_14-.Ltmp10, $4  }
0x129: {  	s14 =	simm.s32 @!p5 $0x2;
	p6 =	sge.s32 s31, s11;
	s1 =	sadd.s32 $0x100, s1  }
0x12a: {  	[spmem:s4] =	stream.indirect.scatter.add.f32 [tilespmem:s18], [sflag:$0x3], $0x1, s3, s17, $0xb8;
	[tilespmem:$0x1DF00] =	vst v63  }
0x12b: {  	s3 =	sadd.s32 @!p6 $0x800, s16;
	s16 =	simm.s32 @!p6 $0x0;
	_ =	swait.ge @!p5 [sflag:s14], $0x4000  }
0x12c: {  	s23 =	simm.s32 @!p6 $0x14280;
	s24 =	sand.u32 @!p6 $0x1FFFF000, s3;
	[sflag:s14] =	ssyncset.done @!p5 $0x0  }
.LBB2_15:
0x12d: {  	[sflag:s14] =	ssyncadd.s32 @!p5 $0xFFFFC000;
	s1 =	sadd.s32 @!p6 s0, s24;
	p4 =	sne.s32 s11, $0x1  }
0x12e: {  	[tilespmem:s23], [sflag:$0x1] =	stream.linear.gather @!p6 [hbm4b:s1+s16], $0x4000, $0x38;
	[tilespmem:$0x1DF00] =	vst v63  }
.Ltmp11:
0x12f: {  	_ =	swait.ge [sflag:s25], $0x4000;
	(pc) =	sbr.rel @!p4 .LBB2_17-.Ltmp11, $4  }
0x130: {  	[sflag:s25] =	ssyncset.done $0x0  }
0x131: {  	[sflag:s25] =	ssyncadd.s32 $0xFFFFC000  }
0x132: {  	_ =	swait.ge [sflag:s26], $0x80  }
0x133: {  	s1 =	sadd.s32 $0xFFFFFFFF, s11;
	[sflag:s26] =	ssyncset.done $0x0  }
.LBB2_16:
0x134: {  	p4 =	sne.s32 s1, $0x1;
	s1 =	sadd.s32 $0xFFFFFFFF, s1;
	[sflag:s26] =	ssyncadd.s32 $0xFFFFFF80  }
.Ltmp12:
0x135: {  	(pc) =	sbr.rel @p4 .LBB2_16-.Ltmp12, $3  }
0x136: {  	_ =	sdelay $0x1  }
0x137: {  	_ =	swait.ge [sflag:s26], $0x80  }
0x138: {  	[sflag:s26] =	ssyncset.done $0x0  }
.LBB2_17:
0x139: {  	[sflag:s26] =	ssyncadd.s32 $0xFFFFFF80;
	s1 =	rddreg [dreg:$0x16]  }
0x13a: {  	[tilespmem:s6], [sflag:$0x4] =	stream.linear.gather [hbm4b:s1+s5], $0x1400, $0x38;
	[tilespmem:$0x1DF00] =	vst v63  }
0x13b: {  	_ =	swait.ge [sflag:s12], $0x1400  }
0x13c: {  	s3 =	simm.s32 @!p1 $0x14280;
	[sflag:s12] =	ssyncset.done $0x0  }
0x13d: {  	s1 =	simm.s32 @!p1 $0x0;
	s14 =	rddreg [dreg:$0xc];
	[sflag:s12] =	ssyncadd.s32 $0xFFFFEC00  }
0x13e: {  	[tilespmem:s3], [sflag:$0x1] =	stream.linear.gather @!p1 [hbm4b:s14+s1], $0x4000, $0x38;
	[tilespmem:$0x1DF00] =	vst v63  }
0x13f: {  	s1 =	simm.s32 @!p0 $0x1  }
0x140: {  	_ =	swait.ge @!p0 [sflag:s1], $0x4000  }
0x141: {  	s16 =	simm.s32 @!p0 $0x14280;
	[sflag:s1] =	ssyncset.done @!p0 $0x0  }
0x142: {  	s3 =	simm.s32 @!p0 $0x80;
	s14 =	simm.s32 @!p0 $0x1C280;
	[sflag:s1] =	ssyncadd.s32 @!p0 $0xFFFFC000  }
0x143: {  	[spmem:s2] =	stream.indirect.scatter.add.f32 @!p0 [tilespmem:s16], [sflag:$0x2], $0x80, s14, s3, $0xb8;
	[tilespmem:$0x1DF00] =	vst v63  }
0x144: {  	s23 =	simm.s32 @!p0 $0x1D680  }
0x145: {  	[spmem:s4] =	stream.indirect.scatter.add.f32 @!p0 [tilespmem:s23], [sflag:$0x3], $0x1, s14, s3, $0xb8;
	[tilespmem:$0x1DF00] =	vst v63  }
0x146: {  	s24 =	simm.s32 @!p0 $0x18280;
	s29 =	rddreg [dreg:$0x1e];
	s14 =	simm.s32 @!p0 $0x0  }
0x147: {  	[tilespmem:s24], [sflag:$0x1] =	stream.linear.gather @!p0 [hbm4b:s29+s14], $0x4000, $0x38;
	[tilespmem:$0x1DF00] =	vst v63  }
0x148: {  	_ =	swait.ge @!p0 [sflag:s1], $0x4000  }
0x149: {  	[sflag:s1] =	ssyncset.done @!p0 $0x0  }
0x14a: {  	[sflag:s1] =	ssyncadd.s32 @!p0 $0xFFFFC000;
	s1 =	simm.s32 @!p0 $0x1C300  }
0x14b: {  	[spmem:s2] =	stream.indirect.scatter.add.f32 @!p0 [tilespmem:s24], [sflag:$0x2], $0x80, s1, s3, $0xb8;
	[tilespmem:$0x1DF00] =	vst v63  }
0x14c: {  	_ = 	snop  }
0x14d: {  	[spmem:s4] =	stream.indirect.scatter.add.f32 @!p0 [tilespmem:s23], [sflag:$0x3], $0x1, s1, s3, $0xb8;
	[tilespmem:$0x1DF00] =	vst v63  }
.Ltmp13:
0x14e: {  	s1 =	simm.s32 @!p0 $0x2;
	(pc) =	sbr.rel @p2 .LBB2_21-.Ltmp13, $4  }
0x14f: {  	_ =	swait.ge @!p0 [sflag:s1], $0x4000  }
0x150: {  	[sflag:s1] =	ssyncset.done @!p0 $0x0  }
0x151: {  	[sflag:s1] =	ssyncadd.s32 @!p0 $0xFFFFC000;
	s1 =	rddreg [dreg:$0x1f]  }
0x152: {  	[tilespmem:s16], [sflag:$0x1] =	stream.linear.gather @!p0 [hbm4b:s1+s14], $0x4000, $0x38;
	[tilespmem:$0x1DF00] =	vst v63  }
0x153: {  	_ =	swait.ge [sflag:s15], $0x4000  }
0x154: {  	[sflag:s15] =	ssyncset.done $0x0  }
0x155: {  	s29 =	simm.s32 @!p0 $0x1C380;
	[sflag:s15] =	ssyncadd.s32 $0xFFFFC000  }
0x156: {  	[spmem:s2] =	stream.indirect.scatter.add.f32 [tilespmem:s10], [sflag:$0x2], $0x80, s29, s17, $0xb8;
	[tilespmem:$0x1DF00] =	vst v63  }
0x157: {  	_ = 	snop  }
0x158: {  	[spmem:s4] =	stream.indirect.scatter.add.f32 [tilespmem:s18], [sflag:$0x3], $0x1, s29, s17, $0xb8;
	[tilespmem:$0x1DF00] =	vst v63  }
0x159: {  	_ =	swait.ge [sflag:s25], $0x4000  }
0x15a: {  	p4 =	sle.u32 s13, $0x3;
	[sflag:s25] =	ssyncset.done $0x0  }
0x15b: {  	s1 =	simm.s32 @!p4 $0x0;
	s3 =	simm.s32 @!p4 $0x18280;
	[sflag:s25] =	ssyncadd.s32 $0xFFFFC000  }
0x15c: {  	[tilespmem:s3], [sflag:$0x1] =	stream.linear.gather @!p4 [hbm4b:s8+s1], $0x4000, $0x38;
	[tilespmem:$0x1DF00] =	vst v63  }
0x15d: {  	_ =	swait.ge [sflag:s15], $0x4000  }
0x15e: {  	[sflag:s15] =	ssyncset.done $0x0;
	s24 =	rddreg [dreg:$0x12]  }
0x15f: {  	s23 =	simm.s32 $0x1C400;
	[sflag:s15] =	ssyncadd.s32 $0xFFFFC000;
	s1 =	sadd.s32 $0xFFFFFFFF, s24  }
0x160: {  	[spmem:s2] =	stream.indirect.scatter.add.f32 [tilespmem:s19], [sflag:$0x2], $0x80, s23, s17, $0xb8;
	[tilespmem:$0x1DF00] =	vst v63  }
0x161: {  	p4 =	sne.s32 s1, $0x0  }
.Ltmp14:
0x162: {  	_ = 	snop;
	(pc) =	sbr.rel @!p4 .LBB2_20-.Ltmp14, $4  }
0x163: {  	[spmem:s4] =	stream.indirect.scatter.add.f32 [tilespmem:s18], [sflag:$0x3], $0x1, s23, s17, $0xb8;
	[tilespmem:$0x1DF00] =	vst v63  }
0x164: {  	s30 =	simm.s32 $0x5;
	_ =	swait.ge [sflag:s25], $0x4000  }
0x165: {  	p5 =	sle.u32 s13, $0x4;
	s31 =	sadd.s32 $0x1000, s8;
	[sflag:s25] =	ssyncset.done $0x0  }
0x166: {  	s14 =	sadd.s32 @!p5 $0x800, s8;
	s16 =	simm.s32 @!p5 $0x0;
	[sflag:s25] =	ssyncadd.s32 $0xFFFFC000  }
.LBB2_19:
0x167: {  	s1 =	sadd.s32 $0xFFFFFFFF, s1;
	s3 =	simm.s32 @!p5 $0x14280;
	s29 =	sadd.s32 $0x100, s29  }
0x168: {  	[tilespmem:s3], [sflag:$0x1] =	stream.linear.gather @!p5 [hbm4b:s14+s16], $0x4000, $0x38;
	[tilespmem:$0x1DF00] =	vst v63  }
0x169: {  	p4 =	sne.s32 s1, $0x0;
	s3 =	smov.u32 s31;
	_ =	swait.ge [sflag:s15], $0x4000  }
0x16a: {  	[sflag:s15] =	ssyncset.done $0x0  }
0x16b: {  	[sflag:s15] =	ssyncadd.s32 $0xFFFFC000  }
0x16c: {  	[spmem:s2] =	stream.indirect.scatter.add.f32 [tilespmem:s10], [sflag:$0x2], $0x80, s29, s17, $0xb8;
	[tilespmem:$0x1DF00] =	vst v63  }
0x16d: {  	_ = 	snop  }
0x16e: {  	[spmem:s4] =	stream.indirect.scatter.add.f32 [tilespmem:s18], [sflag:$0x3], $0x1, s29, s17, $0xb8;
	[tilespmem:$0x1DF00] =	vst v63  }
0x16f: {  	_ =	swait.ge [sflag:s25], $0x4000  }
0x170: {  	p5 =	sge.u32 s30, s13;
	[sflag:s25] =	ssyncset.done $0x0  }
0x171: {  	s14 =	simm.s32 @!p5 $0x0;
	s16 =	simm.s32 @!p5 $0x18280;
	[sflag:s25] =	ssyncadd.s32 $0xFFFFC000  }
0x172: {  	[tilespmem:s16], [sflag:$0x1] =	stream.linear.gather @!p5 [hbm4b:s31+s14], $0x4000, $0x38;
	[tilespmem:$0x1DF00] =	vst v63  }
0x173: {  	_ =	swait.ge [sflag:s15], $0x4000  }
0x174: {  	[sflag:s15] =	ssyncset.done $0x0  }
0x175: {  	s14 =	sadd.s32 $0x80, s29;
	[sflag:s15] =	ssyncadd.s32 $0xFFFFC000  }
0x176: {  	[spmem:s2] =	stream.indirect.scatter.add.f32 [tilespmem:s19], [sflag:$0x2], $0x80, s14, s17, $0xb8;
	[tilespmem:$0x1DF00] =	vst v63  }
.Ltmp15:
0x177: {  	(pc) =	sbr.rel @p4 .LBB2_19-.Ltmp15, $4  }
0x178: {  	[spmem:s4] =	stream.indirect.scatter.add.f32 [tilespmem:s18], [sflag:$0x3], $0x1, s14, s17, $0xb8;
	[tilespmem:$0x1DF00] =	vst v63  }
0x179: {  	s14 =	sadd.s32 $0x1, s30;
	s30 =	sadd.s32 $0x2, s30;
	_ =	swait.ge [sflag:s25], $0x4000  }
0x17a: {  	s31 =	sadd.s32 $0x1000, s31;
	p5 =	sge.u32 s14, s13;
	[sflag:s25] =	ssyncset.done $0x0  }
0x17b: {  	s14 =	sadd.s32 @!p5 $0x800, s3;
	s16 =	simm.s32 @!p5 $0x0;
	[sflag:s25] =	ssyncadd.s32 $0xFFFFC000  }
.LBB2_20:
0x17c: {  	s1 =	simm.s32 @!p5 $0x14280  }
0x17d: {  	[tilespmem:s1], [sflag:$0x1] =	stream.linear.gather @!p5 [hbm4b:s14+s16], $0x4000, $0x38;
	[tilespmem:$0x1DF00] =	vst v63  }
.LBB2_21:
.Ltmp16:
0x17e: {  	(pc) =	sbr.rel @p1 .LBB2_25-.Ltmp16, $1  }
0x17f: {  	_ =	sdelay $0x3  }
0x180: {  	_ =	swait.ge [sflag:s25], $0x4000  }
0x181: {  	s1 =	rddreg [dreg:$0x13]  }
0x182: {  	s1 =	sadd.s32 $0x1, s1  }
0x183: {  	p4 =	seq.s32 s1, $0x0  }
.Ltmp17:
0x184: {  	_ = 	snop;
	(pc) =	sbr.rel @p4 .LBB2_24-.Ltmp17, $4  }
0x185: {  	[sflag:s25] =	ssyncset.done $0x0  }
0x186: {  	[sflag:s25] =	ssyncadd.s32 $0xFFFFC000  }
0x187: {  	_ =	swait.ge [sflag:s26], $0x80  }
0x188: {  	[sflag:s26] =	ssyncset.done $0x0  }
.LBB2_23:
0x189: {  	s1 =	sadd.s32 $0x1, s1  }
0x18a: {  	[sflag:s26] =	ssyncadd.s32 $0xFFFFFF80;
	p4 =	seq.s32 s1, $0x0  }
.Ltmp18:
0x18b: {  	(pc) =	sbr.rel @!p4 .LBB2_23-.Ltmp18, $3  }
0x18c: {  	_ =	sdelay $0x1  }
0x18d: {  	_ =	swait.ge [sflag:s26], $0x80  }
0x18e: {  	[sflag:s26] =	ssyncset.done $0x0  }
.LBB2_24:
0x18f: {  	[sflag:s26] =	ssyncadd.s32 $0xFFFFFF80  }
.LBB2_25:
0x190: {  	s1 =	stileid.u32  }
0x191: {  	[bflag:$0x0] =	sbarrier.arrive $0xFFFF;
	s3 =	sshrl.u32 s7, $0x3;
	s1 =	sshll.u32 s1, $0x6  }
.Ltmp19:
0x192: {  	s14 =	rddreg [dreg:$0xf];
	s1 =	sor.u32 $0x1C04, s1;
	(pc) =	sbr.rel @p3 .LBB2_27-.Ltmp19, $4  }
0x193: {  	[hbm:s14], [sflag:s1] =	dma.local [spmem:s3], $0x2800  }
0x194: {  	_ =	swait.ge [sflag:s12], $0x2800  }
0x195: {  	[sflag:s12] =	ssyncset.done $0x0  }
0x196: {  	[sflag:s12] =	ssyncadd.s32 $0xFFFFD800  }
0x197: {  	s1 =	rddreg [dreg:$0xd];
	s3 =	simm.s32 $0x1D700  }
0x198: {  	[tilespmem:s3], [sflag:$0x4] =	stream.linear.gather [spmem:s1], $0x400, $0x38;
	[tilespmem:$0x1DF00] =	vst v63  }
0x199: {  	_ =	swait.ge [sflag:s12], $0x400  }
0x19a: {  	[sflag:s12] =	ssyncset.done $0x0  }
0x19b: {  	[sflag:s12] =	ssyncadd.s32 $0xFFFFFC00  }
0x19c: {  	v2 =	vld [tilespmem:$0x1D700]  }
0x19d: {  	v3 =	vld [tilespmem:$0x1D710]  }
0x19e: {  	v4 =	vld [tilespmem:$0x1D720]  }
0x19f: {  	v5 =	vld [tilespmem:$0x1D730]  }
0x1a0: {  	v6 =	vld [tilespmem:$0x1D740]  }
0x1a1: {  	v29 =	vld [tilespmem:$0x1D770];
	[tilespmem:$0x1DB00] =	vst v2  }
0x1a2: {  	v30 =	vld [tilespmem:$0x1D780];
	[tilespmem:$0x1DB10] =	vst v3  }
0x1a3: {  	v2 =	vld [tilespmem:$0x1D750];
	[tilespmem:$0x1DB20] =	vst v4  }
0x1a4: {  	v3 =	vld [tilespmem:$0x1D760];
	[tilespmem:$0x1DB30] =	vst v5  }
0x1a5: {  	v31 =	vld [tilespmem:$0x1D790];
	[tilespmem:$0x1DB40] =	vst v6  }
0x1a6: {  	v32 =	vld [tilespmem:$0x1D7C0];
	[tilespmem:$0x1DB70] =	vst v29  }
0x1a7: {  	v33 =	vld [tilespmem:$0x1D7D0];
	[tilespmem:$0x1DB80] =	vst v30  }
0x1a8: {  	[tilespmem:$0x1DB50] =	vst v2;
	v2 =	vld [tilespmem:$0x1D7A0]  }
0x1a9: {  	[tilespmem:$0x1DB60] =	vst v3;
	v3 =	vld [tilespmem:$0x1D7B0]  }
0x1aa: {  	v34 =	vld [tilespmem:$0x1D7E0];
	[tilespmem:$0x1DB90] =	vst v31  }
0x1ab: {  	v35 =	vld [tilespmem:$0x1D810];
	[tilespmem:$0x1DBC0] =	vst v32  }
0x1ac: {  	v36 =	vld [tilespmem:$0x1D820];
	[tilespmem:$0x1DBD0] =	vst v33  }
0x1ad: {  	[tilespmem:$0x1DBA0] =	vst v2;
	v2 =	vld [tilespmem:$0x1D7F0]  }
0x1ae: {  	[tilespmem:$0x1DBB0] =	vst v3;
	v3 =	vld [tilespmem:$0x1D800]  }
0x1af: {  	v37 =	vld [tilespmem:$0x1D830];
	[tilespmem:$0x1DBE0] =	vst v34  }
0x1b0: {  	v38 =	vld [tilespmem:$0x1D860];
	[tilespmem:$0x1DC10] =	vst v35  }
0x1b1: {  	v39 =	vld [tilespmem:$0x1D870];
	[tilespmem:$0x1DC20] =	vst v36  }
0x1b2: {  	[tilespmem:$0x1DBF0] =	vst v2;
	v2 =	vld [tilespmem:$0x1D840]  }
0x1b3: {  	[tilespmem:$0x1DC00] =	vst v3;
	v3 =	vld [tilespmem:$0x1D850]  }
0x1b4: {  	v40 =	vld [tilespmem:$0x1D880];
	[tilespmem:$0x1DC30] =	vst v37  }
0x1b5: {  	v41 =	vld [tilespmem:$0x1D8B0];
	[tilespmem:$0x1DC60] =	vst v38  }
0x1b6: {  	v42 =	vld [tilespmem:$0x1D8C0];
	[tilespmem:$0x1DC70] =	vst v39  }
0x1b7: {  	[tilespmem:$0x1DC40] =	vst v2;
	v2 =	vld [tilespmem:$0x1D890]  }
0x1b8: {  	[tilespmem:$0x1DC50] =	vst v3;
	v3 =	vld [tilespmem:$0x1D8A0]  }
0x1b9: {  	v43 =	vld [tilespmem:$0x1D8D0];
	[tilespmem:$0x1DC80] =	vst v40  }
0x1ba: {  	v44 =	vld [tilespmem:$0x1D900];
	[tilespmem:$0x1DCB0] =	vst v41  }
0x1bb: {  	v45 =	vld [tilespmem:$0x1D910];
	[tilespmem:$0x1DCC0] =	vst v42  }
0x1bc: {  	[tilespmem:$0x1DC90] =	vst v2;
	v2 =	vld [tilespmem:$0x1D8E0]  }
0x1bd: {  	[tilespmem:$0x1DCA0] =	vst v3;
	v3 =	vld [tilespmem:$0x1D8F0]  }
0x1be: {  	v46 =	vld [tilespmem:$0x1D920];
	[tilespmem:$0x1DCD0] =	vst v43  }
0x1bf: {  	v47 =	vld [tilespmem:$0x1D950];
	[tilespmem:$0x1DD00] =	vst v44  }
0x1c0: {  	v48 =	vld [tilespmem:$0x1D960];
	[tilespmem:$0x1DD10] =	vst v45  }
0x1c1: {  	[tilespmem:$0x1DCE0] =	vst v2;
	v2 =	vld [tilespmem:$0x1D930]  }
0x1c2: {  	[tilespmem:$0x1DCF0] =	vst v3;
	v3 =	vld [tilespmem:$0x1D940]  }
0x1c3: {  	v49 =	vld [tilespmem:$0x1D970];
	[tilespmem:$0x1DD20] =	vst v46  }
0x1c4: {  	v50 =	vld [tilespmem:$0x1D9A0];
	[tilespmem:$0x1DD50] =	vst v47  }
0x1c5: {  	v51 =	vld [tilespmem:$0x1D9B0];
	[tilespmem:$0x1DD60] =	vst v48  }
0x1c6: {  	[tilespmem:$0x1DD30] =	vst v2;
	v2 =	vld [tilespmem:$0x1D980]  }
0x1c7: {  	[tilespmem:$0x1DD40] =	vst v3;
	v3 =	vld [tilespmem:$0x1D990]  }
0x1c8: {  	v52 =	vld [tilespmem:$0x1D9C0];
	[tilespmem:$0x1DD70] =	vst v49  }
0x1c9: {  	v53 =	vld [tilespmem:$0x1D9F0];
	[tilespmem:$0x1DDA0] =	vst v50  }
0x1ca: {  	v54 =	vld [tilespmem:$0x1DA00];
	[tilespmem:$0x1DDB0] =	vst v51  }
0x1cb: {  	[tilespmem:$0x1DD80] =	vst v2;
	v2 =	vld [tilespmem:$0x1D9D0]  }
0x1cc: {  	[tilespmem:$0x1DD90] =	vst v3;
	v3 =	vld [tilespmem:$0x1D9E0]  }
0x1cd: {  	v55 =	vld [tilespmem:$0x1DA10];
	[tilespmem:$0x1DDC0] =	vst v52  }
0x1ce: {  	v56 =	vld [tilespmem:$0x1DA40];
	[tilespmem:$0x1DDF0] =	vst v53  }
0x1cf: {  	v57 =	vld [tilespmem:$0x1DA50];
	[tilespmem:$0x1DE00] =	vst v54  }
0x1d0: {  	[tilespmem:$0x1DDD0] =	vst v2;
	v2 =	vld [tilespmem:$0x1DA20]  }
0x1d1: {  	[tilespmem:$0x1DDE0] =	vst v3;
	v3 =	vld [tilespmem:$0x1DA30]  }
0x1d2: {  	v58 =	vld [tilespmem:$0x1DA60];
	[tilespmem:$0x1DE10] =	vst v55  }
0x1d3: {  	v59 =	vld [tilespmem:$0x1DA90];
	[tilespmem:$0x1DE40] =	vst v56  }
0x1d4: {  	v60 =	vld [tilespmem:$0x1DAA0];
	[tilespmem:$0x1DE50] =	vst v57  }
0x1d5: {  	[tilespmem:$0x1DE20] =	vst v2;
	v2 =	vld [tilespmem:$0x1DA70]  }
0x1d6: {  	[tilespmem:$0x1DE30] =	vst v3;
	v3 =	vld [tilespmem:$0x1DA80]  }
0x1d7: {  	v61 =	vld [tilespmem:$0x1DAB0];
	[tilespmem:$0x1DE60] =	vst v58  }
0x1d8: {  	v62 =	vld [tilespmem:$0x1DAE0];
	[tilespmem:$0x1DE90] =	vst v59  }
0x1d9: {  	v63 =	vld [tilespmem:$0x1DAF0];
	[tilespmem:$0x1DEA0] =	vst v60  }
0x1da: {  	[tilespmem:$0x1DE70] =	vst v2;
	v2 =	vld [tilespmem:$0x1DAC0]  }
0x1db: {  	[tilespmem:$0x1DE80] =	vst v3;
	v3 =	vld [tilespmem:$0x1DAD0]  }
0x1dc: {  	[tilespmem:$0x1DEB0] =	vst v61  }
0x1dd: {  	[tilespmem:$0x1DEE0] =	vst v62  }
0x1de: {  	[tilespmem:$0x1DEF0] =	vst v63  }
0x1df: {  	[tilespmem:$0x1DEC0] =	vst v2  }
.Ltmp20:
0x1e0: {  	s31 =	simm.s32 $0x1DB00;
	s30 =	rddreg [dreg:$0xb];
	[tilespmem:$0x1DED0] =	vst v3;
	(pc) =	sbr.rel .LBB2_27-.Ltmp20, $4  }
0x1e1: {  	[hbm4b:s30+s5] =	stream.linear.scatter [tilespmem:s31], [sflag:$0x4], $0x400, $0x38;
	[tilespmem:$0x1DF00] =	vst v63  }
0x1e2: {  	_ =	swait.ge [sflag:s12], $0x400  }
0x1e3: {  	[sflag:s12] =	ssyncset.done $0x0  }
0x1e4: {  	[sflag:s12] =	ssyncadd.s32 $0xFFFFFC00  }
.LBB2_28:
0x1e5: {  	_ =	sfence.sel $0x180000  }
0x1e6: {  	[bflag:$0x0] =	sbarrier.arrive $0xFFFF  }
0x1e7: {  	_ =	strace $0x90000047  }
0x1e8: {  	s0 =	stileid.u32;
	[bflag:$0x2] =	sbarrier.arrive $0xFFFF  }
0x1e9: {  	p0 =	sne.s32 s0, $0x0;
	s0 =	rddreg [dreg:$0x6]  }
0x1ea: {  	s0 =	sadd.s32 @!p0 $0x100000, s0  }
0x1eb: {  	[sflag:s0] =	ssyncadd.tile.s32 @!p0 $0x1;
	_ =	shalt  }
.Lfunc_end2:
_tile_overlayer_lowered:
.L_overlay_start_2:
0x1ec: {  	(tag) =	ssettag $0x2  }
0x1ed: {  	s0 =	rddreg [dreg:$0x0];
	s2 =	stileid.u32  }
0x1ee: {  	s1 =	rddreg [dreg:$0x1];
	p0 =	sne.s32 s2, $0x0  }
0x1ef: {  	s3 =	rddreg [dreg:$0x2];
	[bflag:$0x3] =	sbarrier.arrive $0xFFFF;
	s2 =	simm.s32 @!p0 $0x1C04  }
0x1f0: {  	[timem:s3], [sflag:s2] =	dma.local @!p0 [hbm:s0], s1  }
0x1f1: {  	s0 =	simm.s32 @!p0 $0x4  }
0x1f2: {  	_ =	swait.ge @!p0 [sflag:s0], s1  }
0x1f3: {  	s1 =	ssub.s32 @!p0 $0x0, s1;
	[sflag:s0] =	ssyncset.done @!p0 $0x0  }
0x1f4: {  	[sflag:s0] =	ssyncadd.s32 @!p0 s1  }
0x1f5: {  	[bflag:$0x3] =	sbarrier.arrive $0xFFFF  }
0x1f6: {  	_ =	shalt  }

</sc_bundles>
